<compile_context>
chip_gen: v7x
topology: tpu7x:2x2x1
jax: 0.10.2.dev20260603
libtpu: 0.0.44.dev20260713+nightly
codegen_flags: <defaults>
</compile_context>

<pallas_src>
import functools

import jax
import jax.numpy as jnp
from jax import lax
from jax.experimental import pallas as pl
from jax.experimental.pallas import tpu as pltpu
from jax.experimental.pallas import tpu_sc as plsc

CYCLE = 3
D = 128
BATCH = 16384
HIST = 200
NTOT = BATCH * HIST

NC = 2
NS = 16
NW = NC * NS
PER_W = NTOT // NW

CH = 128
BSUB = 8
BLK = BSUB * CH
NBLK = PER_W // BLK
SROW_W = PER_W // CH
RING = 4


def _body(idx_hbm, table_hbm, out_hbm, tab_sh, idxb, rows,
          is0, is1, gs0, gs1, gs2, gs3, os0, os1):
    isem = [is0, is1]
    gsem = [gs0, gs1, gs2, gs3]
    osem = [os0, os1]

    cid = lax.axis_index("c")
    sid = lax.axis_index("s")
    wid = sid * NC + cid

    @pl.when(sid == 0)
    def _():
        pltpu.sync_copy(table_hbm, tab_sh)

    plsc.subcore_barrier()

    idx_row0 = wid * PER_W
    out_srow0 = wid * SROW_W

    def idx_src(g):
        return idx_hbm.at[pl.ds(idx_row0 + g * BLK, BLK)]

    def out_dst2(srow):
        return out_hbm.at[pl.ds(out_srow0 + srow, 2)]

    def wait_idx(bb):
        pltpu.make_async_copy(idx_src(0), idxb.at[bb], isem[bb]).wait()

    def wait_gat(p):
        pltpu.make_async_copy(
            tab_sh.at[idxb.at[0, pl.ds(0, CH)]], rows.at[p // 2, p % 2],
            gsem[p],
        ).wait()

    def wait_out(q):
        pltpu.make_async_copy(rows.at[0], out_dst2(0), osem[q]).wait()

    def pair_store(g, j):
        jm = j - 2
        pmq = ((jm % BSUB) // 2) % 2
        wait_gat(jm % RING)
        wait_gat((jm + 1) % RING)
        pltpu.async_copy(
            rows.at[pmq], out_dst2(g * BSUB + jm), osem[pmq]
        )

    pltpu.async_copy(idx_src(0), idxb.at[0], isem[0])

    def blk2(g2, carry):
        for bb in range(2):
            g = g2 * 2 + bb
            wait_idx(bb)

            def wrap_slice(sl):
                def wrap(i, c):
                    o = sl * CH + i * 16
                    idxb[bb, pl.ds(o, 16)] = lax.rem(
                        idxb[bb, pl.ds(o, 16)], CYCLE
                    )
                    return c

                lax.fori_loop(0, CH // 16, wrap, 0)

            wrap_slice(0)
            wrap_slice(1)

            for j in range(BSUB):
                pp, s = (j // 2) % 2, j % 2
                if j % 2 == 0:
                    if j < 4:
                        @pl.when(g > 0)
                        def _(q=pp):
                            wait_out(q)
                    else:
                        wait_out(pp)
                pltpu.async_copy(
                    tab_sh.at[idxb.at[bb, pl.ds(j * CH, CH)]],
                    rows.at[pp, s], gsem[j % RING],
                )
                if j + 2 < BSUB:
                    wrap_slice(j + 2)
                if j == 0:
                    @pl.when(g > 0)
                    def _():
                        pair_store(g, 0)
                elif j % 2 == 0:
                    pair_store(g, j)
                if j == 1:
                    @pl.when(g < NBLK - 1)
                    def _():
                        pltpu.async_copy(
                            idx_src(g + 1), idxb.at[1 - bb], isem[1 - bb]
                        )
        return carry

    lax.fori_loop(0, NBLK // 2, blk2, 0)

    wait_gat((BSUB - 2) % RING)
    wait_gat((BSUB - 1) % RING)
    pltpu.async_copy(
        rows.at[1], out_dst2((NBLK - 1) * BSUB + BSUB - 2), osem[1]
    )
    for q in range(2):
        wait_out(q)


@jax.jit
def _run(idx2, table):
    mesh = plsc.VectorSubcoreMesh(core_axis_name="c", subcore_axis_name="s")
    return pl.kernel(
        _body,
        out_type=jax.ShapeDtypeStruct((NTOT // CH, CH, D), jnp.float32),
        mesh=mesh,
        scratch_types=[
            pltpu.VMEM_SHARED((CYCLE, D), jnp.float32),
            pltpu.VMEM((2, BLK), jnp.int32),
            pltpu.VMEM((2, 2, CH, D), jnp.float32),
            pltpu.SemaphoreType.DMA,
            pltpu.SemaphoreType.DMA,
            pltpu.SemaphoreType.DMA,
            pltpu.SemaphoreType.DMA,
            pltpu.SemaphoreType.DMA,
            pltpu.SemaphoreType.DMA,
            pltpu.SemaphoreType.DMA,
            pltpu.SemaphoreType.DMA,
        ],
    )(idx2, table)


def kernel(idx, table):
    out = _run(idx.reshape(NTOT), table)
    return out.reshape(BATCH, HIST, D)

# --- scband reference (transcript-rebuilt; emitter-appended) ---
"""Pipeline reference for scband-cyclic-region-embedding-12446815224155 (READ-ONLY COPY).

The authoritative reference and input builder live on the scoring server;
editing this copy changes nothing except your own understanding.
"""

import jax, jax.numpy as jnp
import numpy as np

CYCLE_LENGTH = 3
EMBED_DIM = 128
BATCH = 16384
HIST = 200

def setup_inputs(seed: int = 0) -> dict:
    key = jax.random.key(seed)
    k_idx, k_tab = jax.random.split(key)
    idx = jax.random.randint(k_idx, (BATCH, HIST), 0, CYCLE_LENGTH, dtype=jnp.int32)
    table = jax.random.normal(k_tab, (CYCLE_LENGTH, EMBED_DIM), dtype=jnp.float32)
    return {"idx": idx, "table": table}

def reference(idx, table):
    # eval-mode forward: no random shift; embedding lookup of idx % cycle_length
    wrapped = jnp.mod(idx, CYCLE_LENGTH)
    return jnp.take(table, wrapped, axis=0)

if __name__ == "__main__":
    import jax
    _d = setup_inputs()
    print(jax.jit(kernel)(*tuple(_d.values())))

</pallas_src>

<mosaic_0001>
#map = affine_map<(d0, d1) -> (0)>
#map1 = affine_map<(d0, d1) -> (0, 0)>
#map2 = affine_map<(d0, d1) -> (0, 0, 0)>
module attributes {stable_mosaic.version = 14 : i64} {
  func.func @_body(%arg0: i32, %arg1: i32, %arg2: memref<3276800xi32, #tpu.memory_space<hbm>>, %arg3: memref<3x128xf32, #tpu.memory_space<hbm>>, %arg4: memref<25600x128x128xf32, #tpu.memory_space<hbm>>, %arg5: memref<3x128xf32, #tpu.memory_space<vmem_shared>>, %arg6: memref<2x1024xi32, #tpu.memory_space<vmem>>, %arg7: memref<2x2x128x128xf32, #tpu.memory_space<vmem>>, %arg8: memref<!tpu.dma_semaphore, #tpu.memory_space<semaphore_mem>>, %arg9: memref<!tpu.dma_semaphore, #tpu.memory_space<semaphore_mem>>, %arg10: memref<!tpu.dma_semaphore, #tpu.memory_space<semaphore_mem>>, %arg11: memref<!tpu.dma_semaphore, #tpu.memory_space<semaphore_mem>>, %arg12: memref<!tpu.dma_semaphore, #tpu.memory_space<semaphore_mem>>, %arg13: memref<!tpu.dma_semaphore, #tpu.memory_space<semaphore_mem>>, %arg14: memref<!tpu.dma_semaphore, #tpu.memory_space<semaphore_mem>>, %arg15: memref<!tpu.dma_semaphore, #tpu.memory_space<semaphore_mem>>) attributes {dimension_semantics = [#tpu.dimension_semantics<core_parallel>, #tpu.dimension_semantics<subcore_parallel>], iteration_bounds = array<i64: 2, 16>, scalar_prefetch = 0 : i64, scratch_operands = 11 : i64, tpu.core_type = #tpu.core_type<sc_vector_subcore>, window_params = [{transform_indices = #map}, {transform_indices = #map1}, {transform_indices = #map2}]} {
    %mul3A = arith.constant 2 : i32
    %mul3A_0 = arith.muli %arg1, %mul3A : i32
    %add3A = arith.addi %mul3A_0, %arg0 : i32
    %eq3A = arith.constant 0 : i32
    %eq3A_1 = arith.cmpi eq, %arg1, %eq3A : i32
    %convert_element_type3A = arith.extui %eq3A_1 : i1 to i32
    %cond3A = arith.constant 0 : i32
    %cond3A_2 = arith.cmpi ne, %convert_element_type3A, %cond3A : i32
    scf.if %cond3A_2 {
      "tpu.region"() ({
        %run_scoped3A = tpu.sem_alloc : memref<!tpu.dma_semaphore, #tpu.memory_space<semaphore_mem>>
        tpu.enqueue_dma source(%arg3 : memref<3x128xf32, #tpu.memory_space<hbm>>) target(%arg5 : memref<3x128xf32, #tpu.memory_space<vmem_shared>>) target_semaphore(%run_scoped3A : memref<!tpu.dma_semaphore, #tpu.memory_space<semaphore_mem>>)
        tpu.wait_dma2 semaphore(%run_scoped3A : memref<!tpu.dma_semaphore, #tpu.memory_space<semaphore_mem>>) src(%arg3 : memref<3x128xf32, #tpu.memory_space<hbm>>) dst(%arg5 : memref<3x128xf32, #tpu.memory_space<vmem_shared>>)
        tpu.yield
      }) : () -> ()
    } else {
    }
    %barrier3A = arith.constant 0 : index
    tpu.barrier barrier_id(%barrier3A)
    %mul3A_3 = arith.constant 102400 : i32
    %mul3A_4 = arith.muli %add3A, %mul3A_3 : i32
    %mul3A_5 = arith.constant 800 : i32
    %mul3A_6 = arith.muli %add3A, %mul3A_5 : i32
    %add3A_7 = arith.constant 0 : i32
    %add3A_8 = arith.addi %mul3A_4, %add3A_7 : i32
    %dma_start3A = arith.constant 0 : i32
    %dma_start3A_9 = arith.constant 0 : i32
    %dma_start3A_10 = tpu.memref_slice %arg6[%dma_start3A, %dma_start3A_9] : memref<2x1024xi32, #tpu.memory_space<vmem>> -> memref<1x1024xi32, #tpu.memory_space<vmem>>
    %dma_start3A_11 = tpu.memref_squeeze %dma_start3A_10 : memref<1x1024xi32, #tpu.memory_space<vmem>> -> memref<1024xi32, #tpu.memory_space<vmem>>
    %dma_start3A_12 = tpu.memref_slice %arg2[%add3A_8] : memref<3276800xi32, #tpu.memory_space<hbm>> -> memref<1024xi32, #tpu.memory_space<hbm>>
    %dma_start3A_13 = arith.constant 0 : i32
    %dma_start3A_14 = tpu.memref_slice %arg6[%dma_start3A, %dma_start3A_13] : memref<2x1024xi32, #tpu.memory_space<vmem>> -> memref<1x1024xi32, #tpu.memory_space<vmem>>
    %dma_start3A_15 = tpu.memref_squeeze %dma_start3A_14 : memref<1x1024xi32, #tpu.memory_space<vmem>> -> memref<1024xi32, #tpu.memory_space<vmem>>
    %dma_start3A_16 = tpu.memref_slice %arg2[%add3A_8] : memref<3276800xi32, #tpu.memory_space<hbm>> -> memref<1024xi32, #tpu.memory_space<hbm>>
    tpu.enqueue_dma source(%dma_start3A_16 : memref<1024xi32, #tpu.memory_space<hbm>>) target(%dma_start3A_15 : memref<1024xi32, #tpu.memory_space<vmem>>) target_semaphore(%arg8 : memref<!tpu.dma_semaphore, #tpu.memory_space<semaphore_mem>>)
    %scan3A = arith.constant 0 : i32
    %scan3A_17 = arith.constant 0 : i32
    %scan3A_18 = arith.constant 50 : i32
    %scan3A_19 = arith.addi %scan3A_17, %scan3A_18 : i32
    %scan3A_20 = arith.constant 1 : i32
    scf.for %scan3A_104 = %scan3A_17 to %scan3A_19 step %scan3A_20  : i32 {
      %mul3A_105 = arith.constant 2 : i32
      %mul3A_106 = arith.muli %scan3A_104, %mul3A_105 : i32
      %add3A_107 = arith.constant 0 : i32
      %add3A_108 = arith.addi %mul3A_106, %add3A_107 : i32
      %add3A_109 = arith.constant 0 : i32
      %add3A_110 = arith.addi %mul3A_4, %add3A_109 : i32
      %dma_wait3A_111 = arith.constant 0 : i32
      %dma_wait3A_112 = arith.constant 0 : i32
      %dma_wait3A_113 = tpu.memref_slice %arg6[%dma_wait3A_111, %dma_wait3A_112] : memref<2x1024xi32, #tpu.memory_space<vmem>> -> memref<1x1024xi32, #tpu.memory_space<vmem>>
      %dma_wait3A_114 = tpu.memref_squeeze %dma_wait3A_113 : memref<1x1024xi32, #tpu.memory_space<vmem>> -> memref<1024xi32, #tpu.memory_space<vmem>>
      %dma_wait3A_115 = tpu.memref_slice %arg2[%add3A_110] : memref<3276800xi32, #tpu.memory_space<hbm>> -> memref<1024xi32, #tpu.memory_space<hbm>>
      %dma_wait3A_116 = arith.constant 0 : i32
      %dma_wait3A_117 = tpu.memref_slice %arg6[%dma_wait3A_111, %dma_wait3A_116] : memref<2x1024xi32, #tpu.memory_space<vmem>> -> memref<1x1024xi32, #tpu.memory_space<vmem>>
      %dma_wait3A_118 = tpu.memref_squeeze %dma_wait3A_117 : memref<1x1024xi32, #tpu.memory_space<vmem>> -> memref<1024xi32, #tpu.memory_space<vmem>>
      %dma_wait3A_119 = tpu.memref_slice %arg2[%add3A_110] : memref<3276800xi32, #tpu.memory_space<hbm>> -> memref<1024xi32, #tpu.memory_space<hbm>>
      tpu.wait_dma2 semaphore(%arg8 : memref<!tpu.dma_semaphore, #tpu.memory_space<semaphore_mem>>) src(%dma_wait3A_119 : memref<1024xi32, #tpu.memory_space<hbm>>) dst(%dma_wait3A_118 : memref<1024xi32, #tpu.memory_space<vmem>>)
      %scan3A_120 = arith.constant 0 : i32
      %scan3A_121 = arith.constant 0 : i32
      %scan3A_122 = arith.constant 8 : i32
      %scan3A_123 = arith.addi %scan3A_121, %scan3A_122 : i32
      %scan3A_124 = arith.constant 1 : i32
      scf.for %scan3A_841 = %scan3A_121 to %scan3A_123 step %scan3A_124  : i32 {
        %mul3A_842 = arith.constant 16 : i32
        %mul3A_843 = arith.muli %scan3A_841, %mul3A_842 : i32
        %add3A_844 = arith.constant 0 : i32
        %add3A_845 = arith.addi %add3A_844, %mul3A_843 : i32
        %get3A = arith.constant 0 : i32
        %get3A_846 = arith.index_cast %get3A : i32 to index
        %get3A_847 = arith.index_cast %add3A_845 : i32 to index
        %get3A_848 = tpu.vector_load %arg6[%get3A_846, %get3A_847] {strides = array<i32>} : memref<2x1024xi32, #tpu.memory_space<vmem>>, vector<1x16xi32>,
        %get3A_849 = vector.shape_cast %get3A_848 : vector<1x16xi32> to vector<16xi32>
        %rem3A = arith.constant 3 : i32
        %rem3A_850 = vector.broadcast %rem3A : i32 to vector<16xi32>
        %rem3A_851 = arith.remsi %get3A_849, %rem3A_850 : vector<16xi32>
        %swap3A = arith.constant 0 : i32
        %swap3A_852 = arith.index_cast %swap3A : i32 to index
        %swap3A_853 = arith.index_cast %add3A_845 : i32 to index
        %swap3A_854 = tpu.vector_load %arg6[%swap3A_852, %swap3A_853] {strides = array<i32>} : memref<2x1024xi32, #tpu.memory_space<vmem>>, vector<1x16xi32>,
        %swap3A_855 = vector.shape_cast %swap3A_854 : vector<1x16xi32> to vector<16xi32>
        %swap3A_856 = vector.shape_cast %rem3A_851 : vector<16xi32> to vector<1x16xi32>
        tpu.vector_store %arg6[%swap3A_852, %swap3A_853], %swap3A_856 {strides = array<i32>} : memref<2x1024xi32, #tpu.memory_space<vmem>>, vector<1x16xi32>,
      }
      %scan3A_125 = arith.constant 8 : i32
      %scan3A_126 = arith.constant 0 : i32
      %scan3A_127 = arith.constant 0 : i32
      %scan3A_128 = arith.constant 8 : i32
      %scan3A_129 = arith.addi %scan3A_127, %scan3A_128 : i32
      %scan3A_130 = arith.constant 1 : i32
      scf.for %scan3A_841 = %scan3A_127 to %scan3A_129 step %scan3A_130  : i32 {
        %mul3A_842 = arith.constant 16 : i32
        %mul3A_843 = arith.muli %scan3A_841, %mul3A_842 : i32
        %add3A_844 = arith.constant 128 : i32
        %add3A_845 = arith.addi %add3A_844, %mul3A_843 : i32
        %get3A = arith.constant 0 : i32
        %get3A_846 = arith.index_cast %get3A : i32 to index
        %get3A_847 = arith.index_cast %add3A_845 : i32 to index
        %get3A_848 = tpu.vector_load %arg6[%get3A_846, %get3A_847] {strides = array<i32>} : memref<2x1024xi32, #tpu.memory_space<vmem>>, vector<1x16xi32>,
        %get3A_849 = vector.shape_cast %get3A_848 : vector<1x16xi32> to vector<16xi32>
        %rem3A = arith.constant 3 : i32
        %rem3A_850 = vector.broadcast %rem3A : i32 to vector<16xi32>
        %rem3A_851 = arith.remsi %get3A_849, %rem3A_850 : vector<16xi32>
        %swap3A = arith.constant 0 : i32
        %swap3A_852 = arith.index_cast %swap3A : i32 to index
        %swap3A_853 = arith.index_cast %add3A_845 : i32 to index
        %swap3A_854 = tpu.vector_load %arg6[%swap3A_852, %swap3A_853] {strides = array<i32>} : memref<2x1024xi32, #tpu.memory_space<vmem>>, vector<1x16xi32>,
        %swap3A_855 = vector.shape_cast %swap3A_854 : vector<1x16xi32> to vector<16xi32>
        %swap3A_856 = vector.shape_cast %rem3A_851 : vector<16xi32> to vector<1x16xi32>
        tpu.vector_store %arg6[%swap3A_852, %swap3A_853], %swap3A_856 {strides = array<i32>} : memref<2x1024xi32, #tpu.memory_space<vmem>>, vector<1x16xi32>,
      }
      %scan3A_131 = arith.constant 8 : i32
      %gt3A = arith.constant 0 : i32
      %gt3A_132 = arith.cmpi sgt, %add3A_108, %gt3A : i32
      %convert_element_type3A_133 = arith.extui %gt3A_132 : i1 to i32
      %cond3A_134 = arith.constant 0 : i32
      %cond3A_135 = arith.cmpi ne, %convert_element_type3A_133, %cond3A_134 : i32
      scf.if %cond3A_135 {
        %add3A_841 = arith.constant 0 : i32
        %add3A_842 = arith.addi %mul3A_6, %add3A_841 : i32
        %dma_wait3A_843 = arith.constant 0 : i32
        %dma_wait3A_844 = arith.constant 0 : i32
        %dma_wait3A_845 = arith.constant 0 : i32
        %dma_wait3A_846 = arith.constant 0 : i32
        %dma_wait3A_847 = tpu.memref_slice %arg7[%dma_wait3A_843, %dma_wait3A_844, %dma_wait3A_845, %dma_wait3A_846] : memref<2x2x128x128xf32, #tpu.memory_space<vmem>> -> memref<1x2x128x128xf32, #tpu.memory_space<vmem>>
        %dma_wait3A_848 = tpu.memref_squeeze %dma_wait3A_847 : memref<1x2x128x128xf32, #tpu.memory_space<vmem>> -> memref<2x128x128xf32, #tpu.memory_space<vmem>>
        %dma_wait3A_849 = arith.constant 0 : i32
        %dma_wait3A_850 = arith.constant 0 : i32
        %dma_wait3A_851 = tpu.memref_slice %arg4[%add3A_842, %dma_wait3A_849, %dma_wait3A_850] : memref<25600x128x128xf32, #tpu.memory_space<hbm>> -> memref<2x128x128xf32, #tpu.memory_space<hbm>>
        %dma_wait3A_852 = arith.constant 0 : i32
        %dma_wait3A_853 = arith.constant 0 : i32
        %dma_wait3A_854 = tpu.memref_slice %arg4[%add3A_842, %dma_wait3A_852, %dma_wait3A_853] : memref<25600x128x128xf32, #tpu.memory_space<hbm>> -> memref<2x128x128xf32, #tpu.memory_space<hbm>>
        %dma_wait3A_855 = arith.constant 0 : i32
        %dma_wait3A_856 = arith.constant 0 : i32
        %dma_wait3A_857 = arith.constant 0 : i32
        %dma_wait3A_858 = tpu.memref_slice %arg7[%dma_wait3A_843, %dma_wait3A_855, %dma_wait3A_856, %dma_wait3A_857] : memref<2x2x128x128xf32, #tpu.memory_space<vmem>> -> memref<1x2x128x128xf32, #tpu.memory_space<vmem>>
        %dma_wait3A_859 = tpu.memref_squeeze %dma_wait3A_858 : memref<1x2x128x128xf32, #tpu.memory_space<vmem>> -> memref<2x128x128xf32, #tpu.memory_space<vmem>>
        tpu.wait_dma2 semaphore(%arg14 : memref<!tpu.dma_semaphore, #tpu.memory_space<semaphore_mem>>) src(%dma_wait3A_859 : memref<2x128x128xf32, #tpu.memory_space<vmem>>) dst(%dma_wait3A_854 : memref<2x128x128xf32, #tpu.memory_space<hbm>>)
      } else {
      }
      %dma_start3A_136 = arith.constant 0 : i32
      %dma_start3A_137 = arith.constant 0 : i32
      %dma_start3A_138 = arith.constant 0 : i32
      %dma_start3A_139 = arith.constant 0 : i32
      %dma_start3A_140 = arith.constant 0 : i32
      %dma_start3A_141 = tpu.memref_slice %arg7[%dma_start3A_137, %dma_start3A_138, %dma_start3A_139, %dma_start3A_140] : memref<2x2x128x128xf32, #tpu.memory_space<vmem>> -> memref<1x1x128x128xf32, #tpu.memory_space<vmem>>
      %dma_start3A_142 = tpu.memref_squeeze %dma_start3A_141 : memref<1x1x128x128xf32, #tpu.memory_space<vmem>> -> memref<128x128xf32, #tpu.memory_space<vmem>>
      %dma_start3A_143 = arith.constant 0 : i32
      %dma_start3A_144 = tpu.memref_slice %arg6[%dma_start3A_136, %dma_start3A_143] : memref<2x1024xi32, #tpu.memory_space<vmem>> -> memref<1x128xi32, #tpu.memory_space<vmem>>
      %dma_start3A_145 = tpu.memref_squeeze %dma_start3A_144 : memref<1x128xi32, #tpu.memory_space<vmem>> -> memref<128xi32, #tpu.memory_space<vmem>>
      %dma_start3A_146 = arith.constant 0 : i32
      %dma_start3A_147 = arith.constant 0 : i32
      %dma_start3A_148 = tpu.memref_slice %arg5[%dma_start3A_146, %dma_start3A_147] : memref<3x128xf32, #tpu.memory_space<vmem_shared>> -> memref<3x128xf32, #tpu.memory_space<vmem_shared>>
      tpu.enqueue_indirect_dma source(%dma_start3A_148 : memref<3x128xf32, #tpu.memory_space<vmem_shared>>) target(%dma_start3A_142 : memref<128x128xf32, #tpu.memory_space<vmem>>) offsets(%dma_start3A_145 : memref<128xi32, #tpu.memory_space<vmem>>) semaphore(%arg10 : memref<!tpu.dma_semaphore, #tpu.memory_space<semaphore_mem>>)
      %scan3A_149 = arith.constant 0 : i32
      %scan3A_150 = arith.constant 0 : i32
      %scan3A_151 = arith.constant 8 : i32
      %scan3A_152 = arith.addi %scan3A_150, %scan3A_151 : i32
      %scan3A_153 = arith.constant 1 : i32
      scf.for %scan3A_841 = %scan3A_150 to %scan3A_152 step %scan3A_153  : i32 {
        %mul3A_842 = arith.constant 16 : i32
        %mul3A_843 = arith.muli %scan3A_841, %mul3A_842 : i32
        %add3A_844 = arith.constant 256 : i32
        %add3A_845 = arith.addi %add3A_844, %mul3A_843 : i32
        %get3A = arith.constant 0 : i32
        %get3A_846 = arith.index_cast %get3A : i32 to index
        %get3A_847 = arith.index_cast %add3A_845 : i32 to index
        %get3A_848 = tpu.vector_load %arg6[%get3A_846, %get3A_847] {strides = array<i32>} : memref<2x1024xi32, #tpu.memory_space<vmem>>, vector<1x16xi32>,
        %get3A_849 = vector.shape_cast %get3A_848 : vector<1x16xi32> to vector<16xi32>
        %rem3A = arith.constant 3 : i32
        %rem3A_850 = vector.broadcast %rem3A : i32 to vector<16xi32>
        %rem3A_851 = arith.remsi %get3A_849, %rem3A_850 : vector<16xi32>
        %swap3A = arith.constant 0 : i32
        %swap3A_852 = arith.index_cast %swap3A : i32 to index
        %swap3A_853 = arith.index_cast %add3A_845 : i32 to index
        %swap3A_854 = tpu.vector_load %arg6[%swap3A_852, %swap3A_853] {strides = array<i32>} : memref<2x1024xi32, #tpu.memory_space<vmem>>, vector<1x16xi32>,
        %swap3A_855 = vector.shape_cast %swap3A_854 : vector<1x16xi32> to vector<16xi32>
        %swap3A_856 = vector.shape_cast %rem3A_851 : vector<16xi32> to vector<1x16xi32>
        tpu.vector_store %arg6[%swap3A_852, %swap3A_853], %swap3A_856 {strides = array<i32>} : memref<2x1024xi32, #tpu.memory_space<vmem>>, vector<1x16xi32>,
      }
      %scan3A_154 = arith.constant 8 : i32
      %gt3A_155 = arith.constant 0 : i32
      %gt3A_156 = arith.cmpi sgt, %add3A_108, %gt3A_155 : i32
      %convert_element_type3A_157 = arith.extui %gt3A_156 : i1 to i32
      %cond3A_158 = arith.constant 0 : i32
      %cond3A_159 = arith.cmpi ne, %convert_element_type3A_157, %cond3A_158 : i32
      scf.if %cond3A_159 {
        %dma_wait3A_841 = arith.constant 0 : i32
        %dma_wait3A_842 = arith.constant 1 : i32
        %dma_wait3A_843 = arith.constant 0 : i32
        %dma_wait3A_844 = arith.constant 0 : i32
        %dma_wait3A_845 = arith.constant 0 : i32
        %dma_wait3A_846 = tpu.memref_slice %arg7[%dma_wait3A_842, %dma_wait3A_843, %dma_wait3A_844, %dma_wait3A_845] : memref<2x2x128x128xf32, #tpu.memory_space<vmem>> -> memref<1x1x128x128xf32, #tpu.memory_space<vmem>>
        %dma_wait3A_847 = tpu.memref_squeeze %dma_wait3A_846 : memref<1x1x128x128xf32, #tpu.memory_space<vmem>> -> memref<128x128xf32, #tpu.memory_space<vmem>>
        %dma_wait3A_848 = arith.constant 0 : i32
        %dma_wait3A_849 = tpu.memref_slice %arg6[%dma_wait3A_841, %dma_wait3A_848] : memref<2x1024xi32, #tpu.memory_space<vmem>> -> memref<1x128xi32, #tpu.memory_space<vmem>>
        %dma_wait3A_850 = tpu.memref_squeeze %dma_wait3A_849 : memref<1x128xi32, #tpu.memory_space<vmem>> -> memref<128xi32, #tpu.memory_space<vmem>>
        %dma_wait3A_851 = arith.constant 0 : i32
        %dma_wait3A_852 = arith.constant 0 : i32
        %dma_wait3A_853 = tpu.memref_slice %arg5[%dma_wait3A_851, %dma_wait3A_852] : memref<3x128xf32, #tpu.memory_space<vmem_shared>> -> memref<3x128xf32, #tpu.memory_space<vmem_shared>>
        tpu.wait_indirect_dma semaphore(%arg12 : memref<!tpu.dma_semaphore, #tpu.memory_space<semaphore_mem>>) src(%dma_wait3A_853 : memref<3x128xf32, #tpu.memory_space<vmem_shared>>) dst(%dma_wait3A_847 : memref<128x128xf32, #tpu.memory_space<vmem>>)
        %dma_wait3A_854 = arith.constant 0 : i32
        %dma_wait3A_855 = arith.constant 1 : i32
        %dma_wait3A_856 = arith.constant 1 : i32
        %dma_wait3A_857 = arith.constant 0 : i32
        %dma_wait3A_858 = arith.constant 0 : i32
        %dma_wait3A_859 = tpu.memref_slice %arg7[%dma_wait3A_855, %dma_wait3A_856, %dma_wait3A_857, %dma_wait3A_858] : memref<2x2x128x128xf32, #tpu.memory_space<vmem>> -> memref<1x1x128x128xf32, #tpu.memory_space<vmem>>
        %dma_wait3A_860 = tpu.memref_squeeze %dma_wait3A_859 : memref<1x1x128x128xf32, #tpu.memory_space<vmem>> -> memref<128x128xf32, #tpu.memory_space<vmem>>
        %dma_wait3A_861 = arith.constant 0 : i32
        %dma_wait3A_862 = tpu.memref_slice %arg6[%dma_wait3A_854, %dma_wait3A_861] : memref<2x1024xi32, #tpu.memory_space<vmem>> -> memref<1x128xi32, #tpu.memory_space<vmem>>
        %dma_wait3A_863 = tpu.memref_squeeze %dma_wait3A_862 : memref<1x128xi32, #tpu.memory_space<vmem>> -> memref<128xi32, #tpu.memory_space<vmem>>
        %dma_wait3A_864 = arith.constant 0 : i32
        %dma_wait3A_865 = arith.constant 0 : i32
        %dma_wait3A_866 = tpu.memref_slice %arg5[%dma_wait3A_864, %dma_wait3A_865] : memref<3x128xf32, #tpu.memory_space<vmem_shared>> -> memref<3x128xf32, #tpu.memory_space<vmem_shared>>
        tpu.wait_indirect_dma semaphore(%arg13 : memref<!tpu.dma_semaphore, #tpu.memory_space<semaphore_mem>>) src(%dma_wait3A_866 : memref<3x128xf32, #tpu.memory_space<vmem_shared>>) dst(%dma_wait3A_860 : memref<128x128xf32, #tpu.memory_space<vmem>>)
        %mul3A_867 = arith.constant 8 : i32
        %mul3A_868 = arith.muli %add3A_108, %mul3A_867 : i32
        %add3A_869 = arith.constant -2 : i32
        %add3A_870 = arith.addi %mul3A_868, %add3A_869 : i32
        %add3A_871 = arith.addi %mul3A_6, %add3A_870 : i32
        %dma_start3A_872 = arith.constant 1 : i32
        %dma_start3A_873 = arith.constant 0 : i32
        %dma_start3A_874 = arith.constant 0 : i32
        %dma_start3A_875 = arith.constant 0 : i32
        %dma_start3A_876 = tpu.memref_slice %arg7[%dma_start3A_872, %dma_start3A_873, %dma_start3A_874, %dma_start3A_875] : memref<2x2x128x128xf32, #tpu.memory_space<vmem>> -> memref<1x2x128x128xf32, #tpu.memory_space<vmem>>
        %dma_start3A_877 = tpu.memref_squeeze %dma_start3A_876 : memref<1x2x128x128xf32, #tpu.memory_space<vmem>> -> memref<2x128x128xf32, #tpu.memory_space<vmem>>
        %dma_start3A_878 = arith.constant 0 : i32
        %dma_start3A_879 = arith.constant 0 : i32
        %dma_start3A_880 = tpu.memref_slice %arg4[%add3A_871, %dma_start3A_878, %dma_start3A_879] : memref<25600x128x128xf32, #tpu.memory_space<hbm>> -> memref<2x128x128xf32, #tpu.memory_space<hbm>>
        %dma_start3A_881 = arith.constant 0 : i32
        %dma_start3A_882 = arith.constant 0 : i32
        %dma_start3A_883 = tpu.memref_slice %arg4[%add3A_871, %dma_start3A_881, %dma_start3A_882] : memref<25600x128x128xf32, #tpu.memory_space<hbm>> -> memref<2x128x128xf32, #tpu.memory_space<hbm>>
        %dma_start3A_884 = arith.constant 0 : i32
        %dma_start3A_885 = arith.constant 0 : i32
        %dma_start3A_886 = arith.constant 0 : i32
        %dma_start3A_887 = tpu.memref_slice %arg7[%dma_start3A_872, %dma_start3A_884, %dma_start3A_885, %dma_start3A_886] : memref<2x2x128x128xf32, #tpu.memory_space<vmem>> -> memref<1x2x128x128xf32, #tpu.memory_space<vmem>>
        %dma_start3A_888 = tpu.memref_squeeze %dma_start3A_887 : memref<1x2x128x128xf32, #tpu.memory_space<vmem>> -> memref<2x128x128xf32, #tpu.memory_space<vmem>>
        tpu.enqueue_dma source(%dma_start3A_888 : memref<2x128x128xf32, #tpu.memory_space<vmem>>) target(%dma_start3A_883 : memref<2x128x128xf32, #tpu.memory_space<hbm>>) target_semaphore(%arg15 : memref<!tpu.dma_semaphore, #tpu.memory_space<semaphore_mem>>)
      } else {
      }
      %dma_start3A_160 = arith.constant 0 : i32
      %dma_start3A_161 = arith.constant 0 : i32
      %dma_start3A_162 = arith.constant 1 : i32
      %dma_start3A_163 = arith.constant 0 : i32
      %dma_start3A_164 = arith.constant 0 : i32
      %dma_start3A_165 = tpu.memref_slice %arg7[%dma_start3A_161, %dma_start3A_162, %dma_start3A_163, %dma_start3A_164] : memref<2x2x128x128xf32, #tpu.memory_space<vmem>> -> memref<1x1x128x128xf32, #tpu.memory_space<vmem>>
      %dma_start3A_166 = tpu.memref_squeeze %dma_start3A_165 : memref<1x1x128x128xf32, #tpu.memory_space<vmem>> -> memref<128x128xf32, #tpu.memory_space<vmem>>
      %dma_start3A_167 = arith.constant 128 : i32
      %dma_start3A_168 = tpu.memref_slice %arg6[%dma_start3A_160, %dma_start3A_167] : memref<2x1024xi32, #tpu.memory_space<vmem>> -> memref<1x128xi32, #tpu.memory_space<vmem>>
      %dma_start3A_169 = tpu.memref_squeeze %dma_start3A_168 : memref<1x128xi32, #tpu.memory_space<vmem>> -> memref<128xi32, #tpu.memory_space<vmem>>
      %dma_start3A_170 = arith.constant 0 : i32
      %dma_start3A_171 = arith.constant 0 : i32
      %dma_start3A_172 = tpu.memref_slice %arg5[%dma_start3A_170, %dma_start3A_171] : memref<3x128xf32, #tpu.memory_space<vmem_shared>> -> memref<3x128xf32, #tpu.memory_space<vmem_shared>>
      tpu.enqueue_indirect_dma source(%dma_start3A_172 : memref<3x128xf32, #tpu.memory_space<vmem_shared>>) target(%dma_start3A_166 : memref<128x128xf32, #tpu.memory_space<vmem>>) offsets(%dma_start3A_169 : memref<128xi32, #tpu.memory_space<vmem>>) semaphore(%arg11 : memref<!tpu.dma_semaphore, #tpu.memory_space<semaphore_mem>>)
      %scan3A_173 = arith.constant 0 : i32
      %scan3A_174 = arith.constant 0 : i32
      %scan3A_175 = arith.constant 8 : i32
      %scan3A_176 = arith.addi %scan3A_174, %scan3A_175 : i32
      %scan3A_177 = arith.constant 1 : i32
      scf.for %scan3A_841 = %scan3A_174 to %scan3A_176 step %scan3A_177  : i32 {
        %mul3A_842 = arith.constant 16 : i32
        %mul3A_843 = arith.muli %scan3A_841, %mul3A_842 : i32
        %add3A_844 = arith.constant 384 : i32
        %add3A_845 = arith.addi %add3A_844, %mul3A_843 : i32
        %get3A = arith.constant 0 : i32
        %get3A_846 = arith.index_cast %get3A : i32 to index
        %get3A_847 = arith.index_cast %add3A_845 : i32 to index
        %get3A_848 = tpu.vector_load %arg6[%get3A_846, %get3A_847] {strides = array<i32>} : memref<2x1024xi32, #tpu.memory_space<vmem>>, vector<1x16xi32>,
        %get3A_849 = vector.shape_cast %get3A_848 : vector<1x16xi32> to vector<16xi32>
        %rem3A = arith.constant 3 : i32
        %rem3A_850 = vector.broadcast %rem3A : i32 to vector<16xi32>
        %rem3A_851 = arith.remsi %get3A_849, %rem3A_850 : vector<16xi32>
        %swap3A = arith.constant 0 : i32
        %swap3A_852 = arith.index_cast %swap3A : i32 to index
        %swap3A_853 = arith.index_cast %add3A_845 : i32 to index
        %swap3A_854 = tpu.vector_load %arg6[%swap3A_852, %swap3A_853] {strides = array<i32>} : memref<2x1024xi32, #tpu.memory_space<vmem>>, vector<1x16xi32>,
        %swap3A_855 = vector.shape_cast %swap3A_854 : vector<1x16xi32> to vector<16xi32>
        %swap3A_856 = vector.shape_cast %rem3A_851 : vector<16xi32> to vector<1x16xi32>
        tpu.vector_store %arg6[%swap3A_852, %swap3A_853], %swap3A_856 {strides = array<i32>} : memref<2x1024xi32, #tpu.memory_space<vmem>>, vector<1x16xi32>,
      }
      %scan3A_178 = arith.constant 8 : i32
      %lt3A = arith.constant 99 : i32
      %lt3A_179 = arith.cmpi slt, %add3A_108, %lt3A : i32
      %convert_element_type3A_180 = arith.extui %lt3A_179 : i1 to i32
      %cond3A_181 = arith.constant 0 : i32
      %cond3A_182 = arith.cmpi ne, %convert_element_type3A_180, %cond3A_181 : i32
      scf.if %cond3A_182 {
        %add3A_841 = arith.constant 1 : i32
        %add3A_842 = arith.addi %add3A_108, %add3A_841 : i32
        %mul3A_843 = arith.constant 1024 : i32
        %mul3A_844 = arith.muli %add3A_842, %mul3A_843 : i32
        %add3A_845 = arith.addi %mul3A_4, %mul3A_844 : i32
        %dma_start3A_846 = arith.constant 1 : i32
        %dma_start3A_847 = arith.constant 0 : i32
        %dma_start3A_848 = tpu.memref_slice %arg6[%dma_start3A_846, %dma_start3A_847] : memref<2x1024xi32, #tpu.memory_space<vmem>> -> memref<1x1024xi32, #tpu.memory_space<vmem>>
        %dma_start3A_849 = tpu.memref_squeeze %dma_start3A_848 : memref<1x1024xi32, #tpu.memory_space<vmem>> -> memref<1024xi32, #tpu.memory_space<vmem>>
        %dma_start3A_850 = tpu.memref_slice %arg2[%add3A_845] : memref<3276800xi32, #tpu.memory_space<hbm>> -> memref<1024xi32, #tpu.memory_space<hbm>>
        %dma_start3A_851 = arith.constant 0 : i32
        %dma_start3A_852 = tpu.memref_slice %arg6[%dma_start3A_846, %dma_start3A_851] : memref<2x1024xi32, #tpu.memory_space<vmem>> -> memref<1x1024xi32, #tpu.memory_space<vmem>>
        %dma_start3A_853 = tpu.memref_squeeze %dma_start3A_852 : memref<1x1024xi32, #tpu.memory_space<vmem>> -> memref<1024xi32, #tpu.memory_space<vmem>>
        %dma_start3A_854 = tpu.memref_slice %arg2[%add3A_845] : memref<3276800xi32, #tpu.memory_space<hbm>> -> memref<1024xi32, #tpu.memory_space<hbm>>
        tpu.enqueue_dma source(%dma_start3A_854 : memref<1024xi32, #tpu.memory_space<hbm>>) target(%dma_start3A_853 : memref<1024xi32, #tpu.memory_space<vmem>>) target_semaphore(%arg9 : memref<!tpu.dma_semaphore, #tpu.memory_space<semaphore_mem>>)
      } else {
      }
      %gt3A_183 = arith.constant 0 : i32
      %gt3A_184 = arith.cmpi sgt, %add3A_108, %gt3A_183 : i32
      %convert_element_type3A_185 = arith.extui %gt3A_184 : i1 to i32
      %cond3A_186 = arith.constant 0 : i32
      %cond3A_187 = arith.cmpi ne, %convert_element_type3A_185, %cond3A_186 : i32
      scf.if %cond3A_187 {
        %add3A_841 = arith.constant 0 : i32
        %add3A_842 = arith.addi %mul3A_6, %add3A_841 : i32
        %dma_wait3A_843 = arith.constant 0 : i32
        %dma_wait3A_844 = arith.constant 0 : i32
        %dma_wait3A_845 = arith.constant 0 : i32
        %dma_wait3A_846 = arith.constant 0 : i32
        %dma_wait3A_847 = tpu.memref_slice %arg7[%dma_wait3A_843, %dma_wait3A_844, %dma_wait3A_845, %dma_wait3A_846] : memref<2x2x128x128xf32, #tpu.memory_space<vmem>> -> memref<1x2x128x128xf32, #tpu.memory_space<vmem>>
        %dma_wait3A_848 = tpu.memref_squeeze %dma_wait3A_847 : memref<1x2x128x128xf32, #tpu.memory_space<vmem>> -> memref<2x128x128xf32, #tpu.memory_space<vmem>>
        %dma_wait3A_849 = arith.constant 0 : i32
        %dma_wait3A_850 = arith.constant 0 : i32
        %dma_wait3A_851 = tpu.memref_slice %arg4[%add3A_842, %dma_wait3A_849, %dma_wait3A_850] : memref<25600x128x128xf32, #tpu.memory_space<hbm>> -> memref<2x128x128xf32, #tpu.memory_space<hbm>>
        %dma_wait3A_852 = arith.constant 0 : i32
        %dma_wait3A_853 = arith.constant 0 : i32
        %dma_wait3A_854 = tpu.memref_slice %arg4[%add3A_842, %dma_wait3A_852, %dma_wait3A_853] : memref<25600x128x128xf32, #tpu.memory_space<hbm>> -> memref<2x128x128xf32, #tpu.memory_space<hbm>>
        %dma_wait3A_855 = arith.constant 0 : i32
        %dma_wait3A_856 = arith.constant 0 : i32
        %dma_wait3A_857 = arith.constant 0 : i32
        %dma_wait3A_858 = tpu.memref_slice %arg7[%dma_wait3A_843, %dma_wait3A_855, %dma_wait3A_856, %dma_wait3A_857] : memref<2x2x128x128xf32, #tpu.memory_space<vmem>> -> memref<1x2x128x128xf32, #tpu.memory_space<vmem>>
        %dma_wait3A_859 = tpu.memref_squeeze %dma_wait3A_858 : memref<1x2x128x128xf32, #tpu.memory_space<vmem>> -> memref<2x128x128xf32, #tpu.memory_space<vmem>>
        tpu.wait_dma2 semaphore(%arg15 : memref<!tpu.dma_semaphore, #tpu.memory_space<semaphore_mem>>) src(%dma_wait3A_859 : memref<2x128x128xf32, #tpu.memory_space<vmem>>) dst(%dma_wait3A_854 : memref<2x128x128xf32, #tpu.memory_space<hbm>>)
      } else {
      }
      %dma_start3A_188 = arith.constant 0 : i32
      %dma_start3A_189 = arith.constant 1 : i32
      %dma_start3A_190 = arith.constant 0 : i32
      %dma_start3A_191 = arith.constant 0 : i32
      %dma_start3A_192 = arith.constant 0 : i32
      %dma_start3A_193 = tpu.memref_slice %arg7[%dma_start3A_189, %dma_start3A_190, %dma_start3A_191, %dma_start3A_192] : memref<2x2x128x128xf32, #tpu.memory_space<vmem>> -> memref<1x1x128x128xf32, #tpu.memory_space<vmem>>
      %dma_start3A_194 = tpu.memref_squeeze %dma_start3A_193 : memref<1x1x128x128xf32, #tpu.memory_space<vmem>> -> memref<128x128xf32, #tpu.memory_space<vmem>>
      %dma_start3A_195 = arith.constant 256 : i32
      %dma_start3A_196 = tpu.memref_slice %arg6[%dma_start3A_188, %dma_start3A_195] : memref<2x1024xi32, #tpu.memory_space<vmem>> -> memref<1x128xi32, #tpu.memory_space<vmem>>
      %dma_start3A_197 = tpu.memref_squeeze %dma_start3A_196 : memref<1x128xi32, #tpu.memory_space<vmem>> -> memref<128xi32, #tpu.memory_space<vmem>>
      %dma_start3A_198 = arith.constant 0 : i32
      %dma_start3A_199 = arith.constant 0 : i32
      %dma_start3A_200 = tpu.memref_slice %arg5[%dma_start3A_198, %dma_start3A_199] : memref<3x128xf32, #tpu.memory_space<vmem_shared>> -> memref<3x128xf32, #tpu.memory_space<vmem_shared>>
      tpu.enqueue_indirect_dma source(%dma_start3A_200 : memref<3x128xf32, #tpu.memory_space<vmem_shared>>) target(%dma_start3A_194 : memref<128x128xf32, #tpu.memory_space<vmem>>) offsets(%dma_start3A_197 : memref<128xi32, #tpu.memory_space<vmem>>) semaphore(%arg12 : memref<!tpu.dma_semaphore, #tpu.memory_space<semaphore_mem>>)
      %scan3A_201 = arith.constant 0 : i32
      %scan3A_202 = arith.constant 0 : i32
      %scan3A_203 = arith.constant 8 : i32
      %scan3A_204 = arith.addi %scan3A_202, %scan3A_203 : i32
      %scan3A_205 = arith.constant 1 : i32
      scf.for %scan3A_841 = %scan3A_202 to %scan3A_204 step %scan3A_205  : i32 {
        %mul3A_842 = arith.constant 16 : i32
        %mul3A_843 = arith.muli %scan3A_841, %mul3A_842 : i32
        %add3A_844 = arith.constant 512 : i32
        %add3A_845 = arith.addi %add3A_844, %mul3A_843 : i32
        %get3A = arith.constant 0 : i32
        %get3A_846 = arith.index_cast %get3A : i32 to index
        %get3A_847 = arith.index_cast %add3A_845 : i32 to index
        %get3A_848 = tpu.vector_load %arg6[%get3A_846, %get3A_847] {strides = array<i32>} : memref<2x1024xi32, #tpu.memory_space<vmem>>, vector<1x16xi32>,
        %get3A_849 = vector.shape_cast %get3A_848 : vector<1x16xi32> to vector<16xi32>
        %rem3A = arith.constant 3 : i32
        %rem3A_850 = vector.broadcast %rem3A : i32 to vector<16xi32>
        %rem3A_851 = arith.remsi %get3A_849, %rem3A_850 : vector<16xi32>
        %swap3A = arith.constant 0 : i32
        %swap3A_852 = arith.index_cast %swap3A : i32 to index
        %swap3A_853 = arith.index_cast %add3A_845 : i32 to index
        %swap3A_854 = tpu.vector_load %arg6[%swap3A_852, %swap3A_853] {strides = array<i32>} : memref<2x1024xi32, #tpu.memory_space<vmem>>, vector<1x16xi32>,
        %swap3A_855 = vector.shape_cast %swap3A_854 : vector<1x16xi32> to vector<16xi32>
        %swap3A_856 = vector.shape_cast %rem3A_851 : vector<16xi32> to vector<1x16xi32>
        tpu.vector_store %arg6[%swap3A_852, %swap3A_853], %swap3A_856 {strides = array<i32>} : memref<2x1024xi32, #tpu.memory_space<vmem>>, vector<1x16xi32>,
      }
      %scan3A_206 = arith.constant 8 : i32
      %dma_wait3A_207 = arith.constant 0 : i32
      %dma_wait3A_208 = arith.constant 0 : i32
      %dma_wait3A_209 = arith.constant 0 : i32
      %dma_wait3A_210 = arith.constant 0 : i32
      %dma_wait3A_211 = arith.constant 0 : i32
      %dma_wait3A_212 = tpu.memref_slice %arg7[%dma_wait3A_208, %dma_wait3A_209, %dma_wait3A_210, %dma_wait3A_211] : memref<2x2x128x128xf32, #tpu.memory_space<vmem>> -> memref<1x1x128x128xf32, #tpu.memory_space<vmem>>
      %dma_wait3A_213 = tpu.memref_squeeze %dma_wait3A_212 : memref<1x1x128x128xf32, #tpu.memory_space<vmem>> -> memref<128x128xf32, #tpu.memory_space<vmem>>
      %dma_wait3A_214 = arith.constant 0 : i32
      %dma_wait3A_215 = tpu.memref_slice %arg6[%dma_wait3A_207, %dma_wait3A_214] : memref<2x1024xi32, #tpu.memory_space<vmem>> -> memref<1x128xi32, #tpu.memory_space<vmem>>
      %dma_wait3A_216 = tpu.memref_squeeze %dma_wait3A_215 : memref<1x128xi32, #tpu.memory_space<vmem>> -> memref<128xi32, #tpu.memory_space<vmem>>
      %dma_wait3A_217 = arith.constant 0 : i32
      %dma_wait3A_218 = arith.constant 0 : i32
      %dma_wait3A_219 = tpu.memref_slice %arg5[%dma_wait3A_217, %dma_wait3A_218] : memref<3x128xf32, #tpu.memory_space<vmem_shared>> -> memref<3x128xf32, #tpu.memory_space<vmem_shared>>
      tpu.wait_indirect_dma semaphore(%arg10 : memref<!tpu.dma_semaphore, #tpu.memory_space<semaphore_mem>>) src(%dma_wait3A_219 : memref<3x128xf32, #tpu.memory_space<vmem_shared>>) dst(%dma_wait3A_213 : memref<128x128xf32, #tpu.memory_space<vmem>>)
      %dma_wait3A_220 = arith.constant 0 : i32
      %dma_wait3A_221 = arith.constant 0 : i32
      %dma_wait3A_222 = arith.constant 1 : i32
      %dma_wait3A_223 = arith.constant 0 : i32
      %dma_wait3A_224 = arith.constant 0 : i32
      %dma_wait3A_225 = tpu.memref_slice %arg7[%dma_wait3A_221, %dma_wait3A_222, %dma_wait3A_223, %dma_wait3A_224] : memref<2x2x128x128xf32, #tpu.memory_space<vmem>> -> memref<1x1x128x128xf32, #tpu.memory_space<vmem>>
      %dma_wait3A_226 = tpu.memref_squeeze %dma_wait3A_225 : memref<1x1x128x128xf32, #tpu.memory_space<vmem>> -> memref<128x128xf32, #tpu.memory_space<vmem>>
      %dma_wait3A_227 = arith.constant 0 : i32
      %dma_wait3A_228 = tpu.memref_slice %arg6[%dma_wait3A_220, %dma_wait3A_227] : memref<2x1024xi32, #tpu.memory_space<vmem>> -> memref<1x128xi32, #tpu.memory_space<vmem>>
      %dma_wait3A_229 = tpu.memref_squeeze %dma_wait3A_228 : memref<1x128xi32, #tpu.memory_space<vmem>> -> memref<128xi32, #tpu.memory_space<vmem>>
      %dma_wait3A_230 = arith.constant 0 : i32
      %dma_wait3A_231 = arith.constant 0 : i32
      %dma_wait3A_232 = tpu.memref_slice %arg5[%dma_wait3A_230, %dma_wait3A_231] : memref<3x128xf32, #tpu.memory_space<vmem_shared>> -> memref<3x128xf32, #tpu.memory_space<vmem_shared>>
      tpu.wait_indirect_dma semaphore(%arg11 : memref<!tpu.dma_semaphore, #tpu.memory_space<semaphore_mem>>) src(%dma_wait3A_232 : memref<3x128xf32, #tpu.memory_space<vmem_shared>>) dst(%dma_wait3A_226 : memref<128x128xf32, #tpu.memory_space<vmem>>)
      %mul3A_233 = arith.constant 8 : i32
      %mul3A_234 = arith.muli %add3A_108, %mul3A_233 : i32
      %add3A_235 = arith.constant 0 : i32
      %add3A_236 = arith.addi %mul3A_234, %add3A_235 : i32
      %add3A_237 = arith.addi %mul3A_6, %add3A_236 : i32
      %dma_start3A_238 = arith.constant 0 : i32
      %dma_start3A_239 = arith.constant 0 : i32
      %dma_start3A_240 = arith.constant 0 : i32
      %dma_start3A_241 = arith.constant 0 : i32
      %dma_start3A_242 = tpu.memref_slice %arg7[%dma_start3A_238, %dma_start3A_239, %dma_start3A_240, %dma_start3A_241] : memref<2x2x128x128xf32, #tpu.memory_space<vmem>> -> memref<1x2x128x128xf32, #tpu.memory_space<vmem>>
      %dma_start3A_243 = tpu.memref_squeeze %dma_start3A_242 : memref<1x2x128x128xf32, #tpu.memory_space<vmem>> -> memref<2x128x128xf32, #tpu.memory_space<vmem>>
      %dma_start3A_244 = arith.constant 0 : i32
      %dma_start3A_245 = arith.constant 0 : i32
      %dma_start3A_246 = tpu.memref_slice %arg4[%add3A_237, %dma_start3A_244, %dma_start3A_245] : memref<25600x128x128xf32, #tpu.memory_space<hbm>> -> memref<2x128x128xf32, #tpu.memory_space<hbm>>
      %dma_start3A_247 = arith.constant 0 : i32
      %dma_start3A_248 = arith.constant 0 : i32
      %dma_start3A_249 = tpu.memref_slice %arg4[%add3A_237, %dma_start3A_247, %dma_start3A_248] : memref<25600x128x128xf32, #tpu.memory_space<hbm>> -> memref<2x128x128xf32, #tpu.memory_space<hbm>>
      %dma_start3A_250 = arith.constant 0 : i32
      %dma_start3A_251 = arith.constant 0 : i32
      %dma_start3A_252 = arith.constant 0 : i32
      %dma_start3A_253 = tpu.memref_slice %arg7[%dma_start3A_238, %dma_start3A_250, %dma_start3A_251, %dma_start3A_252] : memref<2x2x128x128xf32, #tpu.memory_space<vmem>> -> memref<1x2x128x128xf32, #tpu.memory_space<vmem>>
      %dma_start3A_254 = tpu.memref_squeeze %dma_start3A_253 : memref<1x2x128x128xf32, #tpu.memory_space<vmem>> -> memref<2x128x128xf32, #tpu.memory_space<vmem>>
      tpu.enqueue_dma source(%dma_start3A_254 : memref<2x128x128xf32, #tpu.memory_space<vmem>>) target(%dma_start3A_249 : memref<2x128x128xf32, #tpu.memory_space<hbm>>) target_semaphore(%arg14 : memref<!tpu.dma_semaphore, #tpu.memory_space<semaphore_mem>>)
      %dma_start3A_255 = arith.constant 0 : i32
      %dma_start3A_256 = arith.constant 1 : i32
      %dma_start3A_257 = arith.constant 1 : i32
      %dma_start3A_258 = arith.constant 0 : i32
      %dma_start3A_259 = arith.constant 0 : i32
      %dma_start3A_260 = tpu.memref_slice %arg7[%dma_start3A_256, %dma_start3A_257, %dma_start3A_258, %dma_start3A_259] : memref<2x2x128x128xf32, #tpu.memory_space<vmem>> -> memref<1x1x128x128xf32, #tpu.memory_space<vmem>>
      %dma_start3A_261 = tpu.memref_squeeze %dma_start3A_260 : memref<1x1x128x128xf32, #tpu.memory_space<vmem>> -> memref<128x128xf32, #tpu.memory_space<vmem>>
      %dma_start3A_262 = arith.constant 384 : i32
      %dma_start3A_263 = tpu.memref_slice %arg6[%dma_start3A_255, %dma_start3A_262] : memref<2x1024xi32, #tpu.memory_space<vmem>> -> memref<1x128xi32, #tpu.memory_space<vmem>>
      %dma_start3A_264 = tpu.memref_squeeze %dma_start3A_263 : memref<1x128xi32, #tpu.memory_space<vmem>> -> memref<128xi32, #tpu.memory_space<vmem>>
      %dma_start3A_265 = arith.constant 0 : i32
      %dma_start3A_266 = arith.constant 0 : i32
      %dma_start3A_267 = tpu.memref_slice %arg5[%dma_start3A_265, %dma_start3A_266] : memref<3x128xf32, #tpu.memory_space<vmem_shared>> -> memref<3x128xf32, #tpu.memory_space<vmem_shared>>
      tpu.enqueue_indirect_dma source(%dma_start3A_267 : memref<3x128xf32, #tpu.memory_space<vmem_shared>>) target(%dma_start3A_261 : memref<128x128xf32, #tpu.memory_space<vmem>>) offsets(%dma_start3A_264 : memref<128xi32, #tpu.memory_space<vmem>>) semaphore(%arg13 : memref<!tpu.dma_semaphore, #tpu.memory_space<semaphore_mem>>)
      %scan3A_268 = arith.constant 0 : i32
      %scan3A_269 = arith.constant 0 : i32
      %scan3A_270 = arith.constant 8 : i32
      %scan3A_271 = arith.addi %scan3A_269, %scan3A_270 : i32
      %scan3A_272 = arith.constant 1 : i32
      scf.for %scan3A_841 = %scan3A_269 to %scan3A_271 step %scan3A_272  : i32 {
        %mul3A_842 = arith.constant 16 : i32
        %mul3A_843 = arith.muli %scan3A_841, %mul3A_842 : i32
        %add3A_844 = arith.constant 640 : i32
        %add3A_845 = arith.addi %add3A_844, %mul3A_843 : i32
        %get3A = arith.constant 0 : i32
        %get3A_846 = arith.index_cast %get3A : i32 to index
        %get3A_847 = arith.index_cast %add3A_845 : i32 to index
        %get3A_848 = tpu.vector_load %arg6[%get3A_846, %get3A_847] {strides = array<i32>} : memref<2x1024xi32, #tpu.memory_space<vmem>>, vector<1x16xi32>,
        %get3A_849 = vector.shape_cast %get3A_848 : vector<1x16xi32> to vector<16xi32>
        %rem3A = arith.constant 3 : i32
        %rem3A_850 = vector.broadcast %rem3A : i32 to vector<16xi32>
        %rem3A_851 = arith.remsi %get3A_849, %rem3A_850 : vector<16xi32>
        %swap3A = arith.constant 0 : i32
        %swap3A_852 = arith.index_cast %swap3A : i32 to index
        %swap3A_853 = arith.index_cast %add3A_845 : i32 to index
        %swap3A_854 = tpu.vector_load %arg6[%swap3A_852, %swap3A_853] {strides = array<i32>} : memref<2x1024xi32, #tpu.memory_space<vmem>>, vector<1x16xi32>,
        %swap3A_855 = vector.shape_cast %swap3A_854 : vector<1x16xi32> to vector<16xi32>
        %swap3A_856 = vector.shape_cast %rem3A_851 : vector<16xi32> to vector<1x16xi32>
        tpu.vector_store %arg6[%swap3A_852, %swap3A_853], %swap3A_856 {strides = array<i32>} : memref<2x1024xi32, #tpu.memory_space<vmem>>, vector<1x16xi32>,
      }
      %scan3A_273 = arith.constant 8 : i32
      %add3A_274 = arith.constant 0 : i32
      %add3A_275 = arith.addi %mul3A_6, %add3A_274 : i32
      %dma_wait3A_276 = arith.constant 0 : i32
      %dma_wait3A_277 = arith.constant 0 : i32
      %dma_wait3A_278 = arith.constant 0 : i32
      %dma_wait3A_279 = arith.constant 0 : i32
      %dma_wait3A_280 = tpu.memref_slice %arg7[%dma_wait3A_276, %dma_wait3A_277, %dma_wait3A_278, %dma_wait3A_279] : memref<2x2x128x128xf32, #tpu.memory_space<vmem>> -> memref<1x2x128x128xf32, #tpu.memory_space<vmem>>
      %dma_wait3A_281 = tpu.memref_squeeze %dma_wait3A_280 : memref<1x2x128x128xf32, #tpu.memory_space<vmem>> -> memref<2x128x128xf32, #tpu.memory_space<vmem>>
      %dma_wait3A_282 = arith.constant 0 : i32
      %dma_wait3A_283 = arith.constant 0 : i32
      %dma_wait3A_284 = tpu.memref_slice %arg4[%add3A_275, %dma_wait3A_282, %dma_wait3A_283] : memref<25600x128x128xf32, #tpu.memory_space<hbm>> -> memref<2x128x128xf32, #tpu.memory_space<hbm>>
      %dma_wait3A_285 = arith.constant 0 : i32
      %dma_wait3A_286 = arith.constant 0 : i32
      %dma_wait3A_287 = tpu.memref_slice %arg4[%add3A_275, %dma_wait3A_285, %dma_wait3A_286] : memref<25600x128x128xf32, #tpu.memory_space<hbm>> -> memref<2x128x128xf32, #tpu.memory_space<hbm>>
      %dma_wait3A_288 = arith.constant 0 : i32
      %dma_wait3A_289 = arith.constant 0 : i32
      %dma_wait3A_290 = arith.constant 0 : i32
      %dma_wait3A_291 = tpu.memref_slice %arg7[%dma_wait3A_276, %dma_wait3A_288, %dma_wait3A_289, %dma_wait3A_290] : memref<2x2x128x128xf32, #tpu.memory_space<vmem>> -> memref<1x2x128x128xf32, #tpu.memory_space<vmem>>
      %dma_wait3A_292 = tpu.memref_squeeze %dma_wait3A_291 : memref<1x2x128x128xf32, #tpu.memory_space<vmem>> -> memref<2x128x128xf32, #tpu.memory_space<vmem>>
      tpu.wait_dma2 semaphore(%arg14 : memref<!tpu.dma_semaphore, #tpu.memory_space<semaphore_mem>>) src(%dma_wait3A_292 : memref<2x128x128xf32, #tpu.memory_space<vmem>>) dst(%dma_wait3A_287 : memref<2x128x128xf32, #tpu.memory_space<hbm>>)
      %dma_start3A_293 = arith.constant 0 : i32
      %dma_start3A_294 = arith.constant 0 : i32
      %dma_start3A_295 = arith.constant 0 : i32
      %dma_start3A_296 = arith.constant 0 : i32
      %dma_start3A_297 = arith.constant 0 : i32
      %dma_start3A_298 = tpu.memref_slice %arg7[%dma_start3A_294, %dma_start3A_295, %dma_start3A_296, %dma_start3A_297] : memref<2x2x128x128xf32, #tpu.memory_space<vmem>> -> memref<1x1x128x128xf32, #tpu.memory_space<vmem>>
      %dma_start3A_299 = tpu.memref_squeeze %dma_start3A_298 : memref<1x1x128x128xf32, #tpu.memory_space<vmem>> -> memref<128x128xf32, #tpu.memory_space<vmem>>
      %dma_start3A_300 = arith.constant 512 : i32
      %dma_start3A_301 = tpu.memref_slice %arg6[%dma_start3A_293, %dma_start3A_300] : memref<2x1024xi32, #tpu.memory_space<vmem>> -> memref<1x128xi32, #tpu.memory_space<vmem>>
      %dma_start3A_302 = tpu.memref_squeeze %dma_start3A_301 : memref<1x128xi32, #tpu.memory_space<vmem>> -> memref<128xi32, #tpu.memory_space<vmem>>
      %dma_start3A_303 = arith.constant 0 : i32
      %dma_start3A_304 = arith.constant 0 : i32
      %dma_start3A_305 = tpu.memref_slice %arg5[%dma_start3A_303, %dma_start3A_304] : memref<3x128xf32, #tpu.memory_space<vmem_shared>> -> memref<3x128xf32, #tpu.memory_space<vmem_shared>>
      tpu.enqueue_indirect_dma source(%dma_start3A_305 : memref<3x128xf32, #tpu.memory_space<vmem_shared>>) target(%dma_start3A_299 : memref<128x128xf32, #tpu.memory_space<vmem>>) offsets(%dma_start3A_302 : memref<128xi32, #tpu.memory_space<vmem>>) semaphore(%arg10 : memref<!tpu.dma_semaphore, #tpu.memory_space<semaphore_mem>>)
      %scan3A_306 = arith.constant 0 : i32
      %scan3A_307 = arith.constant 0 : i32
      %scan3A_308 = arith.constant 8 : i32
      %scan3A_309 = arith.addi %scan3A_307, %scan3A_308 : i32
      %scan3A_310 = arith.constant 1 : i32
      scf.for %scan3A_841 = %scan3A_307 to %scan3A_309 step %scan3A_310  : i32 {
        %mul3A_842 = arith.constant 16 : i32
        %mul3A_843 = arith.muli %scan3A_841, %mul3A_842 : i32
        %add3A_844 = arith.constant 768 : i32
        %add3A_845 = arith.addi %add3A_844, %mul3A_843 : i32
        %get3A = arith.constant 0 : i32
        %get3A_846 = arith.index_cast %get3A : i32 to index
        %get3A_847 = arith.index_cast %add3A_845 : i32 to index
        %get3A_848 = tpu.vector_load %arg6[%get3A_846, %get3A_847] {strides = array<i32>} : memref<2x1024xi32, #tpu.memory_space<vmem>>, vector<1x16xi32>,
        %get3A_849 = vector.shape_cast %get3A_848 : vector<1x16xi32> to vector<16xi32>
        %rem3A = arith.constant 3 : i32
        %rem3A_850 = vector.broadcast %rem3A : i32 to vector<16xi32>
        %rem3A_851 = arith.remsi %get3A_849, %rem3A_850 : vector<16xi32>
        %swap3A = arith.constant 0 : i32
        %swap3A_852 = arith.index_cast %swap3A : i32 to index
        %swap3A_853 = arith.index_cast %add3A_845 : i32 to index
        %swap3A_854 = tpu.vector_load %arg6[%swap3A_852, %swap3A_853] {strides = array<i32>} : memref<2x1024xi32, #tpu.memory_space<vmem>>, vector<1x16xi32>,
        %swap3A_855 = vector.shape_cast %swap3A_854 : vector<1x16xi32> to vector<16xi32>
        %swap3A_856 = vector.shape_cast %rem3A_851 : vector<16xi32> to vector<1x16xi32>
        tpu.vector_store %arg6[%swap3A_852, %swap3A_853], %swap3A_856 {strides = array<i32>} : memref<2x1024xi32, #tpu.memory_space<vmem>>, vector<1x16xi32>,
      }
      %scan3A_311 = arith.constant 8 : i32
      %dma_wait3A_312 = arith.constant 0 : i32
      %dma_wait3A_313 = arith.constant 1 : i32
      %dma_wait3A_314 = arith.constant 0 : i32
      %dma_wait3A_315 = arith.constant 0 : i32
      %dma_wait3A_316 = arith.constant 0 : i32
      %dma_wait3A_317 = tpu.memref_slice %arg7[%dma_wait3A_313, %dma_wait3A_314, %dma_wait3A_315, %dma_wait3A_316] : memref<2x2x128x128xf32, #tpu.memory_space<vmem>> -> memref<1x1x128x128xf32, #tpu.memory_space<vmem>>
      %dma_wait3A_318 = tpu.memref_squeeze %dma_wait3A_317 : memref<1x1x128x128xf32, #tpu.memory_space<vmem>> -> memref<128x128xf32, #tpu.memory_space<vmem>>
      %dma_wait3A_319 = arith.constant 0 : i32
      %dma_wait3A_320 = tpu.memref_slice %arg6[%dma_wait3A_312, %dma_wait3A_319] : memref<2x1024xi32, #tpu.memory_space<vmem>> -> memref<1x128xi32, #tpu.memory_space<vmem>>
      %dma_wait3A_321 = tpu.memref_squeeze %dma_wait3A_320 : memref<1x128xi32, #tpu.memory_space<vmem>> -> memref<128xi32, #tpu.memory_space<vmem>>
      %dma_wait3A_322 = arith.constant 0 : i32
      %dma_wait3A_323 = arith.constant 0 : i32
      %dma_wait3A_324 = tpu.memref_slice %arg5[%dma_wait3A_322, %dma_wait3A_323] : memref<3x128xf32, #tpu.memory_space<vmem_shared>> -> memref<3x128xf32, #tpu.memory_space<vmem_shared>>
      tpu.wait_indirect_dma semaphore(%arg12 : memref<!tpu.dma_semaphore, #tpu.memory_space<semaphore_mem>>) src(%dma_wait3A_324 : memref<3x128xf32, #tpu.memory_space<vmem_shared>>) dst(%dma_wait3A_318 : memref<128x128xf32, #tpu.memory_space<vmem>>)
      %dma_wait3A_325 = arith.constant 0 : i32
      %dma_wait3A_326 = arith.constant 1 : i32
      %dma_wait3A_327 = arith.constant 1 : i32
      %dma_wait3A_328 = arith.constant 0 : i32
      %dma_wait3A_329 = arith.constant 0 : i32
      %dma_wait3A_330 = tpu.memref_slice %arg7[%dma_wait3A_326, %dma_wait3A_327, %dma_wait3A_328, %dma_wait3A_329] : memref<2x2x128x128xf32, #tpu.memory_space<vmem>> -> memref<1x1x128x128xf32, #tpu.memory_space<vmem>>
      %dma_wait3A_331 = tpu.memref_squeeze %dma_wait3A_330 : memref<1x1x128x128xf32, #tpu.memory_space<vmem>> -> memref<128x128xf32, #tpu.memory_space<vmem>>
      %dma_wait3A_332 = arith.constant 0 : i32
      %dma_wait3A_333 = tpu.memref_slice %arg6[%dma_wait3A_325, %dma_wait3A_332] : memref<2x1024xi32, #tpu.memory_space<vmem>> -> memref<1x128xi32, #tpu.memory_space<vmem>>
      %dma_wait3A_334 = tpu.memref_squeeze %dma_wait3A_333 : memref<1x128xi32, #tpu.memory_space<vmem>> -> memref<128xi32, #tpu.memory_space<vmem>>
      %dma_wait3A_335 = arith.constant 0 : i32
      %dma_wait3A_336 = arith.constant 0 : i32
      %dma_wait3A_337 = tpu.memref_slice %arg5[%dma_wait3A_335, %dma_wait3A_336] : memref<3x128xf32, #tpu.memory_space<vmem_shared>> -> memref<3x128xf32, #tpu.memory_space<vmem_shared>>
      tpu.wait_indirect_dma semaphore(%arg13 : memref<!tpu.dma_semaphore, #tpu.memory_space<semaphore_mem>>) src(%dma_wait3A_337 : memref<3x128xf32, #tpu.memory_space<vmem_shared>>) dst(%dma_wait3A_331 : memref<128x128xf32, #tpu.memory_space<vmem>>)
      %mul3A_338 = arith.constant 8 : i32
      %mul3A_339 = arith.muli %add3A_108, %mul3A_338 : i32
      %add3A_340 = arith.constant 2 : i32
      %add3A_341 = arith.addi %mul3A_339, %add3A_340 : i32
      %add3A_342 = arith.addi %mul3A_6, %add3A_341 : i32
      %dma_start3A_343 = arith.constant 1 : i32
      %dma_start3A_344 = arith.constant 0 : i32
      %dma_start3A_345 = arith.constant 0 : i32
      %dma_start3A_346 = arith.constant 0 : i32
      %dma_start3A_347 = tpu.memref_slice %arg7[%dma_start3A_343, %dma_start3A_344, %dma_start3A_345, %dma_start3A_346] : memref<2x2x128x128xf32, #tpu.memory_space<vmem>> -> memref<1x2x128x128xf32, #tpu.memory_space<vmem>>
      %dma_start3A_348 = tpu.memref_squeeze %dma_start3A_347 : memref<1x2x128x128xf32, #tpu.memory_space<vmem>> -> memref<2x128x128xf32, #tpu.memory_space<vmem>>
      %dma_start3A_349 = arith.constant 0 : i32
      %dma_start3A_350 = arith.constant 0 : i32
      %dma_start3A_351 = tpu.memref_slice %arg4[%add3A_342, %dma_start3A_349, %dma_start3A_350] : memref<25600x128x128xf32, #tpu.memory_space<hbm>> -> memref<2x128x128xf32, #tpu.memory_space<hbm>>
      %dma_start3A_352 = arith.constant 0 : i32
      %dma_start3A_353 = arith.constant 0 : i32
      %dma_start3A_354 = tpu.memref_slice %arg4[%add3A_342, %dma_start3A_352, %dma_start3A_353] : memref<25600x128x128xf32, #tpu.memory_space<hbm>> -> memref<2x128x128xf32, #tpu.memory_space<hbm>>
      %dma_start3A_355 = arith.constant 0 : i32
      %dma_start3A_356 = arith.constant 0 : i32
      %dma_start3A_357 = arith.constant 0 : i32
      %dma_start3A_358 = tpu.memref_slice %arg7[%dma_start3A_343, %dma_start3A_355, %dma_start3A_356, %dma_start3A_357] : memref<2x2x128x128xf32, #tpu.memory_space<vmem>> -> memref<1x2x128x128xf32, #tpu.memory_space<vmem>>
      %dma_start3A_359 = tpu.memref_squeeze %dma_start3A_358 : memref<1x2x128x128xf32, #tpu.memory_space<vmem>> -> memref<2x128x128xf32, #tpu.memory_space<vmem>>
      tpu.enqueue_dma source(%dma_start3A_359 : memref<2x128x128xf32, #tpu.memory_space<vmem>>) target(%dma_start3A_354 : memref<2x128x128xf32, #tpu.memory_space<hbm>>) target_semaphore(%arg15 : memref<!tpu.dma_semaphore, #tpu.memory_space<semaphore_mem>>)
      %dma_start3A_360 = arith.constant 0 : i32
      %dma_start3A_361 = arith.constant 0 : i32
      %dma_start3A_362 = arith.constant 1 : i32
      %dma_start3A_363 = arith.constant 0 : i32
      %dma_start3A_364 = arith.constant 0 : i32
      %dma_start3A_365 = tpu.memref_slice %arg7[%dma_start3A_361, %dma_start3A_362, %dma_start3A_363, %dma_start3A_364] : memref<2x2x128x128xf32, #tpu.memory_space<vmem>> -> memref<1x1x128x128xf32, #tpu.memory_space<vmem>>
      %dma_start3A_366 = tpu.memref_squeeze %dma_start3A_365 : memref<1x1x128x128xf32, #tpu.memory_space<vmem>> -> memref<128x128xf32, #tpu.memory_space<vmem>>
      %dma_start3A_367 = arith.constant 640 : i32
      %dma_start3A_368 = tpu.memref_slice %arg6[%dma_start3A_360, %dma_start3A_367] : memref<2x1024xi32, #tpu.memory_space<vmem>> -> memref<1x128xi32, #tpu.memory_space<vmem>>
      %dma_start3A_369 = tpu.memref_squeeze %dma_start3A_368 : memref<1x128xi32, #tpu.memory_space<vmem>> -> memref<128xi32, #tpu.memory_space<vmem>>
      %dma_start3A_370 = arith.constant 0 : i32
      %dma_start3A_371 = arith.constant 0 : i32
      %dma_start3A_372 = tpu.memref_slice %arg5[%dma_start3A_370, %dma_start3A_371] : memref<3x128xf32, #tpu.memory_space<vmem_shared>> -> memref<3x128xf32, #tpu.memory_space<vmem_shared>>
      tpu.enqueue_indirect_dma source(%dma_start3A_372 : memref<3x128xf32, #tpu.memory_space<vmem_shared>>) target(%dma_start3A_366 : memref<128x128xf32, #tpu.memory_space<vmem>>) offsets(%dma_start3A_369 : memref<128xi32, #tpu.memory_space<vmem>>) semaphore(%arg11 : memref<!tpu.dma_semaphore, #tpu.memory_space<semaphore_mem>>)
      %scan3A_373 = arith.constant 0 : i32
      %scan3A_374 = arith.constant 0 : i32
      %scan3A_375 = arith.constant 8 : i32
      %scan3A_376 = arith.addi %scan3A_374, %scan3A_375 : i32
      %scan3A_377 = arith.constant 1 : i32
      scf.for %scan3A_841 = %scan3A_374 to %scan3A_376 step %scan3A_377  : i32 {
        %mul3A_842 = arith.constant 16 : i32
        %mul3A_843 = arith.muli %scan3A_841, %mul3A_842 : i32
        %add3A_844 = arith.constant 896 : i32
        %add3A_845 = arith.addi %add3A_844, %mul3A_843 : i32
        %get3A = arith.constant 0 : i32
        %get3A_846 = arith.index_cast %get3A : i32 to index
        %get3A_847 = arith.index_cast %add3A_845 : i32 to index
        %get3A_848 = tpu.vector_load %arg6[%get3A_846, %get3A_847] {strides = array<i32>} : memref<2x1024xi32, #tpu.memory_space<vmem>>, vector<1x16xi32>,
        %get3A_849 = vector.shape_cast %get3A_848 : vector<1x16xi32> to vector<16xi32>
        %rem3A = arith.constant 3 : i32
        %rem3A_850 = vector.broadcast %rem3A : i32 to vector<16xi32>
        %rem3A_851 = arith.remsi %get3A_849, %rem3A_850 : vector<16xi32>
        %swap3A = arith.constant 0 : i32
        %swap3A_852 = arith.index_cast %swap3A : i32 to index
        %swap3A_853 = arith.index_cast %add3A_845 : i32 to index
        %swap3A_854 = tpu.vector_load %arg6[%swap3A_852, %swap3A_853] {strides = array<i32>} : memref<2x1024xi32, #tpu.memory_space<vmem>>, vector<1x16xi32>,
        %swap3A_855 = vector.shape_cast %swap3A_854 : vector<1x16xi32> to vector<16xi32>
        %swap3A_856 = vector.shape_cast %rem3A_851 : vector<16xi32> to vector<1x16xi32>
        tpu.vector_store %arg6[%swap3A_852, %swap3A_853], %swap3A_856 {strides = array<i32>} : memref<2x1024xi32, #tpu.memory_space<vmem>>, vector<1x16xi32>,
      }
      %scan3A_378 = arith.constant 8 : i32
      %add3A_379 = arith.constant 0 : i32
      %add3A_380 = arith.addi %mul3A_6, %add3A_379 : i32
      %dma_wait3A_381 = arith.constant 0 : i32
      %dma_wait3A_382 = arith.constant 0 : i32
      %dma_wait3A_383 = arith.constant 0 : i32
      %dma_wait3A_384 = arith.constant 0 : i32
      %dma_wait3A_385 = tpu.memref_slice %arg7[%dma_wait3A_381, %dma_wait3A_382, %dma_wait3A_383, %dma_wait3A_384] : memref<2x2x128x128xf32, #tpu.memory_space<vmem>> -> memref<1x2x128x128xf32, #tpu.memory_space<vmem>>
      %dma_wait3A_386 = tpu.memref_squeeze %dma_wait3A_385 : memref<1x2x128x128xf32, #tpu.memory_space<vmem>> -> memref<2x128x128xf32, #tpu.memory_space<vmem>>
      %dma_wait3A_387 = arith.constant 0 : i32
      %dma_wait3A_388 = arith.constant 0 : i32
      %dma_wait3A_389 = tpu.memref_slice %arg4[%add3A_380, %dma_wait3A_387, %dma_wait3A_388] : memref<25600x128x128xf32, #tpu.memory_space<hbm>> -> memref<2x128x128xf32, #tpu.memory_space<hbm>>
      %dma_wait3A_390 = arith.constant 0 : i32
      %dma_wait3A_391 = arith.constant 0 : i32
      %dma_wait3A_392 = tpu.memref_slice %arg4[%add3A_380, %dma_wait3A_390, %dma_wait3A_391] : memref<25600x128x128xf32, #tpu.memory_space<hbm>> -> memref<2x128x128xf32, #tpu.memory_space<hbm>>
      %dma_wait3A_393 = arith.constant 0 : i32
      %dma_wait3A_394 = arith.constant 0 : i32
      %dma_wait3A_395 = arith.constant 0 : i32
      %dma_wait3A_396 = tpu.memref_slice %arg7[%dma_wait3A_381, %dma_wait3A_393, %dma_wait3A_394, %dma_wait3A_395] : memref<2x2x128x128xf32, #tpu.memory_space<vmem>> -> memref<1x2x128x128xf32, #tpu.memory_space<vmem>>
      %dma_wait3A_397 = tpu.memref_squeeze %dma_wait3A_396 : memref<1x2x128x128xf32, #tpu.memory_space<vmem>> -> memref<2x128x128xf32, #tpu.memory_space<vmem>>
      tpu.wait_dma2 semaphore(%arg15 : memref<!tpu.dma_semaphore, #tpu.memory_space<semaphore_mem>>) src(%dma_wait3A_397 : memref<2x128x128xf32, #tpu.memory_space<vmem>>) dst(%dma_wait3A_392 : memref<2x128x128xf32, #tpu.memory_space<hbm>>)
      %dma_start3A_398 = arith.constant 0 : i32
      %dma_start3A_399 = arith.constant 1 : i32
      %dma_start3A_400 = arith.constant 0 : i32
      %dma_start3A_401 = arith.constant 0 : i32
      %dma_start3A_402 = arith.constant 0 : i32
      %dma_start3A_403 = tpu.memref_slice %arg7[%dma_start3A_399, %dma_start3A_400, %dma_start3A_401, %dma_start3A_402] : memref<2x2x128x128xf32, #tpu.memory_space<vmem>> -> memref<1x1x128x128xf32, #tpu.memory_space<vmem>>
      %dma_start3A_404 = tpu.memref_squeeze %dma_start3A_403 : memref<1x1x128x128xf32, #tpu.memory_space<vmem>> -> memref<128x128xf32, #tpu.memory_space<vmem>>
      %dma_start3A_405 = arith.constant 768 : i32
      %dma_start3A_406 = tpu.memref_slice %arg6[%dma_start3A_398, %dma_start3A_405] : memref<2x1024xi32, #tpu.memory_space<vmem>> -> memref<1x128xi32, #tpu.memory_space<vmem>>
      %dma_start3A_407 = tpu.memref_squeeze %dma_start3A_406 : memref<1x128xi32, #tpu.memory_space<vmem>> -> memref<128xi32, #tpu.memory_space<vmem>>
      %dma_start3A_408 = arith.constant 0 : i32
      %dma_start3A_409 = arith.constant 0 : i32
      %dma_start3A_410 = tpu.memref_slice %arg5[%dma_start3A_408, %dma_start3A_409] : memref<3x128xf32, #tpu.memory_space<vmem_shared>> -> memref<3x128xf32, #tpu.memory_space<vmem_shared>>
      tpu.enqueue_indirect_dma source(%dma_start3A_410 : memref<3x128xf32, #tpu.memory_space<vmem_shared>>) target(%dma_start3A_404 : memref<128x128xf32, #tpu.memory_space<vmem>>) offsets(%dma_start3A_407 : memref<128xi32, #tpu.memory_space<vmem>>) semaphore(%arg12 : memref<!tpu.dma_semaphore, #tpu.memory_space<semaphore_mem>>)
      %dma_wait3A_411 = arith.constant 0 : i32
      %dma_wait3A_412 = arith.constant 0 : i32
      %dma_wait3A_413 = arith.constant 0 : i32
      %dma_wait3A_414 = arith.constant 0 : i32
      %dma_wait3A_415 = arith.constant 0 : i32
      %dma_wait3A_416 = tpu.memref_slice %arg7[%dma_wait3A_412, %dma_wait3A_413, %dma_wait3A_414, %dma_wait3A_415] : memref<2x2x128x128xf32, #tpu.memory_space<vmem>> -> memref<1x1x128x128xf32, #tpu.memory_space<vmem>>
      %dma_wait3A_417 = tpu.memref_squeeze %dma_wait3A_416 : memref<1x1x128x128xf32, #tpu.memory_space<vmem>> -> memref<128x128xf32, #tpu.memory_space<vmem>>
      %dma_wait3A_418 = arith.constant 0 : i32
      %dma_wait3A_419 = tpu.memref_slice %arg6[%dma_wait3A_411, %dma_wait3A_418] : memref<2x1024xi32, #tpu.memory_space<vmem>> -> memref<1x128xi32, #tpu.memory_space<vmem>>
      %dma_wait3A_420 = tpu.memref_squeeze %dma_wait3A_419 : memref<1x128xi32, #tpu.memory_space<vmem>> -> memref<128xi32, #tpu.memory_space<vmem>>
      %dma_wait3A_421 = arith.constant 0 : i32
      %dma_wait3A_422 = arith.constant 0 : i32
      %dma_wait3A_423 = tpu.memref_slice %arg5[%dma_wait3A_421, %dma_wait3A_422] : memref<3x128xf32, #tpu.memory_space<vmem_shared>> -> memref<3x128xf32, #tpu.memory_space<vmem_shared>>
      tpu.wait_indirect_dma semaphore(%arg10 : memref<!tpu.dma_semaphore, #tpu.memory_space<semaphore_mem>>) src(%dma_wait3A_423 : memref<3x128xf32, #tpu.memory_space<vmem_shared>>) dst(%dma_wait3A_417 : memref<128x128xf32, #tpu.memory_space<vmem>>)
      %dma_wait3A_424 = arith.constant 0 : i32
      %dma_wait3A_425 = arith.constant 0 : i32
      %dma_wait3A_426 = arith.constant 1 : i32
      %dma_wait3A_427 = arith.constant 0 : i32
      %dma_wait3A_428 = arith.constant 0 : i32
      %dma_wait3A_429 = tpu.memref_slice %arg7[%dma_wait3A_425, %dma_wait3A_426, %dma_wait3A_427, %dma_wait3A_428] : memref<2x2x128x128xf32, #tpu.memory_space<vmem>> -> memref<1x1x128x128xf32, #tpu.memory_space<vmem>>
      %dma_wait3A_430 = tpu.memref_squeeze %dma_wait3A_429 : memref<1x1x128x128xf32, #tpu.memory_space<vmem>> -> memref<128x128xf32, #tpu.memory_space<vmem>>
      %dma_wait3A_431 = arith.constant 0 : i32
      %dma_wait3A_432 = tpu.memref_slice %arg6[%dma_wait3A_424, %dma_wait3A_431] : memref<2x1024xi32, #tpu.memory_space<vmem>> -> memref<1x128xi32, #tpu.memory_space<vmem>>
      %dma_wait3A_433 = tpu.memref_squeeze %dma_wait3A_432 : memref<1x128xi32, #tpu.memory_space<vmem>> -> memref<128xi32, #tpu.memory_space<vmem>>
      %dma_wait3A_434 = arith.constant 0 : i32
      %dma_wait3A_435 = arith.constant 0 : i32
      %dma_wait3A_436 = tpu.memref_slice %arg5[%dma_wait3A_434, %dma_wait3A_435] : memref<3x128xf32, #tpu.memory_space<vmem_shared>> -> memref<3x128xf32, #tpu.memory_space<vmem_shared>>
      tpu.wait_indirect_dma semaphore(%arg11 : memref<!tpu.dma_semaphore, #tpu.memory_space<semaphore_mem>>) src(%dma_wait3A_436 : memref<3x128xf32, #tpu.memory_space<vmem_shared>>) dst(%dma_wait3A_430 : memref<128x128xf32, #tpu.memory_space<vmem>>)
      %mul3A_437 = arith.constant 8 : i32
      %mul3A_438 = arith.muli %add3A_108, %mul3A_437 : i32
      %add3A_439 = arith.constant 4 : i32
      %add3A_440 = arith.addi %mul3A_438, %add3A_439 : i32
      %add3A_441 = arith.addi %mul3A_6, %add3A_440 : i32
      %dma_start3A_442 = arith.constant 0 : i32
      %dma_start3A_443 = arith.constant 0 : i32
      %dma_start3A_444 = arith.constant 0 : i32
      %dma_start3A_445 = arith.constant 0 : i32
      %dma_start3A_446 = tpu.memref_slice %arg7[%dma_start3A_442, %dma_start3A_443, %dma_start3A_444, %dma_start3A_445] : memref<2x2x128x128xf32, #tpu.memory_space<vmem>> -> memref<1x2x128x128xf32, #tpu.memory_space<vmem>>
      %dma_start3A_447 = tpu.memref_squeeze %dma_start3A_446 : memref<1x2x128x128xf32, #tpu.memory_space<vmem>> -> memref<2x128x128xf32, #tpu.memory_space<vmem>>
      %dma_start3A_448 = arith.constant 0 : i32
      %dma_start3A_449 = arith.constant 0 : i32
      %dma_start3A_450 = tpu.memref_slice %arg4[%add3A_441, %dma_start3A_448, %dma_start3A_449] : memref<25600x128x128xf32, #tpu.memory_space<hbm>> -> memref<2x128x128xf32, #tpu.memory_space<hbm>>
      %dma_start3A_451 = arith.constant 0 : i32
      %dma_start3A_452 = arith.constant 0 : i32
      %dma_start3A_453 = tpu.memref_slice %arg4[%add3A_441, %dma_start3A_451, %dma_start3A_452] : memref<25600x128x128xf32, #tpu.memory_space<hbm>> -> memref<2x128x128xf32, #tpu.memory_space<hbm>>
      %dma_start3A_454 = arith.constant 0 : i32
      %dma_start3A_455 = arith.constant 0 : i32
      %dma_start3A_456 = arith.constant 0 : i32
      %dma_start3A_457 = tpu.memref_slice %arg7[%dma_start3A_442, %dma_start3A_454, %dma_start3A_455, %dma_start3A_456] : memref<2x2x128x128xf32, #tpu.memory_space<vmem>> -> memref<1x2x128x128xf32, #tpu.memory_space<vmem>>
      %dma_start3A_458 = tpu.memref_squeeze %dma_start3A_457 : memref<1x2x128x128xf32, #tpu.memory_space<vmem>> -> memref<2x128x128xf32, #tpu.memory_space<vmem>>
      tpu.enqueue_dma source(%dma_start3A_458 : memref<2x128x128xf32, #tpu.memory_space<vmem>>) target(%dma_start3A_453 : memref<2x128x128xf32, #tpu.memory_space<hbm>>) target_semaphore(%arg14 : memref<!tpu.dma_semaphore, #tpu.memory_space<semaphore_mem>>)
      %dma_start3A_459 = arith.constant 0 : i32
      %dma_start3A_460 = arith.constant 1 : i32
      %dma_start3A_461 = arith.constant 1 : i32
      %dma_start3A_462 = arith.constant 0 : i32
      %dma_start3A_463 = arith.constant 0 : i32
      %dma_start3A_464 = tpu.memref_slice %arg7[%dma_start3A_460, %dma_start3A_461, %dma_start3A_462, %dma_start3A_463] : memref<2x2x128x128xf32, #tpu.memory_space<vmem>> -> memref<1x1x128x128xf32, #tpu.memory_space<vmem>>
      %dma_start3A_465 = tpu.memref_squeeze %dma_start3A_464 : memref<1x1x128x128xf32, #tpu.memory_space<vmem>> -> memref<128x128xf32, #tpu.memory_space<vmem>>
      %dma_start3A_466 = arith.constant 896 : i32
      %dma_start3A_467 = tpu.memref_slice %arg6[%dma_start3A_459, %dma_start3A_466] : memref<2x1024xi32, #tpu.memory_space<vmem>> -> memref<1x128xi32, #tpu.memory_space<vmem>>
      %dma_start3A_468 = tpu.memref_squeeze %dma_start3A_467 : memref<1x128xi32, #tpu.memory_space<vmem>> -> memref<128xi32, #tpu.memory_space<vmem>>
      %dma_start3A_469 = arith.constant 0 : i32
      %dma_start3A_470 = arith.constant 0 : i32
      %dma_start3A_471 = tpu.memref_slice %arg5[%dma_start3A_469, %dma_start3A_470] : memref<3x128xf32, #tpu.memory_space<vmem_shared>> -> memref<3x128xf32, #tpu.memory_space<vmem_shared>>
      tpu.enqueue_indirect_dma source(%dma_start3A_471 : memref<3x128xf32, #tpu.memory_space<vmem_shared>>) target(%dma_start3A_465 : memref<128x128xf32, #tpu.memory_space<vmem>>) offsets(%dma_start3A_468 : memref<128xi32, #tpu.memory_space<vmem>>) semaphore(%arg13 : memref<!tpu.dma_semaphore, #tpu.memory_space<semaphore_mem>>)
      %mul3A_472 = arith.constant 2 : i32
      %mul3A_473 = arith.muli %scan3A_104, %mul3A_472 : i32
      %add3A_474 = arith.constant 1 : i32
      %add3A_475 = arith.addi %mul3A_473, %add3A_474 : i32
      %add3A_476 = arith.constant 0 : i32
      %add3A_477 = arith.addi %mul3A_4, %add3A_476 : i32
      %dma_wait3A_478 = arith.constant 1 : i32
      %dma_wait3A_479 = arith.constant 0 : i32
      %dma_wait3A_480 = tpu.memref_slice %arg6[%dma_wait3A_478, %dma_wait3A_479] : memref<2x1024xi32, #tpu.memory_space<vmem>> -> memref<1x1024xi32, #tpu.memory_space<vmem>>
      %dma_wait3A_481 = tpu.memref_squeeze %dma_wait3A_480 : memref<1x1024xi32, #tpu.memory_space<vmem>> -> memref<1024xi32, #tpu.memory_space<vmem>>
      %dma_wait3A_482 = tpu.memref_slice %arg2[%add3A_477] : memref<3276800xi32, #tpu.memory_space<hbm>> -> memref<1024xi32, #tpu.memory_space<hbm>>
      %dma_wait3A_483 = arith.constant 0 : i32
      %dma_wait3A_484 = tpu.memref_slice %arg6[%dma_wait3A_478, %dma_wait3A_483] : memref<2x1024xi32, #tpu.memory_space<vmem>> -> memref<1x1024xi32, #tpu.memory_space<vmem>>
      %dma_wait3A_485 = tpu.memref_squeeze %dma_wait3A_484 : memref<1x1024xi32, #tpu.memory_space<vmem>> -> memref<1024xi32, #tpu.memory_space<vmem>>
      %dma_wait3A_486 = tpu.memref_slice %arg2[%add3A_477] : memref<3276800xi32, #tpu.memory_space<hbm>> -> memref<1024xi32, #tpu.memory_space<hbm>>
      tpu.wait_dma2 semaphore(%arg9 : memref<!tpu.dma_semaphore, #tpu.memory_space<semaphore_mem>>) src(%dma_wait3A_486 : memref<1024xi32, #tpu.memory_space<hbm>>) dst(%dma_wait3A_485 : memref<1024xi32, #tpu.memory_space<vmem>>)
      %scan3A_487 = arith.constant 0 : i32
      %scan3A_488 = arith.constant 0 : i32
      %scan3A_489 = arith.constant 8 : i32
      %scan3A_490 = arith.addi %scan3A_488, %scan3A_489 : i32
      %scan3A_491 = arith.constant 1 : i32
      scf.for %scan3A_841 = %scan3A_488 to %scan3A_490 step %scan3A_491  : i32 {
        %mul3A_842 = arith.constant 16 : i32
        %mul3A_843 = arith.muli %scan3A_841, %mul3A_842 : i32
        %add3A_844 = arith.constant 0 : i32
        %add3A_845 = arith.addi %add3A_844, %mul3A_843 : i32
        %get3A = arith.constant 1 : i32
        %get3A_846 = arith.index_cast %get3A : i32 to index
        %get3A_847 = arith.index_cast %add3A_845 : i32 to index
        %get3A_848 = tpu.vector_load %arg6[%get3A_846, %get3A_847] {strides = array<i32>} : memref<2x1024xi32, #tpu.memory_space<vmem>>, vector<1x16xi32>,
        %get3A_849 = vector.shape_cast %get3A_848 : vector<1x16xi32> to vector<16xi32>
        %rem3A = arith.constant 3 : i32
        %rem3A_850 = vector.broadcast %rem3A : i32 to vector<16xi32>
        %rem3A_851 = arith.remsi %get3A_849, %rem3A_850 : vector<16xi32>
        %swap3A = arith.constant 1 : i32
        %swap3A_852 = arith.index_cast %swap3A : i32 to index
        %swap3A_853 = arith.index_cast %add3A_845 : i32 to index
        %swap3A_854 = tpu.vector_load %arg6[%swap3A_852, %swap3A_853] {strides = array<i32>} : memref<2x1024xi32, #tpu.memory_space<vmem>>, vector<1x16xi32>,
        %swap3A_855 = vector.shape_cast %swap3A_854 : vector<1x16xi32> to vector<16xi32>
        %swap3A_856 = vector.shape_cast %rem3A_851 : vector<16xi32> to vector<1x16xi32>
        tpu.vector_store %arg6[%swap3A_852, %swap3A_853], %swap3A_856 {strides = array<i32>} : memref<2x1024xi32, #tpu.memory_space<vmem>>, vector<1x16xi32>,
      }
      %scan3A_492 = arith.constant 8 : i32
      %scan3A_493 = arith.constant 0 : i32
      %scan3A_494 = arith.constant 0 : i32
      %scan3A_495 = arith.constant 8 : i32
      %scan3A_496 = arith.addi %scan3A_494, %scan3A_495 : i32
      %scan3A_497 = arith.constant 1 : i32
      scf.for %scan3A_841 = %scan3A_494 to %scan3A_496 step %scan3A_497  : i32 {
        %mul3A_842 = arith.constant 16 : i32
        %mul3A_843 = arith.muli %scan3A_841, %mul3A_842 : i32
        %add3A_844 = arith.constant 128 : i32
        %add3A_845 = arith.addi %add3A_844, %mul3A_843 : i32
        %get3A = arith.constant 1 : i32
        %get3A_846 = arith.index_cast %get3A : i32 to index
        %get3A_847 = arith.index_cast %add3A_845 : i32 to index
        %get3A_848 = tpu.vector_load %arg6[%get3A_846, %get3A_847] {strides = array<i32>} : memref<2x1024xi32, #tpu.memory_space<vmem>>, vector<1x16xi32>,
        %get3A_849 = vector.shape_cast %get3A_848 : vector<1x16xi32> to vector<16xi32>
        %rem3A = arith.constant 3 : i32
        %rem3A_850 = vector.broadcast %rem3A : i32 to vector<16xi32>
        %rem3A_851 = arith.remsi %get3A_849, %rem3A_850 : vector<16xi32>
        %swap3A = arith.constant 1 : i32
        %swap3A_852 = arith.index_cast %swap3A : i32 to index
        %swap3A_853 = arith.index_cast %add3A_845 : i32 to index
        %swap3A_854 = tpu.vector_load %arg6[%swap3A_852, %swap3A_853] {strides = array<i32>} : memref<2x1024xi32, #tpu.memory_space<vmem>>, vector<1x16xi32>,
        %swap3A_855 = vector.shape_cast %swap3A_854 : vector<1x16xi32> to vector<16xi32>
        %swap3A_856 = vector.shape_cast %rem3A_851 : vector<16xi32> to vector<1x16xi32>
        tpu.vector_store %arg6[%swap3A_852, %swap3A_853], %swap3A_856 {strides = array<i32>} : memref<2x1024xi32, #tpu.memory_space<vmem>>, vector<1x16xi32>,
      }
      %scan3A_498 = arith.constant 8 : i32
      %gt3A_499 = arith.constant 0 : i32
      %gt3A_500 = arith.cmpi sgt, %add3A_475, %gt3A_499 : i32
      %convert_element_type3A_501 = arith.extui %gt3A_500 : i1 to i32
      %cond3A_502 = arith.constant 0 : i32
      %cond3A_503 = arith.cmpi ne, %convert_element_type3A_501, %cond3A_502 : i32
      scf.if %cond3A_503 {
        %add3A_841 = arith.constant 0 : i32
        %add3A_842 = arith.addi %mul3A_6, %add3A_841 : i32
        %dma_wait3A_843 = arith.constant 0 : i32
        %dma_wait3A_844 = arith.constant 0 : i32
        %dma_wait3A_845 = arith.constant 0 : i32
        %dma_wait3A_846 = arith.constant 0 : i32
        %dma_wait3A_847 = tpu.memref_slice %arg7[%dma_wait3A_843, %dma_wait3A_844, %dma_wait3A_845, %dma_wait3A_846] : memref<2x2x128x128xf32, #tpu.memory_space<vmem>> -> memref<1x2x128x128xf32, #tpu.memory_space<vmem>>
        %dma_wait3A_848 = tpu.memref_squeeze %dma_wait3A_847 : memref<1x2x128x128xf32, #tpu.memory_space<vmem>> -> memref<2x128x128xf32, #tpu.memory_space<vmem>>
        %dma_wait3A_849 = arith.constant 0 : i32
        %dma_wait3A_850 = arith.constant 0 : i32
        %dma_wait3A_851 = tpu.memref_slice %arg4[%add3A_842, %dma_wait3A_849, %dma_wait3A_850] : memref<25600x128x128xf32, #tpu.memory_space<hbm>> -> memref<2x128x128xf32, #tpu.memory_space<hbm>>
        %dma_wait3A_852 = arith.constant 0 : i32
        %dma_wait3A_853 = arith.constant 0 : i32
        %dma_wait3A_854 = tpu.memref_slice %arg4[%add3A_842, %dma_wait3A_852, %dma_wait3A_853] : memref<25600x128x128xf32, #tpu.memory_space<hbm>> -> memref<2x128x128xf32, #tpu.memory_space<hbm>>
        %dma_wait3A_855 = arith.constant 0 : i32
        %dma_wait3A_856 = arith.constant 0 : i32
        %dma_wait3A_857 = arith.constant 0 : i32
        %dma_wait3A_858 = tpu.memref_slice %arg7[%dma_wait3A_843, %dma_wait3A_855, %dma_wait3A_856, %dma_wait3A_857] : memref<2x2x128x128xf32, #tpu.memory_space<vmem>> -> memref<1x2x128x128xf32, #tpu.memory_space<vmem>>
        %dma_wait3A_859 = tpu.memref_squeeze %dma_wait3A_858 : memref<1x2x128x128xf32, #tpu.memory_space<vmem>> -> memref<2x128x128xf32, #tpu.memory_space<vmem>>
        tpu.wait_dma2 semaphore(%arg14 : memref<!tpu.dma_semaphore, #tpu.memory_space<semaphore_mem>>) src(%dma_wait3A_859 : memref<2x128x128xf32, #tpu.memory_space<vmem>>) dst(%dma_wait3A_854 : memref<2x128x128xf32, #tpu.memory_space<hbm>>)
      } else {
      }
      %dma_start3A_504 = arith.constant 1 : i32
      %dma_start3A_505 = arith.constant 0 : i32
      %dma_start3A_506 = arith.constant 0 : i32
      %dma_start3A_507 = arith.constant 0 : i32
      %dma_start3A_508 = arith.constant 0 : i32
      %dma_start3A_509 = tpu.memref_slice %arg7[%dma_start3A_505, %dma_start3A_506, %dma_start3A_507, %dma_start3A_508] : memref<2x2x128x128xf32, #tpu.memory_space<vmem>> -> memref<1x1x128x128xf32, #tpu.memory_space<vmem>>
      %dma_start3A_510 = tpu.memref_squeeze %dma_start3A_509 : memref<1x1x128x128xf32, #tpu.memory_space<vmem>> -> memref<128x128xf32, #tpu.memory_space<vmem>>
      %dma_start3A_511 = arith.constant 0 : i32
      %dma_start3A_512 = tpu.memref_slice %arg6[%dma_start3A_504, %dma_start3A_511] : memref<2x1024xi32, #tpu.memory_space<vmem>> -> memref<1x128xi32, #tpu.memory_space<vmem>>
      %dma_start3A_513 = tpu.memref_squeeze %dma_start3A_512 : memref<1x128xi32, #tpu.memory_space<vmem>> -> memref<128xi32, #tpu.memory_space<vmem>>
      %dma_start3A_514 = arith.constant 0 : i32
      %dma_start3A_515 = arith.constant 0 : i32
      %dma_start3A_516 = tpu.memref_slice %arg5[%dma_start3A_514, %dma_start3A_515] : memref<3x128xf32, #tpu.memory_space<vmem_shared>> -> memref<3x128xf32, #tpu.memory_space<vmem_shared>>
      tpu.enqueue_indirect_dma source(%dma_start3A_516 : memref<3x128xf32, #tpu.memory_space<vmem_shared>>) target(%dma_start3A_510 : memref<128x128xf32, #tpu.memory_space<vmem>>) offsets(%dma_start3A_513 : memref<128xi32, #tpu.memory_space<vmem>>) semaphore(%arg10 : memref<!tpu.dma_semaphore, #tpu.memory_space<semaphore_mem>>)
      %scan3A_517 = arith.constant 0 : i32
      %scan3A_518 = arith.constant 0 : i32
      %scan3A_519 = arith.constant 8 : i32
      %scan3A_520 = arith.addi %scan3A_518, %scan3A_519 : i32
      %scan3A_521 = arith.constant 1 : i32
      scf.for %scan3A_841 = %scan3A_518 to %scan3A_520 step %scan3A_521  : i32 {
        %mul3A_842 = arith.constant 16 : i32
        %mul3A_843 = arith.muli %scan3A_841, %mul3A_842 : i32
        %add3A_844 = arith.constant 256 : i32
        %add3A_845 = arith.addi %add3A_844, %mul3A_843 : i32
        %get3A = arith.constant 1 : i32
        %get3A_846 = arith.index_cast %get3A : i32 to index
        %get3A_847 = arith.index_cast %add3A_845 : i32 to index
        %get3A_848 = tpu.vector_load %arg6[%get3A_846, %get3A_847] {strides = array<i32>} : memref<2x1024xi32, #tpu.memory_space<vmem>>, vector<1x16xi32>,
        %get3A_849 = vector.shape_cast %get3A_848 : vector<1x16xi32> to vector<16xi32>
        %rem3A = arith.constant 3 : i32
        %rem3A_850 = vector.broadcast %rem3A : i32 to vector<16xi32>
        %rem3A_851 = arith.remsi %get3A_849, %rem3A_850 : vector<16xi32>
        %swap3A = arith.constant 1 : i32
        %swap3A_852 = arith.index_cast %swap3A : i32 to index
        %swap3A_853 = arith.index_cast %add3A_845 : i32 to index
        %swap3A_854 = tpu.vector_load %arg6[%swap3A_852, %swap3A_853] {strides = array<i32>} : memref<2x1024xi32, #tpu.memory_space<vmem>>, vector<1x16xi32>,
        %swap3A_855 = vector.shape_cast %swap3A_854 : vector<1x16xi32> to vector<16xi32>
        %swap3A_856 = vector.shape_cast %rem3A_851 : vector<16xi32> to vector<1x16xi32>
        tpu.vector_store %arg6[%swap3A_852, %swap3A_853], %swap3A_856 {strides = array<i32>} : memref<2x1024xi32, #tpu.memory_space<vmem>>, vector<1x16xi32>,
      }
      %scan3A_522 = arith.constant 8 : i32
      %gt3A_523 = arith.constant 0 : i32
      %gt3A_524 = arith.cmpi sgt, %add3A_475, %gt3A_523 : i32
      %convert_element_type3A_525 = arith.extui %gt3A_524 : i1 to i32
      %cond3A_526 = arith.constant 0 : i32
      %cond3A_527 = arith.cmpi ne, %convert_element_type3A_525, %cond3A_526 : i32
      scf.if %cond3A_527 {
        %dma_wait3A_841 = arith.constant 0 : i32
        %dma_wait3A_842 = arith.constant 1 : i32
        %dma_wait3A_843 = arith.constant 0 : i32
        %dma_wait3A_844 = arith.constant 0 : i32
        %dma_wait3A_845 = arith.constant 0 : i32
        %dma_wait3A_846 = tpu.memref_slice %arg7[%dma_wait3A_842, %dma_wait3A_843, %dma_wait3A_844, %dma_wait3A_845] : memref<2x2x128x128xf32, #tpu.memory_space<vmem>> -> memref<1x1x128x128xf32, #tpu.memory_space<vmem>>
        %dma_wait3A_847 = tpu.memref_squeeze %dma_wait3A_846 : memref<1x1x128x128xf32, #tpu.memory_space<vmem>> -> memref<128x128xf32, #tpu.memory_space<vmem>>
        %dma_wait3A_848 = arith.constant 0 : i32
        %dma_wait3A_849 = tpu.memref_slice %arg6[%dma_wait3A_841, %dma_wait3A_848] : memref<2x1024xi32, #tpu.memory_space<vmem>> -> memref<1x128xi32, #tpu.memory_space<vmem>>
        %dma_wait3A_850 = tpu.memref_squeeze %dma_wait3A_849 : memref<1x128xi32, #tpu.memory_space<vmem>> -> memref<128xi32, #tpu.memory_space<vmem>>
        %dma_wait3A_851 = arith.constant 0 : i32
        %dma_wait3A_852 = arith.constant 0 : i32
        %dma_wait3A_853 = tpu.memref_slice %arg5[%dma_wait3A_851, %dma_wait3A_852] : memref<3x128xf32, #tpu.memory_space<vmem_shared>> -> memref<3x128xf32, #tpu.memory_space<vmem_shared>>
        tpu.wait_indirect_dma semaphore(%arg12 : memref<!tpu.dma_semaphore, #tpu.memory_space<semaphore_mem>>) src(%dma_wait3A_853 : memref<3x128xf32, #tpu.memory_space<vmem_shared>>) dst(%dma_wait3A_847 : memref<128x128xf32, #tpu.memory_space<vmem>>)
        %dma_wait3A_854 = arith.constant 0 : i32
        %dma_wait3A_855 = arith.constant 1 : i32
        %dma_wait3A_856 = arith.constant 1 : i32
        %dma_wait3A_857 = arith.constant 0 : i32
        %dma_wait3A_858 = arith.constant 0 : i32
        %dma_wait3A_859 = tpu.memref_slice %arg7[%dma_wait3A_855, %dma_wait3A_856, %dma_wait3A_857, %dma_wait3A_858] : memref<2x2x128x128xf32, #tpu.memory_space<vmem>> -> memref<1x1x128x128xf32, #tpu.memory_space<vmem>>
        %dma_wait3A_860 = tpu.memref_squeeze %dma_wait3A_859 : memref<1x1x128x128xf32, #tpu.memory_space<vmem>> -> memref<128x128xf32, #tpu.memory_space<vmem>>
        %dma_wait3A_861 = arith.constant 0 : i32
        %dma_wait3A_862 = tpu.memref_slice %arg6[%dma_wait3A_854, %dma_wait3A_861] : memref<2x1024xi32, #tpu.memory_space<vmem>> -> memref<1x128xi32, #tpu.memory_space<vmem>>
        %dma_wait3A_863 = tpu.memref_squeeze %dma_wait3A_862 : memref<1x128xi32, #tpu.memory_space<vmem>> -> memref<128xi32, #tpu.memory_space<vmem>>
        %dma_wait3A_864 = arith.constant 0 : i32
        %dma_wait3A_865 = arith.constant 0 : i32
        %dma_wait3A_866 = tpu.memref_slice %arg5[%dma_wait3A_864, %dma_wait3A_865] : memref<3x128xf32, #tpu.memory_space<vmem_shared>> -> memref<3x128xf32, #tpu.memory_space<vmem_shared>>
        tpu.wait_indirect_dma semaphore(%arg13 : memref<!tpu.dma_semaphore, #tpu.memory_space<semaphore_mem>>) src(%dma_wait3A_866 : memref<3x128xf32, #tpu.memory_space<vmem_shared>>) dst(%dma_wait3A_860 : memref<128x128xf32, #tpu.memory_space<vmem>>)
        %mul3A_867 = arith.constant 8 : i32
        %mul3A_868 = arith.muli %add3A_475, %mul3A_867 : i32
        %add3A_869 = arith.constant -2 : i32
        %add3A_870 = arith.addi %mul3A_868, %add3A_869 : i32
        %add3A_871 = arith.addi %mul3A_6, %add3A_870 : i32
        %dma_start3A_872 = arith.constant 1 : i32
        %dma_start3A_873 = arith.constant 0 : i32
        %dma_start3A_874 = arith.constant 0 : i32
        %dma_start3A_875 = arith.constant 0 : i32
        %dma_start3A_876 = tpu.memref_slice %arg7[%dma_start3A_872, %dma_start3A_873, %dma_start3A_874, %dma_start3A_875] : memref<2x2x128x128xf32, #tpu.memory_space<vmem>> -> memref<1x2x128x128xf32, #tpu.memory_space<vmem>>
        %dma_start3A_877 = tpu.memref_squeeze %dma_start3A_876 : memref<1x2x128x128xf32, #tpu.memory_space<vmem>> -> memref<2x128x128xf32, #tpu.memory_space<vmem>>
        %dma_start3A_878 = arith.constant 0 : i32
        %dma_start3A_879 = arith.constant 0 : i32
        %dma_start3A_880 = tpu.memref_slice %arg4[%add3A_871, %dma_start3A_878, %dma_start3A_879] : memref<25600x128x128xf32, #tpu.memory_space<hbm>> -> memref<2x128x128xf32, #tpu.memory_space<hbm>>
        %dma_start3A_881 = arith.constant 0 : i32
        %dma_start3A_882 = arith.constant 0 : i32
        %dma_start3A_883 = tpu.memref_slice %arg4[%add3A_871, %dma_start3A_881, %dma_start3A_882] : memref<25600x128x128xf32, #tpu.memory_space<hbm>> -> memref<2x128x128xf32, #tpu.memory_space<hbm>>
        %dma_start3A_884 = arith.constant 0 : i32
        %dma_start3A_885 = arith.constant 0 : i32
        %dma_start3A_886 = arith.constant 0 : i32
        %dma_start3A_887 = tpu.memref_slice %arg7[%dma_start3A_872, %dma_start3A_884, %dma_start3A_885, %dma_start3A_886] : memref<2x2x128x128xf32, #tpu.memory_space<vmem>> -> memref<1x2x128x128xf32, #tpu.memory_space<vmem>>
        %dma_start3A_888 = tpu.memref_squeeze %dma_start3A_887 : memref<1x2x128x128xf32, #tpu.memory_space<vmem>> -> memref<2x128x128xf32, #tpu.memory_space<vmem>>
        tpu.enqueue_dma source(%dma_start3A_888 : memref<2x128x128xf32, #tpu.memory_space<vmem>>) target(%dma_start3A_883 : memref<2x128x128xf32, #tpu.memory_space<hbm>>) target_semaphore(%arg15 : memref<!tpu.dma_semaphore, #tpu.memory_space<semaphore_mem>>)
      } else {
      }
      %dma_start3A_528 = arith.constant 1 : i32
      %dma_start3A_529 = arith.constant 0 : i32
      %dma_start3A_530 = arith.constant 1 : i32
      %dma_start3A_531 = arith.constant 0 : i32
      %dma_start3A_532 = arith.constant 0 : i32
      %dma_start3A_533 = tpu.memref_slice %arg7[%dma_start3A_529, %dma_start3A_530, %dma_start3A_531, %dma_start3A_532] : memref<2x2x128x128xf32, #tpu.memory_space<vmem>> -> memref<1x1x128x128xf32, #tpu.memory_space<vmem>>
      %dma_start3A_534 = tpu.memref_squeeze %dma_start3A_533 : memref<1x1x128x128xf32, #tpu.memory_space<vmem>> -> memref<128x128xf32, #tpu.memory_space<vmem>>
      %dma_start3A_535 = arith.constant 128 : i32
      %dma_start3A_536 = tpu.memref_slice %arg6[%dma_start3A_528, %dma_start3A_535] : memref<2x1024xi32, #tpu.memory_space<vmem>> -> memref<1x128xi32, #tpu.memory_space<vmem>>
      %dma_start3A_537 = tpu.memref_squeeze %dma_start3A_536 : memref<1x128xi32, #tpu.memory_space<vmem>> -> memref<128xi32, #tpu.memory_space<vmem>>
      %dma_start3A_538 = arith.constant 0 : i32
      %dma_start3A_539 = arith.constant 0 : i32
      %dma_start3A_540 = tpu.memref_slice %arg5[%dma_start3A_538, %dma_start3A_539] : memref<3x128xf32, #tpu.memory_space<vmem_shared>> -> memref<3x128xf32, #tpu.memory_space<vmem_shared>>
      tpu.enqueue_indirect_dma source(%dma_start3A_540 : memref<3x128xf32, #tpu.memory_space<vmem_shared>>) target(%dma_start3A_534 : memref<128x128xf32, #tpu.memory_space<vmem>>) offsets(%dma_start3A_537 : memref<128xi32, #tpu.memory_space<vmem>>) semaphore(%arg11 : memref<!tpu.dma_semaphore, #tpu.memory_space<semaphore_mem>>)
      %scan3A_541 = arith.constant 0 : i32
      %scan3A_542 = arith.constant 0 : i32
      %scan3A_543 = arith.constant 8 : i32
      %scan3A_544 = arith.addi %scan3A_542, %scan3A_543 : i32
      %scan3A_545 = arith.constant 1 : i32
      scf.for %scan3A_841 = %scan3A_542 to %scan3A_544 step %scan3A_545  : i32 {
        %mul3A_842 = arith.constant 16 : i32
        %mul3A_843 = arith.muli %scan3A_841, %mul3A_842 : i32
        %add3A_844 = arith.constant 384 : i32
        %add3A_845 = arith.addi %add3A_844, %mul3A_843 : i32
        %get3A = arith.constant 1 : i32
        %get3A_846 = arith.index_cast %get3A : i32 to index
        %get3A_847 = arith.index_cast %add3A_845 : i32 to index
        %get3A_848 = tpu.vector_load %arg6[%get3A_846, %get3A_847] {strides = array<i32>} : memref<2x1024xi32, #tpu.memory_space<vmem>>, vector<1x16xi32>,
        %get3A_849 = vector.shape_cast %get3A_848 : vector<1x16xi32> to vector<16xi32>
        %rem3A = arith.constant 3 : i32
        %rem3A_850 = vector.broadcast %rem3A : i32 to vector<16xi32>
        %rem3A_851 = arith.remsi %get3A_849, %rem3A_850 : vector<16xi32>
        %swap3A = arith.constant 1 : i32
        %swap3A_852 = arith.index_cast %swap3A : i32 to index
        %swap3A_853 = arith.index_cast %add3A_845 : i32 to index
        %swap3A_854 = tpu.vector_load %arg6[%swap3A_852, %swap3A_853] {strides = array<i32>} : memref<2x1024xi32, #tpu.memory_space<vmem>>, vector<1x16xi32>,
        %swap3A_855 = vector.shape_cast %swap3A_854 : vector<1x16xi32> to vector<16xi32>
        %swap3A_856 = vector.shape_cast %rem3A_851 : vector<16xi32> to vector<1x16xi32>
        tpu.vector_store %arg6[%swap3A_852, %swap3A_853], %swap3A_856 {strides = array<i32>} : memref<2x1024xi32, #tpu.memory_space<vmem>>, vector<1x16xi32>,
      }
      %scan3A_546 = arith.constant 8 : i32
      %lt3A_547 = arith.constant 99 : i32
      %lt3A_548 = arith.cmpi slt, %add3A_475, %lt3A_547 : i32
      %convert_element_type3A_549 = arith.extui %lt3A_548 : i1 to i32
      %cond3A_550 = arith.constant 0 : i32
      %cond3A_551 = arith.cmpi ne, %convert_element_type3A_549, %cond3A_550 : i32
      scf.if %cond3A_551 {
        %add3A_841 = arith.constant 1 : i32
        %add3A_842 = arith.addi %add3A_475, %add3A_841 : i32
        %mul3A_843 = arith.constant 1024 : i32
        %mul3A_844 = arith.muli %add3A_842, %mul3A_843 : i32
        %add3A_845 = arith.addi %mul3A_4, %mul3A_844 : i32
        %dma_start3A_846 = arith.constant 0 : i32
        %dma_start3A_847 = arith.constant 0 : i32
        %dma_start3A_848 = tpu.memref_slice %arg6[%dma_start3A_846, %dma_start3A_847] : memref<2x1024xi32, #tpu.memory_space<vmem>> -> memref<1x1024xi32, #tpu.memory_space<vmem>>
        %dma_start3A_849 = tpu.memref_squeeze %dma_start3A_848 : memref<1x1024xi32, #tpu.memory_space<vmem>> -> memref<1024xi32, #tpu.memory_space<vmem>>
        %dma_start3A_850 = tpu.memref_slice %arg2[%add3A_845] : memref<3276800xi32, #tpu.memory_space<hbm>> -> memref<1024xi32, #tpu.memory_space<hbm>>
        %dma_start3A_851 = arith.constant 0 : i32
        %dma_start3A_852 = tpu.memref_slice %arg6[%dma_start3A_846, %dma_start3A_851] : memref<2x1024xi32, #tpu.memory_space<vmem>> -> memref<1x1024xi32, #tpu.memory_space<vmem>>
        %dma_start3A_853 = tpu.memref_squeeze %dma_start3A_852 : memref<1x1024xi32, #tpu.memory_space<vmem>> -> memref<1024xi32, #tpu.memory_space<vmem>>
        %dma_start3A_854 = tpu.memref_slice %arg2[%add3A_845] : memref<3276800xi32, #tpu.memory_space<hbm>> -> memref<1024xi32, #tpu.memory_space<hbm>>
        tpu.enqueue_dma source(%dma_start3A_854 : memref<1024xi32, #tpu.memory_space<hbm>>) target(%dma_start3A_853 : memref<1024xi32, #tpu.memory_space<vmem>>) target_semaphore(%arg8 : memref<!tpu.dma_semaphore, #tpu.memory_space<semaphore_mem>>)
      } else {
      }
      %gt3A_552 = arith.constant 0 : i32
      %gt3A_553 = arith.cmpi sgt, %add3A_475, %gt3A_552 : i32
      %convert_element_type3A_554 = arith.extui %gt3A_553 : i1 to i32
      %cond3A_555 = arith.constant 0 : i32
      %cond3A_556 = arith.cmpi ne, %convert_element_type3A_554, %cond3A_555 : i32
      scf.if %cond3A_556 {
        %add3A_841 = arith.constant 0 : i32
        %add3A_842 = arith.addi %mul3A_6, %add3A_841 : i32
        %dma_wait3A_843 = arith.constant 0 : i32
        %dma_wait3A_844 = arith.constant 0 : i32
        %dma_wait3A_845 = arith.constant 0 : i32
        %dma_wait3A_846 = arith.constant 0 : i32
        %dma_wait3A_847 = tpu.memref_slice %arg7[%dma_wait3A_843, %dma_wait3A_844, %dma_wait3A_845, %dma_wait3A_846] : memref<2x2x128x128xf32, #tpu.memory_space<vmem>> -> memref<1x2x128x128xf32, #tpu.memory_space<vmem>>
        %dma_wait3A_848 = tpu.memref_squeeze %dma_wait3A_847 : memref<1x2x128x128xf32, #tpu.memory_space<vmem>> -> memref<2x128x128xf32, #tpu.memory_space<vmem>>
        %dma_wait3A_849 = arith.constant 0 : i32
        %dma_wait3A_850 = arith.constant 0 : i32
        %dma_wait3A_851 = tpu.memref_slice %arg4[%add3A_842, %dma_wait3A_849, %dma_wait3A_850] : memref<25600x128x128xf32, #tpu.memory_space<hbm>> -> memref<2x128x128xf32, #tpu.memory_space<hbm>>
        %dma_wait3A_852 = arith.constant 0 : i32
        %dma_wait3A_853 = arith.constant 0 : i32
        %dma_wait3A_854 = tpu.memref_slice %arg4[%add3A_842, %dma_wait3A_852, %dma_wait3A_853] : memref<25600x128x128xf32, #tpu.memory_space<hbm>> -> memref<2x128x128xf32, #tpu.memory_space<hbm>>
        %dma_wait3A_855 = arith.constant 0 : i32
        %dma_wait3A_856 = arith.constant 0 : i32
        %dma_wait3A_857 = arith.constant 0 : i32
        %dma_wait3A_858 = tpu.memref_slice %arg7[%dma_wait3A_843, %dma_wait3A_855, %dma_wait3A_856, %dma_wait3A_857] : memref<2x2x128x128xf32, #tpu.memory_space<vmem>> -> memref<1x2x128x128xf32, #tpu.memory_space<vmem>>
        %dma_wait3A_859 = tpu.memref_squeeze %dma_wait3A_858 : memref<1x2x128x128xf32, #tpu.memory_space<vmem>> -> memref<2x128x128xf32, #tpu.memory_space<vmem>>
        tpu.wait_dma2 semaphore(%arg15 : memref<!tpu.dma_semaphore, #tpu.memory_space<semaphore_mem>>) src(%dma_wait3A_859 : memref<2x128x128xf32, #tpu.memory_space<vmem>>) dst(%dma_wait3A_854 : memref<2x128x128xf32, #tpu.memory_space<hbm>>)
      } else {
      }
      %dma_start3A_557 = arith.constant 1 : i32
      %dma_start3A_558 = arith.constant 1 : i32
      %dma_start3A_559 = arith.constant 0 : i32
      %dma_start3A_560 = arith.constant 0 : i32
      %dma_start3A_561 = arith.constant 0 : i32
      %dma_start3A_562 = tpu.memref_slice %arg7[%dma_start3A_558, %dma_start3A_559, %dma_start3A_560, %dma_start3A_561] : memref<2x2x128x128xf32, #tpu.memory_space<vmem>> -> memref<1x1x128x128xf32, #tpu.memory_space<vmem>>
      %dma_start3A_563 = tpu.memref_squeeze %dma_start3A_562 : memref<1x1x128x128xf32, #tpu.memory_space<vmem>> -> memref<128x128xf32, #tpu.memory_space<vmem>>
      %dma_start3A_564 = arith.constant 256 : i32
      %dma_start3A_565 = tpu.memref_slice %arg6[%dma_start3A_557, %dma_start3A_564] : memref<2x1024xi32, #tpu.memory_space<vmem>> -> memref<1x128xi32, #tpu.memory_space<vmem>>
      %dma_start3A_566 = tpu.memref_squeeze %dma_start3A_565 : memref<1x128xi32, #tpu.memory_space<vmem>> -> memref<128xi32, #tpu.memory_space<vmem>>
      %dma_start3A_567 = arith.constant 0 : i32
      %dma_start3A_568 = arith.constant 0 : i32
      %dma_start3A_569 = tpu.memref_slice %arg5[%dma_start3A_567, %dma_start3A_568] : memref<3x128xf32, #tpu.memory_space<vmem_shared>> -> memref<3x128xf32, #tpu.memory_space<vmem_shared>>
      tpu.enqueue_indirect_dma source(%dma_start3A_569 : memref<3x128xf32, #tpu.memory_space<vmem_shared>>) target(%dma_start3A_563 : memref<128x128xf32, #tpu.memory_space<vmem>>) offsets(%dma_start3A_566 : memref<128xi32, #tpu.memory_space<vmem>>) semaphore(%arg12 : memref<!tpu.dma_semaphore, #tpu.memory_space<semaphore_mem>>)
      %scan3A_570 = arith.constant 0 : i32
      %scan3A_571 = arith.constant 0 : i32
      %scan3A_572 = arith.constant 8 : i32
      %scan3A_573 = arith.addi %scan3A_571, %scan3A_572 : i32
      %scan3A_574 = arith.constant 1 : i32
      scf.for %scan3A_841 = %scan3A_571 to %scan3A_573 step %scan3A_574  : i32 {
        %mul3A_842 = arith.constant 16 : i32
        %mul3A_843 = arith.muli %scan3A_841, %mul3A_842 : i32
        %add3A_844 = arith.constant 512 : i32
        %add3A_845 = arith.addi %add3A_844, %mul3A_843 : i32
        %get3A = arith.constant 1 : i32
        %get3A_846 = arith.index_cast %get3A : i32 to index
        %get3A_847 = arith.index_cast %add3A_845 : i32 to index
        %get3A_848 = tpu.vector_load %arg6[%get3A_846, %get3A_847] {strides = array<i32>} : memref<2x1024xi32, #tpu.memory_space<vmem>>, vector<1x16xi32>,
        %get3A_849 = vector.shape_cast %get3A_848 : vector<1x16xi32> to vector<16xi32>
        %rem3A = arith.constant 3 : i32
        %rem3A_850 = vector.broadcast %rem3A : i32 to vector<16xi32>
        %rem3A_851 = arith.remsi %get3A_849, %rem3A_850 : vector<16xi32>
        %swap3A = arith.constant 1 : i32
        %swap3A_852 = arith.index_cast %swap3A : i32 to index
        %swap3A_853 = arith.index_cast %add3A_845 : i32 to index
        %swap3A_854 = tpu.vector_load %arg6[%swap3A_852, %swap3A_853] {strides = array<i32>} : memref<2x1024xi32, #tpu.memory_space<vmem>>, vector<1x16xi32>,
        %swap3A_855 = vector.shape_cast %swap3A_854 : vector<1x16xi32> to vector<16xi32>
        %swap3A_856 = vector.shape_cast %rem3A_851 : vector<16xi32> to vector<1x16xi32>
        tpu.vector_store %arg6[%swap3A_852, %swap3A_853], %swap3A_856 {strides = array<i32>} : memref<2x1024xi32, #tpu.memory_space<vmem>>, vector<1x16xi32>,
      }
      %scan3A_575 = arith.constant 8 : i32
      %dma_wait3A_576 = arith.constant 0 : i32
      %dma_wait3A_577 = arith.constant 0 : i32
      %dma_wait3A_578 = arith.constant 0 : i32
      %dma_wait3A_579 = arith.constant 0 : i32
      %dma_wait3A_580 = arith.constant 0 : i32
      %dma_wait3A_581 = tpu.memref_slice %arg7[%dma_wait3A_577, %dma_wait3A_578, %dma_wait3A_579, %dma_wait3A_580] : memref<2x2x128x128xf32, #tpu.memory_space<vmem>> -> memref<1x1x128x128xf32, #tpu.memory_space<vmem>>
      %dma_wait3A_582 = tpu.memref_squeeze %dma_wait3A_581 : memref<1x1x128x128xf32, #tpu.memory_space<vmem>> -> memref<128x128xf32, #tpu.memory_space<vmem>>
      %dma_wait3A_583 = arith.constant 0 : i32
      %dma_wait3A_584 = tpu.memref_slice %arg6[%dma_wait3A_576, %dma_wait3A_583] : memref<2x1024xi32, #tpu.memory_space<vmem>> -> memref<1x128xi32, #tpu.memory_space<vmem>>
      %dma_wait3A_585 = tpu.memref_squeeze %dma_wait3A_584 : memref<1x128xi32, #tpu.memory_space<vmem>> -> memref<128xi32, #tpu.memory_space<vmem>>
      %dma_wait3A_586 = arith.constant 0 : i32
      %dma_wait3A_587 = arith.constant 0 : i32
      %dma_wait3A_588 = tpu.memref_slice %arg5[%dma_wait3A_586, %dma_wait3A_587] : memref<3x128xf32, #tpu.memory_space<vmem_shared>> -> memref<3x128xf32, #tpu.memory_space<vmem_shared>>
      tpu.wait_indirect_dma semaphore(%arg10 : memref<!tpu.dma_semaphore, #tpu.memory_space<semaphore_mem>>) src(%dma_wait3A_588 : memref<3x128xf32, #tpu.memory_space<vmem_shared>>) dst(%dma_wait3A_582 : memref<128x128xf32, #tpu.memory_space<vmem>>)
      %dma_wait3A_589 = arith.constant 0 : i32
      %dma_wait3A_590 = arith.constant 0 : i32
      %dma_wait3A_591 = arith.constant 1 : i32
      %dma_wait3A_592 = arith.constant 0 : i32
      %dma_wait3A_593 = arith.constant 0 : i32
      %dma_wait3A_594 = tpu.memref_slice %arg7[%dma_wait3A_590, %dma_wait3A_591, %dma_wait3A_592, %dma_wait3A_593] : memref<2x2x128x128xf32, #tpu.memory_space<vmem>> -> memref<1x1x128x128xf32, #tpu.memory_space<vmem>>
      %dma_wait3A_595 = tpu.memref_squeeze %dma_wait3A_594 : memref<1x1x128x128xf32, #tpu.memory_space<vmem>> -> memref<128x128xf32, #tpu.memory_space<vmem>>
      %dma_wait3A_596 = arith.constant 0 : i32
      %dma_wait3A_597 = tpu.memref_slice %arg6[%dma_wait3A_589, %dma_wait3A_596] : memref<2x1024xi32, #tpu.memory_space<vmem>> -> memref<1x128xi32, #tpu.memory_space<vmem>>
      %dma_wait3A_598 = tpu.memref_squeeze %dma_wait3A_597 : memref<1x128xi32, #tpu.memory_space<vmem>> -> memref<128xi32, #tpu.memory_space<vmem>>
      %dma_wait3A_599 = arith.constant 0 : i32
      %dma_wait3A_600 = arith.constant 0 : i32
      %dma_wait3A_601 = tpu.memref_slice %arg5[%dma_wait3A_599, %dma_wait3A_600] : memref<3x128xf32, #tpu.memory_space<vmem_shared>> -> memref<3x128xf32, #tpu.memory_space<vmem_shared>>
      tpu.wait_indirect_dma semaphore(%arg11 : memref<!tpu.dma_semaphore, #tpu.memory_space<semaphore_mem>>) src(%dma_wait3A_601 : memref<3x128xf32, #tpu.memory_space<vmem_shared>>) dst(%dma_wait3A_595 : memref<128x128xf32, #tpu.memory_space<vmem>>)
      %mul3A_602 = arith.constant 8 : i32
      %mul3A_603 = arith.muli %add3A_475, %mul3A_602 : i32
      %add3A_604 = arith.constant 0 : i32
      %add3A_605 = arith.addi %mul3A_603, %add3A_604 : i32
      %add3A_606 = arith.addi %mul3A_6, %add3A_605 : i32
      %dma_start3A_607 = arith.constant 0 : i32
      %dma_start3A_608 = arith.constant 0 : i32
      %dma_start3A_609 = arith.constant 0 : i32
      %dma_start3A_610 = arith.constant 0 : i32
      %dma_start3A_611 = tpu.memref_slice %arg7[%dma_start3A_607, %dma_start3A_608, %dma_start3A_609, %dma_start3A_610] : memref<2x2x128x128xf32, #tpu.memory_space<vmem>> -> memref<1x2x128x128xf32, #tpu.memory_space<vmem>>
      %dma_start3A_612 = tpu.memref_squeeze %dma_start3A_611 : memref<1x2x128x128xf32, #tpu.memory_space<vmem>> -> memref<2x128x128xf32, #tpu.memory_space<vmem>>
      %dma_start3A_613 = arith.constant 0 : i32
      %dma_start3A_614 = arith.constant 0 : i32
      %dma_start3A_615 = tpu.memref_slice %arg4[%add3A_606, %dma_start3A_613, %dma_start3A_614] : memref<25600x128x128xf32, #tpu.memory_space<hbm>> -> memref<2x128x128xf32, #tpu.memory_space<hbm>>
      %dma_start3A_616 = arith.constant 0 : i32
      %dma_start3A_617 = arith.constant 0 : i32
      %dma_start3A_618 = tpu.memref_slice %arg4[%add3A_606, %dma_start3A_616, %dma_start3A_617] : memref<25600x128x128xf32, #tpu.memory_space<hbm>> -> memref<2x128x128xf32, #tpu.memory_space<hbm>>
      %dma_start3A_619 = arith.constant 0 : i32
      %dma_start3A_620 = arith.constant 0 : i32
      %dma_start3A_621 = arith.constant 0 : i32
      %dma_start3A_622 = tpu.memref_slice %arg7[%dma_start3A_607, %dma_start3A_619, %dma_start3A_620, %dma_start3A_621] : memref<2x2x128x128xf32, #tpu.memory_space<vmem>> -> memref<1x2x128x128xf32, #tpu.memory_space<vmem>>
      %dma_start3A_623 = tpu.memref_squeeze %dma_start3A_622 : memref<1x2x128x128xf32, #tpu.memory_space<vmem>> -> memref<2x128x128xf32, #tpu.memory_space<vmem>>
      tpu.enqueue_dma source(%dma_start3A_623 : memref<2x128x128xf32, #tpu.memory_space<vmem>>) target(%dma_start3A_618 : memref<2x128x128xf32, #tpu.memory_space<hbm>>) target_semaphore(%arg14 : memref<!tpu.dma_semaphore, #tpu.memory_space<semaphore_mem>>)
      %dma_start3A_624 = arith.constant 1 : i32
      %dma_start3A_625 = arith.constant 1 : i32
      %dma_start3A_626 = arith.constant 1 : i32
      %dma_start3A_627 = arith.constant 0 : i32
      %dma_start3A_628 = arith.constant 0 : i32
      %dma_start3A_629 = tpu.memref_slice %arg7[%dma_start3A_625, %dma_start3A_626, %dma_start3A_627, %dma_start3A_628] : memref<2x2x128x128xf32, #tpu.memory_space<vmem>> -> memref<1x1x128x128xf32, #tpu.memory_space<vmem>>
      %dma_start3A_630 = tpu.memref_squeeze %dma_start3A_629 : memref<1x1x128x128xf32, #tpu.memory_space<vmem>> -> memref<128x128xf32, #tpu.memory_space<vmem>>
      %dma_start3A_631 = arith.constant 384 : i32
      %dma_start3A_632 = tpu.memref_slice %arg6[%dma_start3A_624, %dma_start3A_631] : memref<2x1024xi32, #tpu.memory_space<vmem>> -> memref<1x128xi32, #tpu.memory_space<vmem>>
      %dma_start3A_633 = tpu.memref_squeeze %dma_start3A_632 : memref<1x128xi32, #tpu.memory_space<vmem>> -> memref<128xi32, #tpu.memory_space<vmem>>
      %dma_start3A_634 = arith.constant 0 : i32
      %dma_start3A_635 = arith.constant 0 : i32
      %dma_start3A_636 = tpu.memref_slice %arg5[%dma_start3A_634, %dma_start3A_635] : memref<3x128xf32, #tpu.memory_space<vmem_shared>> -> memref<3x128xf32, #tpu.memory_space<vmem_shared>>
      tpu.enqueue_indirect_dma source(%dma_start3A_636 : memref<3x128xf32, #tpu.memory_space<vmem_shared>>) target(%dma_start3A_630 : memref<128x128xf32, #tpu.memory_space<vmem>>) offsets(%dma_start3A_633 : memref<128xi32, #tpu.memory_space<vmem>>) semaphore(%arg13 : memref<!tpu.dma_semaphore, #tpu.memory_space<semaphore_mem>>)
      %scan3A_637 = arith.constant 0 : i32
      %scan3A_638 = arith.constant 0 : i32
      %scan3A_639 = arith.constant 8 : i32
      %scan3A_640 = arith.addi %scan3A_638, %scan3A_639 : i32
      %scan3A_641 = arith.constant 1 : i32
      scf.for %scan3A_841 = %scan3A_638 to %scan3A_640 step %scan3A_641  : i32 {
        %mul3A_842 = arith.constant 16 : i32
        %mul3A_843 = arith.muli %scan3A_841, %mul3A_842 : i32
        %add3A_844 = arith.constant 640 : i32
        %add3A_845 = arith.addi %add3A_844, %mul3A_843 : i32
        %get3A = arith.constant 1 : i32
        %get3A_846 = arith.index_cast %get3A : i32 to index
        %get3A_847 = arith.index_cast %add3A_845 : i32 to index
        %get3A_848 = tpu.vector_load %arg6[%get3A_846, %get3A_847] {strides = array<i32>} : memref<2x1024xi32, #tpu.memory_space<vmem>>, vector<1x16xi32>,
        %get3A_849 = vector.shape_cast %get3A_848 : vector<1x16xi32> to vector<16xi32>
        %rem3A = arith.constant 3 : i32
        %rem3A_850 = vector.broadcast %rem3A : i32 to vector<16xi32>
        %rem3A_851 = arith.remsi %get3A_849, %rem3A_850 : vector<16xi32>
        %swap3A = arith.constant 1 : i32
        %swap3A_852 = arith.index_cast %swap3A : i32 to index
        %swap3A_853 = arith.index_cast %add3A_845 : i32 to index
        %swap3A_854 = tpu.vector_load %arg6[%swap3A_852, %swap3A_853] {strides = array<i32>} : memref<2x1024xi32, #tpu.memory_space<vmem>>, vector<1x16xi32>,
        %swap3A_855 = vector.shape_cast %swap3A_854 : vector<1x16xi32> to vector<16xi32>
        %swap3A_856 = vector.shape_cast %rem3A_851 : vector<16xi32> to vector<1x16xi32>
        tpu.vector_store %arg6[%swap3A_852, %swap3A_853], %swap3A_856 {strides = array<i32>} : memref<2x1024xi32, #tpu.memory_space<vmem>>, vector<1x16xi32>,
      }
      %scan3A_642 = arith.constant 8 : i32
      %add3A_643 = arith.constant 0 : i32
      %add3A_644 = arith.addi %mul3A_6, %add3A_643 : i32
      %dma_wait3A_645 = arith.constant 0 : i32
      %dma_wait3A_646 = arith.constant 0 : i32
      %dma_wait3A_647 = arith.constant 0 : i32
      %dma_wait3A_648 = arith.constant 0 : i32
      %dma_wait3A_649 = tpu.memref_slice %arg7[%dma_wait3A_645, %dma_wait3A_646, %dma_wait3A_647, %dma_wait3A_648] : memref<2x2x128x128xf32, #tpu.memory_space<vmem>> -> memref<1x2x128x128xf32, #tpu.memory_space<vmem>>
      %dma_wait3A_650 = tpu.memref_squeeze %dma_wait3A_649 : memref<1x2x128x128xf32, #tpu.memory_space<vmem>> -> memref<2x128x128xf32, #tpu.memory_space<vmem>>
      %dma_wait3A_651 = arith.constant 0 : i32
      %dma_wait3A_652 = arith.constant 0 : i32
      %dma_wait3A_653 = tpu.memref_slice %arg4[%add3A_644, %dma_wait3A_651, %dma_wait3A_652] : memref<25600x128x128xf32, #tpu.memory_space<hbm>> -> memref<2x128x128xf32, #tpu.memory_space<hbm>>
      %dma_wait3A_654 = arith.constant 0 : i32
      %dma_wait3A_655 = arith.constant 0 : i32
      %dma_wait3A_656 = tpu.memref_slice %arg4[%add3A_644, %dma_wait3A_654, %dma_wait3A_655] : memref<25600x128x128xf32, #tpu.memory_space<hbm>> -> memref<2x128x128xf32, #tpu.memory_space<hbm>>
      %dma_wait3A_657 = arith.constant 0 : i32
      %dma_wait3A_658 = arith.constant 0 : i32
      %dma_wait3A_659 = arith.constant 0 : i32
      %dma_wait3A_660 = tpu.memref_slice %arg7[%dma_wait3A_645, %dma_wait3A_657, %dma_wait3A_658, %dma_wait3A_659] : memref<2x2x128x128xf32, #tpu.memory_space<vmem>> -> memref<1x2x128x128xf32, #tpu.memory_space<vmem>>
      %dma_wait3A_661 = tpu.memref_squeeze %dma_wait3A_660 : memref<1x2x128x128xf32, #tpu.memory_space<vmem>> -> memref<2x128x128xf32, #tpu.memory_space<vmem>>
      tpu.wait_dma2 semaphore(%arg14 : memref<!tpu.dma_semaphore, #tpu.memory_space<semaphore_mem>>) src(%dma_wait3A_661 : memref<2x128x128xf32, #tpu.memory_space<vmem>>) dst(%dma_wait3A_656 : memref<2x128x128xf32, #tpu.memory_space<hbm>>)
      %dma_start3A_662 = arith.constant 1 : i32
      %dma_start3A_663 = arith.constant 0 : i32
      %dma_start3A_664 = arith.constant 0 : i32
      %dma_start3A_665 = arith.constant 0 : i32
      %dma_start3A_666 = arith.constant 0 : i32
      %dma_start3A_667 = tpu.memref_slice %arg7[%dma_start3A_663, %dma_start3A_664, %dma_start3A_665, %dma_start3A_666] : memref<2x2x128x128xf32, #tpu.memory_space<vmem>> -> memref<1x1x128x128xf32, #tpu.memory_space<vmem>>
      %dma_start3A_668 = tpu.memref_squeeze %dma_start3A_667 : memref<1x1x128x128xf32, #tpu.memory_space<vmem>> -> memref<128x128xf32, #tpu.memory_space<vmem>>
      %dma_start3A_669 = arith.constant 512 : i32
      %dma_start3A_670 = tpu.memref_slice %arg6[%dma_start3A_662, %dma_start3A_669] : memref<2x1024xi32, #tpu.memory_space<vmem>> -> memref<1x128xi32, #tpu.memory_space<vmem>>
      %dma_start3A_671 = tpu.memref_squeeze %dma_start3A_670 : memref<1x128xi32, #tpu.memory_space<vmem>> -> memref<128xi32, #tpu.memory_space<vmem>>
      %dma_start3A_672 = arith.constant 0 : i32
      %dma_start3A_673 = arith.constant 0 : i32
      %dma_start3A_674 = tpu.memref_slice %arg5[%dma_start3A_672, %dma_start3A_673] : memref<3x128xf32, #tpu.memory_space<vmem_shared>> -> memref<3x128xf32, #tpu.memory_space<vmem_shared>>
      tpu.enqueue_indirect_dma source(%dma_start3A_674 : memref<3x128xf32, #tpu.memory_space<vmem_shared>>) target(%dma_start3A_668 : memref<128x128xf32, #tpu.memory_space<vmem>>) offsets(%dma_start3A_671 : memref<128xi32, #tpu.memory_space<vmem>>) semaphore(%arg10 : memref<!tpu.dma_semaphore, #tpu.memory_space<semaphore_mem>>)
      %scan3A_675 = arith.constant 0 : i32
      %scan3A_676 = arith.constant 0 : i32
      %scan3A_677 = arith.constant 8 : i32
      %scan3A_678 = arith.addi %scan3A_676, %scan3A_677 : i32
      %scan3A_679 = arith.constant 1 : i32
      scf.for %scan3A_841 = %scan3A_676 to %scan3A_678 step %scan3A_679  : i32 {
        %mul3A_842 = arith.constant 16 : i32
        %mul3A_843 = arith.muli %scan3A_841, %mul3A_842 : i32
        %add3A_844 = arith.constant 768 : i32
        %add3A_845 = arith.addi %add3A_844, %mul3A_843 : i32
        %get3A = arith.constant 1 : i32
        %get3A_846 = arith.index_cast %get3A : i32 to index
        %get3A_847 = arith.index_cast %add3A_845 : i32 to index
        %get3A_848 = tpu.vector_load %arg6[%get3A_846, %get3A_847] {strides = array<i32>} : memref<2x1024xi32, #tpu.memory_space<vmem>>, vector<1x16xi32>,
        %get3A_849 = vector.shape_cast %get3A_848 : vector<1x16xi32> to vector<16xi32>
        %rem3A = arith.constant 3 : i32
        %rem3A_850 = vector.broadcast %rem3A : i32 to vector<16xi32>
        %rem3A_851 = arith.remsi %get3A_849, %rem3A_850 : vector<16xi32>
        %swap3A = arith.constant 1 : i32
        %swap3A_852 = arith.index_cast %swap3A : i32 to index
        %swap3A_853 = arith.index_cast %add3A_845 : i32 to index
        %swap3A_854 = tpu.vector_load %arg6[%swap3A_852, %swap3A_853] {strides = array<i32>} : memref<2x1024xi32, #tpu.memory_space<vmem>>, vector<1x16xi32>,
        %swap3A_855 = vector.shape_cast %swap3A_854 : vector<1x16xi32> to vector<16xi32>
        %swap3A_856 = vector.shape_cast %rem3A_851 : vector<16xi32> to vector<1x16xi32>
        tpu.vector_store %arg6[%swap3A_852, %swap3A_853], %swap3A_856 {strides = array<i32>} : memref<2x1024xi32, #tpu.memory_space<vmem>>, vector<1x16xi32>,
      }
      %scan3A_680 = arith.constant 8 : i32
      %dma_wait3A_681 = arith.constant 0 : i32
      %dma_wait3A_682 = arith.constant 1 : i32
      %dma_wait3A_683 = arith.constant 0 : i32
      %dma_wait3A_684 = arith.constant 0 : i32
      %dma_wait3A_685 = arith.constant 0 : i32
      %dma_wait3A_686 = tpu.memref_slice %arg7[%dma_wait3A_682, %dma_wait3A_683, %dma_wait3A_684, %dma_wait3A_685] : memref<2x2x128x128xf32, #tpu.memory_space<vmem>> -> memref<1x1x128x128xf32, #tpu.memory_space<vmem>>
      %dma_wait3A_687 = tpu.memref_squeeze %dma_wait3A_686 : memref<1x1x128x128xf32, #tpu.memory_space<vmem>> -> memref<128x128xf32, #tpu.memory_space<vmem>>
      %dma_wait3A_688 = arith.constant 0 : i32
      %dma_wait3A_689 = tpu.memref_slice %arg6[%dma_wait3A_681, %dma_wait3A_688] : memref<2x1024xi32, #tpu.memory_space<vmem>> -> memref<1x128xi32, #tpu.memory_space<vmem>>
      %dma_wait3A_690 = tpu.memref_squeeze %dma_wait3A_689 : memref<1x128xi32, #tpu.memory_space<vmem>> -> memref<128xi32, #tpu.memory_space<vmem>>
      %dma_wait3A_691 = arith.constant 0 : i32
      %dma_wait3A_692 = arith.constant 0 : i32
      %dma_wait3A_693 = tpu.memref_slice %arg5[%dma_wait3A_691, %dma_wait3A_692] : memref<3x128xf32, #tpu.memory_space<vmem_shared>> -> memref<3x128xf32, #tpu.memory_space<vmem_shared>>
      tpu.wait_indirect_dma semaphore(%arg12 : memref<!tpu.dma_semaphore, #tpu.memory_space<semaphore_mem>>) src(%dma_wait3A_693 : memref<3x128xf32, #tpu.memory_space<vmem_shared>>) dst(%dma_wait3A_687 : memref<128x128xf32, #tpu.memory_space<vmem>>)
      %dma_wait3A_694 = arith.constant 0 : i32
      %dma_wait3A_695 = arith.constant 1 : i32
      %dma_wait3A_696 = arith.constant 1 : i32
      %dma_wait3A_697 = arith.constant 0 : i32
      %dma_wait3A_698 = arith.constant 0 : i32
      %dma_wait3A_699 = tpu.memref_slice %arg7[%dma_wait3A_695, %dma_wait3A_696, %dma_wait3A_697, %dma_wait3A_698] : memref<2x2x128x128xf32, #tpu.memory_space<vmem>> -> memref<1x1x128x128xf32, #tpu.memory_space<vmem>>
      %dma_wait3A_700 = tpu.memref_squeeze %dma_wait3A_699 : memref<1x1x128x128xf32, #tpu.memory_space<vmem>> -> memref<128x128xf32, #tpu.memory_space<vmem>>
      %dma_wait3A_701 = arith.constant 0 : i32
      %dma_wait3A_702 = tpu.memref_slice %arg6[%dma_wait3A_694, %dma_wait3A_701] : memref<2x1024xi32, #tpu.memory_space<vmem>> -> memref<1x128xi32, #tpu.memory_space<vmem>>
      %dma_wait3A_703 = tpu.memref_squeeze %dma_wait3A_702 : memref<1x128xi32, #tpu.memory_space<vmem>> -> memref<128xi32, #tpu.memory_space<vmem>>
      %dma_wait3A_704 = arith.constant 0 : i32
      %dma_wait3A_705 = arith.constant 0 : i32
      %dma_wait3A_706 = tpu.memref_slice %arg5[%dma_wait3A_704, %dma_wait3A_705] : memref<3x128xf32, #tpu.memory_space<vmem_shared>> -> memref<3x128xf32, #tpu.memory_space<vmem_shared>>
      tpu.wait_indirect_dma semaphore(%arg13 : memref<!tpu.dma_semaphore, #tpu.memory_space<semaphore_mem>>) src(%dma_wait3A_706 : memref<3x128xf32, #tpu.memory_space<vmem_shared>>) dst(%dma_wait3A_700 : memref<128x128xf32, #tpu.memory_space<vmem>>)
      %mul3A_707 = arith.constant 8 : i32
      %mul3A_708 = arith.muli %add3A_475, %mul3A_707 : i32
      %add3A_709 = arith.constant 2 : i32
      %add3A_710 = arith.addi %mul3A_708, %add3A_709 : i32
      %add3A_711 = arith.addi %mul3A_6, %add3A_710 : i32
      %dma_start3A_712 = arith.constant 1 : i32
      %dma_start3A_713 = arith.constant 0 : i32
      %dma_start3A_714 = arith.constant 0 : i32
      %dma_start3A_715 = arith.constant 0 : i32
      %dma_start3A_716 = tpu.memref_slice %arg7[%dma_start3A_712, %dma_start3A_713, %dma_start3A_714, %dma_start3A_715] : memref<2x2x128x128xf32, #tpu.memory_space<vmem>> -> memref<1x2x128x128xf32, #tpu.memory_space<vmem>>
      %dma_start3A_717 = tpu.memref_squeeze %dma_start3A_716 : memref<1x2x128x128xf32, #tpu.memory_space<vmem>> -> memref<2x128x128xf32, #tpu.memory_space<vmem>>
      %dma_start3A_718 = arith.constant 0 : i32
      %dma_start3A_719 = arith.constant 0 : i32
      %dma_start3A_720 = tpu.memref_slice %arg4[%add3A_711, %dma_start3A_718, %dma_start3A_719] : memref<25600x128x128xf32, #tpu.memory_space<hbm>> -> memref<2x128x128xf32, #tpu.memory_space<hbm>>
      %dma_start3A_721 = arith.constant 0 : i32
      %dma_start3A_722 = arith.constant 0 : i32
      %dma_start3A_723 = tpu.memref_slice %arg4[%add3A_711, %dma_start3A_721, %dma_start3A_722] : memref<25600x128x128xf32, #tpu.memory_space<hbm>> -> memref<2x128x128xf32, #tpu.memory_space<hbm>>
      %dma_start3A_724 = arith.constant 0 : i32
      %dma_start3A_725 = arith.constant 0 : i32
      %dma_start3A_726 = arith.constant 0 : i32
      %dma_start3A_727 = tpu.memref_slice %arg7[%dma_start3A_712, %dma_start3A_724, %dma_start3A_725, %dma_start3A_726] : memref<2x2x128x128xf32, #tpu.memory_space<vmem>> -> memref<1x2x128x128xf32, #tpu.memory_space<vmem>>
      %dma_start3A_728 = tpu.memref_squeeze %dma_start3A_727 : memref<1x2x128x128xf32, #tpu.memory_space<vmem>> -> memref<2x128x128xf32, #tpu.memory_space<vmem>>
      tpu.enqueue_dma source(%dma_start3A_728 : memref<2x128x128xf32, #tpu.memory_space<vmem>>) target(%dma_start3A_723 : memref<2x128x128xf32, #tpu.memory_space<hbm>>) target_semaphore(%arg15 : memref<!tpu.dma_semaphore, #tpu.memory_space<semaphore_mem>>)
      %dma_start3A_729 = arith.constant 1 : i32
      %dma_start3A_730 = arith.constant 0 : i32
      %dma_start3A_731 = arith.constant 1 : i32
      %dma_start3A_732 = arith.constant 0 : i32
      %dma_start3A_733 = arith.constant 0 : i32
      %dma_start3A_734 = tpu.memref_slice %arg7[%dma_start3A_730, %dma_start3A_731, %dma_start3A_732, %dma_start3A_733] : memref<2x2x128x128xf32, #tpu.memory_space<vmem>> -> memref<1x1x128x128xf32, #tpu.memory_space<vmem>>
      %dma_start3A_735 = tpu.memref_squeeze %dma_start3A_734 : memref<1x1x128x128xf32, #tpu.memory_space<vmem>> -> memref<128x128xf32, #tpu.memory_space<vmem>>
      %dma_start3A_736 = arith.constant 640 : i32
      %dma_start3A_737 = tpu.memref_slice %arg6[%dma_start3A_729, %dma_start3A_736] : memref<2x1024xi32, #tpu.memory_space<vmem>> -> memref<1x128xi32, #tpu.memory_space<vmem>>
      %dma_start3A_738 = tpu.memref_squeeze %dma_start3A_737 : memref<1x128xi32, #tpu.memory_space<vmem>> -> memref<128xi32, #tpu.memory_space<vmem>>
      %dma_start3A_739 = arith.constant 0 : i32
      %dma_start3A_740 = arith.constant 0 : i32
      %dma_start3A_741 = tpu.memref_slice %arg5[%dma_start3A_739, %dma_start3A_740] : memref<3x128xf32, #tpu.memory_space<vmem_shared>> -> memref<3x128xf32, #tpu.memory_space<vmem_shared>>
      tpu.enqueue_indirect_dma source(%dma_start3A_741 : memref<3x128xf32, #tpu.memory_space<vmem_shared>>) target(%dma_start3A_735 : memref<128x128xf32, #tpu.memory_space<vmem>>) offsets(%dma_start3A_738 : memref<128xi32, #tpu.memory_space<vmem>>) semaphore(%arg11 : memref<!tpu.dma_semaphore, #tpu.memory_space<semaphore_mem>>)
      %scan3A_742 = arith.constant 0 : i32
      %scan3A_743 = arith.constant 0 : i32
      %scan3A_744 = arith.constant 8 : i32
      %scan3A_745 = arith.addi %scan3A_743, %scan3A_744 : i32
      %scan3A_746 = arith.constant 1 : i32
      scf.for %scan3A_841 = %scan3A_743 to %scan3A_745 step %scan3A_746  : i32 {
        %mul3A_842 = arith.constant 16 : i32
        %mul3A_843 = arith.muli %scan3A_841, %mul3A_842 : i32
        %add3A_844 = arith.constant 896 : i32
        %add3A_845 = arith.addi %add3A_844, %mul3A_843 : i32
        %get3A = arith.constant 1 : i32
        %get3A_846 = arith.index_cast %get3A : i32 to index
        %get3A_847 = arith.index_cast %add3A_845 : i32 to index
        %get3A_848 = tpu.vector_load %arg6[%get3A_846, %get3A_847] {strides = array<i32>} : memref<2x1024xi32, #tpu.memory_space<vmem>>, vector<1x16xi32>,
        %get3A_849 = vector.shape_cast %get3A_848 : vector<1x16xi32> to vector<16xi32>
        %rem3A = arith.constant 3 : i32
        %rem3A_850 = vector.broadcast %rem3A : i32 to vector<16xi32>
        %rem3A_851 = arith.remsi %get3A_849, %rem3A_850 : vector<16xi32>
        %swap3A = arith.constant 1 : i32
        %swap3A_852 = arith.index_cast %swap3A : i32 to index
        %swap3A_853 = arith.index_cast %add3A_845 : i32 to index
        %swap3A_854 = tpu.vector_load %arg6[%swap3A_852, %swap3A_853] {strides = array<i32>} : memref<2x1024xi32, #tpu.memory_space<vmem>>, vector<1x16xi32>,
        %swap3A_855 = vector.shape_cast %swap3A_854 : vector<1x16xi32> to vector<16xi32>
        %swap3A_856 = vector.shape_cast %rem3A_851 : vector<16xi32> to vector<1x16xi32>
        tpu.vector_store %arg6[%swap3A_852, %swap3A_853], %swap3A_856 {strides = array<i32>} : memref<2x1024xi32, #tpu.memory_space<vmem>>, vector<1x16xi32>,
      }
      %scan3A_747 = arith.constant 8 : i32
      %add3A_748 = arith.constant 0 : i32
      %add3A_749 = arith.addi %mul3A_6, %add3A_748 : i32
      %dma_wait3A_750 = arith.constant 0 : i32
      %dma_wait3A_751 = arith.constant 0 : i32
      %dma_wait3A_752 = arith.constant 0 : i32
      %dma_wait3A_753 = arith.constant 0 : i32
      %dma_wait3A_754 = tpu.memref_slice %arg7[%dma_wait3A_750, %dma_wait3A_751, %dma_wait3A_752, %dma_wait3A_753] : memref<2x2x128x128xf32, #tpu.memory_space<vmem>> -> memref<1x2x128x128xf32, #tpu.memory_space<vmem>>
      %dma_wait3A_755 = tpu.memref_squeeze %dma_wait3A_754 : memref<1x2x128x128xf32, #tpu.memory_space<vmem>> -> memref<2x128x128xf32, #tpu.memory_space<vmem>>
      %dma_wait3A_756 = arith.constant 0 : i32
      %dma_wait3A_757 = arith.constant 0 : i32
      %dma_wait3A_758 = tpu.memref_slice %arg4[%add3A_749, %dma_wait3A_756, %dma_wait3A_757] : memref<25600x128x128xf32, #tpu.memory_space<hbm>> -> memref<2x128x128xf32, #tpu.memory_space<hbm>>
      %dma_wait3A_759 = arith.constant 0 : i32
      %dma_wait3A_760 = arith.constant 0 : i32
      %dma_wait3A_761 = tpu.memref_slice %arg4[%add3A_749, %dma_wait3A_759, %dma_wait3A_760] : memref<25600x128x128xf32, #tpu.memory_space<hbm>> -> memref<2x128x128xf32, #tpu.memory_space<hbm>>
      %dma_wait3A_762 = arith.constant 0 : i32
      %dma_wait3A_763 = arith.constant 0 : i32
      %dma_wait3A_764 = arith.constant 0 : i32
      %dma_wait3A_765 = tpu.memref_slice %arg7[%dma_wait3A_750, %dma_wait3A_762, %dma_wait3A_763, %dma_wait3A_764] : memref<2x2x128x128xf32, #tpu.memory_space<vmem>> -> memref<1x2x128x128xf32, #tpu.memory_space<vmem>>
      %dma_wait3A_766 = tpu.memref_squeeze %dma_wait3A_765 : memref<1x2x128x128xf32, #tpu.memory_space<vmem>> -> memref<2x128x128xf32, #tpu.memory_space<vmem>>
      tpu.wait_dma2 semaphore(%arg15 : memref<!tpu.dma_semaphore, #tpu.memory_space<semaphore_mem>>) src(%dma_wait3A_766 : memref<2x128x128xf32, #tpu.memory_space<vmem>>) dst(%dma_wait3A_761 : memref<2x128x128xf32, #tpu.memory_space<hbm>>)
      %dma_start3A_767 = arith.constant 1 : i32
      %dma_start3A_768 = arith.constant 1 : i32
      %dma_start3A_769 = arith.constant 0 : i32
      %dma_start3A_770 = arith.constant 0 : i32
      %dma_start3A_771 = arith.constant 0 : i32
      %dma_start3A_772 = tpu.memref_slice %arg7[%dma_start3A_768, %dma_start3A_769, %dma_start3A_770, %dma_start3A_771] : memref<2x2x128x128xf32, #tpu.memory_space<vmem>> -> memref<1x1x128x128xf32, #tpu.memory_space<vmem>>
      %dma_start3A_773 = tpu.memref_squeeze %dma_start3A_772 : memref<1x1x128x128xf32, #tpu.memory_space<vmem>> -> memref<128x128xf32, #tpu.memory_space<vmem>>
      %dma_start3A_774 = arith.constant 768 : i32
      %dma_start3A_775 = tpu.memref_slice %arg6[%dma_start3A_767, %dma_start3A_774] : memref<2x1024xi32, #tpu.memory_space<vmem>> -> memref<1x128xi32, #tpu.memory_space<vmem>>
      %dma_start3A_776 = tpu.memref_squeeze %dma_start3A_775 : memref<1x128xi32, #tpu.memory_space<vmem>> -> memref<128xi32, #tpu.memory_space<vmem>>
      %dma_start3A_777 = arith.constant 0 : i32
      %dma_start3A_778 = arith.constant 0 : i32
      %dma_start3A_779 = tpu.memref_slice %arg5[%dma_start3A_777, %dma_start3A_778] : memref<3x128xf32, #tpu.memory_space<vmem_shared>> -> memref<3x128xf32, #tpu.memory_space<vmem_shared>>
      tpu.enqueue_indirect_dma source(%dma_start3A_779 : memref<3x128xf32, #tpu.memory_space<vmem_shared>>) target(%dma_start3A_773 : memref<128x128xf32, #tpu.memory_space<vmem>>) offsets(%dma_start3A_776 : memref<128xi32, #tpu.memory_space<vmem>>) semaphore(%arg12 : memref<!tpu.dma_semaphore, #tpu.memory_space<semaphore_mem>>)
      %dma_wait3A_780 = arith.constant 0 : i32
      %dma_wait3A_781 = arith.constant 0 : i32
      %dma_wait3A_782 = arith.constant 0 : i32
      %dma_wait3A_783 = arith.constant 0 : i32
      %dma_wait3A_784 = arith.constant 0 : i32
      %dma_wait3A_785 = tpu.memref_slice %arg7[%dma_wait3A_781, %dma_wait3A_782, %dma_wait3A_783, %dma_wait3A_784] : memref<2x2x128x128xf32, #tpu.memory_space<vmem>> -> memref<1x1x128x128xf32, #tpu.memory_space<vmem>>
      %dma_wait3A_786 = tpu.memref_squeeze %dma_wait3A_785 : memref<1x1x128x128xf32, #tpu.memory_space<vmem>> -> memref<128x128xf32, #tpu.memory_space<vmem>>
      %dma_wait3A_787 = arith.constant 0 : i32
      %dma_wait3A_788 = tpu.memref_slice %arg6[%dma_wait3A_780, %dma_wait3A_787] : memref<2x1024xi32, #tpu.memory_space<vmem>> -> memref<1x128xi32, #tpu.memory_space<vmem>>
      %dma_wait3A_789 = tpu.memref_squeeze %dma_wait3A_788 : memref<1x128xi32, #tpu.memory_space<vmem>> -> memref<128xi32, #tpu.memory_space<vmem>>
      %dma_wait3A_790 = arith.constant 0 : i32
      %dma_wait3A_791 = arith.constant 0 : i32
      %dma_wait3A_792 = tpu.memref_slice %arg5[%dma_wait3A_790, %dma_wait3A_791] : memref<3x128xf32, #tpu.memory_space<vmem_shared>> -> memref<3x128xf32, #tpu.memory_space<vmem_shared>>
      tpu.wait_indirect_dma semaphore(%arg10 : memref<!tpu.dma_semaphore, #tpu.memory_space<semaphore_mem>>) src(%dma_wait3A_792 : memref<3x128xf32, #tpu.memory_space<vmem_shared>>) dst(%dma_wait3A_786 : memref<128x128xf32, #tpu.memory_space<vmem>>)
      %dma_wait3A_793 = arith.constant 0 : i32
      %dma_wait3A_794 = arith.constant 0 : i32
      %dma_wait3A_795 = arith.constant 1 : i32
      %dma_wait3A_796 = arith.constant 0 : i32
      %dma_wait3A_797 = arith.constant 0 : i32
      %dma_wait3A_798 = tpu.memref_slice %arg7[%dma_wait3A_794, %dma_wait3A_795, %dma_wait3A_796, %dma_wait3A_797] : memref<2x2x128x128xf32, #tpu.memory_space<vmem>> -> memref<1x1x128x128xf32, #tpu.memory_space<vmem>>
      %dma_wait3A_799 = tpu.memref_squeeze %dma_wait3A_798 : memref<1x1x128x128xf32, #tpu.memory_space<vmem>> -> memref<128x128xf32, #tpu.memory_space<vmem>>
      %dma_wait3A_800 = arith.constant 0 : i32
      %dma_wait3A_801 = tpu.memref_slice %arg6[%dma_wait3A_793, %dma_wait3A_800] : memref<2x1024xi32, #tpu.memory_space<vmem>> -> memref<1x128xi32, #tpu.memory_space<vmem>>
      %dma_wait3A_802 = tpu.memref_squeeze %dma_wait3A_801 : memref<1x128xi32, #tpu.memory_space<vmem>> -> memref<128xi32, #tpu.memory_space<vmem>>
      %dma_wait3A_803 = arith.constant 0 : i32
      %dma_wait3A_804 = arith.constant 0 : i32
      %dma_wait3A_805 = tpu.memref_slice %arg5[%dma_wait3A_803, %dma_wait3A_804] : memref<3x128xf32, #tpu.memory_space<vmem_shared>> -> memref<3x128xf32, #tpu.memory_space<vmem_shared>>
      tpu.wait_indirect_dma semaphore(%arg11 : memref<!tpu.dma_semaphore, #tpu.memory_space<semaphore_mem>>) src(%dma_wait3A_805 : memref<3x128xf32, #tpu.memory_space<vmem_shared>>) dst(%dma_wait3A_799 : memref<128x128xf32, #tpu.memory_space<vmem>>)
      %mul3A_806 = arith.constant 8 : i32
      %mul3A_807 = arith.muli %add3A_475, %mul3A_806 : i32
      %add3A_808 = arith.constant 4 : i32
      %add3A_809 = arith.addi %mul3A_807, %add3A_808 : i32
      %add3A_810 = arith.addi %mul3A_6, %add3A_809 : i32
      %dma_start3A_811 = arith.constant 0 : i32
      %dma_start3A_812 = arith.constant 0 : i32
      %dma_start3A_813 = arith.constant 0 : i32
      %dma_start3A_814 = arith.constant 0 : i32
      %dma_start3A_815 = tpu.memref_slice %arg7[%dma_start3A_811, %dma_start3A_812, %dma_start3A_813, %dma_start3A_814] : memref<2x2x128x128xf32, #tpu.memory_space<vmem>> -> memref<1x2x128x128xf32, #tpu.memory_space<vmem>>
      %dma_start3A_816 = tpu.memref_squeeze %dma_start3A_815 : memref<1x2x128x128xf32, #tpu.memory_space<vmem>> -> memref<2x128x128xf32, #tpu.memory_space<vmem>>
      %dma_start3A_817 = arith.constant 0 : i32
      %dma_start3A_818 = arith.constant 0 : i32
      %dma_start3A_819 = tpu.memref_slice %arg4[%add3A_810, %dma_start3A_817, %dma_start3A_818] : memref<25600x128x128xf32, #tpu.memory_space<hbm>> -> memref<2x128x128xf32, #tpu.memory_space<hbm>>
      %dma_start3A_820 = arith.constant 0 : i32
      %dma_start3A_821 = arith.constant 0 : i32
      %dma_start3A_822 = tpu.memref_slice %arg4[%add3A_810, %dma_start3A_820, %dma_start3A_821] : memref<25600x128x128xf32, #tpu.memory_space<hbm>> -> memref<2x128x128xf32, #tpu.memory_space<hbm>>
      %dma_start3A_823 = arith.constant 0 : i32
      %dma_start3A_824 = arith.constant 0 : i32
      %dma_start3A_825 = arith.constant 0 : i32
      %dma_start3A_826 = tpu.memref_slice %arg7[%dma_start3A_811, %dma_start3A_823, %dma_start3A_824, %dma_start3A_825] : memref<2x2x128x128xf32, #tpu.memory_space<vmem>> -> memref<1x2x128x128xf32, #tpu.memory_space<vmem>>
      %dma_start3A_827 = tpu.memref_squeeze %dma_start3A_826 : memref<1x2x128x128xf32, #tpu.memory_space<vmem>> -> memref<2x128x128xf32, #tpu.memory_space<vmem>>
      tpu.enqueue_dma source(%dma_start3A_827 : memref<2x128x128xf32, #tpu.memory_space<vmem>>) target(%dma_start3A_822 : memref<2x128x128xf32, #tpu.memory_space<hbm>>) target_semaphore(%arg14 : memref<!tpu.dma_semaphore, #tpu.memory_space<semaphore_mem>>)
      %dma_start3A_828 = arith.constant 1 : i32
      %dma_start3A_829 = arith.constant 1 : i32
      %dma_start3A_830 = arith.constant 1 : i32
      %dma_start3A_831 = arith.constant 0 : i32
      %dma_start3A_832 = arith.constant 0 : i32
      %dma_start3A_833 = tpu.memref_slice %arg7[%dma_start3A_829, %dma_start3A_830, %dma_start3A_831, %dma_start3A_832] : memref<2x2x128x128xf32, #tpu.memory_space<vmem>> -> memref<1x1x128x128xf32, #tpu.memory_space<vmem>>
      %dma_start3A_834 = tpu.memref_squeeze %dma_start3A_833 : memref<1x1x128x128xf32, #tpu.memory_space<vmem>> -> memref<128x128xf32, #tpu.memory_space<vmem>>
      %dma_start3A_835 = arith.constant 896 : i32
      %dma_start3A_836 = tpu.memref_slice %arg6[%dma_start3A_828, %dma_start3A_835] : memref<2x1024xi32, #tpu.memory_space<vmem>> -> memref<1x128xi32, #tpu.memory_space<vmem>>
      %dma_start3A_837 = tpu.memref_squeeze %dma_start3A_836 : memref<1x128xi32, #tpu.memory_space<vmem>> -> memref<128xi32, #tpu.memory_space<vmem>>
      %dma_start3A_838 = arith.constant 0 : i32
      %dma_start3A_839 = arith.constant 0 : i32
      %dma_start3A_840 = tpu.memref_slice %arg5[%dma_start3A_838, %dma_start3A_839] : memref<3x128xf32, #tpu.memory_space<vmem_shared>> -> memref<3x128xf32, #tpu.memory_space<vmem_shared>>
      tpu.enqueue_indirect_dma source(%dma_start3A_840 : memref<3x128xf32, #tpu.memory_space<vmem_shared>>) target(%dma_start3A_834 : memref<128x128xf32, #tpu.memory_space<vmem>>) offsets(%dma_start3A_837 : memref<128xi32, #tpu.memory_space<vmem>>) semaphore(%arg13 : memref<!tpu.dma_semaphore, #tpu.memory_space<semaphore_mem>>)
    }
    %scan3A_21 = arith.constant 50 : i32
    %dma_wait3A = arith.constant 0 : i32
    %dma_wait3A_22 = arith.constant 1 : i32
    %dma_wait3A_23 = arith.constant 0 : i32
    %dma_wait3A_24 = arith.constant 0 : i32
    %dma_wait3A_25 = arith.constant 0 : i32
    %dma_wait3A_26 = tpu.memref_slice %arg7[%dma_wait3A_22, %dma_wait3A_23, %dma_wait3A_24, %dma_wait3A_25] : memref<2x2x128x128xf32, #tpu.memory_space<vmem>> -> memref<1x1x128x128xf32, #tpu.memory_space<vmem>>
    %dma_wait3A_27 = tpu.memref_squeeze %dma_wait3A_26 : memref<1x1x128x128xf32, #tpu.memory_space<vmem>> -> memref<128x128xf32, #tpu.memory_space<vmem>>
    %dma_wait3A_28 = arith.constant 0 : i32
    %dma_wait3A_29 = tpu.memref_slice %arg6[%dma_wait3A, %dma_wait3A_28] : memref<2x1024xi32, #tpu.memory_space<vmem>> -> memref<1x128xi32, #tpu.memory_space<vmem>>
    %dma_wait3A_30 = tpu.memref_squeeze %dma_wait3A_29 : memref<1x128xi32, #tpu.memory_space<vmem>> -> memref<128xi32, #tpu.memory_space<vmem>>
    %dma_wait3A_31 = arith.constant 0 : i32
    %dma_wait3A_32 = arith.constant 0 : i32
    %dma_wait3A_33 = tpu.memref_slice %arg5[%dma_wait3A_31, %dma_wait3A_32] : memref<3x128xf32, #tpu.memory_space<vmem_shared>> -> memref<3x128xf32, #tpu.memory_space<vmem_shared>>
    tpu.wait_indirect_dma semaphore(%arg12 : memref<!tpu.dma_semaphore, #tpu.memory_space<semaphore_mem>>) src(%dma_wait3A_33 : memref<3x128xf32, #tpu.memory_space<vmem_shared>>) dst(%dma_wait3A_27 : memref<128x128xf32, #tpu.memory_space<vmem>>)
    %dma_wait3A_34 = arith.constant 0 : i32
    %dma_wait3A_35 = arith.constant 1 : i32
    %dma_wait3A_36 = arith.constant 1 : i32
    %dma_wait3A_37 = arith.constant 0 : i32
    %dma_wait3A_38 = arith.constant 0 : i32
    %dma_wait3A_39 = tpu.memref_slice %arg7[%dma_wait3A_35, %dma_wait3A_36, %dma_wait3A_37, %dma_wait3A_38] : memref<2x2x128x128xf32, #tpu.memory_space<vmem>> -> memref<1x1x128x128xf32, #tpu.memory_space<vmem>>
    %dma_wait3A_40 = tpu.memref_squeeze %dma_wait3A_39 : memref<1x1x128x128xf32, #tpu.memory_space<vmem>> -> memref<128x128xf32, #tpu.memory_space<vmem>>
    %dma_wait3A_41 = arith.constant 0 : i32
    %dma_wait3A_42 = tpu.memref_slice %arg6[%dma_wait3A_34, %dma_wait3A_41] : memref<2x1024xi32, #tpu.memory_space<vmem>> -> memref<1x128xi32, #tpu.memory_space<vmem>>
    %dma_wait3A_43 = tpu.memref_squeeze %dma_wait3A_42 : memref<1x128xi32, #tpu.memory_space<vmem>> -> memref<128xi32, #tpu.memory_space<vmem>>
    %dma_wait3A_44 = arith.constant 0 : i32
    %dma_wait3A_45 = arith.constant 0 : i32
    %dma_wait3A_46 = tpu.memref_slice %arg5[%dma_wait3A_44, %dma_wait3A_45] : memref<3x128xf32, #tpu.memory_space<vmem_shared>> -> memref<3x128xf32, #tpu.memory_space<vmem_shared>>
    tpu.wait_indirect_dma semaphore(%arg13 : memref<!tpu.dma_semaphore, #tpu.memory_space<semaphore_mem>>) src(%dma_wait3A_46 : memref<3x128xf32, #tpu.memory_space<vmem_shared>>) dst(%dma_wait3A_40 : memref<128x128xf32, #tpu.memory_space<vmem>>)
    %add3A_47 = arith.constant 798 : i32
    %add3A_48 = arith.addi %mul3A_6, %add3A_47 : i32
    %dma_start3A_49 = arith.constant 1 : i32
    %dma_start3A_50 = arith.constant 0 : i32
    %dma_start3A_51 = arith.constant 0 : i32
    %dma_start3A_52 = arith.constant 0 : i32
    %dma_start3A_53 = tpu.memref_slice %arg7[%dma_start3A_49, %dma_start3A_50, %dma_start3A_51, %dma_start3A_52] : memref<2x2x128x128xf32, #tpu.memory_space<vmem>> -> memref<1x2x128x128xf32, #tpu.memory_space<vmem>>
    %dma_start3A_54 = tpu.memref_squeeze %dma_start3A_53 : memref<1x2x128x128xf32, #tpu.memory_space<vmem>> -> memref<2x128x128xf32, #tpu.memory_space<vmem>>
    %dma_start3A_55 = arith.constant 0 : i32
    %dma_start3A_56 = arith.constant 0 : i32
    %dma_start3A_57 = tpu.memref_slice %arg4[%add3A_48, %dma_start3A_55, %dma_start3A_56] : memref<25600x128x128xf32, #tpu.memory_space<hbm>> -> memref<2x128x128xf32, #tpu.memory_space<hbm>>
    %dma_start3A_58 = arith.constant 0 : i32
    %dma_start3A_59 = arith.constant 0 : i32
    %dma_start3A_60 = tpu.memref_slice %arg4[%add3A_48, %dma_start3A_58, %dma_start3A_59] : memref<25600x128x128xf32, #tpu.memory_space<hbm>> -> memref<2x128x128xf32, #tpu.memory_space<hbm>>
    %dma_start3A_61 = arith.constant 0 : i32
    %dma_start3A_62 = arith.constant 0 : i32
    %dma_start3A_63 = arith.constant 0 : i32
    %dma_start3A_64 = tpu.memref_slice %arg7[%dma_start3A_49, %dma_start3A_61, %dma_start3A_62, %dma_start3A_63] : memref<2x2x128x128xf32, #tpu.memory_space<vmem>> -> memref<1x2x128x128xf32, #tpu.memory_space<vmem>>
    %dma_start3A_65 = tpu.memref_squeeze %dma_start3A_64 : memref<1x2x128x128xf32, #tpu.memory_space<vmem>> -> memref<2x128x128xf32, #tpu.memory_space<vmem>>
    tpu.enqueue_dma source(%dma_start3A_65 : memref<2x128x128xf32, #tpu.memory_space<vmem>>) target(%dma_start3A_60 : memref<2x128x128xf32, #tpu.memory_space<hbm>>) target_semaphore(%arg15 : memref<!tpu.dma_semaphore, #tpu.memory_space<semaphore_mem>>)
    %add3A_66 = arith.constant 0 : i32
    %add3A_67 = arith.addi %mul3A_6, %add3A_66 : i32
    %dma_wait3A_68 = arith.constant 0 : i32
    %dma_wait3A_69 = arith.constant 0 : i32
    %dma_wait3A_70 = arith.constant 0 : i32
    %dma_wait3A_71 = arith.constant 0 : i32
    %dma_wait3A_72 = tpu.memref_slice %arg7[%dma_wait3A_68, %dma_wait3A_69, %dma_wait3A_70, %dma_wait3A_71] : memref<2x2x128x128xf32, #tpu.memory_space<vmem>> -> memref<1x2x128x128xf32, #tpu.memory_space<vmem>>
    %dma_wait3A_73 = tpu.memref_squeeze %dma_wait3A_72 : memref<1x2x128x128xf32, #tpu.memory_space<vmem>> -> memref<2x128x128xf32, #tpu.memory_space<vmem>>
    %dma_wait3A_74 = arith.constant 0 : i32
    %dma_wait3A_75 = arith.constant 0 : i32
    %dma_wait3A_76 = tpu.memref_slice %arg4[%add3A_67, %dma_wait3A_74, %dma_wait3A_75] : memref<25600x128x128xf32, #tpu.memory_space<hbm>> -> memref<2x128x128xf32, #tpu.memory_space<hbm>>
    %dma_wait3A_77 = arith.constant 0 : i32
    %dma_wait3A_78 = arith.constant 0 : i32
    %dma_wait3A_79 = tpu.memref_slice %arg4[%add3A_67, %dma_wait3A_77, %dma_wait3A_78] : memref<25600x128x128xf32, #tpu.memory_space<hbm>> -> memref<2x128x128xf32, #tpu.memory_space<hbm>>
    %dma_wait3A_80 = arith.constant 0 : i32
    %dma_wait3A_81 = arith.constant 0 : i32
    %dma_wait3A_82 = arith.constant 0 : i32
    %dma_wait3A_83 = tpu.memref_slice %arg7[%dma_wait3A_68, %dma_wait3A_80, %dma_wait3A_81, %dma_wait3A_82] : memref<2x2x128x128xf32, #tpu.memory_space<vmem>> -> memref<1x2x128x128xf32, #tpu.memory_space<vmem>>
    %dma_wait3A_84 = tpu.memref_squeeze %dma_wait3A_83 : memref<1x2x128x128xf32, #tpu.memory_space<vmem>> -> memref<2x128x128xf32, #tpu.memory_space<vmem>>
    tpu.wait_dma2 semaphore(%arg14 : memref<!tpu.dma_semaphore, #tpu.memory_space<semaphore_mem>>) src(%dma_wait3A_84 : memref<2x128x128xf32, #tpu.memory_space<vmem>>) dst(%dma_wait3A_79 : memref<2x128x128xf32, #tpu.memory_space<hbm>>)
    %add3A_85 = arith.constant 0 : i32
    %add3A_86 = arith.addi %mul3A_6, %add3A_85 : i32
    %dma_wait3A_87 = arith.constant 0 : i32
    %dma_wait3A_88 = arith.constant 0 : i32
    %dma_wait3A_89 = arith.constant 0 : i32
    %dma_wait3A_90 = arith.constant 0 : i32
    %dma_wait3A_91 = tpu.memref_slice %arg7[%dma_wait3A_87, %dma_wait3A_88, %dma_wait3A_89, %dma_wait3A_90] : memref<2x2x128x128xf32, #tpu.memory_space<vmem>> -> memref<1x2x128x128xf32, #tpu.memory_space<vmem>>
    %dma_wait3A_92 = tpu.memref_squeeze %dma_wait3A_91 : memref<1x2x128x128xf32, #tpu.memory_space<vmem>> -> memref<2x128x128xf32, #tpu.memory_space<vmem>>
    %dma_wait3A_93 = arith.constant 0 : i32
    %dma_wait3A_94 = arith.constant 0 : i32
    %dma_wait3A_95 = tpu.memref_slice %arg4[%add3A_86, %dma_wait3A_93, %dma_wait3A_94] : memref<25600x128x128xf32, #tpu.memory_space<hbm>> -> memref<2x128x128xf32, #tpu.memory_space<hbm>>
    %dma_wait3A_96 = arith.constant 0 : i32
    %dma_wait3A_97 = arith.constant 0 : i32
    %dma_wait3A_98 = tpu.memref_slice %arg4[%add3A_86, %dma_wait3A_96, %dma_wait3A_97] : memref<25600x128x128xf32, #tpu.memory_space<hbm>> -> memref<2x128x128xf32, #tpu.memory_space<hbm>>
    %dma_wait3A_99 = arith.constant 0 : i32
    %dma_wait3A_100 = arith.constant 0 : i32
    %dma_wait3A_101 = arith.constant 0 : i32
    %dma_wait3A_102 = tpu.memref_slice %arg7[%dma_wait3A_87, %dma_wait3A_99, %dma_wait3A_100, %dma_wait3A_101] : memref<2x2x128x128xf32, #tpu.memory_space<vmem>> -> memref<1x2x128x128xf32, #tpu.memory_space<vmem>>
    %dma_wait3A_103 = tpu.memref_squeeze %dma_wait3A_102 : memref<1x2x128x128xf32, #tpu.memory_space<vmem>> -> memref<2x128x128xf32, #tpu.memory_space<vmem>>
    tpu.wait_dma2 semaphore(%arg15 : memref<!tpu.dma_semaphore, #tpu.memory_space<semaphore_mem>>) src(%dma_wait3A_103 : memref<2x128x128xf32, #tpu.memory_space<vmem>>) dst(%dma_wait3A_98 : memref<2x128x128xf32, #tpu.memory_space<hbm>>)
    return
  }
}

</mosaic_0001>

<sc_bundles>
// kernel: _run.3.cloned.1.call-start
scs
__scs_entry_jumppad:
0x0: {  	(pc) =	sbr.rel $0x88, $3  }
0x1: {  	(tag) =	ssettag $0x0;
	lr =	simm.s32 $0x1  }
0x2: {  	[smem:$0x3F9F] =	sst lr;
	_ =	strace $0xD0000000  }
0x3: {  	_ = 	snop  }
0x4: {  	_ = 	snop  }
0x5: {  	_ = 	snop  }
0x6: {  	_ = 	snop  }
0x7: {  	_ = 	snop  }
__scs_overlays_trampoline_lowered:
0x8: {  	[smem:$0x3FAE] =	sst s0  }
0x9: {  	[smem:$0x3FAF] =	sst s1  }
0xa: {  	[smem:$0x3FB0] =	sst s2  }
0xb: {  	[smem:$0x3FB1] =	sst s3  }
0xc: {  	[smem:$0x3FB2] =	sst s4  }
0xd: {  	[smem:$0x3FB3] =	sst s5  }
0xe: {  	[smem:$0x3FB4] =	sst s6  }
0xf: {  	[smem:$0x3FB5] =	sst s7  }
0x10: {  	[smem:$0x3FB6] =	sst s8  }
0x11: {  	[smem:$0x3FB7] =	sst s9;
	s0 =	simm.s32 @!p0 $0x0  }
0x12: {  	s1 =	sld [smem:$0x3F9D];
	s0 =	simm.s32 @p0 $0x1  }
0x13: {  	[smem:$0x3FB8] =	sst s0;
	s0 =	simm.s32 @!p1 $0x0  }
0x14: {  	s2 =	sld [smem:$0x3F9C];
	s0 =	simm.s32 @p1 $0x1  }
0x15: {  	[smem:$0x3FB9] =	sst s0;
	s0 =	simm.s32 @!p2 $0x0  }
0x16: {  	s3 =	sld [smem:$0x3FDB];
	s0 =	simm.s32 @p2 $0x1  }
0x17: {  	s4 =	simm.s32 $0x1BF5;
	[smem:$0x3FBB] =	sst s0  }
0x18: {  	s0 =	sld [smem:$0x3F9E];
	_ =	swait.ge [sflag:s4], $0x0  }
0x19: {  	s7 =	sld [smem:$0x3F9F]  }
0x1a: {  	s8 =	sadd.s32 $0xFFFFE003, lr  }
0x1b: {  	s9 =	sadd.s32 $0xFFFFFEF7, lr;
	s5 =	simm.s32 $0xFFFFFFFF;
	p2 =	slt.u32 s8, $0xFFFFF086  }
0x1c: {  	p1 =	slt.u32 s9, $0xF7A;
	s5 =	simm.s32 @!p2 $0x0  }
0x1d: {  	s5 =	simm.s32 @p1 $0x1;
	p0 =	seq.s32 s7, s2  }
0x1e: {  	s7 =	smul.u32 @!p0 $0xF7A, s2;
	p2 =	seq.s32 @!p0 s5, $0x0  }
0x1f: {  	s9 =	smul.u32 $0xF7A, s1;
	s8 =	simm.s32 @!p0 $0x1BF5;
	p2 =	por !p2, p0  }
0x20: {  	[sflag:s8] =	ssyncset.s32 @!p0 $0xFFFFF086;
	s6 =	sadd.s32 @!p0 s3, s7;
	s7 =	simm.s32 @!p0 $0x108  }
0x21: {  	s3 =	sadd.s32 s3, s9;
	s6 =	sadd.s32 @!p0 $0x88, s6;
	s7 =	simm.s32 @p2 $0x1082  }
0x22: {  	[simem:s7], [sflag:s8] =	dma.local @!p0 [hbm:s6], $0xF7A  }
0x23: {  	s9 =	sor.u32 $0xD0000000, s2;
	s6 =	simm.s32 $0x108;
	_ =	swait.ge @!p0 [sflag:s8], $0x0  }
0x24: {  	s3 =	sadd.s32 $0x88, s3;
	s6 =	simm.s32 @!p1 $0x1082;
	[sflag:s4] =	ssyncset.s32 $0xFFFFF086  }
0x25: {  	[simem:s6], [sflag:s4] =	dma.local [hbm:s3], $0xF7A  }
0x26: {  	[smem:$0x3F9F] =	sst s1;
	(tag) =	ssettag s2;
	_ =	strace s9  }
0x27: {  	s1 =	sld [smem:$0x3FAF]  }
0x28: {  	s2 =	sld [smem:$0x3FB0]  }
0x29: {  	s4 =	sld [smem:$0x3FB2]  }
0x2a: {  	p0 =	seq.s32 s5, $0x0;
	s5 =	sld [smem:$0x3FB3]  }
0x2b: {  	s6 =	sld [smem:$0x3FB4]  }
0x2c: {  	s7 =	sld [smem:$0x3FB5]  }
0x2d: {  	s3 =	simm.s32 $0x108;
	s8 =	sld [smem:$0x3FB6]  }
0x2e: {  	s3 =	simm.s32 @!p0 $0x1082;
	s9 =	sld [smem:$0x3FB7]  }
0x2f: {  	lr =	sadd.s32 s0, s3;
	s0 =	sld [smem:$0x3FAE]  }
0x30: {  	s3 =	sld [smem:$0x3FB1]  }
0x31: {  	[smem:$0x3FBA] =	sst s10  }
0x32: {  	s10 =	sld [smem:$0x3FB8];
	_ =	sdelay $0x3  }
0x33: {  	p0 =	seq.s32 s10, $0x1;
	s10 =	sld [smem:$0x3FBA];
	_ =	sdelay $0x3  }
0x34: {  	[smem:$0x3FBA] =	sst s10  }
0x35: {  	s10 =	sld [smem:$0x3FB9];
	_ =	sdelay $0x3  }
0x36: {  	p1 =	seq.s32 s10, $0x1;
	s10 =	sld [smem:$0x3FBA];
	_ =	sdelay $0x3  }
0x37: {  	[smem:$0x3FBA] =	sst s10  }
0x38: {  	s10 =	sld [smem:$0x3FBB]  }
0x39: {  	_ = 	snop;
	(pc) =	sbr.ind lr, $3  }
0x3a: {  	_ = 	snop  }
0x3b: {  	_ = 	snop  }
0x3c: {  	p2 =	seq.s32 s10, $0x1;
	s10 =	sld [smem:$0x3FBA]  }
0x3d: {  	_ =	shalt  }
0x3e: {  	_ =	shalt  }
0x3f: {  	_ =	shalt  }
0x40: {  	_ =	shalt  }
0x41: {  	_ =	shalt  }
0x42: {  	_ =	shalt  }
0x43: {  	_ =	shalt  }
0x44: {  	_ =	shalt  }
0x45: {  	_ =	shalt  }
0x46: {  	_ =	shalt  }
0x47: {  	_ =	shalt  }
0x48: {  	_ =	shalt  }
0x49: {  	_ =	shalt  }
0x4a: {  	_ =	shalt  }
0x4b: {  	_ =	shalt  }
0x4c: {  	_ =	shalt  }
0x4d: {  	_ =	shalt  }
0x4e: {  	_ =	shalt  }
0x4f: {  	_ =	shalt  }
0x50: {  	_ =	shalt  }
0x51: {  	_ =	shalt  }
0x52: {  	_ =	shalt  }
0x53: {  	_ =	shalt  }
0x54: {  	_ =	shalt  }
0x55: {  	_ =	shalt  }
0x56: {  	_ =	shalt  }
0x57: {  	_ =	shalt  }
0x58: {  	_ =	shalt  }
0x59: {  	_ =	shalt  }
0x5a: {  	_ =	shalt  }
0x5b: {  	_ =	shalt  }
0x5c: {  	_ =	shalt  }
0x5d: {  	_ =	shalt  }
0x5e: {  	_ =	shalt  }
0x5f: {  	_ =	shalt  }
0x60: {  	_ =	shalt  }
0x61: {  	_ =	shalt  }
0x62: {  	_ =	shalt  }
0x63: {  	_ =	shalt  }
0x64: {  	_ =	shalt  }
0x65: {  	_ =	shalt  }
0x66: {  	_ =	shalt  }
0x67: {  	_ =	shalt  }
0x68: {  	_ =	shalt  }
0x69: {  	_ =	shalt  }
0x6a: {  	_ =	shalt  }
0x6b: {  	_ =	shalt  }
0x6c: {  	_ =	shalt  }
0x6d: {  	_ =	shalt  }
0x6e: {  	_ =	shalt  }
0x6f: {  	_ =	shalt  }
0x70: {  	_ =	shalt  }
0x71: {  	_ =	shalt  }
0x72: {  	_ =	shalt  }
0x73: {  	_ =	shalt  }
0x74: {  	_ =	shalt  }
0x75: {  	_ =	shalt  }
0x76: {  	_ =	shalt  }
0x77: {  	_ =	shalt  }
0x78: {  	_ =	shalt  }
0x79: {  	_ =	shalt  }
0x7a: {  	_ =	shalt  }
0x7b: {  	_ =	shalt  }
0x7c: {  	_ =	shalt  }
0x7d: {  	_ =	shalt  }
0x7e: {  	_ =	shalt  }
0x7f: {  	_ =	shalt  }
0x80: {  	_ =	shalt  }
0x81: {  	_ =	shalt  }
0x82: {  	_ =	shalt  }
0x83: {  	_ =	shalt  }
0x84: {  	_ =	shalt  }
0x85: {  	_ =	shalt  }
0x86: {  	_ =	shalt  }
0x87: {  	_ =	shalt  }
.Lfunc_end0:
.L_simem_size_0:
called_computation_lowered:
.L_overlay_start_0:
0x88: {  	s2 =	sld [smem:$0x3FD9]  }
0x89: {  	s3 =	sld [smem:$0x3FFE];
	_ =	sdelay $0x1  }
0x8a: {  	s1 =	srdreg.scid  }
0x8b: {  	s0 =	sand.u32 $0x1, s1  }
0x8c: {  	s18 =	sshll.u32 s0, $0xA;
	s2 =	sadd.s32 s3, s2  }
0x8d: {  	s2 =	sadd.s32 s2, s18  }
0x8e: {  	[smem:$0x3FC6] =	sst s2  }
0x8f: {  	_ = 	snop  }
0x90: {  	s2 =	sld [smem:$0x3FC9]  }
0x91: {  	s19 =	sld [smem:$0x3FC8]  }
0x92: {  	s4 =	sld [smem:$0x3FD0];
	(tm) =	ssettm $0x1  }
0x93: {  	s5 =	sld [smem:$0x3FFB];
	_ =	sdelay $0x3  }
0x94: {  	_ =	strace s5  }
0x95: {  	s5 =	sld [smem:$0x3FFC];
	_ =	sdelay $0x3  }
0x96: {  	_ =	strace s5  }
0x97: {  	s5 =	sld [smem:$0x3FFD];
	_ =	sdelay $0x3  }
0x98: {  	_ =	strace s5  }
0x99: {  	_ =	strace $0x8FFFFFFF  }
0x9a: {  	s20 =	sld [smem:$0x3FDB];
	_ =	sdelay $0x1  }
0x9b: {  	s6 =	simm.s32 $_scs_section_size  }
0x9c: {  	s7 =	simm.s32 $_size__tile_overlayer_lowered;
	s8 =	simm.s32 $_tile_overlayer_lowered  }
0x9d: {  	s23 =	simm.s32 $0x1BFF;
	s22 =	sshll.u32 s8, $0x1;
	s5 =	sadd.s32 s6, s20  }
0x9e: {  	s9 =	simm.s32 $0x0;
	s21 =	sshll.u32 s7, $0x1;
	s7 =	sadd.s32 s22, s5  }
0x9f: {  	[timem:s9], [sflag:s23] =	dma.local [hbm:s7], s21  }
0xa0: {  	_ =	swait.ge [sflag:s23], s21  }
0xa1: {  	s6 =	ssub.s32 $0x0, s21;
	[sflag:s23] =	ssyncset.done $0x0  }
0xa2: {  	[sflag:s23] =	ssyncadd.s32 s6;
	_ =	sdelay $0x1  }
0xa3: {  	s24 =	simm.s32 $0x1B8B  }
0xa4: {  	_ =	swait.ge [sflag:s24], $0x1  }
0xa5: {  	[sflag:s24] =	ssyncset.done $0x0  }
0xa6: {  	s25 =	simm.s32 $0x1B8E;
	[sflag:s24] =	ssyncadd.s32 $0xFFFFFFFF  }
0xa7: {  	s26 =	simm.s32 $execute0_lowered;
	[smem:$0x3FD2] =	sst s25  }
0xa8: {  	s6 =	sshll.u32 s26, $0x1;
	_ =	strace $0x80000046;
	[dreg:$0x1] =	wrdreg $0xFFFFFFFF  }
0xa9: {  	s28 =	simm.s32 $_size_execute0_lowered;
	s5 =	sadd.s32 s5, s6;
	[dreg:$0x0] =	wrdreg $0x0  }
0xaa: {  	s6 =	sshll.u32 s28, $0x1;
	[dreg:$0x2] =	wrdreg s5  }
0xab: {  	[dreg:$0x3] =	wrdreg s6  }
0xac: {  	[dreg:$0x4] =	wrdreg $0xC0  }
0xad: {  	_ =	task [dreg:s9], $0x5FFFF  }
0xae: {  	[dreg:$0x1] =	wrdreg $0xFFFFFFFF  }
0xaf: {  	[dreg:$0x0] =	wrdreg $0x60  }
0xb0: {  	[dreg:$0x2] =	wrdreg s2  }
0xb1: {  	[dreg:$0x3] =	wrdreg s19  }
0xb2: {  	[dreg:$0x4] =	wrdreg s4  }
0xb3: {  	[dreg:$0x5] =	wrdreg $0x0  }
0xb4: {  	[dreg:$0x6] =	wrdreg $0x9  }
0xb5: {  	_ =	task.clear_ibuf [dreg:s9], $0x7FFFF;
	_ =	strace $0x90000046  }
0xb6: {  	s29 =	simm.s32 $0x9;
	_ =	strace $0x80000048  }
0xb7: {  	_ =	swait.ge [sflag:s29], $0x1  }
0xb8: {  	[sflag:s29] =	ssyncadd.s32 $0xFFFFFFFF  }
0xb9: {  	_ =	strace $0x90000048  }
0xba: {  	_ =	sfence  }
0xbb: {  	s30 =	sld [smem:$0x0];
	_ =	sdelay $0x2  }
0xbc: {  	s31 =	sshll.u32 s1, $0xD;
	s1 =	sshrl.u32 s1, $0x2  }
0xbd: {  	s3 =	sand.u32 $0x4000, s31;
	s1 =	sadd.s32 s1, s30  }
0xbe: {  	s0 =	sor.u32 s3, s0;
	s1 =	sshll.u32 s1, $0x11  }
0xbf: {  	s0 =	sor.u32 s1, s0  }
0xc0: {  	s0 =	sadd.s32 $0x8F2B, s0  }
0xc1: {  	[sflag:s0] =	ssyncadd.remote.s32 $0x1  }
0xc2: {  	_ =	sfence.sel $0xFFFF  }
0xc3: {  	[dreg:$0x0] =	wrdreg $0xFFFFFFFF;
	(pc) =	sbr.abs _section_cstart, $3  }
0xc4: {  	[dreg:$0x1] =	wrdreg $0xFFFFFFFF  }
0xc5: {  	_ =	task.clear_ibuf [dreg:s9], $0x2FFFF;
	_ =	strace $0x9FFFFFFF  }
0xc6: {  	(tm) =	ssettm $0x7FFFFFFF  }
0xc7: {  	_ =	shalt  }
tec
execute0_lowered:
.L_overlay_start_1:
0x0: {  	(tag) =	ssettag $0x1  }
0x1: {  	s0 =	srdreg.scid;
	s1 =	stileid.u32  }
0x2: {  	s0 =	sand.u32 $0x1, s0;
	s2 =	sshll.u32 s1, $0x1  }
0x3: {  	s6 =	rddreg [dreg:$0x0];
	s2 =	sor.u32 s0, s2  }
0x4: {  	s7 =	rddreg [dreg:$0x2];
	s9 =	simm.s32 $0x0;
	s3 =	smul.u32 $0x19000, s2  }
0x5: {  	[smem:$0x7FF] =	sst s9;
	s10 =	smul.u32 $0x320, s2  }
0x6: {  	s8 =	rddreg [dreg:$0x3];
	s0 =	ssub.s32 $0x2, s0;
	_ =	strace $0x80000047  }
0x7: {  	s4 =	sshrl.u32 s0, $0x1;
	s20 =	sor.u32 $0x400, s3;
	[smem:$0x7F2] =	sst s10  }
0x8: {  	s5 =	smul.u32 $0xC80000, s2;
	s21 =	sor.u32 $0x2, s10;
	[smem:$0x7EF] =	sst s20  }
0x9: {  	s2 =	smul.u32 $0x190000, s2;
	s22 =	sor.u32 $0x4, s10;
	[smem:$0x7F0] =	sst s21  }
0xa: {  	s0 =	ssub.s32 s0, s4;
	s23 =	sadd.s32 $0x3FFFE, s10;
	[smem:$0x7F1] =	sst s22  }
0xb: {  	s19 =	sshrl.u32 s3, $0x3;
	s3 =	sor.u32 $0x800, s3;
	[smem:$0x7F3] =	sst s23  }
0xc: {  	s0 =	smax.u32 s0, $0x1;
	[smem:$0x7F4] =	sst s3  }
0xd: {  	p0 =	sne.s32 s1, $0x0;
	s26 =	sadd.s32 $0x1FFFF000, s2;
	[smem:$0x7F6] =	sst s0  }
0xe: {  	s24 =	sshrl.u32 s5, $0x3;
	[smem:$0x7F7] =	sst s26;
	s0 =	sshrl.u32 @!p0 s8, $0x3  }
0xf: {  	s6 =	sadd.s32 s6, s19;
	s25 =	sadd.s32 s7, s24;
	[smem:$0x7F8] =	sst s0  }
0x10: {  	s3 =	sadd.s32 $0x18F000, s25;
	[smem:$0x7FC] =	sst s6  }
0x11: {  	v0 =	vimm.s32 $0xECA86420;
	vm0 =	vcmask $0xB08;
	s28 =	sadd.s32 $0x10, s6;
	[smem:$0x7F5] =	sst s3  }
0x12: {  	vm1 =	vcmask $0x1310;
	vm2 =	vcmask $0x1B18;
	vm3 =	vcmask $0x300;
	s29 =	sadd.s32 $0x20, s6;
	[smem:$0x7F9] =	sst s28  }
0x13: {  	vm4 =	vcmask $0x2320;
	vm5 =	vcmask $0x2B28;
	v0 =	vunpack.c.l.s4.s8 v0;
	s30 =	sadd.s32 $0x30, s6;
	[smem:$0x7FA] =	sst s29  }
0x14: {  	vm6 =	vcmask $0x3330;
	v1 =	vlaneseq.u32;
	vm7 =	vcmask $0x3B38;
	s31 =	sadd.s32 $0x40, s6;
	[smem:$0x7FB] =	sst s30  }
0x15: {  	vm8 =	vmmov $0xff;
	v1 =	vmul.u32 $0x2, v1;
	v0 =	vunpack.c.0.s8.s32 v0;
	s2 =	simm.s32 $0x0;
	[smem:$0x7FD] =	sst s31  }
.LBB2_1:
0x16: {  	[smem:$0x7ED] =	sst s2  }
0x17: {  	s2 =	sld [smem:$0x7F8];
	_ =	sdelay $0x1  }
0x18: {  	s0 =	simm.s32 @!p0 $0x1C09;
	s1 =	rddreg [dreg:$0x1]  }
0x19: {  	[spmem:s2], [sflag:s0] =	dma.local @!p0 [hbm:s1], $0x30  }
0x1a: {  	s0 =	simm.s32 @!p0 $0x9  }
0x1b: {  	_ =	swait.ge @!p0 [sflag:s0], $0x30  }
0x1c: {  	[sflag:s0] =	ssyncset.done @!p0 $0x0  }
0x1d: {  	[sflag:s0] =	ssyncadd.s32 @!p0 $0xFFFFFFD0  }
0x1e: {  	[bflag:$0x0] =	sbarrier.arrive $0xFFFF  }
0x1f: {  	s14 =	sld [smem:$0x7FC];
	_ =	sdelay $0x1  }
0x20: {  	s15 =	simm.s32 $0x18;
	s16 =	sld [smem:$0x7F9]  }
0x21: {  	[tilespmem:s15], [sflag:$0x1] =	stream.linear.gather [hbm4b:s14+s9], $0x80, $0x38;
	[tilespmem:$0x10818] =	vst v63  }
0x22: {  	s17 =	simm.s32 $0x118;
	s18 =	sld [smem:$0x7FA]  }
0x23: {  	[tilespmem:s17], [sflag:$0x1] =	stream.linear.gather [hbm4b:s16+s9], $0x80, $0x38;
	[tilespmem:$0x10818] =	vst v63  }
0x24: {  	s19 =	simm.s32 $0x218;
	s20 =	sld [smem:$0x7FB]  }
0x25: {  	[tilespmem:s19], [sflag:$0x1] =	stream.linear.gather [hbm4b:s18+s9], $0x80, $0x38;
	[tilespmem:$0x10818] =	vst v63  }
0x26: {  	s21 =	simm.s32 $0x318;
	s22 =	sld [smem:$0x7FD]  }
0x27: {  	[tilespmem:s21], [sflag:$0x1] =	stream.linear.gather [hbm4b:s20+s9], $0x80, $0x38;
	[tilespmem:$0x10818] =	vst v63  }
0x28: {  	s23 =	simm.s32 $0x418  }
0x29: {  	[tilespmem:s23], [sflag:$0x1] =	stream.linear.gather [hbm4b:s22+s9], $0x80, $0x38;
	[tilespmem:$0x10818] =	vst v63  }
0x2a: {  	s25 =	simm.s32 $0x518;
	s24 =	sadd.s32 $0x50, s14  }
0x2b: {  	[tilespmem:s25], [sflag:$0x1] =	stream.linear.gather [hbm4b:s24+s9], $0x80, $0x38;
	[tilespmem:$0x10818] =	vst v63  }
0x2c: {  	s28 =	simm.s32 $0x618;
	s31 =	simm.s32 $0x0;
	s26 =	sadd.s32 $0x60, s14  }
0x2d: {  	[tilespmem:s28], [sflag:$0x1] =	stream.linear.gather [hbm4b:s26+s9], $0x80, $0x38;
	[tilespmem:$0x10818] =	vst v63  }
0x2e: {  	s30 =	simm.s32 $0x718;
	[smem:$0x7EE] =	sst s31;
	s29 =	sadd.s32 $0x70, s14  }
0x2f: {  	[tilespmem:s30], [sflag:$0x1] =	stream.linear.gather [hbm4b:s29+s9], $0x80, $0x38;
	[tilespmem:$0x10818] =	vst v63  }
.LBB2_2:
0x30: {  	s0 =	simm.s32 $0x1  }
0x31: {  	_ =	swait.ge [sflag:s0], $0x400  }
0x32: {  	[sflag:s0] =	ssyncset.done $0x0  }
0x33: {  	s21 =	simm.s32 $0x0;
	[sflag:s0] =	ssyncadd.s32 $0xFFFFFC00  }
0x34: {  	v2 =	vld [tilespmem:s21+$0x18];
	_ =	sdelay $0x4  }
0x35: {  	(v2sf) =	vpush v2, $0x8  }
0x36: {  	(v2sf) =	vpush v2, $0xC  }
0x37: {  	(v2sf) =	vpush v2, $0x0  }
0x38: {  	(v2sf) =	vpush v2, $0x2  }
0x39: {  	(v2sf) =	vpush v2, $0x3  }
0x3a: {  	(v2sf) =	vpush v2, $0xD;
	_ =	sdelay $0x1  }
0x3b: {  	(v2sf) =	vpush v2, $0x4  }
0x3c: {  	(v2sf) =	vpush v2, $0x9  }
0x3d: {  	(v2sf) =	vpush v2, $0xE  }
0x3e: {  	(v2sf) =	vpush v2, $0xA  }
0x3f: {  	(v2sf) =	vpush v2, $0xF  }
0x40: {  	(v2sf) =	vpush v2, $0xB;
	_ =	sdelay $0x1  }
0x41: {  	(v2sf) =	vpush v2, $0x5  }
0x42: {  	s22 =	spop (v2sf)  }
0x43: {  	(v2sf) =	vpush v2, $0x1;
	s9 =	spop (v2sf)  }
0x44: {  	s1 =	smulhi.u32 $0x55555556, s22;
	s2 =	spop (v2sf)  }
0x45: {  	(v2sf) =	vpush v2, $0x6;
	s6 =	smulhi.u32 $0x55555556, s2;
	s3 =	spop (v2sf)  }
0x46: {  	(v2sf) =	vpush v2, $0x7;
	s2 =	sshra.s32 s2, $0x1F;
	s4 =	spop (v2sf);
	s5 =	smulhi.u32 $0x55555556, s3  }
0x47: {  	s7 =	smul.u32 $0x55555556, s2;
	s2 =	sshra.s32 s22, $0x1F;
	s24 =	spop (v2sf)  }
0x48: {  	s22 =	sshra.s32 s3, $0x1F;
	s16 =	smulhi.u32 $0x55555556, s4;
	[dreg:$0xf] =	wrdreg s5  }
0x49: {  	s20 =	sshra.s32 s4, $0x1F;
	s11 =	spop (v2sf);
	s23 =	smulhi.u32 $0x55555556, s24  }
0x4a: {  	s3 =	sshra.s32 s24, $0x1F;
	s25 =	spop (v2sf);
	s15 =	smulhi.u32 $0x55555556, s11  }
0x4b: {  	s29 =	sadd.s32 s7, s6;
	s13 =	spop (v2sf);
	s12 =	smulhi.u32 $0x55555556, s25  }
0x4c: {  	s0 =	sshra.s32 s25, $0x1F;
	s8 =	spop (v2sf);
	s10 =	smulhi.u32 $0x55555556, s13  }
0x4d: {  	s0 =	smul.u32 $0x55555556, s0;
	s28 =	sshra.s32 s13, $0x1F;
	s4 =	spop (v2sf)  }
0x4e: {  	s19 =	smulhi.u32 $0x55555556, s8;
	s24 =	sshra.s32 s8, $0x1F;
	s5 =	spop (v2sf)  }
0x4f: {  	s17 =	sshra.s32 s4, $0x1F;
	s21 =	sadd.s32 s0, s12;
	s12 =	smul.u32 $0x55555556, s24  }
0x50: {  	s13 =	simm.s32 $0x40;
	s18 =	spop (v2sf);
	s31 =	smul.u32 $0x55555556, s17  }
0x51: {  	s24 =	sshra.s32 s11, $0x1F;
	s17 =	sshrl.u32 s29, $0x1F;
	s6 =	smulhi.u32 $0x55555556, s18  }
0x52: {  	s8 =	spop (v2sf);
	s14 =	sshra.s32 s18, $0x1F;
	v3 =	vmov s17;
	s17 =	smulhi.u32 $0x55555556, s9  }
0x53: {  	v4 =	vmov s29;
	s29 =	sshrl.u32 s21, $0x1F;
	s26 =	sshra.s32 s8, $0x1F;
	s25 =	smul.u32 $0x55555556, s14  }
0x54: {  	s14 =	simm.s32 $0x0;
	s7 =	spop (v2sf);
	s26 =	smul.u32 $0x55555556, s26  }
0x55: {  	[dreg:$0xd] =	wrdreg s14;
	s11 =	spop (v2sf);
	s30 =	sshra.s32 s7, $0x1F  }
0x56: {  	v3 =	vnsel vm3, $0x0, v3;
	s18 =	smulhi.u32 $0x55555556, s11;
	s0 =	sshra.s32 s11, $0x1F;
	s11 =	sshra.s32 s5, $0x1F  }
.LBB2_3:
0x57: {  	s14 =	smulhi.u32 $0x55555556, s4  }
0x58: {  	s8 =	smulhi.u32 $0x55555556, s8  }
0x59: {  	s11 =	smul.u32 $0x55555556, s11  }
0x5a: {  	s2 =	smul.u32 $0x55555556, s2  }
0x5b: {  	s5 =	smulhi.u32 $0x55555556, s5  }
0x5c: {  	s9 =	sshra.s32 s9, $0x1F;
	s3 =	smul.u32 $0x55555556, s3  }
0x5d: {  	s12 =	sadd.s32 s12, s19;
	s19 =	smul.u32 $0x55555556, s9;
	s6 =	sadd.s32 s25, s6  }
0x5e: {  	s14 =	sadd.s32 s31, s14;
	s1 =	sadd.s32 s2, s1;
	s8 =	sadd.s32 s26, s8  }
0x5f: {  	v4 =	vnsel vm3, $0x0, v4;
	s9 =	sshrl.u32 s12, $0x1F;
	s3 =	sadd.s32 s3, s23;
	s26 =	smul.u32 $0x55555556, s28  }
0x60: {  	s5 =	sadd.s32 s11, s5;
	v5 =	vmov s1;
	v4 =	vsel vm0, s8, v4;
	s2 =	sshrl.u32 s8, $0x1F;
	s17 =	sadd.s32 s19, s17  }
0x61: {  	s1 =	sshrl.u32 s1, $0x1F;
	s23 =	sshrl.u32 s3, $0x1F;
	v5 =	vsel vm0, s21, v5;
	v3 =	vsel vm0, s2, v3;
	s21 =	smul.u32 $0x55555556, s22;
	v6 =	vmov s17  }
0x62: {  	s19 =	sshrl.u32 s5, $0x1F;
	s22 =	smul.u32 $0x55555556, s20;
	v7 =	vmov s1;
	s2 =	sshrl.u32 s17, $0x1F;
	v5 =	vsel vm1, s12, v5;
	v6 =	vsel vm0, s3, v6  }
0x63: {  	s25 =	sadd.s32 s26, s10;
	s26 =	rddreg [dreg:$0xf];
	s17 =	smul.u32 $0x55555556, s24;
	v7 =	vsel vm0, s29, v7;
	v8 =	vmov s2;
	v5 =	vsel vm2, s5, v5  }
0x64: {  	s24 =	sshrl.u32 s14, $0x1F;
	s1 =	sshrl.u32 s25, $0x1F;
	v6 =	vsel vm1, s25, v6;
	s8 =	sadd.s32 s21, s26;
	v7 =	vsel vm1, s9, v7;
	v8 =	vsel vm0, s23, v8  }
0x65: {  	s20 =	sadd.s32 s22, s16;
	s23 =	smul.u32 $0x55555556, s30;
	v6 =	vsel vm2, s14, v6;
	s21 =	sshrl.u32 s8, $0x1F;
	v4 =	vsel vm1, s8, v4;
	v8 =	vsel vm1, s1, v8  }
0x66: {  	s22 =	sadd.s32 s17, s15;
	s25 =	smulhi.u32 $0x55555556, s7;
	v7 =	vsel vm2, s19, v7;
	s26 =	sshrl.u32 s20, $0x1F;
	v4 =	vsel vm2, s20, v4;
	v3 =	vsel vm1, s21, v3  }
0x67: {  	s0 =	smul.u32 $0x55555556, s0;
	s5 =	sshrl.u32 s22, $0x1F;
	v8 =	vsel vm2, s24, v8;
	v4 =	vsel vm4, s22, v4;
	v3 =	vsel vm2, s26, v3  }
0x68: {  	s3 =	sshrl.u32 s6, $0x1F;
	v5 =	vcombine.low v5, v6;
	s2 =	sadd.s32 s23, s25;
	v4 =	vsel vm5, s6, v4;
	v3 =	vsel vm4, s5, v3  }
0x69: {  	s0 =	sadd.s32 s0, s18;
	v7 =	vcombine.low v7, v8;
	s6 =	sshrl.u32 s2, $0x1F;
	v4 =	vsel vm6, s2, v4;
	v3 =	vsel vm5, s3, v3  }
0x6a: {  	v4 =	vsel vm7, s0, v4;
	v3 =	vsel vm6, s6, v3;
	s0 =	sshrl.u32 s0, $0x1F  }
0x6b: {  	v5 =	vperm.xlane v5, v0;
	v6 =	vperm.xlane v7, v0;
	v3 =	vsel vm7, s0, v3  }
0x6c: {  	v4 =	vperm.xlane v4, v1;
	v3 =	vperm.xlane v3, v1;
	_ =	sdelay $0x1  }
0x6d: {  	v4 =	vsel vm8, v4, v5;
	v3 =	vsel vm8, v3, v6  }
0x6e: {  	v3 =	vadd.s32 v3, v4  }
0x6f: {  	v3 =	vmul.u32 $0x3, v3  }
0x70: {  	s4 =	smov.u32 s13  }
0x71: {  	s7 =	sshra.s32 s4, $0x2;
	s8 =	rddreg [dreg:$0xd];
	v2 =	vsub.s32 v2, v3  }
0x72: {  	s9 =	smov.u32 s7;
	[tilespmem:s8+$0x18] =	vst v2  }
0x73: {  	v2 =	vld [tilespmem:s9+$0x18];
	_ =	sdelay $0x4  }
0x74: {  	(v2sf) =	vpush v2, $0x8  }
0x75: {  	(v2sf) =	vpush v2, $0xC  }
0x76: {  	(v2sf) =	vpush v2, $0x0  }
0x77: {  	(v2sf) =	vpush v2, $0x2  }
0x78: {  	(v2sf) =	vpush v2, $0x3  }
0x79: {  	(v2sf) =	vpush v2, $0xD;
	_ =	sdelay $0x1  }
0x7a: {  	(v2sf) =	vpush v2, $0x4  }
0x7b: {  	(v2sf) =	vpush v2, $0x9  }
0x7c: {  	(v2sf) =	vpush v2, $0xE;
	_ =	sdelay $0x1  }
0x7d: {  	(v2sf) =	vpush v2, $0xA  }
0x7e: {  	(v2sf) =	vpush v2, $0xF;
	_ =	sdelay $0x1  }
0x7f: {  	(v2sf) =	vpush v2, $0xB  }
0x80: {  	[dreg:$0xd] =	wrdreg s9;
	(v2sf) =	vpush v2, $0x5;
	s10 =	spop (v2sf)  }
0x81: {  	(v2sf) =	vpush v2, $0x1;
	s9 =	spop (v2sf);
	s1 =	smulhi.u32 $0x55555556, s10  }
0x82: {  	p1 =	sne.s32 s13, $0x1C0;
	(v2sf) =	vpush v2, $0x6;
	s17 =	smulhi.u32 $0x55555556, s9;
	s11 =	spop (v2sf)  }
0x83: {  	s13 =	sadd.s32 $0x40, s13;
	(v2sf) =	vpush v2, $0x7;
	s6 =	smulhi.u32 $0x55555556, s11;
	s14 =	spop (v2sf)  }
0x84: {  	s12 =	sshra.s32 s11, $0x1F;
	s15 =	spop (v2sf);
	s3 =	smulhi.u32 $0x55555556, s14  }
0x85: {  	s2 =	sshra.s32 s10, $0x1F;
	s7 =	smul.u32 $0x55555556, s12;
	s16 =	spop (v2sf)  }
0x86: {  	s22 =	sshra.s32 s14, $0x1F;
	[dreg:$0xf] =	wrdreg s3;
	s23 =	smulhi.u32 $0x55555556, s16  }
0x87: {  	s3 =	sshra.s32 s16, $0x1F;
	s18 =	spop (v2sf);
	s16 =	smulhi.u32 $0x55555556, s15  }
0x88: {  	s20 =	sshra.s32 s15, $0x1F;
	s19 =	spop (v2sf);
	s15 =	smulhi.u32 $0x55555556, s18  }
0x89: {  	s6 =	sadd.s32 s7, s6;
	s21 =	spop (v2sf);
	s14 =	smulhi.u32 $0x55555556, s19  }
0x8a: {  	s24 =	sshra.s32 s18, $0x1F;
	s8 =	sshra.s32 s19, $0x1F;
	s10 =	smulhi.u32 $0x55555556, s21  }
0x8b: {  	s28 =	sshra.s32 s21, $0x1F;
	s25 =	spop (v2sf);
	s21 =	smul.u32 $0x55555556, s8  }
0x8c: {  	s12 =	sshra.s32 s25, $0x1F;
	s4 =	spop (v2sf);
	s19 =	smulhi.u32 $0x55555556, s25  }
0x8d: {  	s7 =	sshrl.u32 s6, $0x1F;
	s26 =	sshra.s32 s4, $0x1F;
	s12 =	smul.u32 $0x55555556, s12  }
0x8e: {  	s5 =	spop (v2sf);
	s21 =	sadd.s32 s21, s14;
	s31 =	smul.u32 $0x55555556, s26  }
.Ltmp0:
0x8f: {  	s11 =	sshra.s32 s5, $0x1F;
	s18 =	spop (v2sf);
	(pc) =	sbr.rel @p1 .LBB2_3-.Ltmp0, $4  }
0x90: {  	v4 =	vmov s6;
	s25 =	sshra.s32 s18, $0x1F;
	s8 =	spop (v2sf);
	s6 =	smulhi.u32 $0x55555556, s18  }
0x91: {  	v3 =	vmov s7;
	s26 =	sshra.s32 s8, $0x1F;
	s25 =	smul.u32 $0x55555556, s25;
	s7 =	spop (v2sf)  }
0x92: {  	s29 =	sshrl.u32 s21, $0x1F;
	s26 =	smul.u32 $0x55555556, s26;
	s0 =	spop (v2sf)  }
0x93: {  	v3 =	vnsel vm3, $0x0, v3;
	s30 =	sshra.s32 s7, $0x1F;
	s18 =	smulhi.u32 $0x55555556, s0;
	s0 =	sshra.s32 s0, $0x1F  }
0x94: {  	s4 =	smulhi.u32 $0x55555556, s4  }
0x95: {  	s8 =	smulhi.u32 $0x55555556, s8  }
0x96: {  	s2 =	smul.u32 $0x55555556, s2  }
0x97: {  	s11 =	smul.u32 $0x55555556, s11  }
0x98: {  	s12 =	sadd.s32 s12, s19;
	s19 =	smul.u32 $0x55555556, s3  }
0x99: {  	s5 =	smulhi.u32 $0x55555556, s5  }
0x9a: {  	s14 =	sshra.s32 s9, $0x1F;
	s13 =	smul.u32 $0x55555556, s28  }
0x9b: {  	s22 =	smul.u32 $0x55555556, s22;
	s9 =	sshrl.u32 s12, $0x1F;
	s4 =	sadd.s32 s31, s4  }
0x9c: {  	v4 =	vnsel vm3, $0x0, v4;
	s1 =	sadd.s32 s2, s1;
	s26 =	sadd.s32 s26, s8;
	s8 =	smul.u32 $0x55555556, s14  }
0x9d: {  	s2 =	sadd.s32 s19, s23;
	v5 =	vmov s1;
	s19 =	sshrl.u32 s26, $0x1F;
	v4 =	vsel vm0, s26, v4;
	s1 =	sshrl.u32 s1, $0x1F  }
0x9e: {  	s5 =	sadd.s32 s11, s5;
	s23 =	smul.u32 $0x55555556, s20;
	v5 =	vsel vm0, s21, v5;
	v3 =	vsel vm0, s19, v3;
	s21 =	sadd.s32 s8, s17;
	v7 =	vmov s1  }
0x9f: {  	s20 =	smul.u32 $0x55555556, s24;
	s19 =	rddreg [dreg:$0xf];
	v5 =	vsel vm1, s12, v5;
	v6 =	vmov s21;
	s14 =	sshrl.u32 s21, $0x1F;
	v7 =	vsel vm0, s29, v7  }
0xa0: {  	s26 =	sshrl.u32 s2, $0x1F;
	s17 =	sadd.s32 s13, s10;
	s3 =	sadd.s32 s22, s19;
	v5 =	vsel vm2, s5, v5;
	v6 =	vsel vm0, s2, v6;
	v8 =	vmov s14  }
0xa1: {  	s24 =	sadd.s32 s20, s15;
	s21 =	sshrl.u32 s5, $0x1F;
	s22 =	sadd.s32 s23, s16;
	v7 =	vsel vm1, s9, v7;
	v4 =	vsel vm1, s3, v4;
	v6 =	vsel vm1, s17, v6  }
0xa2: {  	s10 =	smulhi.u32 $0x55555556, s7;
	s2 =	sshrl.u32 s17, $0x1F;
	s23 =	sshrl.u32 s3, $0x1F;
	v8 =	vsel vm0, s26, v8;
	v7 =	vsel vm2, s21, v7;
	v4 =	vsel vm2, s22, v4  }
0xa3: {  	s11 =	sshrl.u32 s22, $0x1F;
	s26 =	smul.u32 $0x55555556, s30;
	v3 =	vsel vm1, s23, v3;
	v6 =	vsel vm2, s4, v6;
	v8 =	vsel vm1, s2, v8;
	s4 =	sshrl.u32 s4, $0x1F  }
0xa4: {  	s0 =	smul.u32 $0x55555556, s0;
	s12 =	sadd.s32 s25, s6;
	s13 =	sshrl.u32 s24, $0x1F;
	v4 =	vsel vm4, s24, v4;
	v3 =	vsel vm2, s11, v3;
	v8 =	vsel vm2, s4, v8  }
0xa5: {  	s14 =	sshrl.u32 s12, $0x1F;
	v4 =	vsel vm5, s12, v4;
	s1 =	sadd.s32 s26, s10;
	v3 =	vsel vm4, s13, v3;
	v5 =	vcombine.low v5, v6  }
0xa6: {  	s0 =	sadd.s32 s0, s18;
	v7 =	vcombine.low v7, v8;
	v4 =	vsel vm6, s1, v4;
	v3 =	vsel vm5, s14, v3;
	s1 =	sshrl.u32 s1, $0x1F  }
0xa7: {  	v4 =	vsel vm7, s0, v4;
	v3 =	vsel vm6, s1, v3;
	s0 =	sshrl.u32 s0, $0x1F  }
0xa8: {  	v5 =	vperm.xlane v5, v0;
	v6 =	vperm.xlane v7, v0;
	v3 =	vsel vm7, s0, v3  }
0xa9: {  	v4 =	vperm.xlane v4, v1;
	v3 =	vperm.xlane v3, v1;
	_ =	sdelay $0x1  }
0xaa: {  	v4 =	vsel vm8, v4, v5;
	v3 =	vsel vm8, v3, v6  }
0xab: {  	v3 =	vadd.s32 v3, v4  }
0xac: {  	v3 =	vmul.u32 $0x3, v3;
	_ =	sdelay $0x1  }
0xad: {  	s15 =	rddreg [dreg:$0xd];
	v2 =	vsub.s32 v2, v3  }
0xae: {  	s16 =	simm.s32 $0x0;
	[tilespmem:s15+$0x18] =	vst v2  }
0xaf: {  	v2 =	vld [tilespmem:s16+$0x118];
	_ =	sdelay $0x4  }
0xb0: {  	(v2sf) =	vpush v2, $0x8  }
0xb1: {  	(v2sf) =	vpush v2, $0xC  }
0xb2: {  	(v2sf) =	vpush v2, $0x0  }
0xb3: {  	(v2sf) =	vpush v2, $0x2  }
0xb4: {  	(v2sf) =	vpush v2, $0x3  }
0xb5: {  	(v2sf) =	vpush v2, $0xD;
	_ =	sdelay $0x1  }
0xb6: {  	(v2sf) =	vpush v2, $0x4  }
0xb7: {  	(v2sf) =	vpush v2, $0x9  }
0xb8: {  	(v2sf) =	vpush v2, $0xE  }
0xb9: {  	(v2sf) =	vpush v2, $0xA  }
0xba: {  	(v2sf) =	vpush v2, $0xF;
	_ =	sdelay $0x1  }
0xbb: {  	(v2sf) =	vpush v2, $0xB  }
0xbc: {  	s17 =	simm.s32 $0x0;
	(v2sf) =	vpush v2, $0x5  }
0xbd: {  	[dreg:$0x7] =	wrdreg s17;
	(v2sf) =	vpush v2, $0x1;
	s18 =	spop (v2sf)  }
0xbe: {  	s9 =	spop (v2sf);
	s1 =	smulhi.u32 $0x55555556, s18  }
0xbf: {  	(v2sf) =	vpush v2, $0x6;
	s19 =	spop (v2sf);
	s17 =	smulhi.u32 $0x55555556, s9  }
0xc0: {  	(v2sf) =	vpush v2, $0x7;
	s7 =	smulhi.u32 $0x55555556, s19;
	s20 =	spop (v2sf)  }
0xc1: {  	s2 =	sshra.s32 s19, $0x1F;
	s21 =	spop (v2sf);
	s24 =	smulhi.u32 $0x55555556, s20  }
0xc2: {  	s11 =	smul.u32 $0x55555556, s2;
	s2 =	sshra.s32 s18, $0x1F;
	s25 =	spop (v2sf)  }
0xc3: {  	s22 =	sshra.s32 s20, $0x1F;
	s15 =	smulhi.u32 $0x55555556, s21;
	[dreg:$0x12] =	wrdreg s24  }
0xc4: {  	s20 =	sshra.s32 s21, $0x1F;
	s23 =	smulhi.u32 $0x55555556, s25;
	s26 =	spop (v2sf)  }
0xc5: {  	s3 =	sshra.s32 s25, $0x1F;
	s8 =	spop (v2sf);
	s14 =	smulhi.u32 $0x55555556, s26  }
0xc6: {  	s18 =	sshra.s32 s26, $0x1F;
	s12 =	spop (v2sf);
	s16 =	smulhi.u32 $0x55555556, s8  }
0xc7: {  	s6 =	sshra.s32 s8, $0x1F;
	s13 =	spop (v2sf);
	s10 =	smulhi.u32 $0x55555556, s12  }
0xc8: {  	s19 =	smul.u32 $0x55555556, s6;
	s28 =	sshra.s32 s12, $0x1F;
	s4 =	spop (v2sf)  }
0xc9: {  	s12 =	simm.s32 $0x40;
	s21 =	smulhi.u32 $0x55555556, s13;
	s24 =	sshra.s32 s4, $0x1F  }
0xca: {  	s26 =	sshra.s32 s13, $0x1F;
	s5 =	spop (v2sf);
	s30 =	smul.u32 $0x55555556, s24  }
0xcb: {  	s25 =	spop (v2sf);
	s24 =	sadd.s32 s11, s7;
	s11 =	smul.u32 $0x55555556, s26  }
0xcc: {  	s29 =	sadd.s32 s19, s16;
	s8 =	spop (v2sf);
	s6 =	smulhi.u32 $0x55555556, s25  }
0xcd: {  	s0 =	sshra.s32 s25, $0x1F;
	s26 =	sshrl.u32 s24, $0x1F;
	s13 =	sshra.s32 s8, $0x1F  }
0xce: {  	s25 =	smul.u32 $0x55555556, s0;
	v3 =	vmov s26;
	s26 =	sshra.s32 s5, $0x1F;
	s7 =	spop (v2sf)  }
0xcf: {  	v4 =	vmov s24;
	s31 =	smul.u32 $0x55555556, s13;
	s19 =	spop (v2sf);
	s24 =	sshra.s32 s7, $0x1F  }
0xd0: {  	v3 =	vnsel vm3, $0x0, v3;
	s16 =	smulhi.u32 $0x55555556, s19;
	s0 =	sshra.s32 s19, $0x1F;
	s19 =	sshrl.u32 s29, $0x1F  }
.LBB2_5:
0xd1: {  	s13 =	smulhi.u32 $0x55555556, s4  }
0xd2: {  	s8 =	smulhi.u32 $0x55555556, s8  }
0xd3: {  	s26 =	smul.u32 $0x55555556, s26  }
0xd4: {  	s2 =	smul.u32 $0x55555556, s2  }
0xd5: {  	s5 =	smulhi.u32 $0x55555556, s5  }
0xd6: {  	s9 =	sshra.s32 s9, $0x1F;
	s3 =	smul.u32 $0x55555556, s3  }
0xd7: {  	s18 =	smul.u32 $0x55555556, s18;
	s11 =	sadd.s32 s11, s21;
	s6 =	sadd.s32 s25, s6  }
0xd8: {  	s13 =	sadd.s32 s30, s13;
	s1 =	sadd.s32 s2, s1;
	s21 =	sadd.s32 s31, s8  }
0xd9: {  	v4 =	vnsel vm3, $0x0, v4;
	s8 =	smul.u32 $0x55555556, s9;
	s9 =	sshrl.u32 s11, $0x1F;
	s3 =	sadd.s32 s3, s23  }
0xda: {  	v5 =	vmov s1;
	v4 =	vsel vm0, s21, v4;
	s2 =	sshrl.u32 s21, $0x1F;
	s21 =	smul.u32 $0x55555556, s28;
	s1 =	sshrl.u32 s1, $0x1F  }
0xdb: {  	s5 =	sadd.s32 s26, s5;
	v5 =	vsel vm0, s29, v5;
	v3 =	vsel vm0, s2, v3;
	s8 =	sadd.s32 s8, s17;
	s17 =	smul.u32 $0x55555556, s22;
	v7 =	vmov s1  }
0xdc: {  	s26 =	rddreg [dreg:$0x12];
	s22 =	smul.u32 $0x55555556, s20;
	v5 =	vsel vm1, s11, v5;
	v6 =	vmov s8;
	s2 =	sshrl.u32 s8, $0x1F;
	v7 =	vsel vm0, s19, v7  }
0xdd: {  	s23 =	sshrl.u32 s3, $0x1F;
	s25 =	sadd.s32 s21, s10;
	s19 =	sshrl.u32 s5, $0x1F;
	v5 =	vsel vm2, s5, v5;
	v6 =	vsel vm0, s3, v6;
	v8 =	vmov s2  }
0xde: {  	s8 =	sadd.s32 s17, s26;
	v7 =	vsel vm1, s9, v7;
	s20 =	sadd.s32 s22, s15;
	s1 =	sshrl.u32 s25, $0x1F;
	v6 =	vsel vm1, s25, v6;
	v8 =	vsel vm0, s23, v8  }
0xdf: {  	s22 =	sadd.s32 s18, s14;
	s21 =	sshrl.u32 s8, $0x1F;
	v4 =	vsel vm1, s8, v4;
	s23 =	smul.u32 $0x55555556, s24;
	v7 =	vsel vm2, s19, v7;
	v6 =	vsel vm2, s13, v6  }
0xe0: {  	s24 =	sshrl.u32 s13, $0x1F;
	s25 =	smulhi.u32 $0x55555556, s7;
	s26 =	sshrl.u32 s20, $0x1F;
	v8 =	vsel vm1, s1, v8;
	v4 =	vsel vm2, s20, v4;
	v3 =	vsel vm1, s21, v3  }
0xe1: {  	s0 =	smul.u32 $0x55555556, s0;
	s5 =	sshrl.u32 s22, $0x1F;
	v8 =	vsel vm2, s24, v8;
	v4 =	vsel vm4, s22, v4;
	v3 =	vsel vm2, s26, v3  }
0xe2: {  	s3 =	sshrl.u32 s6, $0x1F;
	v5 =	vcombine.low v5, v6;
	s2 =	sadd.s32 s23, s25;
	v4 =	vsel vm5, s6, v4;
	v3 =	vsel vm4, s5, v3  }
0xe3: {  	s0 =	sadd.s32 s0, s16;
	v7 =	vcombine.low v7, v8;
	s7 =	sshrl.u32 s2, $0x1F;
	v4 =	vsel vm6, s2, v4;
	v3 =	vsel vm5, s3, v3  }
0xe4: {  	v4 =	vsel vm7, s0, v4;
	v3 =	vsel vm6, s7, v3;
	s0 =	sshrl.u32 s0, $0x1F  }
0xe5: {  	v5 =	vperm.xlane v5, v0;
	v6 =	vperm.xlane v7, v0;
	v3 =	vsel vm7, s0, v3  }
0xe6: {  	v4 =	vperm.xlane v4, v1;
	v3 =	vperm.xlane v3, v1;
	_ =	sdelay $0x1  }
0xe7: {  	v4 =	vsel vm8, v4, v5;
	v3 =	vsel vm8, v3, v6  }
0xe8: {  	v3 =	vadd.s32 v3, v4  }
0xe9: {  	v3 =	vmul.u32 $0x3, v3  }
0xea: {  	s4 =	smov.u32 s12  }
0xeb: {  	s9 =	rddreg [dreg:$0x7];
	s8 =	sshra.s32 s4, $0x2;
	v2 =	vsub.s32 v2, v3  }
0xec: {  	s10 =	smov.u32 s8;
	[tilespmem:s9+$0x118] =	vst v2  }
0xed: {  	v2 =	vld [tilespmem:s10+$0x118];
	_ =	sdelay $0x4  }
0xee: {  	(v2sf) =	vpush v2, $0x8  }
0xef: {  	(v2sf) =	vpush v2, $0xC  }
0xf0: {  	(v2sf) =	vpush v2, $0x0  }
0xf1: {  	(v2sf) =	vpush v2, $0x2  }
0xf2: {  	(v2sf) =	vpush v2, $0x3  }
0xf3: {  	(v2sf) =	vpush v2, $0xD;
	_ =	sdelay $0x1  }
0xf4: {  	(v2sf) =	vpush v2, $0x4  }
0xf5: {  	(v2sf) =	vpush v2, $0x9  }
0xf6: {  	(v2sf) =	vpush v2, $0xE  }
0xf7: {  	(v2sf) =	vpush v2, $0xA  }
0xf8: {  	(v2sf) =	vpush v2, $0xF  }
0xf9: {  	(v2sf) =	vpush v2, $0xB  }
0xfa: {  	(v2sf) =	vpush v2, $0x5;
	_ =	sdelay $0x1  }
0xfb: {  	[dreg:$0x7] =	wrdreg s10;
	s11 =	spop (v2sf)  }
0xfc: {  	(v2sf) =	vpush v2, $0x1;
	s9 =	spop (v2sf);
	s1 =	smulhi.u32 $0x55555556, s11  }
0xfd: {  	p1 =	sne.s32 s12, $0x1C0;
	(v2sf) =	vpush v2, $0x6;
	s17 =	smulhi.u32 $0x55555556, s9;
	s13 =	spop (v2sf)  }
0xfe: {  	(v2sf) =	vpush v2, $0x7;
	s2 =	sshra.s32 s11, $0x1F;
	s6 =	smulhi.u32 $0x55555556, s13;
	s15 =	spop (v2sf)  }
0xff: {  	s14 =	sshra.s32 s13, $0x1F;
	s16 =	spop (v2sf);
	s3 =	smulhi.u32 $0x55555556, s15  }
0x100: {  	s22 =	sshra.s32 s15, $0x1F;
	s7 =	smul.u32 $0x55555556, s14;
	s19 =	spop (v2sf)  }
0x101: {  	s20 =	sshra.s32 s16, $0x1F;
	s15 =	smulhi.u32 $0x55555556, s16;
	[dreg:$0x12] =	wrdreg s3  }
0x102: {  	s3 =	sshra.s32 s19, $0x1F;
	s21 =	spop (v2sf);
	s23 =	smulhi.u32 $0x55555556, s19  }
0x103: {  	s18 =	sshra.s32 s21, $0x1F;
	s24 =	spop (v2sf);
	s14 =	smulhi.u32 $0x55555556, s21  }
0x104: {  	s25 =	sshra.s32 s24, $0x1F;
	s19 =	spop (v2sf);
	s13 =	smulhi.u32 $0x55555556, s24  }
0x105: {  	s28 =	sshra.s32 s19, $0x1F;
	s21 =	spop (v2sf);
	s10 =	smulhi.u32 $0x55555556, s19  }
0x106: {  	s19 =	smul.u32 $0x55555556, s25;
	s16 =	sshra.s32 s21, $0x1F;
	s4 =	spop (v2sf)  }
0x107: {  	s21 =	smulhi.u32 $0x55555556, s21;
	s24 =	sshra.s32 s4, $0x1F;
	s5 =	spop (v2sf)  }
0x108: {  	s6 =	sadd.s32 s7, s6;
	s11 =	spop (v2sf);
	s30 =	smul.u32 $0x55555556, s24  }
0x109: {  	s12 =	sadd.s32 $0x40, s12;
	v4 =	vmov s6;
	s24 =	sshrl.u32 s6, $0x1F;
	s6 =	smulhi.u32 $0x55555556, s11  }
.Ltmp1:
0x10a: {  	s29 =	sadd.s32 s19, s13;
	s26 =	sshra.s32 s5, $0x1F;
	(pc) =	sbr.rel @p1 .LBB2_5-.Ltmp1, $4  }
0x10b: {  	s25 =	sshra.s32 s11, $0x1F;
	s8 =	spop (v2sf);
	s11 =	smul.u32 $0x55555556, s16  }
0x10c: {  	s31 =	sshra.s32 s8, $0x1F;
	s25 =	smul.u32 $0x55555556, s25;
	s7 =	spop (v2sf)  }
0x10d: {  	s19 =	sshrl.u32 s29, $0x1F;
	v3 =	vmov s24;
	s31 =	smul.u32 $0x55555556, s31;
	s0 =	spop (v2sf)  }
0x10e: {  	v3 =	vnsel vm3, $0x0, v3;
	s24 =	sshra.s32 s7, $0x1F;
	s16 =	smulhi.u32 $0x55555556, s0;
	s0 =	sshra.s32 s0, $0x1F  }
0x10f: {  	s4 =	smulhi.u32 $0x55555556, s4  }
0x110: {  	s8 =	smulhi.u32 $0x55555556, s8  }
0x111: {  	s2 =	smul.u32 $0x55555556, s2  }
0x112: {  	s12 =	smul.u32 $0x55555556, s26  }
0x113: {  	s11 =	sadd.s32 s11, s21;
	s13 =	smul.u32 $0x55555556, s3  }
0x114: {  	s21 =	sshra.s32 s9, $0x1F;
	s5 =	smulhi.u32 $0x55555556, s5;
	s9 =	sshrl.u32 s11, $0x1F  }
0x115: {  	s1 =	sadd.s32 s2, s1;
	s3 =	sadd.s32 s31, s8;
	s8 =	smul.u32 $0x55555556, s21  }
0x116: {  	v4 =	vnsel vm3, $0x0, v4;
	s2 =	sadd.s32 s13, s23;
	s5 =	sadd.s32 s12, s5;
	s13 =	smul.u32 $0x55555556, s28  }
0x117: {  	s12 =	smul.u32 $0x55555556, s22;
	v5 =	vmov s1;
	s26 =	sshrl.u32 s3, $0x1F;
	v4 =	vsel vm0, s3, v4;
	s1 =	sshrl.u32 s1, $0x1F  }
0x118: {  	s4 =	sadd.s32 s30, s4;
	s23 =	rddreg [dreg:$0x12];
	v5 =	vsel vm0, s29, v5;
	v3 =	vsel vm0, s26, v3;
	s8 =	sadd.s32 s8, s17;
	v7 =	vmov s1  }
0x119: {  	s17 =	smul.u32 $0x55555556, s20;
	s22 =	sadd.s32 s13, s10;
	s3 =	sadd.s32 s12, s23;
	v5 =	vsel vm1, s11, v5;
	v6 =	vmov s8;
	v7 =	vsel vm0, s19, v7  }
0x11a: {  	s26 =	smul.u32 $0x55555556, s18;
	s21 =	sshrl.u32 s8, $0x1F;
	s13 =	sshrl.u32 s3, $0x1F;
	v4 =	vsel vm1, s3, v4;
	v5 =	vsel vm2, s5, v5;
	v6 =	vsel vm0, s2, v6  }
0x11b: {  	s20 =	sshrl.u32 s2, $0x1F;
	s10 =	sshrl.u32 s5, $0x1F;
	s18 =	smulhi.u32 $0x55555556, s7;
	v8 =	vmov s21;
	v7 =	vsel vm1, s9, v7;
	v3 =	vsel vm1, s13, v3  }
0x11c: {  	s11 =	sadd.s32 s17, s15;
	s2 =	sshrl.u32 s22, $0x1F;
	s14 =	sadd.s32 s26, s14;
	v6 =	vsel vm1, s22, v6;
	v8 =	vsel vm0, s20, v8;
	v7 =	vsel vm2, s10, v7  }
0x11d: {  	s15 =	smul.u32 $0x55555556, s24;
	s17 =	sshrl.u32 s4, $0x1F;
	v4 =	vsel vm2, s11, v4;
	s19 =	sshrl.u32 s11, $0x1F;
	v6 =	vsel vm2, s4, v6;
	v8 =	vsel vm1, s2, v8  }
0x11e: {  	s0 =	smul.u32 $0x55555556, s0;
	s20 =	sadd.s32 s25, s6;
	s21 =	sshrl.u32 s14, $0x1F;
	v4 =	vsel vm4, s14, v4;
	v3 =	vsel vm2, s19, v3;
	v8 =	vsel vm2, s17, v8  }
0x11f: {  	s22 =	sshrl.u32 s20, $0x1F;
	s1 =	sadd.s32 s15, s18;
	v4 =	vsel vm5, s20, v4;
	v3 =	vsel vm4, s21, v3;
	v5 =	vcombine.low v5, v6  }
0x120: {  	s0 =	sadd.s32 s0, s16;
	v7 =	vcombine.low v7, v8;
	v4 =	vsel vm6, s1, v4;
	v3 =	vsel vm5, s22, v3;
	s1 =	sshrl.u32 s1, $0x1F  }
0x121: {  	v4 =	vsel vm7, s0, v4;
	v3 =	vsel vm6, s1, v3;
	s0 =	sshrl.u32 s0, $0x1F  }
0x122: {  	v5 =	vperm.xlane v5, v0;
	v6 =	vperm.xlane v7, v0;
	v3 =	vsel vm7, s0, v3  }
0x123: {  	v4 =	vperm.xlane v4, v1;
	v3 =	vperm.xlane v3, v1;
	_ =	sdelay $0x1  }
0x124: {  	v4 =	vsel vm8, v4, v5;
	v3 =	vsel vm8, v3, v6  }
0x125: {  	s14 =	sld [smem:$0x7EE];
	v3 =	vadd.s32 v3, v4  }
0x126: {  	v3 =	vmul.u32 $0x3, v3;
	_ =	sdelay $0x1  }
0x127: {  	s23 =	rddreg [dreg:$0x7];
	p1 =	seq.s32 s14, $0x0;
	v2 =	vsub.s32 v2, v3  }
0x128: {  	s0 =	simm.s32 @!p1 $0x7;
	[tilespmem:s23+$0x118] =	vst v2  }
0x129: {  	_ =	swait.ge @!p1 [sflag:s0], $0x8000  }
0x12a: {  	[sflag:s0] =	ssyncset.done @!p1 $0x0  }
0x12b: {  	s24 =	simm.s32 $0x18;
	s26 =	simm.s32 $0x818;
	[sflag:s0] =	ssyncadd.s32 @!p1 $0xFFFF8000  }
0x12c: {  	s25 =	simm.s32 $0x80;
	s2 =	simm.s32 $0x0;
	s0 =	rddreg [dreg:$0x3]  }
0x12d: {  	[tilespmem:s26], [sflag:$0x3] =	stream.indirect.gather [spmem:s0], $0x80, s24, s25, $0xb8;
	[tilespmem:$0x10818] =	vst v63  }
0x12e: {  	v2 =	vld [tilespmem:s2+$0x218];
	_ =	sdelay $0x4  }
0x12f: {  	(v2sf) =	vpush v2, $0x8  }
0x130: {  	(v2sf) =	vpush v2, $0xC  }
0x131: {  	(v2sf) =	vpush v2, $0x0  }
0x132: {  	(v2sf) =	vpush v2, $0x2;
	_ =	sdelay $0x1  }
0x133: {  	(v2sf) =	vpush v2, $0x3  }
0x134: {  	(v2sf) =	vpush v2, $0xD  }
0x135: {  	(v2sf) =	vpush v2, $0x4  }
0x136: {  	(v2sf) =	vpush v2, $0x9  }
0x137: {  	(v2sf) =	vpush v2, $0xE;
	_ =	sdelay $0x1  }
0x138: {  	(v2sf) =	vpush v2, $0xA  }
0x139: {  	(v2sf) =	vpush v2, $0xF  }
0x13a: {  	(v2sf) =	vpush v2, $0xB;
	_ =	sdelay $0x1  }
0x13b: {  	(v2sf) =	vpush v2, $0x5;
	s4 =	spop (v2sf)  }
0x13c: {  	(v2sf) =	vpush v2, $0x1;
	s9 =	spop (v2sf)  }
0x13d: {  	s1 =	smulhi.u32 $0x55555556, s4;
	s6 =	spop (v2sf)  }
0x13e: {  	s3 =	simm.s32 $0x0;
	(v2sf) =	vpush v2, $0x6;
	s7 =	smulhi.u32 $0x55555556, s6;
	s20 =	spop (v2sf)  }
0x13f: {  	[dreg:$0x6] =	wrdreg s3;
	(v2sf) =	vpush v2, $0x7;
	s2 =	sshra.s32 s6, $0x1F;
	s24 =	smulhi.u32 $0x55555556, s20  }
0x140: {  	s21 =	spop (v2sf);
	s26 =	smul.u32 $0x55555556, s2  }
0x141: {  	s25 =	spop (v2sf);
	s16 =	smulhi.u32 $0x55555556, s21  }
0x142: {  	s2 =	sshra.s32 s4, $0x1F;
	s11 =	spop (v2sf);
	s23 =	smulhi.u32 $0x55555556, s25  }
0x143: {  	s22 =	sshra.s32 s20, $0x1F;
	s12 =	spop (v2sf);
	s15 =	smulhi.u32 $0x55555556, s11  }
0x144: {  	s20 =	sshra.s32 s21, $0x1F;
	s13 =	spop (v2sf);
	s19 =	smulhi.u32 $0x55555556, s12  }
0x145: {  	[dreg:$0x10] =	wrdreg s24;
	s0 =	sshra.s32 s12, $0x1F;
	s10 =	smulhi.u32 $0x55555556, s13  }
0x146: {  	s3 =	sshra.s32 s25, $0x1F;
	s17 =	spop (v2sf);
	s0 =	smul.u32 $0x55555556, s0  }
0x147: {  	s28 =	sshra.s32 s13, $0x1F;
	s4 =	spop (v2sf);
	s21 =	smulhi.u32 $0x55555556, s17  }
0x148: {  	s25 =	sshra.s32 s17, $0x1F;
	s17 =	sadd.s32 s26, s7;
	s5 =	spop (v2sf)  }
0x149: {  	s24 =	sshra.s32 s4, $0x1F;
	s29 =	sadd.s32 s0, s19;
	s31 =	smul.u32 $0x55555556, s25  }
0x14a: {  	s19 =	sshrl.u32 s17, $0x1F;
	s18 =	spop (v2sf);
	s30 =	smul.u32 $0x55555556, s24  }
0x14b: {  	s24 =	sshra.s32 s11, $0x1F;
	v3 =	vmov s19;
	s19 =	sshrl.u32 s29, $0x1F;
	s8 =	spop (v2sf)  }
0x14c: {  	s6 =	smulhi.u32 $0x55555556, s18;
	s13 =	sshra.s32 s18, $0x1F;
	s26 =	sshra.s32 s8, $0x1F  }
0x14d: {  	s25 =	smul.u32 $0x55555556, s13;
	s13 =	simm.s32 $0x40;
	s7 =	spop (v2sf)  }
0x14e: {  	s12 =	smul.u32 $0x55555556, s26;
	s26 =	sshll.u32 s14, $0x1;
	s11 =	spop (v2sf)  }
0x14f: {  	[smem:$0x7EC] =	sst s26;
	s26 =	sshra.s32 s5, $0x1F;
	s18 =	smulhi.u32 $0x55555556, s11  }
0x150: {  	v4 =	vmov s17;
	v3 =	vnsel vm3, $0x0, v3;
	s17 =	sshra.s32 s7, $0x1F;
	s0 =	sshra.s32 s11, $0x1F;
	s11 =	smulhi.u32 $0x55555556, s9  }
.LBB2_7:
0x151: {  	s14 =	smulhi.u32 $0x55555556, s4  }
0x152: {  	s8 =	smulhi.u32 $0x55555556, s8  }
0x153: {  	s26 =	smul.u32 $0x55555556, s26  }
0x154: {  	s2 =	smul.u32 $0x55555556, s2  }
0x155: {  	s5 =	smulhi.u32 $0x55555556, s5  }
0x156: {  	s9 =	sshra.s32 s9, $0x1F;
	s3 =	smul.u32 $0x55555556, s3  }
0x157: {  	s21 =	sadd.s32 s31, s21;
	s6 =	sadd.s32 s25, s6;
	s14 =	sadd.s32 s30, s14  }
0x158: {  	s1 =	sadd.s32 s2, s1;
	s12 =	sadd.s32 s12, s8;
	s8 =	smul.u32 $0x55555556, s9  }
0x159: {  	v4 =	vnsel vm3, $0x0, v4;
	s9 =	sshrl.u32 s21, $0x1F;
	s3 =	sadd.s32 s3, s23;
	s5 =	sadd.s32 s26, s5;
	v5 =	vmov s1  }
0x15a: {  	v4 =	vsel vm0, s12, v4;
	s2 =	sshrl.u32 s12, $0x1F;
	s12 =	smul.u32 $0x55555556, s28;
	s1 =	sshrl.u32 s1, $0x1F;
	v5 =	vsel vm0, s29, v5  }
0x15b: {  	s26 =	rddreg [dreg:$0x10];
	s11 =	sadd.s32 s8, s11;
	v7 =	vmov s1;
	v5 =	vsel vm1, s21, v5;
	s21 =	smul.u32 $0x55555556, s22  }
0x15c: {  	s23 =	sshrl.u32 s3, $0x1F;
	v3 =	vsel vm0, s2, v3;
	v6 =	vmov s11;
	s22 =	smul.u32 $0x55555556, s20;
	s2 =	sshrl.u32 s11, $0x1F;
	v7 =	vsel vm0, s19, v7  }
0x15d: {  	s25 =	sadd.s32 s12, s10;
	s12 =	smul.u32 $0x55555556, s24;
	s19 =	sshrl.u32 s5, $0x1F;
	v5 =	vsel vm2, s5, v5;
	v6 =	vsel vm0, s3, v6;
	v8 =	vmov s2  }
0x15e: {  	s24 =	smul.u32 $0x55555556, s17;
	v7 =	vsel vm1, s9, v7;
	s1 =	sshrl.u32 s25, $0x1F;
	v6 =	vsel vm1, s25, v6;
	s8 =	sadd.s32 s21, s26;
	v8 =	vsel vm0, s23, v8  }
0x15f: {  	s21 =	sadd.s32 s22, s16;
	s23 =	sadd.s32 s12, s15;
	v7 =	vsel vm2, s19, v7;
	v6 =	vsel vm2, s14, v6;
	s22 =	sshrl.u32 s8, $0x1F;
	v4 =	vsel vm1, s8, v4  }
0x160: {  	s25 =	sshrl.u32 s14, $0x1F;
	s26 =	smulhi.u32 $0x55555556, s7;
	v8 =	vsel vm1, s1, v8;
	s5 =	sshrl.u32 s21, $0x1F;
	v4 =	vsel vm2, s21, v4;
	v3 =	vsel vm1, s22, v3  }
0x161: {  	s0 =	smul.u32 $0x55555556, s0;
	s7 =	sshrl.u32 s23, $0x1F;
	v8 =	vsel vm2, s25, v8;
	v4 =	vsel vm4, s23, v4;
	v3 =	vsel vm2, s5, v3  }
0x162: {  	s3 =	sshrl.u32 s6, $0x1F;
	v5 =	vcombine.low v5, v6;
	s2 =	sadd.s32 s24, s26;
	v4 =	vsel vm5, s6, v4;
	v3 =	vsel vm4, s7, v3  }
0x163: {  	s0 =	sadd.s32 s0, s18;
	v7 =	vcombine.low v7, v8;
	s8 =	sshrl.u32 s2, $0x1F;
	v4 =	vsel vm6, s2, v4;
	v3 =	vsel vm5, s3, v3  }
0x164: {  	v4 =	vsel vm7, s0, v4;
	v3 =	vsel vm6, s8, v3;
	s0 =	sshrl.u32 s0, $0x1F  }
0x165: {  	v5 =	vperm.xlane v5, v0;
	v6 =	vperm.xlane v7, v0;
	v3 =	vsel vm7, s0, v3  }
0x166: {  	v4 =	vperm.xlane v4, v1;
	v3 =	vperm.xlane v3, v1;
	_ =	sdelay $0x1  }
0x167: {  	v4 =	vsel vm8, v4, v5;
	v3 =	vsel vm8, v3, v6  }
0x168: {  	v3 =	vadd.s32 v3, v4  }
0x169: {  	v3 =	vmul.u32 $0x3, v3  }
0x16a: {  	s4 =	smov.u32 s13  }
0x16b: {  	s10 =	rddreg [dreg:$0x6];
	s9 =	sshra.s32 s4, $0x2;
	v2 =	vsub.s32 v2, v3  }
0x16c: {  	s11 =	smov.u32 s9;
	[tilespmem:s10+$0x218] =	vst v2  }
0x16d: {  	v2 =	vld [tilespmem:s11+$0x218];
	_ =	sdelay $0x4  }
0x16e: {  	(v2sf) =	vpush v2, $0x8  }
0x16f: {  	(v2sf) =	vpush v2, $0xC  }
0x170: {  	(v2sf) =	vpush v2, $0x0  }
0x171: {  	(v2sf) =	vpush v2, $0x2  }
0x172: {  	(v2sf) =	vpush v2, $0x3  }
0x173: {  	(v2sf) =	vpush v2, $0xD;
	_ =	sdelay $0x1  }
0x174: {  	(v2sf) =	vpush v2, $0x4  }
0x175: {  	(v2sf) =	vpush v2, $0x9  }
0x176: {  	(v2sf) =	vpush v2, $0xE  }
0x177: {  	(v2sf) =	vpush v2, $0xA;
	_ =	sdelay $0x1  }
0x178: {  	(v2sf) =	vpush v2, $0xF  }
0x179: {  	(v2sf) =	vpush v2, $0xB  }
0x17a: {  	(v2sf) =	vpush v2, $0x5  }
0x17b: {  	[dreg:$0x6] =	wrdreg s11;
	(v2sf) =	vpush v2, $0x1;
	s12 =	spop (v2sf)  }
0x17c: {  	(v2sf) =	vpush v2, $0x6;
	s9 =	spop (v2sf);
	s1 =	smulhi.u32 $0x55555556, s12  }
0x17d: {  	p2 =	sne.s32 s13, $0x1C0;
	(v2sf) =	vpush v2, $0x7;
	s11 =	smulhi.u32 $0x55555556, s9;
	s14 =	spop (v2sf)  }
0x17e: {  	s13 =	sadd.s32 $0x40, s13;
	s6 =	smulhi.u32 $0x55555556, s14;
	s16 =	spop (v2sf)  }
0x17f: {  	s15 =	sshra.s32 s14, $0x1F;
	s17 =	spop (v2sf);
	s3 =	smulhi.u32 $0x55555556, s16  }
0x180: {  	s2 =	sshra.s32 s12, $0x1F;
	s7 =	smul.u32 $0x55555556, s15;
	s18 =	spop (v2sf)  }
0x181: {  	s22 =	sshra.s32 s16, $0x1F;
	s16 =	smulhi.u32 $0x55555556, s17;
	[dreg:$0x10] =	wrdreg s3  }
0x182: {  	s20 =	sshra.s32 s17, $0x1F;
	s19 =	spop (v2sf);
	s23 =	smulhi.u32 $0x55555556, s18  }
0x183: {  	s3 =	sshra.s32 s18, $0x1F;
	s21 =	spop (v2sf);
	s15 =	smulhi.u32 $0x55555556, s19  }
0x184: {  	s6 =	sadd.s32 s7, s6;
	s12 =	spop (v2sf);
	s14 =	smulhi.u32 $0x55555556, s21  }
0x185: {  	s24 =	sshra.s32 s19, $0x1F;
	s18 =	spop (v2sf);
	s10 =	smulhi.u32 $0x55555556, s12  }
0x186: {  	s7 =	sshrl.u32 s6, $0x1F;
	s25 =	sshra.s32 s21, $0x1F;
	s21 =	smulhi.u32 $0x55555556, s18  }
0x187: {  	s17 =	sshra.s32 s18, $0x1F;
	s4 =	spop (v2sf);
	s18 =	smul.u32 $0x55555556, s25  }
0x188: {  	s19 =	sshra.s32 s4, $0x1F;
	s5 =	spop (v2sf);
	s31 =	smul.u32 $0x55555556, s17  }
0x189: {  	s28 =	sshra.s32 s12, $0x1F;
	s12 =	spop (v2sf);
	s30 =	smul.u32 $0x55555556, s19  }
.Ltmp2:
0x18a: {  	s26 =	sshra.s32 s5, $0x1F;
	s8 =	spop (v2sf);
	(pc) =	sbr.rel @p2 .LBB2_7-.Ltmp2, $4  }
0x18b: {  	v4 =	vmov s6;
	v3 =	vmov s7;
	s25 =	sshra.s32 s12, $0x1F;
	s6 =	smulhi.u32 $0x55555556, s12;
	s7 =	spop (v2sf)  }
0x18c: {  	s29 =	sadd.s32 s18, s14;
	s25 =	smul.u32 $0x55555556, s25;
	s12 =	spop (v2sf)  }
0x18d: {  	s19 =	sshra.s32 s8, $0x1F;
	s17 =	sshra.s32 s7, $0x1F;
	s18 =	smulhi.u32 $0x55555556, s12  }
0x18e: {  	v3 =	vnsel vm3, $0x0, v3;
	s0 =	sshra.s32 s12, $0x1F;
	s12 =	smul.u32 $0x55555556, s19;
	s19 =	sshrl.u32 s29, $0x1F  }
0x18f: {  	s4 =	smulhi.u32 $0x55555556, s4  }
0x190: {  	s8 =	smulhi.u32 $0x55555556, s8  }
0x191: {  	s2 =	smul.u32 $0x55555556, s2  }
0x192: {  	s13 =	smul.u32 $0x55555556, s26  }
0x193: {  	s14 =	sadd.s32 s31, s21;
	s26 =	smul.u32 $0x55555556, s3  }
0x194: {  	s21 =	sshra.s32 s9, $0x1F;
	s5 =	smulhi.u32 $0x55555556, s5;
	s9 =	sshrl.u32 s14, $0x1F  }
0x195: {  	s4 =	sadd.s32 s30, s4;
	s1 =	sadd.s32 s2, s1;
	s3 =	sadd.s32 s12, s8  }
0x196: {  	v4 =	vnsel vm3, $0x0, v4;
	s2 =	sadd.s32 s26, s23;
	s8 =	smul.u32 $0x55555556, s21;
	s5 =	sadd.s32 s13, s5  }
0x197: {  	s26 =	smul.u32 $0x55555556, s28;
	v5 =	vmov s1;
	s12 =	sshrl.u32 s3, $0x1F;
	v4 =	vsel vm0, s3, v4;
	s1 =	sshrl.u32 s1, $0x1F  }
0x198: {  	s23 =	rddreg [dreg:$0x10];
	v5 =	vsel vm0, s29, v5;
	v3 =	vsel vm0, s12, v3;
	s11 =	sadd.s32 s8, s11;
	s12 =	smul.u32 $0x55555556, s22;
	v7 =	vmov s1  }
0x199: {  	s22 =	sadd.s32 s26, s10;
	s26 =	smul.u32 $0x55555556, s24;
	v5 =	vsel vm1, s14, v5;
	v6 =	vmov s11;
	s21 =	sshrl.u32 s11, $0x1F;
	v7 =	vsel vm0, s19, v7  }
0x19a: {  	s10 =	sshrl.u32 s5, $0x1F;
	s14 =	smul.u32 $0x55555556, s20;
	s20 =	sshrl.u32 s2, $0x1F;
	v5 =	vsel vm2, s5, v5;
	v6 =	vsel vm0, s2, v6;
	v8 =	vmov s21  }
0x19b: {  	s3 =	sadd.s32 s12, s23;
	v7 =	vsel vm1, s9, v7;
	s2 =	sshrl.u32 s22, $0x1F;
	s13 =	sadd.s32 s26, s15;
	v6 =	vsel vm1, s22, v6;
	v8 =	vsel vm0, s20, v8  }
0x19c: {  	s11 =	sadd.s32 s14, s16;
	s12 =	sshrl.u32 s3, $0x1F;
	v4 =	vsel vm1, s3, v4;
	s14 =	smul.u32 $0x55555556, s17;
	v7 =	vsel vm2, s10, v7;
	v6 =	vsel vm2, s4, v6  }
0x19d: {  	s15 =	sshrl.u32 s4, $0x1F;
	s16 =	smulhi.u32 $0x55555556, s7;
	v8 =	vsel vm1, s2, v8;
	v4 =	vsel vm2, s11, v4;
	v3 =	vsel vm1, s12, v3;
	s17 =	sshrl.u32 s11, $0x1F  }
0x19e: {  	s0 =	smul.u32 $0x55555556, s0;
	s19 =	sadd.s32 s25, s6;
	s20 =	sshrl.u32 s13, $0x1F;
	v8 =	vsel vm2, s15, v8;
	v4 =	vsel vm4, s13, v4;
	v3 =	vsel vm2, s17, v3  }
0x19f: {  	s21 =	sshrl.u32 s19, $0x1F;
	s1 =	sadd.s32 s14, s16;
	v5 =	vcombine.low v5, v6;
	v4 =	vsel vm5, s19, v4;
	v3 =	vsel vm4, s20, v3  }
0x1a0: {  	s0 =	sadd.s32 s0, s18;
	v7 =	vcombine.low v7, v8;
	v4 =	vsel vm6, s1, v4;
	v3 =	vsel vm5, s21, v3;
	s1 =	sshrl.u32 s1, $0x1F  }
0x1a1: {  	v4 =	vsel vm7, s0, v4;
	v3 =	vsel vm6, s1, v3;
	s0 =	sshrl.u32 s0, $0x1F  }
0x1a2: {  	v5 =	vperm.xlane v5, v0;
	v6 =	vperm.xlane v7, v0;
	v3 =	vsel vm7, s0, v3  }
0x1a3: {  	v4 =	vperm.xlane v4, v1;
	v3 =	vperm.xlane v3, v1;
	_ =	sdelay $0x1  }
0x1a4: {  	v4 =	vsel vm8, v4, v5;
	v3 =	vsel vm8, v3, v6  }
0x1a5: {  	v3 =	vadd.s32 v3, v4  }
0x1a6: {  	v3 =	vmul.u32 $0x3, v3;
	_ =	sdelay $0x1  }
0x1a7: {  	s22 =	rddreg [dreg:$0x6];
	v2 =	vsub.s32 v2, v3  }
0x1a8: {  	s0 =	simm.s32 @!p1 $0x5;
	[tilespmem:s22+$0x218] =	vst v2  }
0x1a9: {  	_ =	swait.ge @!p1 [sflag:s0], $0x4000  }
0x1aa: {  	[sflag:s0] =	ssyncset.done @!p1 $0x0  }
0x1ab: {  	[sflag:s0] =	ssyncadd.s32 @!p1 $0xFFFFC000;
	s0 =	simm.s32 @!p1 $0x6  }
0x1ac: {  	_ =	swait.ge @!p1 [sflag:s0], $0x4000  }
0x1ad: {  	s1 =	sld [smem:$0x7EE]  }
0x1ae: {  	s2 =	sld [smem:$0x7F7];
	_ =	sdelay $0x1  }
0x1af: {  	[sflag:s0] =	ssyncset.done @!p1 $0x0;
	s1 =	sshll.u32 @!p1 s1, $0xF  }
0x1b0: {  	s24 =	simm.s32 $0x118;
	[sflag:s0] =	ssyncadd.s32 @!p1 $0xFFFFC000;
	s1 =	sadd.s32 @!p1 s2, s1  }
0x1b1: {  	s25 =	simm.s32 $0x80;
	s0 =	sand.u32 @!p1 $0x1FFFF000, s1;
	s1 =	rddreg [dreg:$0x2]  }
0x1b2: {  	s2 =	simm.s32 @!p1 $0x8818;
	s0 =	sadd.s32 @!p1 s1, s0;
	s1 =	simm.s32 @!p1 $0x0  }
0x1b3: {  	[hbm4b:s0+s1] =	stream.linear.scatter @!p1 [tilespmem:s2], [sflag:$0x8], $0x8000, $0x38;
	[tilespmem:$0x10818] =	vst v63  }
0x1b4: {  	s26 =	simm.s32 $0x4818;
	s23 =	rddreg [dreg:$0x3];
	s2 =	simm.s32 $0x0  }
0x1b5: {  	[tilespmem:s26], [sflag:$0x4] =	stream.indirect.gather [spmem:s23], $0x80, s24, s25, $0xb8;
	[tilespmem:$0x10818] =	vst v63  }
0x1b6: {  	v2 =	vld [tilespmem:s2+$0x318];
	_ =	sdelay $0x4  }
0x1b7: {  	(v2sf) =	vpush v2, $0x8  }
0x1b8: {  	(v2sf) =	vpush v2, $0xC  }
0x1b9: {  	(v2sf) =	vpush v2, $0x0  }
0x1ba: {  	(v2sf) =	vpush v2, $0x2;
	_ =	sdelay $0x1  }
0x1bb: {  	(v2sf) =	vpush v2, $0x3  }
0x1bc: {  	(v2sf) =	vpush v2, $0xD;
	_ =	sdelay $0x1  }
0x1bd: {  	(v2sf) =	vpush v2, $0x4  }
0x1be: {  	(v2sf) =	vpush v2, $0x9  }
0x1bf: {  	(v2sf) =	vpush v2, $0xE  }
0x1c0: {  	(v2sf) =	vpush v2, $0xA  }
0x1c1: {  	(v2sf) =	vpush v2, $0xF;
	_ =	sdelay $0x1  }
0x1c2: {  	(v2sf) =	vpush v2, $0xB  }
0x1c3: {  	(v2sf) =	vpush v2, $0x5;
	s4 =	spop (v2sf)  }
0x1c4: {  	(v2sf) =	vpush v2, $0x1;
	s10 =	spop (v2sf)  }
0x1c5: {  	s1 =	smulhi.u32 $0x55555556, s4;
	s6 =	spop (v2sf)  }
0x1c6: {  	s3 =	simm.s32 $0x0;
	(v2sf) =	vpush v2, $0x6;
	s7 =	smulhi.u32 $0x55555556, s6;
	s8 =	spop (v2sf)  }
0x1c7: {  	[dreg:$0x5] =	wrdreg s3;
	(v2sf) =	vpush v2, $0x7;
	s2 =	sshra.s32 s6, $0x1F;
	s11 =	smulhi.u32 $0x55555556, s8  }
0x1c8: {  	s9 =	spop (v2sf);
	s13 =	smul.u32 $0x55555556, s2  }
0x1c9: {  	s2 =	sshra.s32 s4, $0x1F;
	s12 =	spop (v2sf);
	s16 =	smulhi.u32 $0x55555556, s9  }
0x1ca: {  	s22 =	sshra.s32 s8, $0x1F;
	[dreg:$0x13] =	wrdreg s11;
	s23 =	smulhi.u32 $0x55555556, s12  }
0x1cb: {  	s20 =	sshra.s32 s9, $0x1F;
	s0 =	spop (v2sf);
	s11 =	smulhi.u32 $0x55555556, s10  }
0x1cc: {  	s3 =	sshra.s32 s12, $0x1F;
	s15 =	spop (v2sf);
	s14 =	smulhi.u32 $0x55555556, s0  }
0x1cd: {  	s0 =	sshra.s32 s0, $0x1F;
	s9 =	spop (v2sf);
	s17 =	smulhi.u32 $0x55555556, s15  }
0x1ce: {  	s8 =	sshra.s32 s15, $0x1F;
	s18 =	spop (v2sf);
	s24 =	smulhi.u32 $0x55555556, s9  }
0x1cf: {  	s25 =	smul.u32 $0x55555556, s8;
	s28 =	sshra.s32 s9, $0x1F;
	s4 =	spop (v2sf)  }
0x1d0: {  	s21 =	smulhi.u32 $0x55555556, s18;
	s12 =	sshra.s32 s18, $0x1F;
	s19 =	sshra.s32 s4, $0x1F  }
0x1d1: {  	s5 =	spop (v2sf);
	s31 =	smul.u32 $0x55555556, s12;
	s29 =	sadd.s32 s25, s17  }
0x1d2: {  	s12 =	simm.s32 $0x40;
	s26 =	spop (v2sf);
	s30 =	smul.u32 $0x55555556, s19  }
0x1d3: {  	s19 =	sadd.s32 s13, s7;
	s8 =	spop (v2sf);
	s6 =	smulhi.u32 $0x55555556, s26  }
0x1d4: {  	s18 =	sshra.s32 s26, $0x1F;
	s26 =	sshrl.u32 s19, $0x1F;
	v4 =	vmov s19;
	s19 =	sshrl.u32 s29, $0x1F  }
0x1d5: {  	s13 =	sshra.s32 s8, $0x1F;
	s25 =	smul.u32 $0x55555556, s18;
	s7 =	spop (v2sf)  }
0x1d6: {  	v3 =	vmov s26;
	s26 =	sshra.s32 s5, $0x1F;
	s15 =	smul.u32 $0x55555556, s13;
	s17 =	spop (v2sf)  }
0x1d7: {  	v3 =	vnsel vm3, $0x0, v3;
	s18 =	smulhi.u32 $0x55555556, s17;
	s9 =	sshra.s32 s17, $0x1F;
	s17 =	sshra.s32 s7, $0x1F  }
.LBB2_9:
0x1d8: {  	s13 =	smulhi.u32 $0x55555556, s4  }
0x1d9: {  	s8 =	smulhi.u32 $0x55555556, s8  }
0x1da: {  	s26 =	smul.u32 $0x55555556, s26  }
0x1db: {  	s2 =	smul.u32 $0x55555556, s2  }
0x1dc: {  	s5 =	smulhi.u32 $0x55555556, s5  }
0x1dd: {  	s3 =	smul.u32 $0x55555556, s3  }
0x1de: {  	s10 =	sshra.s32 s10, $0x1F;
	s0 =	smul.u32 $0x55555556, s0;
	s21 =	sadd.s32 s31, s21  }
0x1df: {  	s6 =	sadd.s32 s25, s6;
	s13 =	sadd.s32 s30, s13;
	s1 =	sadd.s32 s2, s1  }
0x1e0: {  	s15 =	sadd.s32 s15, s8;
	s8 =	smul.u32 $0x55555556, s10;
	s10 =	sshrl.u32 s21, $0x1F  }
0x1e1: {  	v4 =	vnsel vm3, $0x0, v4;
	s3 =	sadd.s32 s3, s23;
	s5 =	sadd.s32 s26, s5;
	v5 =	vmov s1;
	s2 =	sshrl.u32 s15, $0x1F  }
0x1e2: {  	v4 =	vsel vm0, s15, v4;
	s15 =	smul.u32 $0x55555556, s28;
	s1 =	sshrl.u32 s1, $0x1F;
	v5 =	vsel vm0, s29, v5;
	v3 =	vsel vm0, s2, v3;
	s11 =	sadd.s32 s8, s11  }
0x1e3: {  	s26 =	rddreg [dreg:$0x13];
	s0 =	sadd.s32 s0, s14;
	v7 =	vmov s1;
	v5 =	vsel vm1, s21, v5;
	s21 =	smul.u32 $0x55555556, s22;
	v6 =	vmov s11  }
0x1e4: {  	s22 =	smul.u32 $0x55555556, s20;
	s25 =	sadd.s32 s15, s24;
	s2 =	sshrl.u32 s11, $0x1F;
	v7 =	vsel vm0, s19, v7;
	v5 =	vsel vm2, s5, v5;
	v6 =	vsel vm0, s3, v6  }
0x1e5: {  	s23 =	sshrl.u32 s3, $0x1F;
	s15 =	sshrl.u32 s5, $0x1F;
	v8 =	vmov s2;
	v7 =	vsel vm1, s10, v7;
	v6 =	vsel vm1, s25, v6;
	s8 =	sadd.s32 s21, s26  }
0x1e6: {  	s24 =	smulhi.u32 $0x55555556, s7;
	s19 =	sadd.s32 s22, s16;
	v8 =	vsel vm0, s23, v8;
	v7 =	vsel vm2, s15, v7;
	s21 =	sshrl.u32 s8, $0x1F;
	v4 =	vsel vm1, s8, v4  }
0x1e7: {  	s1 =	sshrl.u32 s25, $0x1F;
	s22 =	smul.u32 $0x55555556, s17;
	v6 =	vsel vm2, s13, v6;
	s25 =	sshrl.u32 s19, $0x1F;
	v4 =	vsel vm2, s19, v4;
	v3 =	vsel vm1, s21, v3  }
0x1e8: {  	s23 =	sshrl.u32 s13, $0x1F;
	s26 =	smul.u32 $0x55555556, s9;
	v8 =	vsel vm1, s1, v8;
	v4 =	vsel vm4, s0, v4;
	v3 =	vsel vm2, s25, v3;
	s0 =	sshrl.u32 s0, $0x1F  }
0x1e9: {  	s3 =	sshrl.u32 s6, $0x1F;
	v8 =	vsel vm2, s23, v8;
	v5 =	vcombine.low v5, v6;
	s7 =	sadd.s32 s22, s24;
	v3 =	vsel vm4, s0, v3  }
0x1ea: {  	s8 =	sadd.s32 s26, s18;
	v7 =	vcombine.low v7, v8;
	s1 =	sshrl.u32 s7, $0x1F;
	v4 =	vsel vm5, s6, v4;
	v3 =	vsel vm5, s3, v3  }
0x1eb: {  	s0 =	sshrl.u32 s8, $0x1F;
	v5 =	vperm.xlane v5, v0;
	v4 =	vsel vm6, s7, v4;
	v3 =	vsel vm6, s1, v3  }
0x1ec: {  	v6 =	vperm.xlane v7, v0;
	v4 =	vsel vm7, s8, v4;
	v3 =	vsel vm7, s0, v3  }
0x1ed: {  	v4 =	vperm.xlane v4, v1;
	v3 =	vperm.xlane v3, v1;
	_ =	sdelay $0x1  }
0x1ee: {  	v4 =	vsel vm8, v4, v5;
	v3 =	vsel vm8, v3, v6  }
0x1ef: {  	v3 =	vadd.s32 v3, v4  }
0x1f0: {  	v3 =	vmul.u32 $0x3, v3  }
0x1f1: {  	s4 =	smov.u32 s12  }
0x1f2: {  	s10 =	rddreg [dreg:$0x5];
	s9 =	sshra.s32 s4, $0x2;
	v2 =	vsub.s32 v2, v3  }
0x1f3: {  	s11 =	smov.u32 s9;
	[tilespmem:s10+$0x318] =	vst v2  }
0x1f4: {  	v2 =	vld [tilespmem:s11+$0x318];
	_ =	sdelay $0x4  }
0x1f5: {  	(v2sf) =	vpush v2, $0x8  }
0x1f6: {  	(v2sf) =	vpush v2, $0xC  }
0x1f7: {  	(v2sf) =	vpush v2, $0x0  }
0x1f8: {  	(v2sf) =	vpush v2, $0x2  }
0x1f9: {  	(v2sf) =	vpush v2, $0x3  }
0x1fa: {  	(v2sf) =	vpush v2, $0xD;
	_ =	sdelay $0x1  }
0x1fb: {  	(v2sf) =	vpush v2, $0x4  }
0x1fc: {  	(v2sf) =	vpush v2, $0x9  }
0x1fd: {  	(v2sf) =	vpush v2, $0xE;
	_ =	sdelay $0x1  }
0x1fe: {  	(v2sf) =	vpush v2, $0xA  }
0x1ff: {  	(v2sf) =	vpush v2, $0xF;
	_ =	sdelay $0x1  }
0x200: {  	(v2sf) =	vpush v2, $0xB  }
0x201: {  	[dreg:$0x5] =	wrdreg s11;
	(v2sf) =	vpush v2, $0x5;
	s13 =	spop (v2sf)  }
0x202: {  	(v2sf) =	vpush v2, $0x1;
	s10 =	spop (v2sf);
	s1 =	smulhi.u32 $0x55555556, s13  }
0x203: {  	p2 =	sne.s32 s12, $0x1C0;
	(v2sf) =	vpush v2, $0x6;
	s11 =	smulhi.u32 $0x55555556, s10;
	s14 =	spop (v2sf)  }
0x204: {  	s12 =	sadd.s32 $0x40, s12;
	(v2sf) =	vpush v2, $0x7;
	s6 =	smulhi.u32 $0x55555556, s14;
	s16 =	spop (v2sf)  }
0x205: {  	s15 =	sshra.s32 s14, $0x1F;
	s17 =	spop (v2sf);
	s18 =	smulhi.u32 $0x55555556, s16  }
0x206: {  	s2 =	sshra.s32 s13, $0x1F;
	s7 =	smul.u32 $0x55555556, s15;
	s19 =	spop (v2sf)  }
0x207: {  	s22 =	sshra.s32 s16, $0x1F;
	s16 =	smulhi.u32 $0x55555556, s17;
	[dreg:$0x13] =	wrdreg s18  }
0x208: {  	s20 =	sshra.s32 s17, $0x1F;
	s21 =	spop (v2sf);
	s23 =	smulhi.u32 $0x55555556, s19  }
0x209: {  	s3 =	sshra.s32 s19, $0x1F;
	s24 =	spop (v2sf);
	s14 =	smulhi.u32 $0x55555556, s21  }
0x20a: {  	s6 =	sadd.s32 s7, s6;
	s13 =	spop (v2sf);
	s15 =	smulhi.u32 $0x55555556, s24  }
0x20b: {  	s0 =	sshra.s32 s21, $0x1F;
	s25 =	sshra.s32 s24, $0x1F;
	s24 =	smulhi.u32 $0x55555556, s13  }
0x20c: {  	s7 =	sshrl.u32 s6, $0x1F;
	s18 =	spop (v2sf);
	s9 =	smul.u32 $0x55555556, s25  }
0x20d: {  	s17 =	sshra.s32 s18, $0x1F;
	s4 =	spop (v2sf);
	s21 =	smulhi.u32 $0x55555556, s18  }
0x20e: {  	s28 =	sshra.s32 s13, $0x1F;
	s19 =	sshra.s32 s4, $0x1F;
	s31 =	smul.u32 $0x55555556, s17  }
0x20f: {  	s5 =	spop (v2sf);
	s29 =	sadd.s32 s9, s15;
	s30 =	smul.u32 $0x55555556, s19  }
.Ltmp3:
0x210: {  	s26 =	sshra.s32 s5, $0x1F;
	s18 =	spop (v2sf);
	(pc) =	sbr.rel @p2 .LBB2_9-.Ltmp3, $4  }
0x211: {  	v4 =	vmov s6;
	s25 =	sshra.s32 s18, $0x1F;
	s8 =	spop (v2sf);
	s6 =	smulhi.u32 $0x55555556, s18  }
0x212: {  	v3 =	vmov s7;
	s19 =	sshra.s32 s8, $0x1F;
	s25 =	smul.u32 $0x55555556, s25;
	s7 =	spop (v2sf)  }
0x213: {  	s15 =	smul.u32 $0x55555556, s19;
	s19 =	sshrl.u32 s29, $0x1F;
	s13 =	spop (v2sf)  }
0x214: {  	v3 =	vnsel vm3, $0x0, v3;
	s17 =	sshra.s32 s7, $0x1F;
	s18 =	smulhi.u32 $0x55555556, s13;
	s9 =	sshra.s32 s13, $0x1F  }
0x215: {  	s4 =	smulhi.u32 $0x55555556, s4  }
0x216: {  	s8 =	smulhi.u32 $0x55555556, s8  }
0x217: {  	s2 =	smul.u32 $0x55555556, s2  }
0x218: {  	s12 =	smul.u32 $0x55555556, s26  }
0x219: {  	s3 =	smul.u32 $0x55555556, s3  }
0x21a: {  	s5 =	smulhi.u32 $0x55555556, s5  }
0x21b: {  	s13 =	sadd.s32 s31, s21;
	s21 =	sshra.s32 s10, $0x1F;
	s26 =	smul.u32 $0x55555556, s28  }
0x21c: {  	s0 =	smul.u32 $0x55555556, s0;
	s10 =	sshrl.u32 s13, $0x1F;
	s4 =	sadd.s32 s30, s4  }
0x21d: {  	v4 =	vnsel vm3, $0x0, v4;
	s1 =	sadd.s32 s2, s1;
	s15 =	sadd.s32 s15, s8;
	s8 =	smul.u32 $0x55555556, s21  }
0x21e: {  	s2 =	sadd.s32 s3, s23;
	v5 =	vmov s1;
	s23 =	sshrl.u32 s15, $0x1F;
	v4 =	vsel vm0, s15, v4;
	s1 =	sshrl.u32 s1, $0x1F  }
0x21f: {  	s5 =	sadd.s32 s12, s5;
	s12 =	smul.u32 $0x55555556, s22;
	v5 =	vsel vm0, s29, v5;
	v3 =	vsel vm0, s23, v3;
	s11 =	sadd.s32 s8, s11;
	v7 =	vmov s1  }
0x220: {  	s21 =	smul.u32 $0x55555556, s20;
	s26 =	sadd.s32 s26, s24;
	v5 =	vsel vm1, s13, v5;
	v6 =	vmov s11;
	s23 =	sshrl.u32 s11, $0x1F;
	v7 =	vsel vm0, s19, v7  }
0x221: {  	s0 =	sadd.s32 s0, s14;
	s22 =	sshrl.u32 s2, $0x1F;
	s13 =	rddreg [dreg:$0x13];
	v5 =	vsel vm2, s5, v5;
	v6 =	vsel vm0, s2, v6;
	v8 =	vmov s23  }
0x222: {  	s20 =	smul.u32 $0x55555556, s17;
	s15 =	sshrl.u32 s5, $0x1F;
	s3 =	sadd.s32 s12, s13;
	v7 =	vsel vm1, s10, v7;
	v6 =	vsel vm1, s26, v6;
	v8 =	vsel vm0, s22, v8  }
0x223: {  	s19 =	sadd.s32 s21, s16;
	s2 =	sshrl.u32 s26, $0x1F;
	s8 =	sshrl.u32 s3, $0x1F;
	v4 =	vsel vm1, s3, v4;
	v7 =	vsel vm2, s15, v7;
	v6 =	vsel vm2, s4, v6  }
0x224: {  	s21 =	sshrl.u32 s4, $0x1F;
	s23 =	sshrl.u32 s19, $0x1F;
	s22 =	smulhi.u32 $0x55555556, s7;
	v8 =	vsel vm1, s2, v8;
	v4 =	vsel vm2, s19, v4;
	v3 =	vsel vm1, s8, v3  }
0x225: {  	s24 =	sadd.s32 s25, s6;
	s25 =	smul.u32 $0x55555556, s9;
	v8 =	vsel vm2, s21, v8;
	v4 =	vsel vm4, s0, v4;
	v3 =	vsel vm2, s23, v3;
	s0 =	sshrl.u32 s0, $0x1F  }
0x226: {  	s26 =	sshrl.u32 s24, $0x1F;
	s1 =	sadd.s32 s20, s22;
	v5 =	vcombine.low v5, v6;
	v4 =	vsel vm5, s24, v4;
	v3 =	vsel vm4, s0, v3  }
0x227: {  	s6 =	sadd.s32 s25, s18;
	v7 =	vcombine.low v7, v8;
	v4 =	vsel vm6, s1, v4;
	v3 =	vsel vm5, s26, v3;
	s1 =	sshrl.u32 s1, $0x1F  }
0x228: {  	s0 =	sshrl.u32 s6, $0x1F;
	v5 =	vperm.xlane v5, v0;
	v3 =	vsel vm6, s1, v3  }
0x229: {  	v4 =	vsel vm7, s6, v4;
	v6 =	vperm.xlane v7, v0;
	v3 =	vsel vm7, s0, v3  }
0x22a: {  	v4 =	vperm.xlane v4, v1;
	v3 =	vperm.xlane v3, v1  }
0x22b: {  	s7 =	sld [smem:$0x7EE]  }
0x22c: {  	s9 =	sld [smem:$0x7EF];
	v4 =	vsel vm8, v4, v5;
	v3 =	vsel vm8, v3, v6  }
0x22d: {  	v3 =	vadd.s32 v3, v4  }
0x22e: {  	s8 =	sshll.u32 s7, $0xB;
	v3 =	vmul.u32 $0x3, v3  }
0x22f: {  	s11 =	rddreg [dreg:$0x0];
	s0 =	sadd.s32 s8, s9  }
0x230: {  	s10 =	rddreg [dreg:$0x5];
	s0 =	sshrl.u32 s0, $0x3;
	v2 =	vsub.s32 v2, v3  }
0x231: {  	s12 =	simm.s32 $0x0;
	s13 =	simm.s32 $0x98;
	s0 =	sadd.s32 s11, s0;
	[tilespmem:s10+$0x318] =	vst v2  }
0x232: {  	[tilespmem:s13], [sflag:$0x2] =	stream.linear.gather [hbm4b:s0+s12], $0x80, $0x38;
	[tilespmem:$0x10818] =	vst v63  }
0x233: {  	s15 =	simm.s32 $0x198;
	s14 =	sadd.s32 $0x10, s0  }
0x234: {  	[tilespmem:s15], [sflag:$0x2] =	stream.linear.gather [hbm4b:s14+s12], $0x80, $0x38;
	[tilespmem:$0x10818] =	vst v63  }
0x235: {  	s17 =	simm.s32 $0x298;
	s16 =	sadd.s32 $0x20, s0  }
0x236: {  	[tilespmem:s17], [sflag:$0x2] =	stream.linear.gather [hbm4b:s16+s12], $0x80, $0x38;
	[tilespmem:$0x10818] =	vst v63  }
0x237: {  	s19 =	simm.s32 $0x398;
	s18 =	sadd.s32 $0x30, s0  }
0x238: {  	[tilespmem:s19], [sflag:$0x2] =	stream.linear.gather [hbm4b:s18+s12], $0x80, $0x38;
	[tilespmem:$0x10818] =	vst v63  }
0x239: {  	s21 =	simm.s32 $0x498;
	s20 =	sadd.s32 $0x40, s0  }
0x23a: {  	[tilespmem:s21], [sflag:$0x2] =	stream.linear.gather [hbm4b:s20+s12], $0x80, $0x38;
	[tilespmem:$0x10818] =	vst v63  }
0x23b: {  	s23 =	simm.s32 $0x598;
	s22 =	sadd.s32 $0x50, s0  }
0x23c: {  	[tilespmem:s23], [sflag:$0x2] =	stream.linear.gather [hbm4b:s22+s12], $0x80, $0x38;
	[tilespmem:$0x10818] =	vst v63  }
0x23d: {  	s25 =	simm.s32 $0x698;
	s24 =	sadd.s32 $0x60, s0  }
0x23e: {  	[tilespmem:s25], [sflag:$0x2] =	stream.linear.gather [hbm4b:s24+s12], $0x80, $0x38;
	[tilespmem:$0x10818] =	vst v63  }
0x23f: {  	s26 =	simm.s32 $0x798;
	s0 =	sadd.s32 $0x70, s0  }
0x240: {  	[tilespmem:s26], [sflag:$0x2] =	stream.linear.gather [hbm4b:s0+s12], $0x80, $0x38;
	[tilespmem:$0x10818] =	vst v63  }
0x241: {  	[smem:$0x7EB] =	sst s8;
	s0 =	simm.s32 @!p1 $0x8  }
0x242: {  	_ =	swait.ge @!p1 [sflag:s0], $0x8000  }
0x243: {  	[sflag:s0] =	ssyncset.done @!p1 $0x0  }
0x244: {  	s3 =	simm.s32 $0x80;
	s2 =	simm.s32 $0x218;
	[sflag:s0] =	ssyncadd.s32 @!p1 $0xFFFF8000  }
0x245: {  	s4 =	simm.s32 $0x8818;
	s16 =	simm.s32 $0x0;
	s0 =	rddreg [dreg:$0x3]  }
0x246: {  	[tilespmem:s4], [sflag:$0x5] =	stream.indirect.gather [spmem:s0], $0x80, s2, s3, $0xb8;
	[tilespmem:$0x10818] =	vst v63  }
0x247: {  	v2 =	vld [tilespmem:s16+$0x418];
	_ =	sdelay $0x4  }
0x248: {  	(v2sf) =	vpush v2, $0x8  }
0x249: {  	(v2sf) =	vpush v2, $0xC  }
0x24a: {  	(v2sf) =	vpush v2, $0x0  }
0x24b: {  	(v2sf) =	vpush v2, $0x2;
	_ =	sdelay $0x1  }
0x24c: {  	(v2sf) =	vpush v2, $0x3  }
0x24d: {  	(v2sf) =	vpush v2, $0xD;
	_ =	sdelay $0x1  }
0x24e: {  	(v2sf) =	vpush v2, $0x4  }
0x24f: {  	(v2sf) =	vpush v2, $0x9  }
0x250: {  	(v2sf) =	vpush v2, $0xE;
	_ =	sdelay $0x1  }
0x251: {  	(v2sf) =	vpush v2, $0xA  }
0x252: {  	(v2sf) =	vpush v2, $0xF  }
0x253: {  	(v2sf) =	vpush v2, $0xB  }
0x254: {  	(v2sf) =	vpush v2, $0x5;
	s5 =	spop (v2sf)  }
0x255: {  	s10 =	spop (v2sf)  }
0x256: {  	(v2sf) =	vpush v2, $0x1;
	s1 =	smulhi.u32 $0x55555556, s5;
	s6 =	spop (v2sf)  }
0x257: {  	s9 =	smulhi.u32 $0x55555556, s6;
	s7 =	spop (v2sf)  }
0x258: {  	(v2sf) =	vpush v2, $0x6;
	s2 =	sshra.s32 s6, $0x1F;
	s18 =	smulhi.u32 $0x55555556, s7  }
0x259: {  	(v2sf) =	vpush v2, $0x7;
	s8 =	spop (v2sf);
	s2 =	smul.u32 $0x55555556, s2  }
0x25a: {  	s11 =	spop (v2sf);
	s13 =	smulhi.u32 $0x55555556, s8  }
0x25b: {  	s3 =	sshra.s32 s5, $0x1F;
	s17 =	smulhi.u32 $0x55555556, s11  }
0x25c: {  	s14 =	spop (v2sf);
	s29 =	sshra.s32 s11, $0x1F;
	s11 =	smulhi.u32 $0x55555556, s10  }
0x25d: {  	s7 =	sshra.s32 s7, $0x1F;
	s12 =	spop (v2sf);
	s15 =	smulhi.u32 $0x55555556, s14  }
0x25e: {  	s0 =	sshra.s32 s8, $0x1F;
	[dreg:$0x1f] =	wrdreg s13;
	s19 =	spop (v2sf)  }
0x25f: {  	s21 =	smulhi.u32 $0x55555556, s12;
	s22 =	sshra.s32 s12, $0x1F;
	[dreg:$0x18] =	wrdreg s15  }
0x260: {  	s20 =	spop (v2sf);
	s24 =	smul.u32 $0x55555556, s22;
	s28 =	sshra.s32 s19, $0x1F  }
0x261: {  	s4 =	spop (v2sf);
	s12 =	smulhi.u32 $0x55555556, s20;
	s26 =	sshra.s32 s20, $0x1F  }
0x262: {  	s23 =	sshra.s32 s4, $0x1F;
	s5 =	spop (v2sf);
	s31 =	smul.u32 $0x55555556, s26  }
0x263: {  	s21 =	sadd.s32 s24, s21;
	s25 =	spop (v2sf);
	s30 =	smul.u32 $0x55555556, s23  }
0x264: {  	s23 =	sadd.s32 s2, s9;
	s2 =	smulhi.u32 $0x55555556, s19;
	s19 =	sshrl.u32 s21, $0x1F  }
0x265: {  	s8 =	spop (v2sf);
	s6 =	smulhi.u32 $0x55555556, s25;
	s15 =	sshra.s32 s25, $0x1F  }
0x266: {  	s26 =	sshrl.u32 s23, $0x1F;
	s9 =	sshra.s32 s8, $0x1F;
	s25 =	smul.u32 $0x55555556, s15  }
0x267: {  	v3 =	vmov s26;
	s26 =	sshra.s32 s5, $0x1F;
	s13 =	smul.u32 $0x55555556, s9;
	s22 =	spop (v2sf)  }
0x268: {  	s9 =	sshra.s32 s14, $0x1F;
	s14 =	simm.s32 $0x40;
	s20 =	spop (v2sf)  }
0x269: {  	v4 =	vmov s23;
	v3 =	vnsel vm3, $0x0, v3;
	s23 =	sshra.s32 s22, $0x1F;
	s24 =	smulhi.u32 $0x55555556, s20;
	s20 =	sshra.s32 s20, $0x1F  }
.LBB2_11:
0x26a: {  	s15 =	smulhi.u32 $0x55555556, s4  }
0x26b: {  	s8 =	smulhi.u32 $0x55555556, s8  }
0x26c: {  	s26 =	smul.u32 $0x55555556, s26  }
0x26d: {  	s3 =	smul.u32 $0x55555556, s3  }
0x26e: {  	s5 =	smulhi.u32 $0x55555556, s5  }
0x26f: {  	s29 =	smul.u32 $0x55555556, s29  }
0x270: {  	s7 =	smul.u32 $0x55555556, s7  }
0x271: {  	s0 =	smul.u32 $0x55555556, s0  }
0x272: {  	s10 =	sshra.s32 s10, $0x1F;
	s9 =	smul.u32 $0x55555556, s9  }
0x273: {  	s23 =	smul.u32 $0x55555556, s23;
	s12 =	sadd.s32 s31, s12;
	s6 =	sadd.s32 s25, s6  }
0x274: {  	v4 =	vnsel vm3, $0x0, v4;
	s1 =	sadd.s32 s3, s1;
	s13 =	sadd.s32 s13, s8;
	s8 =	smul.u32 $0x55555556, s10  }
0x275: {  	s5 =	sadd.s32 s26, s5;
	v5 =	vmov s1;
	v4 =	vsel vm0, s13, v4;
	s3 =	sshrl.u32 s13, $0x1F;
	s1 =	sshrl.u32 s1, $0x1F  }
0x276: {  	s7 =	sadd.s32 s7, s18;
	s18 =	rddreg [dreg:$0x1f];
	v5 =	vsel vm0, s21, v5;
	v3 =	vsel vm0, s3, v3;
	s21 =	sadd.s32 s8, s11;
	v7 =	vmov s1  }
0x277: {  	s13 =	sadd.s32 s29, s17;
	s17 =	smul.u32 $0x55555556, s28;
	s0 =	sadd.s32 s0, s18;
	v4 =	vsel vm1, s7, v4;
	v5 =	vsel vm1, s12, v5;
	v6 =	vmov s21  }
0x278: {  	s10 =	sshrl.u32 s12, $0x1F;
	s26 =	sshrl.u32 s13, $0x1F;
	s12 =	sshrl.u32 s21, $0x1F;
	v7 =	vsel vm0, s19, v7;
	v4 =	vsel vm2, s0, v4;
	v5 =	vsel vm2, s5, v5  }
0x279: {  	s11 =	sadd.s32 s17, s2;
	s19 =	sshrl.u32 s7, $0x1F;
	s21 =	rddreg [dreg:$0x18];
	v6 =	vsel vm0, s13, v6;
	v8 =	vmov s12;
	v7 =	vsel vm1, s10, v7  }
0x27a: {  	s17 =	sshrl.u32 s5, $0x1F;
	s0 =	sshrl.u32 s0, $0x1F;
	s7 =	sadd.s32 s9, s21;
	v3 =	vsel vm1, s19, v3;
	v6 =	vsel vm1, s11, v6;
	v8 =	vsel vm0, s26, v8  }
0x27b: {  	s15 =	sadd.s32 s30, s15;
	s1 =	sshrl.u32 s11, $0x1F;
	v7 =	vsel vm2, s17, v7;
	s26 =	smulhi.u32 $0x55555556, s22;
	v4 =	vsel vm4, s7, v4;
	v3 =	vsel vm2, s0, v3  }
0x27c: {  	s25 =	sshrl.u32 s15, $0x1F;
	s9 =	smul.u32 $0x55555556, s20;
	s10 =	sshrl.u32 s7, $0x1F;
	v6 =	vsel vm2, s15, v6;
	v8 =	vsel vm1, s1, v8;
	v4 =	vsel vm5, s6, v4  }
0x27d: {  	s13 =	sshrl.u32 s6, $0x1F;
	v3 =	vsel vm4, s10, v3;
	v8 =	vsel vm2, s25, v8;
	v5 =	vcombine.low v5, v6;
	s2 =	sadd.s32 s23, s26  }
0x27e: {  	s11 =	sadd.s32 s9, s24;
	v3 =	vsel vm5, s13, v3;
	v7 =	vcombine.low v7, v8;
	v4 =	vsel vm6, s2, v4;
	s12 =	sshrl.u32 s2, $0x1F  }
0x27f: {  	s0 =	sshrl.u32 s11, $0x1F;
	v4 =	vsel vm7, s11, v4;
	v3 =	vsel vm6, s12, v3  }
0x280: {  	v5 =	vperm.xlane v5, v0;
	v6 =	vperm.xlane v7, v0;
	v3 =	vsel vm7, s0, v3  }
0x281: {  	v4 =	vperm.xlane v4, v1;
	v3 =	vperm.xlane v3, v1;
	_ =	sdelay $0x1  }
0x282: {  	v4 =	vsel vm8, v4, v5;
	v3 =	vsel vm8, v3, v6  }
0x283: {  	v3 =	vadd.s32 v3, v4  }
0x284: {  	v3 =	vmul.u32 $0x3, v3  }
0x285: {  	s4 =	smov.u32 s14  }
0x286: {  	s13 =	sshra.s32 s4, $0x2;
	v2 =	vsub.s32 v2, v3  }
0x287: {  	s24 =	smov.u32 s13;
	[tilespmem:s16+$0x418] =	vst v2  }
0x288: {  	v2 =	vld [tilespmem:s24+$0x418];
	_ =	sdelay $0x4  }
0x289: {  	(v2sf) =	vpush v2, $0x8  }
0x28a: {  	(v2sf) =	vpush v2, $0xC  }
0x28b: {  	(v2sf) =	vpush v2, $0x0  }
0x28c: {  	(v2sf) =	vpush v2, $0x2  }
0x28d: {  	(v2sf) =	vpush v2, $0x3  }
0x28e: {  	(v2sf) =	vpush v2, $0xD  }
0x28f: {  	(v2sf) =	vpush v2, $0x4  }
0x290: {  	(v2sf) =	vpush v2, $0x9;
	_ =	sdelay $0x1  }
0x291: {  	(v2sf) =	vpush v2, $0xE;
	_ =	sdelay $0x1  }
0x292: {  	(v2sf) =	vpush v2, $0xA  }
0x293: {  	(v2sf) =	vpush v2, $0xF  }
0x294: {  	(v2sf) =	vpush v2, $0xB  }
0x295: {  	(v2sf) =	vpush v2, $0x5  }
0x296: {  	(v2sf) =	vpush v2, $0x1;
	s15 =	spop (v2sf)  }
0x297: {  	(v2sf) =	vpush v2, $0x6;
	s10 =	spop (v2sf);
	s1 =	smulhi.u32 $0x55555556, s15  }
0x298: {  	p1 =	sne.s32 s14, $0x1C0;
	(v2sf) =	vpush v2, $0x7;
	s11 =	smulhi.u32 $0x55555556, s10;
	s16 =	spop (v2sf)  }
0x299: {  	s14 =	sadd.s32 $0x40, s14;
	s6 =	smulhi.u32 $0x55555556, s16;
	s19 =	spop (v2sf)  }
0x29a: {  	s17 =	sshra.s32 s16, $0x1F;
	s20 =	spop (v2sf);
	s18 =	smulhi.u32 $0x55555556, s19  }
0x29b: {  	s3 =	sshra.s32 s15, $0x1F;
	s8 =	smul.u32 $0x55555556, s17;
	s21 =	spop (v2sf)  }
0x29c: {  	s7 =	sshra.s32 s19, $0x1F;
	s5 =	smulhi.u32 $0x55555556, s20;
	s22 =	spop (v2sf)  }
0x29d: {  	s0 =	sshra.s32 s20, $0x1F;
	s17 =	smulhi.u32 $0x55555556, s21;
	s23 =	spop (v2sf)  }
0x29e: {  	s29 =	sshra.s32 s21, $0x1F;
	[dreg:$0x1f] =	wrdreg s5;
	s2 =	smulhi.u32 $0x55555556, s22  }
0x29f: {  	s6 =	sadd.s32 s8, s6;
	s16 =	spop (v2sf);
	s15 =	smulhi.u32 $0x55555556, s23  }
0x2a0: {  	s25 =	sshra.s32 s23, $0x1F;
	[dreg:$0x18] =	wrdreg s2;
	s2 =	smulhi.u32 $0x55555556, s16  }
0x2a1: {  	s9 =	sshra.s32 s22, $0x1F;
	s20 =	spop (v2sf);
	s13 =	smul.u32 $0x55555556, s25  }
0x2a2: {  	s19 =	sshra.s32 s20, $0x1F;
	s4 =	spop (v2sf);
	s12 =	smulhi.u32 $0x55555556, s20  }
0x2a3: {  	s21 =	sshra.s32 s4, $0x1F;
	s5 =	spop (v2sf);
	s31 =	smul.u32 $0x55555556, s19  }
0x2a4: {  	s23 =	sshrl.u32 s6, $0x1F;
	s22 =	spop (v2sf);
	s30 =	smul.u32 $0x55555556, s21  }
0x2a5: {  	v4 =	vmov s6;
	s28 =	sshra.s32 s16, $0x1F;
	s8 =	spop (v2sf);
	s6 =	smulhi.u32 $0x55555556, s22  }
.Ltmp4:
0x2a6: {  	s25 =	sshra.s32 s22, $0x1F;
	s22 =	spop (v2sf);
	(pc) =	sbr.rel @p1 .LBB2_11-.Ltmp4, $4  }
0x2a7: {  	s26 =	sshra.s32 s5, $0x1F;
	s25 =	smul.u32 $0x55555556, s25;
	s20 =	spop (v2sf)  }
0x2a8: {  	s21 =	sadd.s32 s13, s15;
	s16 =	sshra.s32 s8, $0x1F;
	s15 =	smulhi.u32 $0x55555556, s20  }
0x2a9: {  	v3 =	vmov s23;
	s19 =	sshrl.u32 s21, $0x1F;
	s13 =	smul.u32 $0x55555556, s16;
	s16 =	smov.u32 s24  }
0x2aa: {  	v3 =	vnsel vm3, $0x0, v3;
	s23 =	sshra.s32 s22, $0x1F;
	s20 =	sshra.s32 s20, $0x1F;
	s24 =	smov.u32 s15  }
0x2ab: {  	s4 =	smulhi.u32 $0x55555556, s4  }
0x2ac: {  	s8 =	smulhi.u32 $0x55555556, s8  }
0x2ad: {  	s3 =	smul.u32 $0x55555556, s3  }
0x2ae: {  	s14 =	smul.u32 $0x55555556, s26  }
0x2af: {  	s15 =	smul.u32 $0x55555556, s29  }
0x2b0: {  	s5 =	smulhi.u32 $0x55555556, s5  }
0x2b1: {  	s7 =	smul.u32 $0x55555556, s7  }
0x2b2: {  	s12 =	sadd.s32 s31, s12;
	s10 =	sshra.s32 s10, $0x1F;
	s0 =	smul.u32 $0x55555556, s0  }
0x2b3: {  	s10 =	smul.u32 $0x55555556, s10;
	s4 =	sadd.s32 s30, s4;
	s1 =	sadd.s32 s3, s1  }
0x2b4: {  	v4 =	vnsel vm3, $0x0, v4;
	s8 =	sadd.s32 s13, s8;
	s3 =	sadd.s32 s15, s17;
	s13 =	sshrl.u32 s12, $0x1F  }
0x2b5: {  	s15 =	smul.u32 $0x55555556, s28;
	v5 =	vmov s1;
	s17 =	sshrl.u32 s8, $0x1F;
	v4 =	vsel vm0, s8, v4;
	s1 =	sshrl.u32 s1, $0x1F  }
0x2b6: {  	s5 =	sadd.s32 s14, s5;
	s14 =	smul.u32 $0x55555556, s9;
	v5 =	vsel vm0, s21, v5;
	v3 =	vsel vm0, s17, v3;
	s21 =	sadd.s32 s10, s11;
	v7 =	vmov s1  }
0x2b7: {  	s26 =	sshrl.u32 s3, $0x1F;
	s2 =	sadd.s32 s15, s2;
	v5 =	vsel vm1, s12, v5;
	v6 =	vmov s21;
	s11 =	sshrl.u32 s21, $0x1F;
	v7 =	vsel vm0, s19, v7  }
0x2b8: {  	s15 =	sshrl.u32 s5, $0x1F;
	s17 =	rddreg [dreg:$0x1f];
	s12 =	sadd.s32 s7, s18;
	v5 =	vsel vm2, s5, v5;
	v6 =	vsel vm0, s3, v6;
	v8 =	vmov s11  }
0x2b9: {  	s0 =	sadd.s32 s0, s17;
	s19 =	rddreg [dreg:$0x18];
	s21 =	smul.u32 $0x55555556, s23;
	v7 =	vsel vm1, s13, v7;
	v4 =	vsel vm1, s12, v4;
	v6 =	vsel vm1, s2, v6  }
0x2ba: {  	s23 =	sshrl.u32 s4, $0x1F;
	s18 =	sshrl.u32 s12, $0x1F;
	v8 =	vsel vm0, s26, v8;
	s2 =	sshrl.u32 s2, $0x1F;
	v7 =	vsel vm2, s15, v7;
	v4 =	vsel vm2, s0, v4  }
0x2bb: {  	s3 =	sadd.s32 s14, s19;
	s26 =	smulhi.u32 $0x55555556, s22;
	v3 =	vsel vm1, s18, v3;
	s0 =	sshrl.u32 s0, $0x1F;
	v6 =	vsel vm2, s4, v6;
	v8 =	vsel vm1, s2, v8  }
0x2bc: {  	s9 =	smul.u32 $0x55555556, s20;
	s8 =	sadd.s32 s25, s6;
	s10 =	sshrl.u32 s3, $0x1F;
	v4 =	vsel vm4, s3, v4;
	v3 =	vsel vm2, s0, v3;
	v8 =	vsel vm2, s23, v8  }
0x2bd: {  	s11 =	sshrl.u32 s8, $0x1F;
	v4 =	vsel vm5, s8, v4;
	s1 =	sadd.s32 s21, s26;
	v3 =	vsel vm4, s10, v3;
	v5 =	vcombine.low v5, v6  }
0x2be: {  	s12 =	sadd.s32 s9, s24;
	v7 =	vcombine.low v7, v8;
	v4 =	vsel vm6, s1, v4;
	v3 =	vsel vm5, s11, v3;
	s1 =	sshrl.u32 s1, $0x1F  }
0x2bf: {  	s0 =	sshrl.u32 s12, $0x1F;
	v4 =	vsel vm7, s12, v4;
	v3 =	vsel vm6, s1, v3  }
0x2c0: {  	v5 =	vperm.xlane v5, v0;
	v6 =	vperm.xlane v7, v0;
	v3 =	vsel vm7, s0, v3  }
0x2c1: {  	v4 =	vperm.xlane v4, v1;
	v3 =	vperm.xlane v3, v1;
	_ =	sdelay $0x1  }
0x2c2: {  	v4 =	vsel vm8, v4, v5;
	v3 =	vsel vm8, v3, v6  }
0x2c3: {  	v3 =	vadd.s32 v3, v4  }
0x2c4: {  	v3 =	vmul.u32 $0x3, v3;
	_ =	sdelay $0x1  }
0x2c5: {  	v2 =	vsub.s32 v2, v3  }
0x2c6: {  	s13 =	simm.s32 $0x3;
	[tilespmem:s16+$0x418] =	vst v2  }
0x2c7: {  	_ =	swait.ge [sflag:s13], $0x4000  }
0x2c8: {  	[sflag:s13] =	ssyncset.done $0x0  }
0x2c9: {  	s16 =	simm.s32 $0x4;
	[sflag:s13] =	ssyncadd.s32 $0xFFFFC000  }
0x2ca: {  	s14 =	sld [smem:$0x7EE];
	_ =	swait.ge [sflag:s16], $0x4000  }
0x2cb: {  	s17 =	sld [smem:$0x7F2];
	_ =	sdelay $0x1  }
0x2cc: {  	s15 =	sshll.u32 s14, $0x4;
	[sflag:s16] =	ssyncset.done $0x0  }
0x2cd: {  	s19 =	simm.s32 $0x818;
	[sflag:s16] =	ssyncadd.s32 $0xFFFFC000;
	s0 =	sadd.s32 s17, s15  }
0x2ce: {  	s18 =	simm.s32 $0x0;
	s1 =	rddreg [dreg:$0x2];
	s0 =	sshll.u32 s0, $0xB  }
0x2cf: {  	s22 =	simm.s32 $0x80;
	s21 =	simm.s32 $0x318;
	s0 =	sadd.s32 s1, s0  }
0x2d0: {  	[hbm4b:s0+s18] =	stream.linear.scatter [tilespmem:s19], [sflag:$0x7], $0x8000, $0x38;
	[tilespmem:$0x10818] =	vst v63  }
0x2d1: {  	s23 =	simm.s32 $0xC818;
	s20 =	rddreg [dreg:$0x3];
	s18 =	simm.s32 $0x0  }
0x2d2: {  	[tilespmem:s23], [sflag:$0x6] =	stream.indirect.gather [spmem:s20], $0x80, s21, s22, $0xb8;
	[tilespmem:$0x10818] =	vst v63  }
0x2d3: {  	v2 =	vld [tilespmem:s18+$0x518];
	_ =	sdelay $0x4  }
0x2d4: {  	(v2sf) =	vpush v2, $0x8  }
0x2d5: {  	(v2sf) =	vpush v2, $0xC  }
0x2d6: {  	(v2sf) =	vpush v2, $0x0  }
0x2d7: {  	(v2sf) =	vpush v2, $0x2;
	_ =	sdelay $0x1  }
0x2d8: {  	(v2sf) =	vpush v2, $0x3  }
0x2d9: {  	(v2sf) =	vpush v2, $0xD;
	_ =	sdelay $0x1  }
0x2da: {  	(v2sf) =	vpush v2, $0x4  }
0x2db: {  	(v2sf) =	vpush v2, $0x9  }
0x2dc: {  	(v2sf) =	vpush v2, $0xE;
	_ =	sdelay $0x1  }
0x2dd: {  	(v2sf) =	vpush v2, $0xA  }
0x2de: {  	(v2sf) =	vpush v2, $0xF;
	_ =	sdelay $0x1  }
0x2df: {  	(v2sf) =	vpush v2, $0xB;
	s24 =	spop (v2sf)  }
0x2e0: {  	(v2sf) =	vpush v2, $0x5;
	s10 =	spop (v2sf)  }
0x2e1: {  	(v2sf) =	vpush v2, $0x1;
	s1 =	smulhi.u32 $0x55555556, s24;
	s25 =	spop (v2sf)  }
0x2e2: {  	s26 =	smulhi.u32 $0x55555556, s25;
	s7 =	spop (v2sf)  }
0x2e3: {  	(v2sf) =	vpush v2, $0x6;
	s2 =	sshra.s32 s25, $0x1F;
	s20 =	smulhi.u32 $0x55555556, s7  }
0x2e4: {  	(v2sf) =	vpush v2, $0x7;
	s8 =	spop (v2sf);
	s2 =	smul.u32 $0x55555556, s2  }
0x2e5: {  	s11 =	spop (v2sf);
	s13 =	smulhi.u32 $0x55555556, s8  }
0x2e6: {  	[smem:$0x7E9] =	sst s15;
	s3 =	sshra.s32 s24, $0x1F;
	s17 =	smulhi.u32 $0x55555556, s11  }
0x2e7: {  	s14 =	spop (v2sf);
	s29 =	sshra.s32 s11, $0x1F;
	s11 =	smulhi.u32 $0x55555556, s10  }
0x2e8: {  	s7 =	sshra.s32 s7, $0x1F;
	s12 =	spop (v2sf);
	s15 =	smulhi.u32 $0x55555556, s14  }
0x2e9: {  	s0 =	sshra.s32 s8, $0x1F;
	[smem:$0x7EA] =	sst s13;
	s19 =	spop (v2sf)  }
0x2ea: {  	s21 =	smulhi.u32 $0x55555556, s12;
	s22 =	sshra.s32 s12, $0x1F;
	[dreg:$0x19] =	wrdreg s15  }
0x2eb: {  	s26 =	sadd.s32 s2, s26;
	s16 =	spop (v2sf);
	s22 =	smul.u32 $0x55555556, s22  }
0x2ec: {  	s2 =	smulhi.u32 $0x55555556, s19;
	s28 =	sshra.s32 s19, $0x1F;
	s4 =	spop (v2sf)  }
0x2ed: {  	s12 =	smulhi.u32 $0x55555556, s16;
	s25 =	sshra.s32 s16, $0x1F;
	s23 =	sshra.s32 s4, $0x1F  }
0x2ee: {  	s5 =	spop (v2sf);
	s15 =	smul.u32 $0x55555556, s25;
	s21 =	sadd.s32 s22, s21  }
0x2ef: {  	s24 =	spop (v2sf);
	s31 =	smul.u32 $0x55555556, s23;
	s23 =	sshrl.u32 s26, $0x1F  }
0x2f0: {  	s8 =	spop (v2sf);
	s6 =	smulhi.u32 $0x55555556, s24;
	s16 =	sshra.s32 s24, $0x1F  }
0x2f1: {  	v4 =	vmov s26;
	s26 =	sshra.s32 s5, $0x1F;
	s9 =	sshra.s32 s8, $0x1F;
	s25 =	smul.u32 $0x55555556, s16  }
0x2f2: {  	s19 =	sshrl.u32 s21, $0x1F;
	s13 =	smul.u32 $0x55555556, s9;
	s24 =	spop (v2sf)  }
0x2f3: {  	v3 =	vmov s23;
	s9 =	sshra.s32 s14, $0x1F;
	s14 =	simm.s32 $0x40;
	s22 =	spop (v2sf)  }
0x2f4: {  	v3 =	vnsel vm3, $0x0, v3;
	s23 =	sshra.s32 s24, $0x1F;
	s16 =	smulhi.u32 $0x55555556, s22;
	s30 =	sshra.s32 s22, $0x1F  }
.LBB2_13:
0x2f5: {  	s8 =	smulhi.u32 $0x55555556, s8  }
0x2f6: {  	s26 =	smul.u32 $0x55555556, s26  }
0x2f7: {  	s3 =	smul.u32 $0x55555556, s3  }
0x2f8: {  	s5 =	smulhi.u32 $0x55555556, s5  }
0x2f9: {  	s7 =	smul.u32 $0x55555556, s7  }
0x2fa: {  	s0 =	smul.u32 $0x55555556, s0  }
0x2fb: {  	s9 =	smul.u32 $0x55555556, s9  }
0x2fc: {  	s10 =	sshra.s32 s10, $0x1F;
	s23 =	smul.u32 $0x55555556, s23  }
0x2fd: {  	s22 =	smov.u32 s16;
	s16 =	smulhi.u32 $0x55555556, s4;
	s12 =	sadd.s32 s15, s12  }
0x2fe: {  	s15 =	smul.u32 $0x55555556, s29;
	s6 =	sadd.s32 s25, s6;
	s1 =	sadd.s32 s3, s1  }
0x2ff: {  	s8 =	sadd.s32 s13, s8;
	s13 =	smul.u32 $0x55555556, s10;
	s10 =	sshrl.u32 s12, $0x1F  }
0x300: {  	v4 =	vnsel vm3, $0x0, v4;
	s5 =	sadd.s32 s26, s5;
	s7 =	sadd.s32 s7, s20;
	v5 =	vmov s1;
	s1 =	sshrl.u32 s1, $0x1F  }
0x301: {  	v4 =	vsel vm0, s8, v4;
	s3 =	sshrl.u32 s8, $0x1F;
	s15 =	sadd.s32 s15, s17;
	s17 =	smul.u32 $0x55555556, s28;
	v5 =	vsel vm0, s21, v5;
	v7 =	vmov s1  }
0x302: {  	s20 =	sshrl.u32 s7, $0x1F;
	v3 =	vsel vm0, s3, v3;
	s8 =	sadd.s32 s13, s11;
	v4 =	vsel vm1, s7, v4;
	v7 =	vsel vm0, s19, v7;
	s19 =	sld [smem:$0x7EA]  }
0x303: {  	s26 =	smulhi.u32 $0x55555556, s24;
	s16 =	sadd.s32 s31, s16;
	v5 =	vsel vm1, s12, v5;
	v6 =	vmov s8;
	s13 =	sshrl.u32 s8, $0x1F;
	v3 =	vsel vm1, s20, v3  }
0x304: {  	s11 =	sshrl.u32 s15, $0x1F;
	s21 =	rddreg [dreg:$0x19];
	s12 =	sadd.s32 s17, s2;
	v5 =	vsel vm2, s5, v5;
	v6 =	vsel vm0, s15, v6;
	v8 =	vmov s13  }
0x305: {  	s17 =	sshrl.u32 s5, $0x1F;
	v7 =	vsel vm1, s10, v7;
	s1 =	sshrl.u32 s12, $0x1F;
	v6 =	vsel vm1, s12, v6;
	v8 =	vsel vm0, s11, v8;
	s0 =	sadd.s32 s0, s19  }
0x306: {  	s25 =	sshrl.u32 s16, $0x1F;
	s7 =	sadd.s32 s9, s21;
	v7 =	vsel vm2, s17, v7;
	v8 =	vsel vm1, s1, v8;
	v4 =	vsel vm2, s0, v4;
	s0 =	sshrl.u32 s0, $0x1F  }
0x307: {  	s9 =	smul.u32 $0x55555556, s30;
	s10 =	sshrl.u32 s7, $0x1F;
	v6 =	vsel vm2, s16, v6;
	v8 =	vsel vm2, s25, v8;
	v3 =	vsel vm2, s0, v3  }
0x308: {  	s2 =	sadd.s32 s23, s26;
	s15 =	sshrl.u32 s6, $0x1F;
	v5 =	vcombine.low v5, v6;
	v4 =	vsel vm4, s7, v4;
	v3 =	vsel vm4, s10, v3  }
0x309: {  	s11 =	sadd.s32 s9, s22;
	s12 =	sshrl.u32 s2, $0x1F;
	v7 =	vcombine.low v7, v8;
	v4 =	vsel vm5, s6, v4;
	v3 =	vsel vm5, s15, v3  }
0x30a: {  	s0 =	sshrl.u32 s11, $0x1F;
	v5 =	vperm.xlane v5, v0;
	v4 =	vsel vm6, s2, v4;
	v3 =	vsel vm6, s12, v3  }
0x30b: {  	v6 =	vperm.xlane v7, v0;
	v4 =	vsel vm7, s11, v4;
	v3 =	vsel vm7, s0, v3  }
0x30c: {  	v4 =	vperm.xlane v4, v1;
	v3 =	vperm.xlane v3, v1;
	_ =	sdelay $0x1  }
0x30d: {  	v4 =	vsel vm8, v4, v5;
	v3 =	vsel vm8, v3, v6  }
0x30e: {  	v3 =	vadd.s32 v3, v4  }
0x30f: {  	v3 =	vmul.u32 $0x3, v3  }
0x310: {  	s4 =	smov.u32 s14  }
0x311: {  	s13 =	sshra.s32 s4, $0x2;
	v2 =	vsub.s32 v2, v3  }
0x312: {  	s22 =	smov.u32 s13;
	[tilespmem:s18+$0x518] =	vst v2  }
0x313: {  	v2 =	vld [tilespmem:s22+$0x518];
	_ =	sdelay $0x4  }
0x314: {  	(v2sf) =	vpush v2, $0x8  }
0x315: {  	(v2sf) =	vpush v2, $0xC  }
0x316: {  	(v2sf) =	vpush v2, $0x0  }
0x317: {  	(v2sf) =	vpush v2, $0x2  }
0x318: {  	(v2sf) =	vpush v2, $0x3  }
0x319: {  	(v2sf) =	vpush v2, $0xD  }
0x31a: {  	(v2sf) =	vpush v2, $0x4  }
0x31b: {  	(v2sf) =	vpush v2, $0x9;
	_ =	sdelay $0x1  }
0x31c: {  	(v2sf) =	vpush v2, $0xE;
	_ =	sdelay $0x1  }
0x31d: {  	(v2sf) =	vpush v2, $0xA  }
0x31e: {  	(v2sf) =	vpush v2, $0xF  }
0x31f: {  	(v2sf) =	vpush v2, $0xB  }
0x320: {  	(v2sf) =	vpush v2, $0x5  }
0x321: {  	s15 =	spop (v2sf)  }
0x322: {  	(v2sf) =	vpush v2, $0x1;
	s10 =	spop (v2sf);
	s1 =	smulhi.u32 $0x55555556, s15  }
0x323: {  	s11 =	smulhi.u32 $0x55555556, s10;
	s16 =	spop (v2sf)  }
0x324: {  	p1 =	sne.s32 s14, $0x1C0;
	(v2sf) =	vpush v2, $0x6;
	s6 =	smulhi.u32 $0x55555556, s16;
	s18 =	spop (v2sf)  }
0x325: {  	(v2sf) =	vpush v2, $0x7;
	s17 =	sshra.s32 s16, $0x1F;
	s19 =	spop (v2sf);
	s20 =	smulhi.u32 $0x55555556, s18  }
0x326: {  	s14 =	sadd.s32 $0x40, s14;
	s8 =	smul.u32 $0x55555556, s17;
	s21 =	spop (v2sf)  }
0x327: {  	s3 =	sshra.s32 s15, $0x1F;
	s5 =	smulhi.u32 $0x55555556, s19;
	s23 =	spop (v2sf)  }
0x328: {  	s7 =	sshra.s32 s18, $0x1F;
	s17 =	smulhi.u32 $0x55555556, s21;
	s24 =	spop (v2sf)  }
0x329: {  	s0 =	sshra.s32 s19, $0x1F;
	[smem:$0x7EA] =	sst s5;
	s2 =	smulhi.u32 $0x55555556, s23  }
0x32a: {  	s29 =	sshra.s32 s21, $0x1F;
	s18 =	spop (v2sf);
	s16 =	smulhi.u32 $0x55555556, s24  }
0x32b: {  	s25 =	sshra.s32 s24, $0x1F;
	[dreg:$0x19] =	wrdreg s2;
	s2 =	smulhi.u32 $0x55555556, s18  }
0x32c: {  	s6 =	sadd.s32 s8, s6;
	s19 =	spop (v2sf);
	s13 =	smul.u32 $0x55555556, s25  }
0x32d: {  	s15 =	sshra.s32 s19, $0x1F;
	s4 =	spop (v2sf);
	s12 =	smulhi.u32 $0x55555556, s19  }
0x32e: {  	s21 =	sshra.s32 s4, $0x1F;
	s5 =	spop (v2sf);
	s15 =	smul.u32 $0x55555556, s15  }
0x32f: {  	s9 =	sshra.s32 s23, $0x1F;
	s23 =	spop (v2sf);
	s31 =	smul.u32 $0x55555556, s21  }
0x330: {  	v4 =	vmov s6;
	s24 =	sshrl.u32 s6, $0x1F;
	s28 =	sshra.s32 s18, $0x1F;
	s6 =	smulhi.u32 $0x55555556, s23  }
.Ltmp5:
0x331: {  	s25 =	sshra.s32 s23, $0x1F;
	s8 =	spop (v2sf);
	(pc) =	sbr.rel @p1 .LBB2_13-.Ltmp5, $4  }
0x332: {  	s26 =	sshra.s32 s5, $0x1F;
	s18 =	sshra.s32 s8, $0x1F;
	s25 =	smul.u32 $0x55555556, s25  }
0x333: {  	v3 =	vmov s24;
	s21 =	sadd.s32 s13, s16;
	s24 =	spop (v2sf);
	s13 =	smul.u32 $0x55555556, s18  }
0x334: {  	s18 =	smov.u32 s22;
	s23 =	sshra.s32 s24, $0x1F;
	s19 =	spop (v2sf)  }
0x335: {  	v3 =	vnsel vm3, $0x0, v3;
	s16 =	smulhi.u32 $0x55555556, s19;
	s30 =	sshra.s32 s19, $0x1F;
	s19 =	sshrl.u32 s21, $0x1F  }
0x336: {  	s4 =	smulhi.u32 $0x55555556, s4  }
0x337: {  	s8 =	smulhi.u32 $0x55555556, s8  }
0x338: {  	s3 =	smul.u32 $0x55555556, s3  }
0x339: {  	s14 =	smul.u32 $0x55555556, s26  }
0x33a: {  	s12 =	sadd.s32 s15, s12;
	s15 =	smul.u32 $0x55555556, s29  }
0x33b: {  	s5 =	smulhi.u32 $0x55555556, s5  }
0x33c: {  	s26 =	smul.u32 $0x55555556, s28  }
0x33d: {  	s7 =	smul.u32 $0x55555556, s7  }
0x33e: {  	s0 =	smul.u32 $0x55555556, s0  }
0x33f: {  	s10 =	sshra.s32 s10, $0x1F;
	s24 =	smulhi.u32 $0x55555556, s24  }
0x340: {  	s10 =	smul.u32 $0x55555556, s10  }
0x341: {  	v4 =	vnsel vm3, $0x0, v4;
	s4 =	sadd.s32 s31, s4;
	s1 =	sadd.s32 s3, s1;
	s8 =	sadd.s32 s13, s8  }
0x342: {  	s3 =	sadd.s32 s15, s17;
	v5 =	vmov s1;
	s22 =	sshrl.u32 s8, $0x1F;
	v4 =	vsel vm0, s8, v4;
	s1 =	sshrl.u32 s1, $0x1F  }
0x343: {  	s5 =	sadd.s32 s14, s5;
	s14 =	sadd.s32 s7, s20;
	s10 =	sadd.s32 s10, s11;
	v5 =	vsel vm0, s21, v5;
	v3 =	vsel vm0, s22, v3;
	v7 =	vmov s1  }
0x344: {  	s17 =	sshrl.u32 s12, $0x1F;
	s20 =	sshrl.u32 s14, $0x1F;
	v6 =	vmov s10;
	v4 =	vsel vm1, s14, v4;
	v7 =	vsel vm0, s19, v7;
	s19 =	sld [smem:$0x7EA]  }
0x345: {  	s2 =	sadd.s32 s26, s2;
	s15 =	smul.u32 $0x55555556, s9;
	v5 =	vsel vm1, s12, v5;
	s12 =	sshrl.u32 s10, $0x1F;
	v6 =	vsel vm0, s3, v6;
	v3 =	vsel vm1, s20, v3  }
0x346: {  	s26 =	sadd.s32 s25, s6;
	s11 =	sshrl.u32 s3, $0x1F;
	s21 =	rddreg [dreg:$0x19];
	v5 =	vsel vm2, s5, v5;
	v8 =	vmov s12;
	v6 =	vsel vm1, s2, v6  }
0x347: {  	v7 =	vsel vm1, s17, v7;
	s17 =	sshrl.u32 s5, $0x1F;
	s2 =	sshrl.u32 s2, $0x1F;
	v8 =	vsel vm0, s11, v8;
	v6 =	vsel vm2, s4, v6;
	s0 =	sadd.s32 s0, s19  }
0x348: {  	s22 =	smul.u32 $0x55555556, s23;
	s3 =	sadd.s32 s15, s21;
	v7 =	vsel vm2, s17, v7;
	v8 =	vsel vm1, s2, v8;
	v4 =	vsel vm2, s0, v4;
	s0 =	sshrl.u32 s0, $0x1F  }
0x349: {  	s23 =	sshrl.u32 s4, $0x1F;
	s5 =	smul.u32 $0x55555556, s30;
	s6 =	sshrl.u32 s3, $0x1F;
	v5 =	vcombine.low v5, v6;
	v4 =	vsel vm4, s3, v4;
	v3 =	vsel vm2, s0, v3  }
0x34a: {  	s8 =	sshrl.u32 s26, $0x1F;
	s1 =	sadd.s32 s22, s24;
	v8 =	vsel vm2, s23, v8;
	v4 =	vsel vm5, s26, v4;
	v3 =	vsel vm4, s6, v3  }
0x34b: {  	s9 =	sadd.s32 s5, s16;
	v7 =	vcombine.low v7, v8;
	v4 =	vsel vm6, s1, v4;
	v3 =	vsel vm5, s8, v3;
	s1 =	sshrl.u32 s1, $0x1F  }
0x34c: {  	s0 =	sshrl.u32 s9, $0x1F;
	v5 =	vperm.xlane v5, v0;
	v3 =	vsel vm6, s1, v3  }
0x34d: {  	v6 =	vperm.xlane v7, v0;
	v4 =	vsel vm7, s9, v4;
	v3 =	vsel vm7, s0, v3  }
0x34e: {  	v4 =	vperm.xlane v4, v1;
	v3 =	vperm.xlane v3, v1;
	_ =	sdelay $0x1  }
0x34f: {  	v4 =	vsel vm8, v4, v5;
	v3 =	vsel vm8, v3, v6  }
0x350: {  	v3 =	vadd.s32 v3, v4  }
0x351: {  	v3 =	vmul.u32 $0x3, v3;
	_ =	sdelay $0x1  }
0x352: {  	v2 =	vsub.s32 v2, v3  }
0x353: {  	s10 =	simm.s32 $0x7;
	[tilespmem:s18+$0x518] =	vst v2  }
0x354: {  	_ =	swait.ge [sflag:s10], $0x8000  }
0x355: {  	[sflag:s10] =	ssyncset.done $0x0  }
0x356: {  	s13 =	simm.s32 $0x818;
	s14 =	simm.s32 $0x0;
	[sflag:s10] =	ssyncadd.s32 $0xFFFF8000  }
0x357: {  	s12 =	simm.s32 $0x80;
	s11 =	simm.s32 $0x418;
	s0 =	rddreg [dreg:$0x3]  }
0x358: {  	[tilespmem:s13], [sflag:$0x3] =	stream.indirect.gather [spmem:s0], $0x80, s11, s12, $0xb8;
	[tilespmem:$0x10818] =	vst v63  }
0x359: {  	v2 =	vld [tilespmem:s14+$0x618];
	_ =	sdelay $0x4  }
0x35a: {  	(v2sf) =	vpush v2, $0x8  }
0x35b: {  	(v2sf) =	vpush v2, $0xC  }
0x35c: {  	(v2sf) =	vpush v2, $0x0  }
0x35d: {  	(v2sf) =	vpush v2, $0x2;
	_ =	sdelay $0x1  }
0x35e: {  	(v2sf) =	vpush v2, $0x3  }
0x35f: {  	(v2sf) =	vpush v2, $0xD;
	_ =	sdelay $0x1  }
0x360: {  	(v2sf) =	vpush v2, $0x4  }
0x361: {  	(v2sf) =	vpush v2, $0x9  }
0x362: {  	(v2sf) =	vpush v2, $0xE;
	_ =	sdelay $0x1  }
0x363: {  	(v2sf) =	vpush v2, $0xA  }
0x364: {  	(v2sf) =	vpush v2, $0xF  }
0x365: {  	(v2sf) =	vpush v2, $0xB  }
0x366: {  	(v2sf) =	vpush v2, $0x5;
	s16 =	spop (v2sf)  }
0x367: {  	(v2sf) =	vpush v2, $0x1;
	s10 =	spop (v2sf)  }
0x368: {  	s1 =	smulhi.u32 $0x55555556, s16;
	s18 =	spop (v2sf)  }
0x369: {  	s15 =	simm.s32 $0x0;
	(v2sf) =	vpush v2, $0x6;
	s19 =	smulhi.u32 $0x55555556, s18;
	s25 =	spop (v2sf)  }
0x36a: {  	[dreg:$0x8] =	wrdreg s15;
	(v2sf) =	vpush v2, $0x7;
	s2 =	sshra.s32 s18, $0x1F;
	s7 =	smulhi.u32 $0x55555556, s25  }
0x36b: {  	s26 =	spop (v2sf);
	s11 =	smul.u32 $0x55555556, s2  }
0x36c: {  	s2 =	sshra.s32 s16, $0x1F;
	s8 =	spop (v2sf);
	s20 =	smulhi.u32 $0x55555556, s26  }
0x36d: {  	s24 =	sshra.s32 s26, $0x1F;
	[dreg:$0x14] =	wrdreg s7;
	s17 =	smulhi.u32 $0x55555556, s8  }
0x36e: {  	s0 =	spop (v2sf);
	s3 =	sadd.s32 s11, s19;
	s11 =	smulhi.u32 $0x55555556, s10  }
0x36f: {  	s7 =	sshra.s32 s25, $0x1F;
	s15 =	spop (v2sf);
	s18 =	smulhi.u32 $0x55555556, s0  }
0x370: {  	s25 =	sshra.s32 s8, $0x1F;
	s9 =	spop (v2sf);
	s16 =	smulhi.u32 $0x55555556, s15  }
0x371: {  	s0 =	sshra.s32 s0, $0x1F;
	s22 =	sshra.s32 s15, $0x1F;
	s6 =	smulhi.u32 $0x55555556, s9  }
0x372: {  	s21 =	spop (v2sf);
	s14 =	smul.u32 $0x55555556, s22;
	s29 =	sshra.s32 s9, $0x1F  }
0x373: {  	s4 =	spop (v2sf);
	s12 =	smulhi.u32 $0x55555556, s21;
	s13 =	sshra.s32 s21, $0x1F  }
0x374: {  	s23 =	sshra.s32 s4, $0x1F;
	s5 =	spop (v2sf);
	s15 =	smul.u32 $0x55555556, s13  }
0x375: {  	s21 =	sadd.s32 s14, s16;
	s14 =	simm.s32 $0x40;
	s26 =	spop (v2sf)  }
0x376: {  	s31 =	smul.u32 $0x55555556, s23;
	s28 =	sshra.s32 s5, $0x1F;
	s8 =	spop (v2sf)  }
0x377: {  	s23 =	smulhi.u32 $0x55555556, s26;
	s19 =	sshra.s32 s26, $0x1F;
	s22 =	sshra.s32 s8, $0x1F  }
0x378: {  	s26 =	smul.u32 $0x55555556, s19;
	s19 =	sshrl.u32 s3, $0x1F;
	s30 =	spop (v2sf)  }
0x379: {  	s13 =	smul.u32 $0x55555556, s22;
	v3 =	vmov s19;
	s19 =	sshrl.u32 s21, $0x1F;
	s16 =	spop (v2sf)  }
0x37a: {  	v4 =	vmov s3;
	v3 =	vnsel vm3, $0x0, v3;
	s3 =	sshra.s32 s30, $0x1F;
	s22 =	smulhi.u32 $0x55555556, s16;
	s9 =	sshra.s32 s16, $0x1F  }
.LBB2_15:
0x37b: {  	s16 =	smulhi.u32 $0x55555556, s4  }
0x37c: {  	s8 =	smulhi.u32 $0x55555556, s8  }
0x37d: {  	s28 =	smul.u32 $0x55555556, s28  }
0x37e: {  	s2 =	smul.u32 $0x55555556, s2  }
0x37f: {  	s5 =	smulhi.u32 $0x55555556, s5  }
0x380: {  	s25 =	smul.u32 $0x55555556, s25  }
0x381: {  	s7 =	smul.u32 $0x55555556, s7  }
0x382: {  	s24 =	smul.u32 $0x55555556, s24  }
0x383: {  	s0 =	smul.u32 $0x55555556, s0  }
0x384: {  	s10 =	sshra.s32 s10, $0x1F;
	s12 =	sadd.s32 s15, s12;
	s3 =	smul.u32 $0x55555556, s3  }
0x385: {  	s1 =	sadd.s32 s2, s1;
	s8 =	sadd.s32 s13, s8;
	s13 =	smul.u32 $0x55555556, s10  }
0x386: {  	v4 =	vnsel vm3, $0x0, v4;
	s10 =	sshrl.u32 s12, $0x1F;
	s15 =	sadd.s32 s25, s17;
	v5 =	vmov s1;
	s2 =	sshrl.u32 s8, $0x1F  }
0x387: {  	s17 =	smul.u32 $0x55555556, s29;
	v4 =	vsel vm0, s8, v4;
	s1 =	sshrl.u32 s1, $0x1F;
	v5 =	vsel vm0, s21, v5;
	v3 =	vsel vm0, s2, v3;
	s21 =	sadd.s32 s13, s11  }
0x388: {  	s5 =	sadd.s32 s28, s5;
	s25 =	sshrl.u32 s15, $0x1F;
	s11 =	sadd.s32 s26, s23;
	v7 =	vmov s1;
	v5 =	vsel vm1, s12, v5;
	v6 =	vmov s21  }
0x389: {  	s26 =	sadd.s32 s17, s6;
	s2 =	sshrl.u32 s21, $0x1F;
	v7 =	vsel vm0, s19, v7;
	v5 =	vsel vm2, s5, v5;
	v6 =	vsel vm0, s15, v6;
	s15 =	rddreg [dreg:$0x14]  }
0x38a: {  	s16 =	sadd.s32 s31, s16;
	s17 =	sshrl.u32 s5, $0x1F;
	v8 =	vmov s2;
	v7 =	vsel vm1, s10, v7;
	v6 =	vsel vm1, s26, v6;
	s7 =	sadd.s32 s7, s15  }
0x38b: {  	s0 =	sadd.s32 s0, s18;
	s19 =	sadd.s32 s24, s20;
	v8 =	vsel vm0, s25, v8;
	v7 =	vsel vm2, s17, v7;
	s20 =	sshrl.u32 s7, $0x1F;
	v4 =	vsel vm1, s7, v4  }
0x38c: {  	s23 =	smulhi.u32 $0x55555556, s30;
	s1 =	sshrl.u32 s26, $0x1F;
	s24 =	sshrl.u32 s19, $0x1F;
	v6 =	vsel vm2, s16, v6;
	v4 =	vsel vm2, s19, v4;
	v3 =	vsel vm1, s20, v3  }
0x38d: {  	s21 =	sshrl.u32 s16, $0x1F;
	s25 =	smul.u32 $0x55555556, s9;
	v8 =	vsel vm1, s1, v8;
	v4 =	vsel vm4, s0, v4;
	v3 =	vsel vm2, s24, v3;
	s0 =	sshrl.u32 s0, $0x1F  }
0x38e: {  	s6 =	sshrl.u32 s11, $0x1F;
	s26 =	sadd.s32 s3, s23;
	v8 =	vsel vm2, s21, v8;
	v5 =	vcombine.low v5, v6;
	v3 =	vsel vm4, s0, v3  }
0x38f: {  	s1 =	sshrl.u32 s26, $0x1F;
	s2 =	sadd.s32 s25, s22;
	v7 =	vcombine.low v7, v8;
	v4 =	vsel vm5, s11, v4;
	v3 =	vsel vm5, s6, v3  }
0x390: {  	s0 =	sshrl.u32 s2, $0x1F;
	v5 =	vperm.xlane v5, v0;
	v4 =	vsel vm6, s26, v4;
	v3 =	vsel vm6, s1, v3  }
0x391: {  	v6 =	vperm.xlane v7, v0;
	v4 =	vsel vm7, s2, v4;
	v3 =	vsel vm7, s0, v3  }
0x392: {  	v4 =	vperm.xlane v4, v1;
	v3 =	vperm.xlane v3, v1;
	_ =	sdelay $0x1  }
0x393: {  	v4 =	vsel vm8, v4, v5;
	v3 =	vsel vm8, v3, v6  }
0x394: {  	v3 =	vadd.s32 v3, v4  }
0x395: {  	v3 =	vmul.u32 $0x3, v3  }
0x396: {  	s4 =	smov.u32 s14  }
0x397: {  	s3 =	sshra.s32 s4, $0x2;
	s4 =	rddreg [dreg:$0x8];
	v2 =	vsub.s32 v2, v3  }
0x398: {  	s5 =	smov.u32 s3;
	[tilespmem:s4+$0x618] =	vst v2  }
0x399: {  	v2 =	vld [tilespmem:s5+$0x618];
	_ =	sdelay $0x4  }
0x39a: {  	(v2sf) =	vpush v2, $0x8  }
0x39b: {  	(v2sf) =	vpush v2, $0xC  }
0x39c: {  	(v2sf) =	vpush v2, $0x0  }
0x39d: {  	(v2sf) =	vpush v2, $0x2  }
0x39e: {  	(v2sf) =	vpush v2, $0x3  }
0x39f: {  	(v2sf) =	vpush v2, $0xD;
	_ =	sdelay $0x1  }
0x3a0: {  	(v2sf) =	vpush v2, $0x4  }
0x3a1: {  	(v2sf) =	vpush v2, $0x9  }
0x3a2: {  	(v2sf) =	vpush v2, $0xE;
	_ =	sdelay $0x1  }
0x3a3: {  	(v2sf) =	vpush v2, $0xA  }
0x3a4: {  	(v2sf) =	vpush v2, $0xF;
	_ =	sdelay $0x1  }
0x3a5: {  	(v2sf) =	vpush v2, $0xB  }
0x3a6: {  	[dreg:$0x8] =	wrdreg s5;
	(v2sf) =	vpush v2, $0x5;
	s6 =	spop (v2sf)  }
0x3a7: {  	(v2sf) =	vpush v2, $0x1;
	s10 =	spop (v2sf);
	s1 =	smulhi.u32 $0x55555556, s6  }
0x3a8: {  	p1 =	sne.s32 s14, $0x1C0;
	(v2sf) =	vpush v2, $0x6;
	s11 =	smulhi.u32 $0x55555556, s10;
	s7 =	spop (v2sf)  }
0x3a9: {  	s14 =	sadd.s32 $0x40, s14;
	(v2sf) =	vpush v2, $0x7;
	s8 =	smulhi.u32 $0x55555556, s7;
	s20 =	spop (v2sf)  }
0x3aa: {  	s19 =	sshra.s32 s7, $0x1F;
	s21 =	spop (v2sf);
	s22 =	smulhi.u32 $0x55555556, s20  }
0x3ab: {  	s2 =	sshra.s32 s6, $0x1F;
	s26 =	smul.u32 $0x55555556, s19;
	s23 =	spop (v2sf)  }
0x3ac: {  	s7 =	sshra.s32 s20, $0x1F;
	s20 =	smulhi.u32 $0x55555556, s21;
	[dreg:$0x14] =	wrdreg s22  }
0x3ad: {  	s24 =	sshra.s32 s21, $0x1F;
	s12 =	spop (v2sf);
	s17 =	smulhi.u32 $0x55555556, s23  }
0x3ae: {  	s25 =	sshra.s32 s23, $0x1F;
	s13 =	spop (v2sf);
	s18 =	smulhi.u32 $0x55555556, s12  }
0x3af: {  	s15 =	sshra.s32 s13, $0x1F;
	s16 =	spop (v2sf);
	s13 =	smulhi.u32 $0x55555556, s13  }
0x3b0: {  	s3 =	sadd.s32 s26, s8;
	s0 =	sshra.s32 s12, $0x1F;
	s6 =	smulhi.u32 $0x55555556, s16  }
0x3b1: {  	v4 =	vmov s3;
	s3 =	sshrl.u32 s3, $0x1F;
	s19 =	spop (v2sf);
	s9 =	smul.u32 $0x55555556, s15  }
0x3b2: {  	s21 =	sshra.s32 s19, $0x1F;
	s4 =	spop (v2sf);
	s12 =	smulhi.u32 $0x55555556, s19  }
0x3b3: {  	s29 =	sshra.s32 s16, $0x1F;
	s22 =	sshra.s32 s4, $0x1F;
	s15 =	smul.u32 $0x55555556, s21  }
0x3b4: {  	s5 =	spop (v2sf);
	s21 =	sadd.s32 s9, s13;
	s31 =	smul.u32 $0x55555556, s22  }
.Ltmp6:
0x3b5: {  	s28 =	sshra.s32 s5, $0x1F;
	s23 =	spop (v2sf);
	(pc) =	sbr.rel @p1 .LBB2_15-.Ltmp6, $4  }
0x3b6: {  	s26 =	sshra.s32 s23, $0x1F;
	s8 =	spop (v2sf);
	s23 =	smulhi.u32 $0x55555556, s23  }
0x3b7: {  	s16 =	sshra.s32 s8, $0x1F;
	s26 =	smul.u32 $0x55555556, s26;
	s30 =	spop (v2sf)  }
0x3b8: {  	v3 =	vmov s3;
	s13 =	smul.u32 $0x55555556, s16;
	s3 =	sshra.s32 s30, $0x1F;
	s19 =	spop (v2sf)  }
0x3b9: {  	v3 =	vnsel vm3, $0x0, v3;
	s22 =	smulhi.u32 $0x55555556, s19;
	s9 =	sshra.s32 s19, $0x1F;
	s19 =	sshrl.u32 s21, $0x1F  }
0x3ba: {  	s4 =	smulhi.u32 $0x55555556, s4  }
0x3bb: {  	s8 =	smulhi.u32 $0x55555556, s8  }
0x3bc: {  	s2 =	smul.u32 $0x55555556, s2  }
0x3bd: {  	s14 =	smul.u32 $0x55555556, s28  }
0x3be: {  	s16 =	smul.u32 $0x55555556, s25  }
0x3bf: {  	s5 =	smulhi.u32 $0x55555556, s5  }
0x3c0: {  	s25 =	smul.u32 $0x55555556, s29  }
0x3c1: {  	s7 =	smul.u32 $0x55555556, s7  }
0x3c2: {  	s10 =	sshra.s32 s10, $0x1F;
	s0 =	smul.u32 $0x55555556, s0  }
0x3c3: {  	s12 =	sadd.s32 s15, s12;
	s10 =	smul.u32 $0x55555556, s10  }
0x3c4: {  	v4 =	vnsel vm3, $0x0, v4;
	s3 =	smul.u32 $0x55555556, s3;
	s1 =	sadd.s32 s2, s1;
	s8 =	sadd.s32 s13, s8  }
0x3c5: {  	s4 =	sadd.s32 s31, s4;
	v5 =	vmov s1;
	v4 =	vsel vm0, s8, v4;
	s11 =	sadd.s32 s10, s11;
	s1 =	sshrl.u32 s1, $0x1F  }
0x3c6: {  	s2 =	sadd.s32 s16, s17;
	s13 =	sshrl.u32 s12, $0x1F;
	v5 =	vsel vm0, s21, v5;
	s21 =	sshrl.u32 s8, $0x1F;
	v6 =	vmov s11;
	v7 =	vmov s1  }
0x3c7: {  	s5 =	sadd.s32 s14, s5;
	s17 =	sadd.s32 s25, s6;
	s16 =	sshrl.u32 s11, $0x1F;
	v3 =	vsel vm0, s21, v3;
	v5 =	vsel vm1, s12, v5;
	v6 =	vsel vm0, s2, v6  }
0x3c8: {  	s14 =	sshrl.u32 s2, $0x1F;
	s12 =	smul.u32 $0x55555556, s24;
	v7 =	vsel vm0, s19, v7;
	s21 =	rddreg [dreg:$0x14];
	v8 =	vmov s16;
	v5 =	vsel vm2, s5, v5  }
0x3c9: {  	s0 =	sadd.s32 s0, s18;
	s2 =	sshrl.u32 s17, $0x1F;
	s6 =	sadd.s32 s7, s21;
	v6 =	vsel vm1, s17, v6;
	v7 =	vsel vm1, s13, v7;
	v8 =	vsel vm0, s14, v8  }
0x3ca: {  	s24 =	sshrl.u32 s5, $0x1F;
	s25 =	sadd.s32 s12, s20;
	v6 =	vsel vm2, s4, v6;
	s7 =	sshrl.u32 s6, $0x1F;
	v4 =	vsel vm1, s6, v4;
	v8 =	vsel vm1, s2, v8  }
0x3cb: {  	s10 =	smulhi.u32 $0x55555556, s30;
	s8 =	sshrl.u32 s4, $0x1F;
	v7 =	vsel vm2, s24, v7;
	v4 =	vsel vm2, s25, v4;
	v3 =	vsel vm1, s7, v3;
	s11 =	sshrl.u32 s25, $0x1F  }
0x3cc: {  	s13 =	smul.u32 $0x55555556, s9;
	s12 =	sadd.s32 s26, s23;
	v8 =	vsel vm2, s8, v8;
	v4 =	vsel vm4, s0, v4;
	v3 =	vsel vm2, s11, v3;
	s0 =	sshrl.u32 s0, $0x1F  }
0x3cd: {  	s1 =	sadd.s32 s3, s10;
	s14 =	sshrl.u32 s12, $0x1F;
	v5 =	vcombine.low v5, v6;
	v4 =	vsel vm5, s12, v4;
	v3 =	vsel vm4, s0, v3  }
0x3ce: {  	s15 =	sadd.s32 s13, s22;
	v7 =	vcombine.low v7, v8;
	v4 =	vsel vm6, s1, v4;
	v3 =	vsel vm5, s14, v3;
	s1 =	sshrl.u32 s1, $0x1F  }
0x3cf: {  	s0 =	sshrl.u32 s15, $0x1F;
	v5 =	vperm.xlane v5, v0;
	v3 =	vsel vm6, s1, v3  }
0x3d0: {  	v6 =	vperm.xlane v7, v0;
	v4 =	vsel vm7, s15, v4;
	v3 =	vsel vm7, s0, v3  }
0x3d1: {  	v4 =	vperm.xlane v4, v1;
	v3 =	vperm.xlane v3, v1;
	_ =	sdelay $0x1  }
0x3d2: {  	v4 =	vsel vm8, v4, v5;
	v3 =	vsel vm8, v3, v6  }
0x3d3: {  	v3 =	vadd.s32 v3, v4  }
0x3d4: {  	v3 =	vmul.u32 $0x3, v3;
	_ =	sdelay $0x1  }
0x3d5: {  	s16 =	rddreg [dreg:$0x8];
	v2 =	vsub.s32 v2, v3  }
0x3d6: {  	s17 =	simm.s32 $0x5;
	[tilespmem:s16+$0x618] =	vst v2  }
0x3d7: {  	_ =	swait.ge [sflag:s17], $0x4000  }
0x3d8: {  	s18 =	sld [smem:$0x7F0]  }
0x3d9: {  	[sflag:s17] =	ssyncset.done $0x0;
	s19 =	sld [smem:$0x7E9]  }
0x3da: {  	s20 =	simm.s32 $0x6;
	[sflag:s17] =	ssyncadd.s32 $0xFFFFC000  }
0x3db: {  	_ =	swait.ge [sflag:s20], $0x4000  }
0x3dc: {  	s0 =	sadd.s32 s19, s18;
	[sflag:s20] =	ssyncset.done $0x0  }
0x3dd: {  	s3 =	simm.s32 $0x0;
	s0 =	sshll.u32 s0, $0xB;
	[sflag:s20] =	ssyncadd.s32 $0xFFFFC000  }
0x3de: {  	s21 =	simm.s32 $0x0;
	s0 =	sand.u32 $0x1FFF9000, s0;
	s1 =	rddreg [dreg:$0x2]  }
0x3df: {  	s24 =	simm.s32 $0x518;
	s22 =	simm.s32 $0x8818;
	s0 =	sadd.s32 s1, s0  }
0x3e0: {  	[hbm4b:s0+s21] =	stream.linear.scatter [tilespmem:s22], [sflag:$0x8], $0x8000, $0x38;
	[tilespmem:$0x10818] =	vst v63  }
0x3e1: {  	s26 =	simm.s32 $0x4818;
	s25 =	simm.s32 $0x80;
	s23 =	rddreg [dreg:$0x3]  }
0x3e2: {  	[tilespmem:s26], [sflag:$0x4] =	stream.indirect.gather [spmem:s23], $0x80, s24, s25, $0xb8;
	[tilespmem:$0x10818] =	vst v63  }
0x3e3: {  	v2 =	vld [tilespmem:s3+$0x718];
	_ =	sdelay $0x4  }
0x3e4: {  	(v2sf) =	vpush v2, $0x8  }
0x3e5: {  	(v2sf) =	vpush v2, $0xC  }
0x3e6: {  	(v2sf) =	vpush v2, $0x0  }
0x3e7: {  	(v2sf) =	vpush v2, $0x2  }
0x3e8: {  	(v2sf) =	vpush v2, $0x3  }
0x3e9: {  	(v2sf) =	vpush v2, $0xD;
	_ =	sdelay $0x1  }
0x3ea: {  	(v2sf) =	vpush v2, $0x4  }
0x3eb: {  	(v2sf) =	vpush v2, $0x9  }
0x3ec: {  	(v2sf) =	vpush v2, $0xE;
	_ =	sdelay $0x1  }
0x3ed: {  	(v2sf) =	vpush v2, $0xA;
	_ =	sdelay $0x1  }
0x3ee: {  	(v2sf) =	vpush v2, $0xF  }
0x3ef: {  	(v2sf) =	vpush v2, $0xB  }
0x3f0: {  	s4 =	simm.s32 $0x0;
	(v2sf) =	vpush v2, $0x5;
	s5 =	spop (v2sf)  }
0x3f1: {  	[dreg:$0x9] =	wrdreg s4;
	(v2sf) =	vpush v2, $0x1;
	s10 =	spop (v2sf)  }
0x3f2: {  	s1 =	smulhi.u32 $0x55555556, s5;
	s7 =	spop (v2sf)  }
0x3f3: {  	(v2sf) =	vpush v2, $0x6;
	s8 =	smulhi.u32 $0x55555556, s7;
	s22 =	spop (v2sf)  }
0x3f4: {  	(v2sf) =	vpush v2, $0x7;
	s2 =	sshra.s32 s7, $0x1F;
	s23 =	spop (v2sf);
	s24 =	smulhi.u32 $0x55555556, s22  }
0x3f5: {  	s26 =	smul.u32 $0x55555556, s2;
	s25 =	spop (v2sf)  }
0x3f6: {  	s20 =	smulhi.u32 $0x55555556, s23;
	[dreg:$0x15] =	wrdreg s24  }
0x3f7: {  	s2 =	sshra.s32 s5, $0x1F;
	s17 =	smulhi.u32 $0x55555556, s25;
	s0 =	spop (v2sf)  }
0x3f8: {  	s7 =	sshra.s32 s22, $0x1F;
	s14 =	spop (v2sf);
	s18 =	smulhi.u32 $0x55555556, s0  }
0x3f9: {  	s24 =	sshra.s32 s23, $0x1F;
	s5 =	spop (v2sf);
	s9 =	smulhi.u32 $0x55555556, s14  }
0x3fa: {  	s25 =	sshra.s32 s25, $0x1F;
	s4 =	sshra.s32 s14, $0x1F;
	s6 =	smulhi.u32 $0x55555556, s5  }
0x3fb: {  	s3 =	sadd.s32 s26, s8;
	s15 =	spop (v2sf);
	s4 =	smul.u32 $0x55555556, s4  }
0x3fc: {  	s0 =	sshra.s32 s0, $0x1F;
	s12 =	smulhi.u32 $0x55555556, s15;
	s11 =	sshra.s32 s15, $0x1F  }
0x3fd: {  	s29 =	sshra.s32 s5, $0x1F;
	s21 =	spop (v2sf);
	s8 =	smul.u32 $0x55555556, s11  }
0x3fe: {  	s16 =	sshra.s32 s21, $0x1F;
	s19 =	spop (v2sf);
	s11 =	smulhi.u32 $0x55555556, s10  }
0x3ff: {  	s4 =	sadd.s32 s4, s9;
	s22 =	spop (v2sf);
	s31 =	smul.u32 $0x55555556, s16  }
0x400: {  	s16 =	sshrl.u32 s3, $0x1F;
	s28 =	sshra.s32 s19, $0x1F;
	s15 =	spop (v2sf)  }
0x401: {  	s5 =	sshrl.u32 s4, $0x1F;
	s23 =	smulhi.u32 $0x55555556, s22;
	s26 =	sshra.s32 s15, $0x1F  }
0x402: {  	s14 =	sshra.s32 s22, $0x1F;
	s30 =	spop (v2sf);
	s13 =	smul.u32 $0x55555556, s26  }
0x403: {  	v4 =	vmov s3;
	v3 =	vmov s16;
	s26 =	smul.u32 $0x55555556, s14;
	s14 =	spop (v2sf);
	s3 =	sshra.s32 s30, $0x1F  }
0x404: {  	v3 =	vnsel vm3, $0x0, v3;
	s22 =	smulhi.u32 $0x55555556, s14;
	s9 =	sshra.s32 s14, $0x1F;
	s14 =	simm.s32 $0x40  }
.LBB2_17:
0x405: {  	s16 =	smulhi.u32 $0x55555556, s21  }
0x406: {  	s15 =	smulhi.u32 $0x55555556, s15  }
0x407: {  	s28 =	smul.u32 $0x55555556, s28  }
0x408: {  	s2 =	smul.u32 $0x55555556, s2  }
0x409: {  	s25 =	smul.u32 $0x55555556, s25  }
0x40a: {  	s7 =	smul.u32 $0x55555556, s7  }
0x40b: {  	s0 =	smul.u32 $0x55555556, s0  }
0x40c: {  	s3 =	smul.u32 $0x55555556, s3  }
0x40d: {  	s10 =	sshra.s32 s10, $0x1F;
	s8 =	sadd.s32 s8, s12;
	s12 =	smulhi.u32 $0x55555556, s19  }
0x40e: {  	s10 =	smul.u32 $0x55555556, s10  }
0x40f: {  	s19 =	smul.u32 $0x55555556, s29;
	s1 =	sadd.s32 s2, s1;
	s15 =	sadd.s32 s13, s15  }
0x410: {  	v4 =	vnsel vm3, $0x0, v4;
	s13 =	sshrl.u32 s8, $0x1F;
	s17 =	sadd.s32 s25, s17;
	v5 =	vmov s1;
	s2 =	sshrl.u32 s15, $0x1F  }
0x411: {  	v4 =	vsel vm0, s15, v4;
	s25 =	sadd.s32 s10, s11;
	s1 =	sshrl.u32 s1, $0x1F;
	s11 =	smul.u32 $0x55555556, s24;
	v5 =	vsel vm0, s4, v5;
	v3 =	vsel vm0, s2, v3  }
0x412: {  	s10 =	sadd.s32 s26, s23;
	s23 =	rddreg [dreg:$0x15];
	v6 =	vmov s25;
	v7 =	vmov s1;
	s2 =	sshrl.u32 s25, $0x1F;
	v5 =	vsel vm1, s8, v5  }
0x413: {  	s4 =	sadd.s32 s28, s12;
	s12 =	sshrl.u32 s17, $0x1F;
	v6 =	vsel vm0, s17, v6;
	s17 =	sadd.s32 s19, s6;
	v7 =	vsel vm0, s5, v7;
	v8 =	vmov s2  }
0x414: {  	s16 =	sadd.s32 s31, s16;
	s0 =	sadd.s32 s0, s18;
	s6 =	sadd.s32 s7, s23;
	v5 =	vsel vm2, s4, v5;
	v6 =	vsel vm1, s17, v6;
	v7 =	vsel vm1, s13, v7  }
0x415: {  	s25 =	sadd.s32 s11, s20;
	v8 =	vsel vm0, s12, v8;
	s1 =	sshrl.u32 s17, $0x1F;
	s7 =	sshrl.u32 s6, $0x1F;
	v4 =	vsel vm1, s6, v4;
	v6 =	vsel vm2, s16, v6  }
0x416: {  	s24 =	sshrl.u32 s4, $0x1F;
	s6 =	smulhi.u32 $0x55555556, s30;
	v8 =	vsel vm1, s1, v8;
	v4 =	vsel vm2, s25, v4;
	v3 =	vsel vm1, s7, v3;
	s7 =	sshrl.u32 s25, $0x1F  }
0x417: {  	s26 =	sshrl.u32 s16, $0x1F;
	s8 =	smul.u32 $0x55555556, s9;
	v7 =	vsel vm2, s24, v7;
	v4 =	vsel vm4, s0, v4;
	v3 =	vsel vm2, s7, v3;
	s0 =	sshrl.u32 s0, $0x1F  }
0x418: {  	s19 =	sshrl.u32 s10, $0x1F;
	v8 =	vsel vm2, s26, v8;
	v5 =	vcombine.low v5, v6;
	s9 =	sadd.s32 s3, s6;
	v3 =	vsel vm4, s0, v3  }
0x419: {  	v7 =	vcombine.low v7, v8;
	v4 =	vsel vm5, s10, v4;
	s10 =	sadd.s32 s8, s22;
	s1 =	sshrl.u32 s9, $0x1F;
	v3 =	vsel vm5, s19, v3  }
0x41a: {  	v4 =	vsel vm6, s9, v4;
	s0 =	sshrl.u32 s10, $0x1F;
	v5 =	vperm.xlane v5, v0;
	v3 =	vsel vm6, s1, v3  }
0x41b: {  	v4 =	vsel vm7, s10, v4;
	v6 =	vperm.xlane v7, v0;
	v3 =	vsel vm7, s0, v3  }
0x41c: {  	v4 =	vperm.xlane v4, v1;
	v3 =	vperm.xlane v3, v1;
	_ =	sdelay $0x1  }
0x41d: {  	v4 =	vsel vm8, v4, v5;
	v3 =	vsel vm8, v3, v6  }
0x41e: {  	v3 =	vadd.s32 v3, v4  }
0x41f: {  	v3 =	vmul.u32 $0x3, v3  }
0x420: {  	s21 =	smov.u32 s14  }
0x421: {  	s11 =	sshra.s32 s21, $0x2;
	s12 =	rddreg [dreg:$0x9];
	v2 =	vsub.s32 v2, v3  }
0x422: {  	s13 =	smov.u32 s11;
	[tilespmem:s12+$0x718] =	vst v2  }
0x423: {  	v2 =	vld [tilespmem:s13+$0x718];
	_ =	sdelay $0x4  }
0x424: {  	(v2sf) =	vpush v2, $0x8  }
0x425: {  	(v2sf) =	vpush v2, $0xC  }
0x426: {  	(v2sf) =	vpush v2, $0x0  }
0x427: {  	(v2sf) =	vpush v2, $0x2  }
0x428: {  	(v2sf) =	vpush v2, $0x3  }
0x429: {  	(v2sf) =	vpush v2, $0xD;
	_ =	sdelay $0x1  }
0x42a: {  	(v2sf) =	vpush v2, $0x4  }
0x42b: {  	(v2sf) =	vpush v2, $0x9  }
0x42c: {  	(v2sf) =	vpush v2, $0xE;
	_ =	sdelay $0x1  }
0x42d: {  	(v2sf) =	vpush v2, $0xA  }
0x42e: {  	(v2sf) =	vpush v2, $0xF  }
0x42f: {  	(v2sf) =	vpush v2, $0xB  }
0x430: {  	(v2sf) =	vpush v2, $0x5  }
0x431: {  	[dreg:$0x9] =	wrdreg s13;
	(v2sf) =	vpush v2, $0x1;
	s15 =	spop (v2sf)  }
0x432: {  	s10 =	spop (v2sf);
	s1 =	smulhi.u32 $0x55555556, s15  }
0x433: {  	p1 =	sne.s32 s14, $0x1C0;
	(v2sf) =	vpush v2, $0x6;
	s11 =	smulhi.u32 $0x55555556, s10;
	s16 =	spop (v2sf)  }
0x434: {  	s14 =	sadd.s32 $0x40, s14;
	(v2sf) =	vpush v2, $0x7;
	s3 =	smulhi.u32 $0x55555556, s16;
	s18 =	spop (v2sf)  }
0x435: {  	s17 =	sshra.s32 s16, $0x1F;
	s19 =	spop (v2sf);
	s20 =	smulhi.u32 $0x55555556, s18  }
0x436: {  	s2 =	sshra.s32 s15, $0x1F;
	s4 =	smul.u32 $0x55555556, s17;
	s21 =	spop (v2sf)  }
0x437: {  	s7 =	sshra.s32 s18, $0x1F;
	[dreg:$0x15] =	wrdreg s20;
	s17 =	smulhi.u32 $0x55555556, s21  }
0x438: {  	s24 =	sshra.s32 s19, $0x1F;
	s22 =	spop (v2sf);
	s20 =	smulhi.u32 $0x55555556, s19  }
0x439: {  	s25 =	sshra.s32 s21, $0x1F;
	s23 =	spop (v2sf);
	s18 =	smulhi.u32 $0x55555556, s22  }
0x43a: {  	s3 =	sadd.s32 s4, s3;
	s15 =	spop (v2sf);
	s13 =	smulhi.u32 $0x55555556, s23  }
0x43b: {  	s0 =	sshra.s32 s22, $0x1F;
	s26 =	sshra.s32 s23, $0x1F;
	s6 =	smulhi.u32 $0x55555556, s15  }
0x43c: {  	v4 =	vmov s3;
	s3 =	sshrl.u32 s3, $0x1F;
	s16 =	spop (v2sf);
	s9 =	smul.u32 $0x55555556, s26  }
0x43d: {  	s8 =	sshra.s32 s16, $0x1F;
	s21 =	spop (v2sf);
	s12 =	smulhi.u32 $0x55555556, s16  }
0x43e: {  	s22 =	sshra.s32 s21, $0x1F;
	s19 =	spop (v2sf);
	s8 =	smul.u32 $0x55555556, s8  }
0x43f: {  	s29 =	sshra.s32 s15, $0x1F;
	s23 =	spop (v2sf);
	s31 =	smul.u32 $0x55555556, s22  }
.Ltmp7:
0x440: {  	s4 =	sadd.s32 s9, s13;
	s15 =	spop (v2sf);
	(pc) =	sbr.rel @p1 .LBB2_17-.Ltmp7, $4  }
0x441: {  	s16 =	sshra.s32 s23, $0x1F;
	s23 =	smulhi.u32 $0x55555556, s23;
	s26 =	sshra.s32 s15, $0x1F  }
0x442: {  	s28 =	sshra.s32 s19, $0x1F;
	s30 =	spop (v2sf);
	s13 =	smul.u32 $0x55555556, s26  }
0x443: {  	v3 =	vmov s3;
	s26 =	smul.u32 $0x55555556, s16;
	s3 =	sshra.s32 s30, $0x1F;
	s5 =	spop (v2sf)  }
0x444: {  	v3 =	vnsel vm3, $0x0, v3;
	s22 =	smulhi.u32 $0x55555556, s5;
	s9 =	sshra.s32 s5, $0x1F;
	s5 =	sshrl.u32 s4, $0x1F  }
0x445: {  	s14 =	smulhi.u32 $0x55555556, s21  }
0x446: {  	s15 =	smulhi.u32 $0x55555556, s15  }
0x447: {  	s16 =	smul.u32 $0x55555556, s28  }
0x448: {  	s2 =	smul.u32 $0x55555556, s2  }
0x449: {  	s19 =	smulhi.u32 $0x55555556, s19  }
0x44a: {  	s25 =	smul.u32 $0x55555556, s25  }
0x44b: {  	s7 =	smul.u32 $0x55555556, s7  }
0x44c: {  	s24 =	smul.u32 $0x55555556, s24  }
0x44d: {  	s10 =	sshra.s32 s10, $0x1F;
	s0 =	smul.u32 $0x55555556, s0  }
0x44e: {  	s8 =	sadd.s32 s8, s12;
	s10 =	smul.u32 $0x55555556, s10  }
0x44f: {  	v4 =	vnsel vm3, $0x0, v4;
	s3 =	smul.u32 $0x55555556, s3;
	s1 =	sadd.s32 s2, s1;
	s15 =	sadd.s32 s13, s15  }
0x450: {  	s13 =	sadd.s32 s16, s19;
	v5 =	vmov s1;
	s19 =	sshrl.u32 s15, $0x1F;
	v4 =	vsel vm0, s15, v4;
	s21 =	sadd.s32 s10, s11  }
0x451: {  	s12 =	sadd.s32 s25, s17;
	s17 =	smul.u32 $0x55555556, s29;
	s1 =	sshrl.u32 s1, $0x1F;
	v5 =	vsel vm0, s4, v5;
	v3 =	vsel vm0, s19, v3;
	v6 =	vmov s21  }
0x452: {  	s14 =	sadd.s32 s31, s14;
	s16 =	rddreg [dreg:$0x15];
	v7 =	vmov s1;
	s11 =	sshrl.u32 s21, $0x1F;
	v5 =	vsel vm1, s8, v5;
	v6 =	vsel vm0, s12, v6  }
0x453: {  	s25 =	sshrl.u32 s12, $0x1F;
	s4 =	sshrl.u32 s8, $0x1F;
	s15 =	sadd.s32 s17, s6;
	v7 =	vsel vm0, s5, v7;
	v8 =	vmov s11;
	v5 =	vsel vm2, s13, v5  }
0x454: {  	s0 =	sadd.s32 s0, s18;
	s5 =	sadd.s32 s7, s16;
	s2 =	sshrl.u32 s15, $0x1F;
	v6 =	vsel vm1, s15, v6;
	v7 =	vsel vm1, s4, v7;
	v8 =	vsel vm0, s25, v8  }
0x455: {  	s17 =	sshrl.u32 s13, $0x1F;
	s19 =	sadd.s32 s24, s20;
	s20 =	sshrl.u32 s5, $0x1F;
	v4 =	vsel vm1, s5, v4;
	v6 =	vsel vm2, s14, v6;
	v8 =	vsel vm1, s2, v8  }
0x456: {  	s21 =	sshrl.u32 s14, $0x1F;
	s24 =	smulhi.u32 $0x55555556, s30;
	s4 =	sshrl.u32 s19, $0x1F;
	v7 =	vsel vm2, s17, v7;
	v4 =	vsel vm2, s19, v4;
	v3 =	vsel vm1, s20, v3  }
0x457: {  	s25 =	sadd.s32 s26, s23;
	s26 =	smul.u32 $0x55555556, s9;
	v8 =	vsel vm2, s21, v8;
	v4 =	vsel vm4, s0, v4;
	v3 =	vsel vm2, s4, v3;
	s0 =	sshrl.u32 s0, $0x1F  }
0x458: {  	s1 =	sadd.s32 s3, s24;
	s6 =	sshrl.u32 s25, $0x1F;
	v5 =	vcombine.low v5, v6;
	v4 =	vsel vm5, s25, v4;
	v3 =	vsel vm4, s0, v3  }
0x459: {  	s7 =	sadd.s32 s26, s22;
	v7 =	vcombine.low v7, v8;
	v4 =	vsel vm6, s1, v4;
	v3 =	vsel vm5, s6, v3;
	s1 =	sshrl.u32 s1, $0x1F  }
0x45a: {  	s0 =	sshrl.u32 s7, $0x1F;
	v5 =	vperm.xlane v5, v0;
	v3 =	vsel vm6, s1, v3  }
0x45b: {  	v4 =	vsel vm7, s7, v4;
	v6 =	vperm.xlane v7, v0;
	v3 =	vsel vm7, s0, v3  }
0x45c: {  	v4 =	vperm.xlane v4, v1;
	v3 =	vperm.xlane v3, v1;
	_ =	sdelay $0x1  }
0x45d: {  	v4 =	vsel vm8, v4, v5;
	v3 =	vsel vm8, v3, v6  }
0x45e: {  	v3 =	vadd.s32 v3, v4  }
0x45f: {  	v3 =	vmul.u32 $0x3, v3;
	_ =	sdelay $0x1  }
0x460: {  	s8 =	rddreg [dreg:$0x9];
	v2 =	vsub.s32 v2, v3  }
0x461: {  	s9 =	simm.s32 $0x8;
	[tilespmem:s8+$0x718] =	vst v2  }
0x462: {  	_ =	swait.ge [sflag:s9], $0x8000  }
0x463: {  	[sflag:s9] =	ssyncset.done $0x0  }
0x464: {  	s11 =	simm.s32 $0x618;
	s12 =	simm.s32 $0x80;
	[sflag:s9] =	ssyncadd.s32 $0xFFFF8000  }
0x465: {  	s13 =	simm.s32 $0x8818;
	s14 =	simm.s32 $0x3;
	s10 =	rddreg [dreg:$0x3]  }
0x466: {  	[tilespmem:s13], [sflag:$0x5] =	stream.indirect.gather [spmem:s10], $0x80, s11, s12, $0xb8;
	[tilespmem:$0x10818] =	vst v63  }
0x467: {  	_ =	swait.ge [sflag:s14], $0x4000  }
0x468: {  	s15 =	sld [smem:$0x7F1]  }
0x469: {  	[sflag:s14] =	ssyncset.done $0x0;
	s16 =	sld [smem:$0x7E9]  }
0x46a: {  	s17 =	simm.s32 $0x4;
	[sflag:s14] =	ssyncadd.s32 $0xFFFFC000  }
0x46b: {  	_ =	swait.ge [sflag:s17], $0x4000  }
0x46c: {  	s0 =	sadd.s32 s16, s15;
	[sflag:s17] =	ssyncset.done $0x0  }
0x46d: {  	s0 =	sshll.u32 s0, $0xB;
	[sflag:s17] =	ssyncadd.s32 $0xFFFFC000  }
0x46e: {  	s0 =	sand.u32 $0x1FFFA000, s0;
	s1 =	rddreg [dreg:$0x2]  }
0x46f: {  	s18 =	simm.s32 $0x0;
	s19 =	simm.s32 $0x818;
	s0 =	sadd.s32 s1, s0  }
0x470: {  	[hbm4b:s0+s18] =	stream.linear.scatter [tilespmem:s19], [sflag:$0x7], $0x8000, $0x38;
	[tilespmem:$0x10818] =	vst v63  }
0x471: {  	s20 =	simm.s32 $0x718;
	s21 =	simm.s32 $0xC818;
	s22 =	simm.s32 $0x2  }
0x472: {  	[tilespmem:s21], [sflag:$0x6] =	stream.indirect.gather [spmem:s10], $0x80, s20, s12, $0xb8;
	[tilespmem:$0x10818] =	vst v63  }
0x473: {  	_ =	swait.ge [sflag:s22], $0x400  }
0x474: {  	[sflag:s22] =	ssyncset.done $0x0  }
0x475: {  	s23 =	simm.s32 $0x0;
	[sflag:s22] =	ssyncadd.s32 $0xFFFFFC00  }
0x476: {  	v2 =	vld [tilespmem:s23+$0x98];
	_ =	sdelay $0x4  }
0x477: {  	(v2sf) =	vpush v2, $0x8  }
0x478: {  	(v2sf) =	vpush v2, $0xC  }
0x479: {  	(v2sf) =	vpush v2, $0x0  }
0x47a: {  	(v2sf) =	vpush v2, $0x2  }
0x47b: {  	(v2sf) =	vpush v2, $0x3  }
0x47c: {  	(v2sf) =	vpush v2, $0xD;
	_ =	sdelay $0x1  }
0x47d: {  	(v2sf) =	vpush v2, $0x4  }
0x47e: {  	(v2sf) =	vpush v2, $0x9  }
0x47f: {  	(v2sf) =	vpush v2, $0xE  }
0x480: {  	(v2sf) =	vpush v2, $0xA;
	_ =	sdelay $0x1  }
0x481: {  	(v2sf) =	vpush v2, $0xF  }
0x482: {  	(v2sf) =	vpush v2, $0xB  }
0x483: {  	(v2sf) =	vpush v2, $0x5  }
0x484: {  	(v2sf) =	vpush v2, $0x1;
	s24 =	spop (v2sf)  }
0x485: {  	s6 =	spop (v2sf)  }
0x486: {  	s1 =	smulhi.u32 $0x55555556, s24;
	s25 =	spop (v2sf)  }
0x487: {  	(v2sf) =	vpush v2, $0x6;
	s26 =	smulhi.u32 $0x55555556, s25;
	s8 =	spop (v2sf)  }
0x488: {  	(v2sf) =	vpush v2, $0x7;
	s2 =	sshra.s32 s25, $0x1F;
	s10 =	spop (v2sf);
	s12 =	smulhi.u32 $0x55555556, s8  }
0x489: {  	s3 =	sshra.s32 s24, $0x1F;
	s2 =	smul.u32 $0x55555556, s2;
	s13 =	spop (v2sf)  }
0x48a: {  	s7 =	sshra.s32 s8, $0x1F;
	s20 =	smulhi.u32 $0x55555556, s10;
	[dreg:$0x11] =	wrdreg s12  }
0x48b: {  	s24 =	sshra.s32 s10, $0x1F;
	s11 =	spop (v2sf);
	s17 =	smulhi.u32 $0x55555556, s13  }
0x48c: {  	s25 =	sshra.s32 s13, $0x1F;
	s15 =	spop (v2sf);
	s18 =	smulhi.u32 $0x55555556, s11  }
0x48d: {  	s2 =	sadd.s32 s2, s26;
	s14 =	spop (v2sf);
	s19 =	smulhi.u32 $0x55555556, s15  }
0x48e: {  	s0 =	sshra.s32 s15, $0x1F;
	s16 =	spop (v2sf);
	s10 =	smulhi.u32 $0x55555556, s14  }
0x48f: {  	s0 =	smul.u32 $0x55555556, s0;
	s29 =	sshra.s32 s14, $0x1F;
	s14 =	simm.s32 $0x40  }
0x490: {  	s4 =	spop (v2sf);
	s12 =	smulhi.u32 $0x55555556, s16;
	s13 =	sshra.s32 s16, $0x1F  }
0x491: {  	s5 =	spop (v2sf);
	s21 =	sshra.s32 s4, $0x1F;
	s13 =	smul.u32 $0x55555556, s13  }
0x492: {  	s22 =	spop (v2sf);
	s31 =	smul.u32 $0x55555556, s21;
	s21 =	sadd.s32 s0, s19  }
0x493: {  	s0 =	sshra.s32 s11, $0x1F;
	s11 =	smulhi.u32 $0x55555556, s6;
	s8 =	spop (v2sf)  }
0x494: {  	s19 =	sshrl.u32 s2, $0x1F;
	s23 =	smulhi.u32 $0x55555556, s22;
	s26 =	sshra.s32 s8, $0x1F  }
0x495: {  	s16 =	sshra.s32 s22, $0x1F;
	v3 =	vmov s19;
	s19 =	sshrl.u32 s21, $0x1F;
	s28 =	smul.u32 $0x55555556, s26  }
0x496: {  	s30 =	spop (v2sf);
	s26 =	smul.u32 $0x55555556, s16;
	s16 =	simm.s32 $0x0  }
0x497: {  	v4 =	vmov s2;
	s15 =	spop (v2sf);
	s2 =	sshra.s32 s30, $0x1F;
	[dreg:$0xe] =	wrdreg s16  }
0x498: {  	v3 =	vnsel vm3, $0x0, v3;
	s22 =	smulhi.u32 $0x55555556, s15;
	s9 =	sshra.s32 s15, $0x1F;
	s15 =	sshra.s32 s5, $0x1F  }
.LBB2_19:
0x499: {  	s16 =	smulhi.u32 $0x55555556, s4  }
0x49a: {  	s8 =	smulhi.u32 $0x55555556, s8  }
0x49b: {  	s15 =	smul.u32 $0x55555556, s15  }
0x49c: {  	s3 =	smul.u32 $0x55555556, s3  }
0x49d: {  	s5 =	smulhi.u32 $0x55555556, s5  }
0x49e: {  	s0 =	smul.u32 $0x55555556, s0  }
0x49f: {  	s2 =	smul.u32 $0x55555556, s2  }
0x4a0: {  	s6 =	sshra.s32 s6, $0x1F;
	s12 =	sadd.s32 s13, s12;
	s13 =	smul.u32 $0x55555556, s25  }
0x4a1: {  	s6 =	smul.u32 $0x55555556, s6;
	s16 =	sadd.s32 s31, s16  }
0x4a2: {  	s1 =	sadd.s32 s3, s1;
	s25 =	sadd.s32 s28, s8;
	s8 =	sshrl.u32 s12, $0x1F  }
0x4a3: {  	v4 =	vnsel vm3, $0x0, v4;
	s5 =	sadd.s32 s15, s5;
	v5 =	vmov s1;
	s3 =	sshrl.u32 s25, $0x1F;
	s13 =	sadd.s32 s13, s17  }
0x4a4: {  	v4 =	vsel vm0, s25, v4;
	s17 =	smul.u32 $0x55555556, s29;
	s6 =	sadd.s32 s6, s11;
	s1 =	sshrl.u32 s1, $0x1F;
	v5 =	vsel vm0, s21, v5;
	v3 =	vsel vm0, s3, v3  }
0x4a5: {  	s0 =	sadd.s32 s0, s18;
	s21 =	smul.u32 $0x55555556, s7;
	v6 =	vmov s6;
	v7 =	vmov s1;
	s3 =	sshrl.u32 s6, $0x1F;
	v5 =	vsel vm1, s12, v5  }
0x4a6: {  	s25 =	smul.u32 $0x55555556, s24;
	v6 =	vsel vm0, s13, v6;
	s15 =	sadd.s32 s17, s10;
	v7 =	vsel vm0, s19, v7;
	s19 =	rddreg [dreg:$0x11];
	v8 =	vmov s3  }
0x4a7: {  	s11 =	sadd.s32 s26, s23;
	s26 =	sshrl.u32 s13, $0x1F;
	v5 =	vsel vm2, s5, v5;
	v6 =	vsel vm1, s15, v6;
	s6 =	sadd.s32 s21, s19;
	v7 =	vsel vm1, s8, v7  }
0x4a8: {  	s23 =	sadd.s32 s25, s20;
	v8 =	vsel vm0, s26, v8;
	s1 =	sshrl.u32 s15, $0x1F;
	v6 =	vsel vm2, s16, v6;
	s24 =	sshrl.u32 s6, $0x1F;
	v4 =	vsel vm1, s6, v4  }
0x4a9: {  	s21 =	sshrl.u32 s5, $0x1F;
	s26 =	smulhi.u32 $0x55555556, s30;
	v8 =	vsel vm1, s1, v8;
	s6 =	sshrl.u32 s23, $0x1F;
	v4 =	vsel vm2, s23, v4;
	v3 =	vsel vm1, s24, v3  }
0x4aa: {  	s7 =	smul.u32 $0x55555556, s9;
	s25 =	sshrl.u32 s16, $0x1F;
	v7 =	vsel vm2, s21, v7;
	v4 =	vsel vm4, s0, v4;
	v3 =	vsel vm2, s6, v3;
	s0 =	sshrl.u32 s0, $0x1F  }
0x4ab: {  	s17 =	sshrl.u32 s11, $0x1F;
	v8 =	vsel vm2, s25, v8;
	v5 =	vcombine.low v5, v6;
	s8 =	sadd.s32 s2, s26;
	v3 =	vsel vm4, s0, v3  }
0x4ac: {  	s9 =	sadd.s32 s7, s22;
	v7 =	vcombine.low v7, v8;
	s1 =	sshrl.u32 s8, $0x1F;
	v4 =	vsel vm5, s11, v4;
	v3 =	vsel vm5, s17, v3  }
0x4ad: {  	s0 =	sshrl.u32 s9, $0x1F;
	v5 =	vperm.xlane v5, v0;
	v4 =	vsel vm6, s8, v4;
	v3 =	vsel vm6, s1, v3  }
0x4ae: {  	v6 =	vperm.xlane v7, v0;
	v4 =	vsel vm7, s9, v4;
	v3 =	vsel vm7, s0, v3  }
0x4af: {  	v4 =	vperm.xlane v4, v1;
	v3 =	vperm.xlane v3, v1;
	_ =	sdelay $0x1  }
0x4b0: {  	v4 =	vsel vm8, v4, v5;
	v3 =	vsel vm8, v3, v6  }
0x4b1: {  	v3 =	vadd.s32 v3, v4  }
0x4b2: {  	v3 =	vmul.u32 $0x3, v3  }
0x4b3: {  	s4 =	smov.u32 s14  }
0x4b4: {  	s12 =	rddreg [dreg:$0xe];
	s11 =	sshra.s32 s4, $0x2;
	v2 =	vsub.s32 v2, v3  }
0x4b5: {  	s13 =	smov.u32 s11;
	[tilespmem:s12+$0x98] =	vst v2  }
0x4b6: {  	v2 =	vld [tilespmem:s13+$0x98];
	_ =	sdelay $0x4  }
0x4b7: {  	(v2sf) =	vpush v2, $0x8  }
0x4b8: {  	(v2sf) =	vpush v2, $0xC  }
0x4b9: {  	(v2sf) =	vpush v2, $0x0  }
0x4ba: {  	(v2sf) =	vpush v2, $0x2  }
0x4bb: {  	(v2sf) =	vpush v2, $0x3  }
0x4bc: {  	(v2sf) =	vpush v2, $0xD;
	_ =	sdelay $0x1  }
0x4bd: {  	(v2sf) =	vpush v2, $0x4  }
0x4be: {  	(v2sf) =	vpush v2, $0x9  }
0x4bf: {  	(v2sf) =	vpush v2, $0xE;
	_ =	sdelay $0x1  }
0x4c0: {  	(v2sf) =	vpush v2, $0xA  }
0x4c1: {  	(v2sf) =	vpush v2, $0xF  }
0x4c2: {  	(v2sf) =	vpush v2, $0xB;
	_ =	sdelay $0x1  }
0x4c3: {  	[dreg:$0xe] =	wrdreg s13;
	(v2sf) =	vpush v2, $0x5;
	s15 =	spop (v2sf)  }
0x4c4: {  	(v2sf) =	vpush v2, $0x1;
	s6 =	spop (v2sf);
	s1 =	smulhi.u32 $0x55555556, s15  }
0x4c5: {  	p1 =	sne.s32 s14, $0x1C0;
	(v2sf) =	vpush v2, $0x6;
	s11 =	smulhi.u32 $0x55555556, s6;
	s16 =	spop (v2sf)  }
0x4c6: {  	s14 =	sadd.s32 $0x40, s14;
	(v2sf) =	vpush v2, $0x7;
	s2 =	smulhi.u32 $0x55555556, s16;
	s18 =	spop (v2sf)  }
0x4c7: {  	s17 =	sshra.s32 s16, $0x1F;
	s19 =	spop (v2sf);
	s20 =	smulhi.u32 $0x55555556, s18  }
0x4c8: {  	s3 =	sshra.s32 s15, $0x1F;
	s9 =	smul.u32 $0x55555556, s17;
	s21 =	spop (v2sf)  }
0x4c9: {  	s7 =	sshra.s32 s18, $0x1F;
	[dreg:$0x11] =	wrdreg s20;
	s17 =	smulhi.u32 $0x55555556, s21  }
0x4ca: {  	s24 =	sshra.s32 s19, $0x1F;
	s22 =	spop (v2sf);
	s20 =	smulhi.u32 $0x55555556, s19  }
0x4cb: {  	s25 =	sshra.s32 s21, $0x1F;
	s23 =	spop (v2sf);
	s18 =	smulhi.u32 $0x55555556, s22  }
0x4cc: {  	s2 =	sadd.s32 s9, s2;
	s12 =	spop (v2sf);
	s16 =	smulhi.u32 $0x55555556, s23  }
0x4cd: {  	s0 =	sshra.s32 s22, $0x1F;
	s26 =	sshra.s32 s23, $0x1F;
	s10 =	smulhi.u32 $0x55555556, s12  }
0x4ce: {  	s29 =	sshra.s32 s12, $0x1F;
	s15 =	spop (v2sf);
	s22 =	smul.u32 $0x55555556, s26  }
0x4cf: {  	s19 =	sshra.s32 s15, $0x1F;
	s4 =	spop (v2sf);
	s12 =	smulhi.u32 $0x55555556, s15  }
0x4d0: {  	s21 =	sshra.s32 s4, $0x1F;
	s5 =	spop (v2sf);
	s13 =	smul.u32 $0x55555556, s19  }
0x4d1: {  	v4 =	vmov s2;
	s2 =	sshrl.u32 s2, $0x1F;
	s15 =	sshra.s32 s5, $0x1F;
	s31 =	smul.u32 $0x55555556, s21  }
.Ltmp8:
0x4d2: {  	s23 =	spop (v2sf);
	s21 =	sadd.s32 s22, s16;
	(pc) =	sbr.rel @p1 .LBB2_19-.Ltmp8, $4  }
0x4d3: {  	s26 =	sshra.s32 s23, $0x1F;
	s8 =	spop (v2sf);
	s23 =	smulhi.u32 $0x55555556, s23  }
0x4d4: {  	s28 =	sshra.s32 s8, $0x1F;
	s26 =	smul.u32 $0x55555556, s26;
	s30 =	spop (v2sf)  }
0x4d5: {  	v3 =	vmov s2;
	s28 =	smul.u32 $0x55555556, s28;
	s2 =	sshra.s32 s30, $0x1F;
	s19 =	spop (v2sf)  }
0x4d6: {  	v3 =	vnsel vm3, $0x0, v3;
	s22 =	smulhi.u32 $0x55555556, s19;
	s9 =	sshra.s32 s19, $0x1F;
	s19 =	sshrl.u32 s21, $0x1F  }
0x4d7: {  	s4 =	smulhi.u32 $0x55555556, s4  }
0x4d8: {  	s8 =	smulhi.u32 $0x55555556, s8  }
0x4d9: {  	s3 =	smul.u32 $0x55555556, s3  }
0x4da: {  	s14 =	smul.u32 $0x55555556, s15  }
0x4db: {  	s16 =	smul.u32 $0x55555556, s25  }
0x4dc: {  	s5 =	smulhi.u32 $0x55555556, s5  }
0x4dd: {  	s7 =	smul.u32 $0x55555556, s7  }
0x4de: {  	s24 =	smul.u32 $0x55555556, s24  }
0x4df: {  	s6 =	sshra.s32 s6, $0x1F;
	s0 =	smul.u32 $0x55555556, s0  }
0x4e0: {  	s12 =	sadd.s32 s13, s12;
	s6 =	smul.u32 $0x55555556, s6  }
0x4e1: {  	v4 =	vnsel vm3, $0x0, v4;
	s2 =	smul.u32 $0x55555556, s2;
	s1 =	sadd.s32 s3, s1;
	s8 =	sadd.s32 s28, s8  }
0x4e2: {  	s3 =	sadd.s32 s16, s17;
	v5 =	vmov s1;
	s17 =	sshrl.u32 s8, $0x1F;
	v4 =	vsel vm0, s8, v4;
	s6 =	sadd.s32 s6, s11  }
0x4e3: {  	s15 =	rddreg [dreg:$0x11];
	s1 =	sshrl.u32 s1, $0x1F;
	v5 =	vsel vm0, s21, v5;
	s21 =	smul.u32 $0x55555556, s29;
	v3 =	vsel vm0, s17, v3;
	v6 =	vmov s6  }
0x4e4: {  	s13 =	sshrl.u32 s12, $0x1F;
	s5 =	sadd.s32 s14, s5;
	v7 =	vmov s1;
	v5 =	vsel vm1, s12, v5;
	s12 =	sshrl.u32 s6, $0x1F;
	v6 =	vsel vm0, s3, v6  }
0x4e5: {  	s4 =	sadd.s32 s31, s4;
	v7 =	vsel vm0, s19, v7;
	s6 =	sadd.s32 s7, s15;
	v5 =	vsel vm2, s5, v5;
	s14 =	sadd.s32 s21, s10;
	v8 =	vmov s12  }
0x4e6: {  	s25 =	sshrl.u32 s3, $0x1F;
	s16 =	sshrl.u32 s5, $0x1F;
	s17 =	sadd.s32 s24, s20;
	v7 =	vsel vm1, s13, v7;
	v4 =	vsel vm1, s6, v4;
	v6 =	vsel vm1, s14, v6  }
0x4e7: {  	s0 =	sadd.s32 s0, s18;
	s7 =	sshrl.u32 s6, $0x1F;
	v8 =	vsel vm0, s25, v8;
	s3 =	sshrl.u32 s14, $0x1F;
	v7 =	vsel vm2, s16, v7;
	v4 =	vsel vm2, s17, v4  }
0x4e8: {  	s20 =	smulhi.u32 $0x55555556, s30;
	s19 =	sshrl.u32 s4, $0x1F;
	s21 =	sshrl.u32 s17, $0x1F;
	v3 =	vsel vm1, s7, v3;
	v6 =	vsel vm2, s4, v6;
	v8 =	vsel vm1, s3, v8  }
0x4e9: {  	s24 =	sadd.s32 s26, s23;
	s25 =	smul.u32 $0x55555556, s9;
	v4 =	vsel vm4, s0, v4;
	v3 =	vsel vm2, s21, v3;
	s0 =	sshrl.u32 s0, $0x1F;
	v8 =	vsel vm2, s19, v8  }
0x4ea: {  	s26 =	sshrl.u32 s24, $0x1F;
	s1 =	sadd.s32 s2, s20;
	v4 =	vsel vm5, s24, v4;
	v3 =	vsel vm4, s0, v3;
	v5 =	vcombine.low v5, v6  }
0x4eb: {  	s6 =	sadd.s32 s25, s22;
	v7 =	vcombine.low v7, v8;
	v4 =	vsel vm6, s1, v4;
	v3 =	vsel vm5, s26, v3;
	s1 =	sshrl.u32 s1, $0x1F  }
0x4ec: {  	s0 =	sshrl.u32 s6, $0x1F;
	v4 =	vsel vm7, s6, v4;
	v3 =	vsel vm6, s1, v3  }
0x4ed: {  	v5 =	vperm.xlane v5, v0;
	v6 =	vperm.xlane v7, v0;
	v3 =	vsel vm7, s0, v3  }
0x4ee: {  	v4 =	vperm.xlane v4, v1;
	v3 =	vperm.xlane v3, v1;
	_ =	sdelay $0x1  }
0x4ef: {  	v4 =	vsel vm8, v4, v5;
	v3 =	vsel vm8, v3, v6  }
0x4f0: {  	v3 =	vadd.s32 v3, v4  }
0x4f1: {  	v3 =	vmul.u32 $0x3, v3;
	_ =	sdelay $0x1  }
0x4f2: {  	s7 =	rddreg [dreg:$0xe];
	v2 =	vsub.s32 v2, v3  }
0x4f3: {  	s8 =	simm.s32 $0x0;
	[tilespmem:s7+$0x98] =	vst v2  }
0x4f4: {  	v2 =	vld [tilespmem:s8+$0x198];
	_ =	sdelay $0x4  }
0x4f5: {  	(v2sf) =	vpush v2, $0x8  }
0x4f6: {  	(v2sf) =	vpush v2, $0xC  }
0x4f7: {  	(v2sf) =	vpush v2, $0x0  }
0x4f8: {  	(v2sf) =	vpush v2, $0x2  }
0x4f9: {  	(v2sf) =	vpush v2, $0x3  }
0x4fa: {  	(v2sf) =	vpush v2, $0xD;
	_ =	sdelay $0x1  }
0x4fb: {  	(v2sf) =	vpush v2, $0x4  }
0x4fc: {  	(v2sf) =	vpush v2, $0x9  }
0x4fd: {  	(v2sf) =	vpush v2, $0xE;
	_ =	sdelay $0x2  }
0x4fe: {  	(v2sf) =	vpush v2, $0xA  }
0x4ff: {  	(v2sf) =	vpush v2, $0xF  }
0x500: {  	(v2sf) =	vpush v2, $0xB  }
0x501: {  	s9 =	simm.s32 $0x0;
	(v2sf) =	vpush v2, $0x5;
	s10 =	spop (v2sf)  }
0x502: {  	[dreg:$0xc] =	wrdreg s9;
	(v2sf) =	vpush v2, $0x1;
	s6 =	spop (v2sf)  }
0x503: {  	s1 =	smulhi.u32 $0x55555556, s10;
	s11 =	spop (v2sf)  }
0x504: {  	(v2sf) =	vpush v2, $0x6;
	s3 =	smulhi.u32 $0x55555556, s11;
	s12 =	spop (v2sf)  }
0x505: {  	(v2sf) =	vpush v2, $0x7;
	s2 =	sshra.s32 s11, $0x1F;
	s13 =	spop (v2sf);
	s14 =	smulhi.u32 $0x55555556, s12  }
0x506: {  	s9 =	smul.u32 $0x55555556, s2;
	s15 =	spop (v2sf)  }
0x507: {  	s18 =	smulhi.u32 $0x55555556, s13;
	[dreg:$0x16] =	wrdreg s14  }
0x508: {  	s2 =	sshra.s32 s10, $0x1F;
	s17 =	smulhi.u32 $0x55555556, s15;
	s19 =	spop (v2sf)  }
0x509: {  	s7 =	sshra.s32 s12, $0x1F;
	s20 =	spop (v2sf);
	s16 =	smulhi.u32 $0x55555556, s19  }
0x50a: {  	s24 =	sshra.s32 s13, $0x1F;
	s11 =	spop (v2sf);
	s13 =	smulhi.u32 $0x55555556, s20  }
0x50b: {  	s25 =	sshra.s32 s15, $0x1F;
	s23 =	sshra.s32 s20, $0x1F;
	s10 =	smulhi.u32 $0x55555556, s11  }
0x50c: {  	s3 =	sadd.s32 s9, s3;
	s22 =	sshra.s32 s19, $0x1F;
	s20 =	smul.u32 $0x55555556, s23  }
0x50d: {  	s21 =	spop (v2sf);
	s29 =	sshra.s32 s11, $0x1F;
	s11 =	smulhi.u32 $0x55555556, s6  }
0x50e: {  	s4 =	spop (v2sf);
	s12 =	smulhi.u32 $0x55555556, s21;
	s19 =	sshra.s32 s21, $0x1F  }
0x50f: {  	s26 =	sshra.s32 s4, $0x1F;
	s5 =	spop (v2sf);
	s15 =	smul.u32 $0x55555556, s19  }
0x510: {  	s19 =	sshrl.u32 s3, $0x1F;
	s14 =	spop (v2sf);
	s30 =	smul.u32 $0x55555556, s26  }
0x511: {  	s8 =	spop (v2sf);
	s23 =	smulhi.u32 $0x55555556, s14;
	s26 =	sshra.s32 s14, $0x1F  }
0x512: {  	s28 =	sshra.s32 s5, $0x1F;
	s21 =	sshra.s32 s8, $0x1F;
	s26 =	smul.u32 $0x55555556, s26  }
0x513: {  	s0 =	spop (v2sf);
	s31 =	smul.u32 $0x55555556, s21;
	s21 =	sadd.s32 s20, s13  }
0x514: {  	v4 =	vmov s3;
	v3 =	vmov s19;
	s13 =	simm.s32 $0x40;
	s14 =	spop (v2sf);
	s3 =	sshra.s32 s0, $0x1F  }
0x515: {  	v3 =	vnsel vm3, $0x0, v3;
	s19 =	sshrl.u32 s21, $0x1F;
	s20 =	smulhi.u32 $0x55555556, s14;
	s9 =	sshra.s32 s14, $0x1F  }
.LBB2_21:
0x516: {  	s14 =	smulhi.u32 $0x55555556, s4  }
0x517: {  	s8 =	smulhi.u32 $0x55555556, s8  }
0x518: {  	s28 =	smul.u32 $0x55555556, s28  }
0x519: {  	s2 =	smul.u32 $0x55555556, s2  }
0x51a: {  	s5 =	smulhi.u32 $0x55555556, s5  }
0x51b: {  	s3 =	smul.u32 $0x55555556, s3  }
0x51c: {  	s0 =	smulhi.u32 $0x55555556, s0  }
0x51d: {  	s6 =	sshra.s32 s6, $0x1F;
	s12 =	sadd.s32 s15, s12;
	s15 =	smul.u32 $0x55555556, s25  }
0x51e: {  	s6 =	smul.u32 $0x55555556, s6;
	s14 =	sadd.s32 s30, s14;
	s1 =	sadd.s32 s2, s1  }
0x51f: {  	v4 =	vnsel vm3, $0x0, v4;
	s25 =	sadd.s32 s31, s8;
	s8 =	sshrl.u32 s12, $0x1F;
	s5 =	sadd.s32 s28, s5  }
0x520: {  	v5 =	vmov s1;
	v4 =	vsel vm0, s25, v4;
	s2 =	sshrl.u32 s25, $0x1F;
	s25 =	smul.u32 $0x55555556, s29;
	s6 =	sadd.s32 s6, s11  }
0x521: {  	s15 =	sadd.s32 s15, s17;
	s1 =	sshrl.u32 s1, $0x1F;
	v5 =	vsel vm0, s21, v5;
	v3 =	vsel vm0, s2, v3;
	v6 =	vmov s6;
	s21 =	smul.u32 $0x55555556, s24  }
0x522: {  	s11 =	sadd.s32 s26, s23;
	v7 =	vmov s1;
	s2 =	sshrl.u32 s6, $0x1F;
	v5 =	vsel vm1, s12, v5;
	s12 =	smul.u32 $0x55555556, s7;
	v6 =	vsel vm0, s15, v6  }
0x523: {  	s23 =	sshrl.u32 s15, $0x1F;
	s24 =	sadd.s32 s25, s10;
	v7 =	vsel vm0, s19, v7;
	s25 =	rddreg [dreg:$0x16];
	v8 =	vmov s2;
	v5 =	vsel vm2, s5, v5  }
0x524: {  	s26 =	smul.u32 $0x55555556, s22;
	v6 =	vsel vm1, s24, v6;
	v7 =	vsel vm1, s8, v7;
	v8 =	vsel vm0, s23, v8;
	s1 =	sshrl.u32 s24, $0x1F;
	s6 =	sadd.s32 s12, s25  }
0x525: {  	s17 =	sshrl.u32 s5, $0x1F;
	s19 =	sadd.s32 s21, s18;
	v6 =	vsel vm2, s14, v6;
	v8 =	vsel vm1, s1, v8;
	s21 =	sshrl.u32 s6, $0x1F;
	v4 =	vsel vm1, s6, v4  }
0x526: {  	s22 =	sadd.s32 s26, s16;
	s23 =	sshrl.u32 s14, $0x1F;
	v7 =	vsel vm2, s17, v7;
	s24 =	sshrl.u32 s19, $0x1F;
	v4 =	vsel vm2, s19, v4;
	v3 =	vsel vm1, s21, v3  }
0x527: {  	s26 =	sshrl.u32 s22, $0x1F;
	s25 =	smul.u32 $0x55555556, s9;
	v8 =	vsel vm2, s23, v8;
	v4 =	vsel vm4, s22, v4;
	v3 =	vsel vm2, s24, v3  }
0x528: {  	s0 =	sadd.s32 s3, s0;
	s10 =	sshrl.u32 s11, $0x1F;
	v5 =	vcombine.low v5, v6;
	v4 =	vsel vm5, s11, v4;
	v3 =	vsel vm4, s26, v3  }
0x529: {  	v7 =	vcombine.low v7, v8;
	s5 =	sadd.s32 s25, s20;
	v4 =	vsel vm6, s0, v4;
	v3 =	vsel vm5, s10, v3;
	s0 =	sshrl.u32 s0, $0x1F  }
0x52a: {  	s6 =	sshrl.u32 s5, $0x1F;
	v5 =	vperm.xlane v5, v0;
	v3 =	vsel vm6, s0, v3  }
0x52b: {  	v6 =	vperm.xlane v7, v0;
	v4 =	vsel vm7, s5, v4;
	v3 =	vsel vm7, s6, v3  }
0x52c: {  	v4 =	vperm.xlane v4, v1;
	v3 =	vperm.xlane v3, v1;
	_ =	sdelay $0x1  }
0x52d: {  	v4 =	vsel vm8, v4, v5;
	v3 =	vsel vm8, v3, v6  }
0x52e: {  	v3 =	vadd.s32 v3, v4  }
0x52f: {  	v3 =	vmul.u32 $0x3, v3  }
0x530: {  	s4 =	smov.u32 s13  }
0x531: {  	s7 =	sshra.s32 s4, $0x2;
	s8 =	rddreg [dreg:$0xc];
	v2 =	vsub.s32 v2, v3  }
0x532: {  	s9 =	smov.u32 s7;
	[tilespmem:s8+$0x198] =	vst v2  }
0x533: {  	v2 =	vld [tilespmem:s9+$0x198];
	_ =	sdelay $0x4  }
0x534: {  	(v2sf) =	vpush v2, $0x8  }
0x535: {  	(v2sf) =	vpush v2, $0xC  }
0x536: {  	(v2sf) =	vpush v2, $0x0  }
0x537: {  	(v2sf) =	vpush v2, $0x2  }
0x538: {  	(v2sf) =	vpush v2, $0x3  }
0x539: {  	(v2sf) =	vpush v2, $0xD;
	_ =	sdelay $0x1  }
0x53a: {  	(v2sf) =	vpush v2, $0x4  }
0x53b: {  	(v2sf) =	vpush v2, $0x9  }
0x53c: {  	(v2sf) =	vpush v2, $0xE;
	_ =	sdelay $0x1  }
0x53d: {  	(v2sf) =	vpush v2, $0xA  }
0x53e: {  	(v2sf) =	vpush v2, $0xF;
	_ =	sdelay $0x1  }
0x53f: {  	(v2sf) =	vpush v2, $0xB  }
0x540: {  	[dreg:$0xc] =	wrdreg s9;
	(v2sf) =	vpush v2, $0x5;
	s10 =	spop (v2sf)  }
0x541: {  	(v2sf) =	vpush v2, $0x1;
	s6 =	spop (v2sf);
	s1 =	smulhi.u32 $0x55555556, s10  }
0x542: {  	p1 =	sne.s32 s13, $0x1C0;
	(v2sf) =	vpush v2, $0x6;
	s11 =	smulhi.u32 $0x55555556, s6;
	s12 =	spop (v2sf)  }
0x543: {  	s13 =	sadd.s32 $0x40, s13;
	(v2sf) =	vpush v2, $0x7;
	s3 =	smulhi.u32 $0x55555556, s12;
	s15 =	spop (v2sf)  }
0x544: {  	s14 =	sshra.s32 s12, $0x1F;
	s16 =	spop (v2sf);
	s5 =	smulhi.u32 $0x55555556, s15  }
0x545: {  	s2 =	sshra.s32 s10, $0x1F;
	s8 =	smul.u32 $0x55555556, s14;
	s18 =	spop (v2sf)  }
0x546: {  	s7 =	sshra.s32 s15, $0x1F;
	[dreg:$0x16] =	wrdreg s5;
	s17 =	smulhi.u32 $0x55555556, s18  }
0x547: {  	s25 =	sshra.s32 s18, $0x1F;
	s19 =	spop (v2sf);
	s18 =	smulhi.u32 $0x55555556, s16  }
0x548: {  	s24 =	sshra.s32 s16, $0x1F;
	s20 =	spop (v2sf);
	s16 =	smulhi.u32 $0x55555556, s19  }
0x549: {  	s3 =	sadd.s32 s8, s3;
	s23 =	spop (v2sf);
	s14 =	smulhi.u32 $0x55555556, s20  }
0x54a: {  	s22 =	sshra.s32 s19, $0x1F;
	s21 =	sshra.s32 s20, $0x1F;
	s10 =	smulhi.u32 $0x55555556, s23  }
0x54b: {  	s29 =	sshra.s32 s23, $0x1F;
	s26 =	spop (v2sf);
	s9 =	smul.u32 $0x55555556, s21  }
0x54c: {  	s15 =	sshra.s32 s26, $0x1F;
	s4 =	spop (v2sf);
	s12 =	smulhi.u32 $0x55555556, s26  }
0x54d: {  	s21 =	sshrl.u32 s3, $0x1F;
	s19 =	sshra.s32 s4, $0x1F;
	s15 =	smul.u32 $0x55555556, s15  }
0x54e: {  	v3 =	vmov s21;
	s5 =	spop (v2sf);
	s21 =	sadd.s32 s9, s14;
	s30 =	smul.u32 $0x55555556, s19  }
.Ltmp9:
0x54f: {  	s28 =	sshra.s32 s5, $0x1F;
	s20 =	spop (v2sf);
	(pc) =	sbr.rel @p1 .LBB2_21-.Ltmp9, $4  }
0x550: {  	s26 =	sshra.s32 s20, $0x1F;
	s8 =	spop (v2sf);
	s23 =	smulhi.u32 $0x55555556, s20  }
0x551: {  	s31 =	sshra.s32 s8, $0x1F;
	s26 =	smul.u32 $0x55555556, s26;
	s0 =	spop (v2sf)  }
0x552: {  	v4 =	vmov s3;
	s31 =	smul.u32 $0x55555556, s31;
	s3 =	sshra.s32 s0, $0x1F;
	s19 =	spop (v2sf)  }
0x553: {  	v3 =	vnsel vm3, $0x0, v3;
	s20 =	smulhi.u32 $0x55555556, s19;
	s9 =	sshra.s32 s19, $0x1F;
	s19 =	sshrl.u32 s21, $0x1F  }
0x554: {  	s4 =	smulhi.u32 $0x55555556, s4  }
0x555: {  	s8 =	smulhi.u32 $0x55555556, s8  }
0x556: {  	s2 =	smul.u32 $0x55555556, s2  }
0x557: {  	s13 =	smul.u32 $0x55555556, s28  }
0x558: {  	s12 =	sadd.s32 s15, s12;
	s15 =	smul.u32 $0x55555556, s25  }
0x559: {  	s5 =	smulhi.u32 $0x55555556, s5  }
0x55a: {  	s25 =	smul.u32 $0x55555556, s29  }
0x55b: {  	s7 =	smul.u32 $0x55555556, s7  }
0x55c: {  	s6 =	sshra.s32 s6, $0x1F;
	s3 =	smul.u32 $0x55555556, s3  }
0x55d: {  	s6 =	smul.u32 $0x55555556, s6  }
0x55e: {  	v4 =	vnsel vm3, $0x0, v4;
	s0 =	smulhi.u32 $0x55555556, s0;
	s1 =	sadd.s32 s2, s1;
	s8 =	sadd.s32 s31, s8  }
0x55f: {  	s14 =	sshrl.u32 s12, $0x1F;
	v5 =	vmov s1;
	v4 =	vsel vm0, s8, v4;
	s6 =	sadd.s32 s6, s11;
	s1 =	sshrl.u32 s1, $0x1F  }
0x560: {  	s4 =	sadd.s32 s30, s4;
	s2 =	sadd.s32 s15, s17;
	v5 =	vsel vm0, s21, v5;
	s21 =	sshrl.u32 s8, $0x1F;
	v6 =	vmov s6;
	v7 =	vmov s1  }
0x561: {  	s5 =	sadd.s32 s13, s5;
	s13 =	sshrl.u32 s2, $0x1F;
	s17 =	sshrl.u32 s6, $0x1F;
	v3 =	vsel vm0, s21, v3;
	v5 =	vsel vm1, s12, v5;
	v6 =	vsel vm0, s2, v6  }
0x562: {  	s12 =	smul.u32 $0x55555556, s24;
	s21 =	sadd.s32 s25, s10;
	v7 =	vsel vm0, s19, v7;
	s24 =	rddreg [dreg:$0x16];
	v8 =	vmov s17;
	v5 =	vsel vm2, s5, v5  }
0x563: {  	s25 =	smul.u32 $0x55555556, s22;
	s6 =	sadd.s32 s7, s24;
	v6 =	vsel vm1, s21, v6;
	v7 =	vsel vm1, s14, v7;
	v8 =	vsel vm0, s13, v8;
	s2 =	sshrl.u32 s21, $0x1F  }
0x564: {  	s5 =	sshrl.u32 s5, $0x1F;
	s10 =	sadd.s32 s12, s18;
	v6 =	vsel vm2, s4, v6;
	s12 =	sshrl.u32 s6, $0x1F;
	v4 =	vsel vm1, s6, v4;
	v8 =	vsel vm1, s2, v8  }
0x565: {  	s14 =	sshrl.u32 s4, $0x1F;
	s13 =	sadd.s32 s25, s16;
	v7 =	vsel vm2, s5, v7;
	v4 =	vsel vm2, s10, v4;
	v3 =	vsel vm1, s12, v3;
	s15 =	sshrl.u32 s10, $0x1F  }
0x566: {  	s17 =	smul.u32 $0x55555556, s9;
	s16 =	sadd.s32 s26, s23;
	v8 =	vsel vm2, s14, v8;
	s18 =	sshrl.u32 s13, $0x1F;
	v4 =	vsel vm4, s13, v4;
	v3 =	vsel vm2, s15, v3  }
0x567: {  	s0 =	sadd.s32 s3, s0;
	s19 =	sshrl.u32 s16, $0x1F;
	v5 =	vcombine.low v5, v6;
	v4 =	vsel vm5, s16, v4;
	v3 =	vsel vm4, s18, v3  }
0x568: {  	s20 =	sadd.s32 s17, s20;
	v7 =	vcombine.low v7, v8;
	v4 =	vsel vm6, s0, v4;
	v3 =	vsel vm5, s19, v3;
	s0 =	sshrl.u32 s0, $0x1F  }
0x569: {  	s21 =	sshrl.u32 s20, $0x1F;
	v5 =	vperm.xlane v5, v0;
	v3 =	vsel vm6, s0, v3  }
0x56a: {  	v6 =	vperm.xlane v7, v0;
	v4 =	vsel vm7, s20, v4;
	v3 =	vsel vm7, s21, v3  }
0x56b: {  	v4 =	vperm.xlane v4, v1;
	v3 =	vperm.xlane v3, v1;
	_ =	sdelay $0x1  }
0x56c: {  	v4 =	vsel vm8, v4, v5;
	v3 =	vsel vm8, v3, v6  }
0x56d: {  	v3 =	vadd.s32 v3, v4  }
0x56e: {  	v3 =	vmul.u32 $0x3, v3;
	_ =	sdelay $0x1  }
0x56f: {  	s22 =	rddreg [dreg:$0xc];
	v2 =	vsub.s32 v2, v3  }
0x570: {  	s23 =	simm.s32 $0x7;
	[tilespmem:s22+$0x198] =	vst v2  }
0x571: {  	_ =	swait.ge [sflag:s23], $0x8000  }
0x572: {  	[sflag:s23] =	ssyncset.done $0x0  }
0x573: {  	s3 =	simm.s32 $0x0;
	s24 =	simm.s32 $0x80;
	[sflag:s23] =	ssyncadd.s32 $0xFFFF8000  }
0x574: {  	s25 =	simm.s32 $0x818;
	s26 =	simm.s32 $0x98;
	s0 =	rddreg [dreg:$0x3]  }
0x575: {  	[tilespmem:s25], [sflag:$0x3] =	stream.indirect.gather [spmem:s0], $0x80, s26, s24, $0xb8;
	[tilespmem:$0x10818] =	vst v63  }
0x576: {  	v2 =	vld [tilespmem:s3+$0x298];
	_ =	sdelay $0x4  }
0x577: {  	(v2sf) =	vpush v2, $0x8  }
0x578: {  	(v2sf) =	vpush v2, $0xC  }
0x579: {  	(v2sf) =	vpush v2, $0x0  }
0x57a: {  	(v2sf) =	vpush v2, $0x2  }
0x57b: {  	(v2sf) =	vpush v2, $0x3  }
0x57c: {  	(v2sf) =	vpush v2, $0xD;
	_ =	sdelay $0x1  }
0x57d: {  	(v2sf) =	vpush v2, $0x4  }
0x57e: {  	(v2sf) =	vpush v2, $0x9  }
0x57f: {  	(v2sf) =	vpush v2, $0xE;
	_ =	sdelay $0x1  }
0x580: {  	(v2sf) =	vpush v2, $0xA;
	_ =	sdelay $0x1  }
0x581: {  	(v2sf) =	vpush v2, $0xF  }
0x582: {  	(v2sf) =	vpush v2, $0xB  }
0x583: {  	s4 =	simm.s32 $0x0;
	(v2sf) =	vpush v2, $0x5;
	s5 =	spop (v2sf)  }
0x584: {  	[dreg:$0xa] =	wrdreg s4;
	s10 =	spop (v2sf)  }
0x585: {  	(v2sf) =	vpush v2, $0x1;
	s1 =	smulhi.u32 $0x55555556, s5;
	s7 =	spop (v2sf)  }
0x586: {  	(v2sf) =	vpush v2, $0x6;
	s8 =	smulhi.u32 $0x55555556, s7;
	s11 =	spop (v2sf)  }
0x587: {  	(v2sf) =	vpush v2, $0x7;
	s2 =	sshra.s32 s7, $0x1F;
	s12 =	spop (v2sf);
	s13 =	smulhi.u32 $0x55555556, s11  }
0x588: {  	s15 =	smul.u32 $0x55555556, s2;
	s14 =	spop (v2sf)  }
0x589: {  	s2 =	sshra.s32 s5, $0x1F;
	s18 =	smulhi.u32 $0x55555556, s12;
	[dreg:$0x17] =	wrdreg s13  }
0x58a: {  	s7 =	sshra.s32 s11, $0x1F;
	s17 =	smulhi.u32 $0x55555556, s14;
	s9 =	spop (v2sf)  }
0x58b: {  	s22 =	sshra.s32 s12, $0x1F;
	s16 =	spop (v2sf);
	s19 =	smulhi.u32 $0x55555556, s9  }
0x58c: {  	s25 =	sshra.s32 s14, $0x1F;
	s5 =	spop (v2sf);
	s20 =	smulhi.u32 $0x55555556, s16  }
0x58d: {  	s3 =	sadd.s32 s15, s8;
	s0 =	sshra.s32 s16, $0x1F;
	s6 =	smulhi.u32 $0x55555556, s5  }
0x58e: {  	s9 =	sshra.s32 s9, $0x1F;
	s23 =	spop (v2sf);
	s0 =	smul.u32 $0x55555556, s0  }
0x58f: {  	[dreg:$0x1a] =	wrdreg s19;
	s12 =	smulhi.u32 $0x55555556, s23;
	s11 =	sshra.s32 s23, $0x1F  }
0x590: {  	s29 =	sshra.s32 s5, $0x1F;
	s21 =	spop (v2sf);
	s8 =	smul.u32 $0x55555556, s11  }
0x591: {  	s24 =	sshra.s32 s21, $0x1F;
	s19 =	spop (v2sf);
	s11 =	smulhi.u32 $0x55555556, s10  }
0x592: {  	s4 =	sadd.s32 s0, s20;
	s26 =	spop (v2sf);
	s30 =	smul.u32 $0x55555556, s24  }
0x593: {  	s24 =	sshrl.u32 s3, $0x1F;
	s28 =	sshra.s32 s19, $0x1F;
	s5 =	sshrl.u32 s4, $0x1F  }
0x594: {  	s31 =	spop (v2sf);
	s23 =	smulhi.u32 $0x55555556, s26;
	s14 =	sshra.s32 s26, $0x1F  }
0x595: {  	s15 =	sshra.s32 s31, $0x1F;
	s26 =	smul.u32 $0x55555556, s14;
	s0 =	spop (v2sf)  }
0x596: {  	v3 =	vmov s24;
	s14 =	simm.s32 $0x40;
	s13 =	smul.u32 $0x55555556, s15;
	s16 =	spop (v2sf)  }
0x597: {  	v4 =	vmov s3;
	v3 =	vnsel vm3, $0x0, v3;
	s3 =	sshra.s32 s0, $0x1F;
	s20 =	smulhi.u32 $0x55555556, s16;
	s24 =	sshra.s32 s16, $0x1F  }
.LBB2_23:
0x598: {  	s15 =	smulhi.u32 $0x55555556, s21  }
0x599: {  	s31 =	smulhi.u32 $0x55555556, s31  }
0x59a: {  	s28 =	smul.u32 $0x55555556, s28  }
0x59b: {  	s2 =	smul.u32 $0x55555556, s2  }
0x59c: {  	s25 =	smul.u32 $0x55555556, s25  }
0x59d: {  	s7 =	smul.u32 $0x55555556, s7  }
0x59e: {  	s3 =	smul.u32 $0x55555556, s3  }
0x59f: {  	s0 =	smulhi.u32 $0x55555556, s0  }
0x5a0: {  	s10 =	sshra.s32 s10, $0x1F;
	s8 =	sadd.s32 s8, s12;
	s12 =	smulhi.u32 $0x55555556, s19  }
0x5a1: {  	s10 =	smul.u32 $0x55555556, s10;
	s15 =	sadd.s32 s30, s15;
	s1 =	sadd.s32 s2, s1  }
0x5a2: {  	v4 =	vnsel vm3, $0x0, v4;
	s16 =	sadd.s32 s13, s31;
	s13 =	sshrl.u32 s8, $0x1F;
	s17 =	sadd.s32 s25, s17  }
0x5a3: {  	s25 =	smul.u32 $0x55555556, s29;
	v5 =	vmov s1;
	v4 =	vsel vm0, s16, v4;
	s2 =	sshrl.u32 s16, $0x1F;
	s11 =	sadd.s32 s10, s11  }
0x5a4: {  	s1 =	sshrl.u32 s1, $0x1F;
	s10 =	sadd.s32 s26, s23;
	s16 =	sshrl.u32 s17, $0x1F;
	v5 =	vsel vm0, s4, v5;
	v3 =	vsel vm0, s2, v3;
	v6 =	vmov s11  }
0x5a5: {  	s26 =	smul.u32 $0x55555556, s9;
	s4 =	sadd.s32 s28, s12;
	v7 =	vmov s1;
	s2 =	sshrl.u32 s11, $0x1F;
	v5 =	vsel vm1, s8, v5;
	v6 =	vsel vm0, s17, v6  }
0x5a6: {  	s12 =	smul.u32 $0x55555556, s22;
	s22 =	sadd.s32 s25, s6;
	s25 =	rddreg [dreg:$0x17];
	v7 =	vsel vm0, s5, v7;
	v8 =	vmov s2;
	v5 =	vsel vm2, s4, v5  }
0x5a7: {  	s6 =	sadd.s32 s7, s25;
	s1 =	sshrl.u32 s22, $0x1F;
	v6 =	vsel vm1, s22, v6;
	v7 =	vsel vm1, s13, v7;
	s4 =	sshrl.u32 s4, $0x1F;
	v8 =	vsel vm0, s16, v8  }
0x5a8: {  	s9 =	sadd.s32 s12, s18;
	s12 =	sshrl.u32 s6, $0x1F;
	v4 =	vsel vm1, s6, v4;
	s13 =	rddreg [dreg:$0x1a];
	v6 =	vsel vm2, s15, v6;
	v8 =	vsel vm1, s1, v8  }
0x5a9: {  	s6 =	sadd.s32 s26, s13;
	s15 =	sshrl.u32 s15, $0x1F;
	v7 =	vsel vm2, s4, v7;
	v4 =	vsel vm2, s9, v4;
	v3 =	vsel vm1, s12, v3;
	s16 =	sshrl.u32 s9, $0x1F  }
0x5aa: {  	s17 =	smul.u32 $0x55555556, s24;
	v8 =	vsel vm2, s15, v8;
	v4 =	vsel vm4, s6, v4;
	v3 =	vsel vm2, s16, v3;
	s18 =	sshrl.u32 s6, $0x1F  }
0x5ab: {  	s0 =	sadd.s32 s3, s0;
	s23 =	sshrl.u32 s10, $0x1F;
	v5 =	vcombine.low v5, v6;
	v4 =	vsel vm5, s10, v4;
	v3 =	vsel vm4, s18, v3  }
0x5ac: {  	s19 =	sadd.s32 s17, s20;
	v7 =	vcombine.low v7, v8;
	v4 =	vsel vm6, s0, v4;
	v3 =	vsel vm5, s23, v3;
	s0 =	sshrl.u32 s0, $0x1F  }
0x5ad: {  	s20 =	sshrl.u32 s19, $0x1F;
	v5 =	vperm.xlane v5, v0;
	v3 =	vsel vm6, s0, v3  }
0x5ae: {  	v4 =	vsel vm7, s19, v4;
	v6 =	vperm.xlane v7, v0;
	v3 =	vsel vm7, s20, v3  }
0x5af: {  	v4 =	vperm.xlane v4, v1;
	v3 =	vperm.xlane v3, v1;
	_ =	sdelay $0x1  }
0x5b0: {  	v4 =	vsel vm8, v4, v5;
	v3 =	vsel vm8, v3, v6  }
0x5b1: {  	v3 =	vadd.s32 v3, v4  }
0x5b2: {  	v3 =	vmul.u32 $0x3, v3  }
0x5b3: {  	s21 =	smov.u32 s14  }
0x5b4: {  	s21 =	sshra.s32 s21, $0x2;
	s22 =	rddreg [dreg:$0xa];
	v2 =	vsub.s32 v2, v3  }
0x5b5: {  	s23 =	smov.u32 s21;
	[tilespmem:s22+$0x298] =	vst v2  }
0x5b6: {  	v2 =	vld [tilespmem:s23+$0x298];
	_ =	sdelay $0x4  }
0x5b7: {  	(v2sf) =	vpush v2, $0x8  }
0x5b8: {  	(v2sf) =	vpush v2, $0xC  }
0x5b9: {  	(v2sf) =	vpush v2, $0x0  }
0x5ba: {  	(v2sf) =	vpush v2, $0x2;
	_ =	sdelay $0x1  }
0x5bb: {  	(v2sf) =	vpush v2, $0x3  }
0x5bc: {  	(v2sf) =	vpush v2, $0xD  }
0x5bd: {  	(v2sf) =	vpush v2, $0x4  }
0x5be: {  	(v2sf) =	vpush v2, $0x9  }
0x5bf: {  	(v2sf) =	vpush v2, $0xE;
	_ =	sdelay $0x1  }
0x5c0: {  	(v2sf) =	vpush v2, $0xA;
	_ =	sdelay $0x1  }
0x5c1: {  	(v2sf) =	vpush v2, $0xF  }
0x5c2: {  	(v2sf) =	vpush v2, $0xB  }
0x5c3: {  	s24 =	spop (v2sf)  }
0x5c4: {  	(v2sf) =	vpush v2, $0x5;
	s10 =	spop (v2sf);
	s1 =	smulhi.u32 $0x55555556, s24  }
0x5c5: {  	(v2sf) =	vpush v2, $0x1;
	s11 =	smulhi.u32 $0x55555556, s10;
	s25 =	spop (v2sf)  }
0x5c6: {  	p1 =	sne.s32 s14, $0x1C0;
	(v2sf) =	vpush v2, $0x6;
	s3 =	smulhi.u32 $0x55555556, s25;
	s6 =	spop (v2sf)  }
0x5c7: {  	[dreg:$0xa] =	wrdreg s23;
	(v2sf) =	vpush v2, $0x7;
	s26 =	sshra.s32 s25, $0x1F;
	s5 =	smulhi.u32 $0x55555556, s6  }
0x5c8: {  	s14 =	sadd.s32 $0x40, s14;
	s8 =	spop (v2sf);
	s4 =	smul.u32 $0x55555556, s26  }
0x5c9: {  	s7 =	sshra.s32 s6, $0x1F;
	s12 =	spop (v2sf);
	s18 =	smulhi.u32 $0x55555556, s8  }
0x5ca: {  	s22 =	sshra.s32 s8, $0x1F;
	[dreg:$0x17] =	wrdreg s5;
	s13 =	spop (v2sf)  }
0x5cb: {  	s25 =	sshra.s32 s12, $0x1F;
	s15 =	spop (v2sf);
	s6 =	smulhi.u32 $0x55555556, s13  }
0x5cc: {  	s17 =	smulhi.u32 $0x55555556, s12;
	s3 =	sadd.s32 s4, s3;
	s19 =	spop (v2sf)  }
0x5cd: {  	s9 =	sshra.s32 s13, $0x1F;
	s5 =	smulhi.u32 $0x55555556, s15;
	[dreg:$0x1a] =	wrdreg s6  }
0x5ce: {  	s8 =	sshrl.u32 s3, $0x1F;
	s20 =	spop (v2sf);
	s6 =	smulhi.u32 $0x55555556, s19  }
0x5cf: {  	s16 =	sshra.s32 s15, $0x1F;
	s29 =	sshra.s32 s19, $0x1F;
	s12 =	smulhi.u32 $0x55555556, s20  }
0x5d0: {  	s13 =	sshra.s32 s20, $0x1F;
	s21 =	spop (v2sf);
	s20 =	smul.u32 $0x55555556, s16  }
0x5d1: {  	v3 =	vmov s8;
	s23 =	sshra.s32 s21, $0x1F;
	s19 =	spop (v2sf);
	s8 =	smul.u32 $0x55555556, s13  }
0x5d2: {  	s2 =	sshra.s32 s24, $0x1F;
	s28 =	sshra.s32 s19, $0x1F;
	s30 =	smul.u32 $0x55555556, s23  }
.Ltmp10:
0x5d3: {  	s24 =	spop (v2sf);
	s4 =	sadd.s32 s20, s5;
	(pc) =	sbr.rel @p1 .LBB2_23-.Ltmp10, $4  }
0x5d4: {  	s26 =	sshra.s32 s24, $0x1F;
	s31 =	spop (v2sf);
	s23 =	smulhi.u32 $0x55555556, s24  }
0x5d5: {  	s16 =	sshra.s32 s31, $0x1F;
	s26 =	smul.u32 $0x55555556, s26;
	s0 =	spop (v2sf)  }
0x5d6: {  	s5 =	sshrl.u32 s4, $0x1F;
	s13 =	smul.u32 $0x55555556, s16;
	s24 =	spop (v2sf)  }
0x5d7: {  	v4 =	vmov s3;
	v3 =	vnsel vm3, $0x0, v3;
	s3 =	sshra.s32 s0, $0x1F;
	s20 =	smulhi.u32 $0x55555556, s24;
	s24 =	sshra.s32 s24, $0x1F  }
0x5d8: {  	s14 =	smulhi.u32 $0x55555556, s21  }
0x5d9: {  	s15 =	smulhi.u32 $0x55555556, s31  }
0x5da: {  	s16 =	smul.u32 $0x55555556, s28  }
0x5db: {  	s2 =	smul.u32 $0x55555556, s2  }
0x5dc: {  	s19 =	smulhi.u32 $0x55555556, s19  }
0x5dd: {  	s25 =	smul.u32 $0x55555556, s25  }
0x5de: {  	s21 =	smul.u32 $0x55555556, s29  }
0x5df: {  	s7 =	smul.u32 $0x55555556, s7  }
0x5e0: {  	s3 =	smul.u32 $0x55555556, s3  }
0x5e1: {  	s10 =	sshra.s32 s10, $0x1F;
	s0 =	smulhi.u32 $0x55555556, s0  }
0x5e2: {  	s8 =	sadd.s32 s8, s12;
	s10 =	smul.u32 $0x55555556, s10  }
0x5e3: {  	v4 =	vnsel vm3, $0x0, v4;
	s14 =	sadd.s32 s30, s14;
	s1 =	sadd.s32 s2, s1;
	s15 =	sadd.s32 s13, s15  }
0x5e4: {  	s12 =	sadd.s32 s25, s17;
	v5 =	vmov s1;
	s25 =	sshrl.u32 s15, $0x1F;
	v4 =	vsel vm0, s15, v4;
	s11 =	sadd.s32 s10, s11  }
0x5e5: {  	s13 =	sadd.s32 s16, s19;
	s16 =	smul.u32 $0x55555556, s22;
	s1 =	sshrl.u32 s1, $0x1F;
	v5 =	vsel vm0, s4, v5;
	v3 =	vsel vm0, s25, v3;
	v6 =	vmov s11  }
0x5e6: {  	s21 =	sadd.s32 s21, s6;
	s22 =	rddreg [dreg:$0x17];
	v7 =	vmov s1;
	s19 =	sshrl.u32 s11, $0x1F;
	v5 =	vsel vm1, s8, v5;
	v6 =	vsel vm0, s12, v6  }
0x5e7: {  	s17 =	sshrl.u32 s12, $0x1F;
	s2 =	sshrl.u32 s21, $0x1F;
	s4 =	sshrl.u32 s8, $0x1F;
	v7 =	vsel vm0, s5, v7;
	v8 =	vmov s19;
	v5 =	vsel vm2, s13, v5  }
0x5e8: {  	s25 =	smul.u32 $0x55555556, s9;
	s9 =	sshrl.u32 s13, $0x1F;
	s5 =	sadd.s32 s7, s22;
	v6 =	vsel vm1, s21, v6;
	v7 =	vsel vm1, s4, v7;
	v8 =	vsel vm0, s17, v8  }
0x5e9: {  	s11 =	sadd.s32 s16, s18;
	s12 =	rddreg [dreg:$0x1a];
	s7 =	sshrl.u32 s5, $0x1F;
	v4 =	vsel vm1, s5, v4;
	v6 =	vsel vm2, s14, v6;
	v8 =	vsel vm1, s2, v8  }
0x5ea: {  	s5 =	sadd.s32 s25, s12;
	s13 =	sshrl.u32 s14, $0x1F;
	v7 =	vsel vm2, s9, v7;
	v4 =	vsel vm2, s11, v4;
	v3 =	vsel vm1, s7, v3;
	s14 =	sshrl.u32 s11, $0x1F  }
0x5eb: {  	s15 =	sadd.s32 s26, s23;
	s16 =	smul.u32 $0x55555556, s24;
	s17 =	sshrl.u32 s5, $0x1F;
	v8 =	vsel vm2, s13, v8;
	v4 =	vsel vm4, s5, v4;
	v3 =	vsel vm2, s14, v3  }
0x5ec: {  	s0 =	sadd.s32 s3, s0;
	s18 =	sshrl.u32 s15, $0x1F;
	v5 =	vcombine.low v5, v6;
	v4 =	vsel vm5, s15, v4;
	v3 =	vsel vm4, s17, v3  }
0x5ed: {  	s19 =	sadd.s32 s16, s20;
	v7 =	vcombine.low v7, v8;
	v4 =	vsel vm6, s0, v4;
	v3 =	vsel vm5, s18, v3;
	s0 =	sshrl.u32 s0, $0x1F  }
0x5ee: {  	s20 =	sshrl.u32 s19, $0x1F;
	v5 =	vperm.xlane v5, v0;
	v3 =	vsel vm6, s0, v3  }
0x5ef: {  	v4 =	vsel vm7, s19, v4;
	v6 =	vperm.xlane v7, v0;
	v3 =	vsel vm7, s20, v3  }
0x5f0: {  	v4 =	vperm.xlane v4, v1;
	v3 =	vperm.xlane v3, v1;
	_ =	sdelay $0x1  }
0x5f1: {  	v4 =	vsel vm8, v4, v5;
	v3 =	vsel vm8, v3, v6  }
0x5f2: {  	v3 =	vadd.s32 v3, v4  }
0x5f3: {  	v3 =	vmul.u32 $0x3, v3  }
0x5f4: {  	s22 =	sld [smem:$0x7EC]  }
0x5f5: {  	s21 =	rddreg [dreg:$0xa];
	v2 =	vsub.s32 v2, v3  }
0x5f6: {  	s24 =	simm.s32 $0x5;
	[tilespmem:s21+$0x298] =	vst v2  }
0x5f7: {  	s23 =	sor.u32 $0x1, s22;
	_ =	swait.ge [sflag:s24], $0x4000  }
0x5f8: {  	[smem:$0x7E4] =	sst s23  }
0x5f9: {  	s1 =	sshll.u32 s23, $0x3;
	[sflag:s24] =	ssyncset.done $0x0;
	s25 =	sld [smem:$0x7F3]  }
0x5fa: {  	s26 =	simm.s32 $0x6;
	[smem:$0x7E5] =	sst s1;
	[sflag:s24] =	ssyncadd.s32 $0xFFFFC000  }
0x5fb: {  	_ =	swait.ge [sflag:s26], $0x4000  }
0x5fc: {  	s0 =	sadd.s32 s1, s25;
	[sflag:s26] =	ssyncset.done $0x0  }
0x5fd: {  	s3 =	simm.s32 $0x8818;
	s0 =	sshll.u32 s0, $0xB;
	[sflag:s26] =	ssyncadd.s32 $0xFFFFC000  }
0x5fe: {  	s6 =	simm.s32 $0x4818;
	s0 =	sand.u32 $0x1FFFB000, s0;
	s1 =	rddreg [dreg:$0x2]  }
0x5ff: {  	s2 =	simm.s32 $0x0;
	s7 =	simm.s32 $0x198;
	s0 =	sadd.s32 s1, s0  }
0x600: {  	[hbm4b:s0+s2] =	stream.linear.scatter [tilespmem:s3], [sflag:$0x8], $0x8000, $0x38;
	[tilespmem:$0x10818] =	vst v63  }
0x601: {  	s5 =	simm.s32 $0x80;
	s18 =	simm.s32 $0x0;
	s4 =	rddreg [dreg:$0x3]  }
0x602: {  	[tilespmem:s6], [sflag:$0x4] =	stream.indirect.gather [spmem:s4], $0x80, s7, s5, $0xb8;
	[tilespmem:$0x10818] =	vst v63  }
0x603: {  	v2 =	vld [tilespmem:s18+$0x398];
	_ =	sdelay $0x4  }
0x604: {  	(v2sf) =	vpush v2, $0x8  }
0x605: {  	(v2sf) =	vpush v2, $0xC  }
0x606: {  	(v2sf) =	vpush v2, $0x0  }
0x607: {  	(v2sf) =	vpush v2, $0x2  }
0x608: {  	(v2sf) =	vpush v2, $0x3  }
0x609: {  	(v2sf) =	vpush v2, $0xD;
	_ =	sdelay $0x1  }
0x60a: {  	(v2sf) =	vpush v2, $0x4  }
0x60b: {  	(v2sf) =	vpush v2, $0x9;
	_ =	sdelay $0x1  }
0x60c: {  	(v2sf) =	vpush v2, $0xE  }
0x60d: {  	(v2sf) =	vpush v2, $0xA  }
0x60e: {  	(v2sf) =	vpush v2, $0xF;
	_ =	sdelay $0x1  }
0x60f: {  	(v2sf) =	vpush v2, $0xB  }
0x610: {  	(v2sf) =	vpush v2, $0x5;
	s8 =	spop (v2sf)  }
0x611: {  	(v2sf) =	vpush v2, $0x1;
	s10 =	spop (v2sf)  }
0x612: {  	(v2sf) =	vpush v2, $0x6;
	s1 =	smulhi.u32 $0x55555556, s8;
	s9 =	spop (v2sf)  }
0x613: {  	(v2sf) =	vpush v2, $0x7;
	s3 =	smulhi.u32 $0x55555556, s9;
	s11 =	spop (v2sf)  }
0x614: {  	s2 =	sshra.s32 s9, $0x1F;
	s5 =	spop (v2sf);
	s20 =	smulhi.u32 $0x55555556, s11  }
0x615: {  	s2 =	smul.u32 $0x55555556, s2;
	s16 =	sshra.s32 s11, $0x1F;
	s9 =	spop (v2sf)  }
0x616: {  	s15 =	smulhi.u32 $0x55555556, s5;
	[smem:$0x7E7] =	sst s16  }
0x617: {  	s13 =	spop (v2sf);
	s17 =	smulhi.u32 $0x55555556, s9  }
0x618: {  	s12 =	spop (v2sf);
	s22 =	smulhi.u32 $0x55555556, s13  }
0x619: {  	[smem:$0x7E6] =	sst s15;
	s23 =	smulhi.u32 $0x55555556, s12;
	s6 =	sshra.s32 s12, $0x1F  }
0x61a: {  	s25 =	sshra.s32 s8, $0x1F;
	s14 =	spop (v2sf);
	s6 =	smul.u32 $0x55555556, s6  }
0x61b: {  	s3 =	sadd.s32 s2, s3;
	s19 =	spop (v2sf);
	s2 =	smulhi.u32 $0x55555556, s14  }
0x61c: {  	s29 =	sshra.s32 s14, $0x1F;
	s14 =	simm.s32 $0x40;
	s28 =	spop (v2sf)  }
0x61d: {  	s21 =	smulhi.u32 $0x55555556, s19;
	s0 =	sshra.s32 s19, $0x1F;
	s24 =	sshra.s32 s28, $0x1F  }
0x61e: {  	s12 =	spop (v2sf);
	s4 =	sadd.s32 s6, s23;
	s8 =	smul.u32 $0x55555556, s0  }
0x61f: {  	s23 =	sshrl.u32 s3, $0x1F;
	s26 =	spop (v2sf);
	s31 =	smul.u32 $0x55555556, s24  }
0x620: {  	s6 =	sshra.s32 s5, $0x1F;
	v3 =	vmov s23;
	s23 =	smulhi.u32 $0x55555556, s10;
	s11 =	spop (v2sf)  }
0x621: {  	s30 =	smulhi.u32 $0x55555556, s26;
	s16 =	sshra.s32 s26, $0x1F;
	s0 =	spop (v2sf)  }
0x622: {  	s5 =	sshra.s32 s9, $0x1F;
	s26 =	smul.u32 $0x55555556, s16;
	s19 =	spop (v2sf)  }
0x623: {  	s9 =	sshra.s32 s13, $0x1F;
	s7 =	sshra.s32 s11, $0x1F;
	s24 =	smulhi.u32 $0x55555556, s19  }
0x624: {  	v4 =	vmov s3;
	s13 =	sshra.s32 s12, $0x1F;
	s15 =	smul.u32 $0x55555556, s7;
	s3 =	sshra.s32 s0, $0x1F  }
0x625: {  	v3 =	vnsel vm3, $0x0, v3;
	[smem:$0x7E8] =	sst s24;
	s24 =	sshra.s32 s19, $0x1F;
	s19 =	sshrl.u32 s4, $0x1F  }
.LBB2_25:
0x626: {  	s16 =	smulhi.u32 $0x55555556, s28  }
0x627: {  	s11 =	smulhi.u32 $0x55555556, s11  }
0x628: {  	s13 =	smul.u32 $0x55555556, s13  }
0x629: {  	s25 =	smul.u32 $0x55555556, s25  }
0x62a: {  	s12 =	smulhi.u32 $0x55555556, s12  }
0x62b: {  	s5 =	smul.u32 $0x55555556, s5  }
0x62c: {  	s6 =	smul.u32 $0x55555556, s6  }
0x62d: {  	s9 =	smul.u32 $0x55555556, s9  }
0x62e: {  	s3 =	smul.u32 $0x55555556, s3  }
0x62f: {  	s10 =	sshra.s32 s10, $0x1F;
	s0 =	smulhi.u32 $0x55555556, s0  }
0x630: {  	s10 =	smul.u32 $0x55555556, s10  }
0x631: {  	s7 =	sld [smem:$0x7E7];
	s8 =	sadd.s32 s8, s21;
	s21 =	smul.u32 $0x55555556, s29  }
0x632: {  	v4 =	vnsel vm3, $0x0, v4;
	s16 =	sadd.s32 s31, s16;
	s1 =	sadd.s32 s25, s1;
	s11 =	sadd.s32 s15, s11  }
0x633: {  	s5 =	sadd.s32 s5, s17;
	v5 =	vmov s1;
	v4 =	vsel vm0, s11, v4;
	s11 =	sshrl.u32 s11, $0x1F;
	s10 =	sadd.s32 s10, s23  }
0x634: {  	s25 =	sadd.s32 s13, s12;
	s7 =	smul.u32 $0x55555556, s7;
	s1 =	sshrl.u32 s1, $0x1F;
	v5 =	vsel vm0, s4, v5;
	v3 =	vsel vm0, s11, v3;
	v6 =	vmov s10  }
0x635: {  	s13 =	sadd.s32 s21, s2;
	s21 =	sld [smem:$0x7E6];
	v7 =	vmov s1;
	s17 =	sshrl.u32 s10, $0x1F;
	v5 =	vsel vm1, s8, v5;
	v6 =	vsel vm0, s5, v6  }
0x636: {  	s15 =	sshrl.u32 s8, $0x1F;
	s12 =	sshrl.u32 s5, $0x1F;
	s1 =	sshrl.u32 s13, $0x1F;
	v7 =	vsel vm0, s19, v7;
	v8 =	vmov s17;
	v5 =	vsel vm2, s25, v5  }
0x637: {  	s10 =	sld [smem:$0x7E8];
	s8 =	sadd.s32 s26, s30;
	s7 =	sadd.s32 s7, s20;
	v6 =	vsel vm1, s13, v6;
	v7 =	vsel vm1, s15, v7;
	v8 =	vsel vm0, s12, v8  }
0x638: {  	s20 =	sshrl.u32 s25, $0x1F;
	s4 =	sadd.s32 s6, s21;
	s23 =	sshrl.u32 s7, $0x1F;
	v4 =	vsel vm1, s7, v4;
	v6 =	vsel vm2, s16, v6;
	v8 =	vsel vm1, s1, v8  }
0x639: {  	s26 =	sshrl.u32 s16, $0x1F;
	s25 =	sadd.s32 s9, s22;
	v7 =	vsel vm2, s20, v7;
	v4 =	vsel vm2, s4, v4;
	v3 =	vsel vm1, s23, v3;
	s4 =	sshrl.u32 s4, $0x1F  }
0x63a: {  	s6 =	smul.u32 $0x55555556, s24;
	s9 =	sshrl.u32 s25, $0x1F;
	v8 =	vsel vm2, s26, v8;
	v4 =	vsel vm4, s25, v4;
	v3 =	vsel vm2, s4, v3  }
0x63b: {  	s0 =	sadd.s32 s3, s0;
	s19 =	sshrl.u32 s8, $0x1F;
	v5 =	vcombine.low v5, v6;
	v4 =	vsel vm5, s8, v4;
	v3 =	vsel vm4, s9, v3  }
0x63c: {  	s1 =	sadd.s32 s6, s10;
	v7 =	vcombine.low v7, v8;
	v4 =	vsel vm6, s0, v4;
	v3 =	vsel vm5, s19, v3;
	s0 =	sshrl.u32 s0, $0x1F  }
0x63d: {  	s11 =	sshrl.u32 s1, $0x1F;
	v5 =	vperm.xlane v5, v0;
	v3 =	vsel vm6, s0, v3  }
0x63e: {  	v4 =	vsel vm7, s1, v4;
	v6 =	vperm.xlane v7, v0;
	v3 =	vsel vm7, s11, v3  }
0x63f: {  	v4 =	vperm.xlane v4, v1;
	v3 =	vperm.xlane v3, v1;
	_ =	sdelay $0x1  }
0x640: {  	v4 =	vsel vm8, v4, v5;
	v3 =	vsel vm8, v3, v6  }
0x641: {  	v3 =	vadd.s32 v3, v4  }
0x642: {  	v3 =	vmul.u32 $0x3, v3  }
0x643: {  	s28 =	smov.u32 s14  }
0x644: {  	s12 =	sshra.s32 s28, $0x2;
	v2 =	vsub.s32 v2, v3  }
0x645: {  	s7 =	smov.u32 s12;
	[tilespmem:s18+$0x398] =	vst v2  }
0x646: {  	v2 =	vld [tilespmem:s7+$0x398];
	_ =	sdelay $0x4  }
0x647: {  	(v2sf) =	vpush v2, $0x8  }
0x648: {  	(v2sf) =	vpush v2, $0xC  }
0x649: {  	(v2sf) =	vpush v2, $0x0  }
0x64a: {  	(v2sf) =	vpush v2, $0x2  }
0x64b: {  	(v2sf) =	vpush v2, $0x3;
	_ =	sdelay $0x1  }
0x64c: {  	(v2sf) =	vpush v2, $0xD  }
0x64d: {  	(v2sf) =	vpush v2, $0x4  }
0x64e: {  	(v2sf) =	vpush v2, $0x9  }
0x64f: {  	(v2sf) =	vpush v2, $0xE  }
0x650: {  	(v2sf) =	vpush v2, $0xA  }
0x651: {  	(v2sf) =	vpush v2, $0xF  }
0x652: {  	(v2sf) =	vpush v2, $0xB  }
0x653: {  	(v2sf) =	vpush v2, $0x5  }
0x654: {  	(v2sf) =	vpush v2, $0x1  }
0x655: {  	s13 =	spop (v2sf);
	(v2sf) =	vpush v2, $0x6  }
0x656: {  	s10 =	spop (v2sf);
	(v2sf) =	vpush v2, $0x7;
	s1 =	smulhi.u32 $0x55555556, s13  }
0x657: {  	p1 =	sne.s32 s14, $0x1C0;
	s23 =	smulhi.u32 $0x55555556, s10;
	s15 =	spop (v2sf)  }
0x658: {  	s3 =	smulhi.u32 $0x55555556, s15;
	s16 =	sshra.s32 s15, $0x1F;
	s17 =	spop (v2sf)  }
0x659: {  	s18 =	sshra.s32 s17, $0x1F;
	s19 =	spop (v2sf);
	s20 =	smulhi.u32 $0x55555556, s17  }
0x65a: {  	s14 =	sadd.s32 $0x40, s14;
	s8 =	smul.u32 $0x55555556, s16;
	[smem:$0x7E7] =	sst s18  }
0x65b: {  	s25 =	sshra.s32 s13, $0x1F;
	s21 =	spop (v2sf);
	s0 =	smulhi.u32 $0x55555556, s19  }
0x65c: {  	s6 =	sshra.s32 s19, $0x1F;
	s22 =	spop (v2sf);
	s17 =	smulhi.u32 $0x55555556, s21  }
0x65d: {  	s5 =	sshra.s32 s21, $0x1F;
	s24 =	spop (v2sf);
	[smem:$0x7E6] =	sst s0  }
0x65e: {  	s9 =	sshra.s32 s22, $0x1F;
	s22 =	smulhi.u32 $0x55555556, s22;
	s13 =	spop (v2sf)  }
0x65f: {  	s3 =	sadd.s32 s8, s3;
	s4 =	smulhi.u32 $0x55555556, s24;
	s16 =	spop (v2sf)  }
0x660: {  	s26 =	sshra.s32 s24, $0x1F;
	s2 =	smulhi.u32 $0x55555556, s13;
	s28 =	spop (v2sf)  }
0x661: {  	s8 =	sshrl.u32 s3, $0x1F;
	s24 =	smul.u32 $0x55555556, s26;
	s12 =	spop (v2sf)  }
0x662: {  	s15 =	sshra.s32 s16, $0x1F;
	s21 =	smulhi.u32 $0x55555556, s16;
	s19 =	spop (v2sf)  }
0x663: {  	v3 =	vmov s8;
	s18 =	sshra.s32 s28, $0x1F;
	s8 =	smul.u32 $0x55555556, s15;
	s11 =	spop (v2sf)  }
0x664: {  	s29 =	sshra.s32 s13, $0x1F;
	s31 =	smul.u32 $0x55555556, s18;
	s0 =	spop (v2sf)  }
.Ltmp11:
0x665: {  	s4 =	sadd.s32 s24, s4;
	s15 =	spop (v2sf);
	(pc) =	sbr.rel @p1 .LBB2_25-.Ltmp11, $4  }
0x666: {  	s13 =	sshra.s32 s12, $0x1F;
	s26 =	sshra.s32 s19, $0x1F;
	s24 =	smulhi.u32 $0x55555556, s15  }
0x667: {  	s30 =	smulhi.u32 $0x55555556, s19;
	s19 =	sshrl.u32 s4, $0x1F;
	s18 =	sshra.s32 s11, $0x1F  }
0x668: {  	v4 =	vmov s3;
	s26 =	smul.u32 $0x55555556, s26;
	s3 =	sshra.s32 s0, $0x1F;
	[smem:$0x7E8] =	sst s24  }
0x669: {  	v3 =	vnsel vm3, $0x0, v3;
	s24 =	sshra.s32 s15, $0x1F;
	s15 =	smul.u32 $0x55555556, s18;
	s18 =	smov.u32 s7  }
0x66a: {  	s14 =	smulhi.u32 $0x55555556, s28  }
0x66b: {  	s11 =	smulhi.u32 $0x55555556, s11  }
0x66c: {  	s13 =	smul.u32 $0x55555556, s13  }
0x66d: {  	s16 =	smul.u32 $0x55555556, s25  }
0x66e: {  	s12 =	smulhi.u32 $0x55555556, s12  }
0x66f: {  	s5 =	smul.u32 $0x55555556, s5  }
0x670: {  	s6 =	smul.u32 $0x55555556, s6  }
0x671: {  	s8 =	sadd.s32 s8, s21;
	s3 =	smul.u32 $0x55555556, s3  }
0x672: {  	s10 =	sshra.s32 s10, $0x1F;
	s7 =	sld [smem:$0x7E7];
	s0 =	smulhi.u32 $0x55555556, s0  }
0x673: {  	s10 =	smul.u32 $0x55555556, s10;
	s21 =	sshrl.u32 s8, $0x1F;
	s14 =	sadd.s32 s31, s14  }
0x674: {  	v4 =	vnsel vm3, $0x0, v4;
	s1 =	sadd.s32 s16, s1;
	s11 =	sadd.s32 s15, s11;
	s5 =	sadd.s32 s5, s17  }
0x675: {  	s12 =	sadd.s32 s13, s12;
	v5 =	vmov s1;
	s15 =	sshrl.u32 s11, $0x1F;
	v4 =	vsel vm0, s11, v4;
	s10 =	sadd.s32 s10, s23  }
0x676: {  	s17 =	smul.u32 $0x55555556, s29;
	s16 =	sld [smem:$0x7E6];
	s1 =	sshrl.u32 s1, $0x1F;
	v5 =	vsel vm0, s4, v5;
	v3 =	vsel vm0, s15, v3;
	v6 =	vmov s10  }
0x677: {  	s7 =	smul.u32 $0x55555556, s7;
	s23 =	sshrl.u32 s5, $0x1F;
	v7 =	vmov s1;
	s25 =	sshrl.u32 s10, $0x1F;
	v5 =	vsel vm1, s8, v5;
	v6 =	vsel vm0, s5, v6  }
0x678: {  	s11 =	smul.u32 $0x55555556, s9;
	s2 =	sadd.s32 s17, s2;
	s15 =	sshrl.u32 s12, $0x1F;
	v7 =	vsel vm0, s19, v7;
	v8 =	vmov s25;
	v5 =	vsel vm2, s12, v5  }
0x679: {  	s10 =	sadd.s32 s7, s20;
	s6 =	sadd.s32 s6, s16;
	v6 =	vsel vm1, s2, v6;
	v7 =	vsel vm1, s21, v7;
	v8 =	vsel vm0, s23, v8;
	s2 =	sshrl.u32 s2, $0x1F  }
0x67a: {  	s19 =	sadd.s32 s11, s22;
	s20 =	sshrl.u32 s14, $0x1F;
	s17 =	sshrl.u32 s10, $0x1F;
	v4 =	vsel vm1, s10, v4;
	v6 =	vsel vm2, s14, v6;
	v8 =	vsel vm1, s2, v8  }
0x67b: {  	s22 =	sadd.s32 s26, s30;
	s26 =	sld [smem:$0x7E8];
	s21 =	sshrl.u32 s6, $0x1F;
	v7 =	vsel vm2, s15, v7;
	v4 =	vsel vm2, s6, v4;
	v3 =	vsel vm1, s17, v3  }
0x67c: {  	s23 =	smul.u32 $0x55555556, s24;
	s24 =	sshrl.u32 s19, $0x1F;
	v8 =	vsel vm2, s20, v8;
	v4 =	vsel vm4, s19, v4;
	v3 =	vsel vm2, s21, v3  }
0x67d: {  	s0 =	sadd.s32 s3, s0;
	s25 =	sshrl.u32 s22, $0x1F;
	v5 =	vcombine.low v5, v6;
	v4 =	vsel vm5, s22, v4;
	v3 =	vsel vm4, s24, v3  }
0x67e: {  	s1 =	sadd.s32 s23, s26;
	v7 =	vcombine.low v7, v8;
	v4 =	vsel vm6, s0, v4;
	v3 =	vsel vm5, s25, v3;
	s0 =	sshrl.u32 s0, $0x1F  }
0x67f: {  	v4 =	vsel vm7, s1, v4;
	v3 =	vsel vm6, s0, v3;
	s1 =	sshrl.u32 s1, $0x1F  }
0x680: {  	v5 =	vperm.xlane v5, v0;
	v6 =	vperm.xlane v7, v0;
	v3 =	vsel vm7, s1, v3  }
0x681: {  	s2 =	sld [smem:$0x7E4];
	v4 =	vperm.xlane v4, v1;
	v3 =	vperm.xlane v3, v1  }
0x682: {  	s0 =	sld [smem:$0x7F4]  }
0x683: {  	s1 =	sld [smem:$0x7EB];
	v4 =	vsel vm8, v4, v5;
	v3 =	vsel vm8, v3, v6  }
0x684: {  	v3 =	vadd.s32 v3, v4  }
0x685: {  	p1 =	sgt.u32 s2, $0x62;
	v3 =	vmul.u32 $0x3, v3  }
0x686: {  	s0 =	sadd.s32 @!p1 s1, s0  }
0x687: {  	s1 =	rddreg [dreg:$0x0];
	s0 =	sshrl.u32 @!p1 s0, $0x3;
	v2 =	vsub.s32 v2, v3  }
0x688: {  	s2 =	simm.s32 @!p1 $0x18;
	s0 =	sadd.s32 @!p1 s1, s0;
	s1 =	simm.s32 @!p1 $0x0;
	[tilespmem:s18+$0x398] =	vst v2  }
0x689: {  	[tilespmem:s2], [sflag:$0x1] =	stream.linear.gather @!p1 [hbm4b:s0+s1], $0x80, $0x38;
	[tilespmem:$0x10818] =	vst v63  }
0x68a: {  	s3 =	simm.s32 @!p1 $0x118;
	s2 =	sadd.s32 @!p1 $0x10, s0  }
0x68b: {  	[tilespmem:s3], [sflag:$0x1] =	stream.linear.gather @!p1 [hbm4b:s2+s1], $0x80, $0x38;
	[tilespmem:$0x10818] =	vst v63  }
0x68c: {  	s2 =	sadd.s32 @!p1 $0x20, s0;
	s3 =	simm.s32 @!p1 $0x218  }
0x68d: {  	[tilespmem:s3], [sflag:$0x1] =	stream.linear.gather @!p1 [hbm4b:s2+s1], $0x80, $0x38;
	[tilespmem:$0x10818] =	vst v63  }
0x68e: {  	s2 =	sadd.s32 @!p1 $0x30, s0;
	s3 =	simm.s32 @!p1 $0x318  }
0x68f: {  	[tilespmem:s3], [sflag:$0x1] =	stream.linear.gather @!p1 [hbm4b:s2+s1], $0x80, $0x38;
	[tilespmem:$0x10818] =	vst v63  }
0x690: {  	s2 =	sadd.s32 @!p1 $0x40, s0;
	s3 =	simm.s32 @!p1 $0x418  }
0x691: {  	[tilespmem:s3], [sflag:$0x1] =	stream.linear.gather @!p1 [hbm4b:s2+s1], $0x80, $0x38;
	[tilespmem:$0x10818] =	vst v63  }
0x692: {  	s2 =	sadd.s32 @!p1 $0x50, s0;
	s3 =	simm.s32 @!p1 $0x518  }
0x693: {  	[tilespmem:s3], [sflag:$0x1] =	stream.linear.gather @!p1 [hbm4b:s2+s1], $0x80, $0x38;
	[tilespmem:$0x10818] =	vst v63  }
0x694: {  	s2 =	sadd.s32 @!p1 $0x60, s0;
	s3 =	simm.s32 @!p1 $0x618  }
0x695: {  	[tilespmem:s3], [sflag:$0x1] =	stream.linear.gather @!p1 [hbm4b:s2+s1], $0x80, $0x38;
	[tilespmem:$0x10818] =	vst v63  }
0x696: {  	s0 =	sadd.s32 @!p1 $0x70, s0;
	s2 =	simm.s32 @!p1 $0x718;
	s3 =	simm.s32 $0x8  }
0x697: {  	[tilespmem:s2], [sflag:$0x1] =	stream.linear.gather @!p1 [hbm4b:s0+s1], $0x80, $0x38;
	[tilespmem:$0x10818] =	vst v63  }
0x698: {  	_ =	swait.ge [sflag:s3], $0x8000  }
0x699: {  	[sflag:s3] =	ssyncset.done $0x0  }
0x69a: {  	s4 =	simm.s32 $0x80;
	s5 =	simm.s32 $0x298;
	[sflag:s3] =	ssyncadd.s32 $0xFFFF8000  }
0x69b: {  	s6 =	simm.s32 $0x8818;
	s15 =	simm.s32 $0x0;
	s0 =	rddreg [dreg:$0x3]  }
0x69c: {  	[tilespmem:s6], [sflag:$0x5] =	stream.indirect.gather [spmem:s0], $0x80, s5, s4, $0xb8;
	[tilespmem:$0x10818] =	vst v63  }
0x69d: {  	v2 =	vld [tilespmem:s15+$0x498];
	_ =	sdelay $0x4  }
0x69e: {  	(v2sf) =	vpush v2, $0x8  }
0x69f: {  	(v2sf) =	vpush v2, $0xC  }
0x6a0: {  	(v2sf) =	vpush v2, $0x0  }
0x6a1: {  	(v2sf) =	vpush v2, $0x2;
	_ =	sdelay $0x1  }
0x6a2: {  	(v2sf) =	vpush v2, $0x3  }
0x6a3: {  	(v2sf) =	vpush v2, $0xD  }
0x6a4: {  	(v2sf) =	vpush v2, $0x4  }
0x6a5: {  	(v2sf) =	vpush v2, $0x9  }
0x6a6: {  	(v2sf) =	vpush v2, $0xE;
	_ =	sdelay $0x1  }
0x6a7: {  	(v2sf) =	vpush v2, $0xA  }
0x6a8: {  	(v2sf) =	vpush v2, $0xF  }
0x6a9: {  	(v2sf) =	vpush v2, $0xB  }
0x6aa: {  	(v2sf) =	vpush v2, $0x5  }
0x6ab: {  	(v2sf) =	vpush v2, $0x1;
	s7 =	spop (v2sf)  }
0x6ac: {  	s6 =	spop (v2sf)  }
0x6ad: {  	s1 =	smulhi.u32 $0x55555556, s7;
	s8 =	spop (v2sf)  }
0x6ae: {  	(v2sf) =	vpush v2, $0x6;
	s9 =	smulhi.u32 $0x55555556, s8;
	s11 =	spop (v2sf)  }
0x6af: {  	(v2sf) =	vpush v2, $0x7;
	s2 =	sshra.s32 s8, $0x1F;
	s16 =	smulhi.u32 $0x55555556, s11  }
0x6b0: {  	s12 =	spop (v2sf);
	s19 =	smul.u32 $0x55555556, s2;
	s2 =	sshra.s32 s7, $0x1F  }
0x6b1: {  	s7 =	sshra.s32 s11, $0x1F;
	s14 =	spop (v2sf);
	s21 =	smulhi.u32 $0x55555556, s12  }
0x6b2: {  	s20 =	sshra.s32 s12, $0x1F;
	s17 =	smulhi.u32 $0x55555556, s14;
	s13 =	spop (v2sf)  }
0x6b3: {  	s25 =	sshra.s32 s14, $0x1F;
	s22 =	spop (v2sf);
	s23 =	smulhi.u32 $0x55555556, s13  }
0x6b4: {  	s3 =	sadd.s32 s19, s9;
	[smem:$0x7E3] =	sst s21;
	s18 =	spop (v2sf)  }
0x6b5: {  	s9 =	sshra.s32 s13, $0x1F;
	s12 =	smulhi.u32 $0x55555556, s22;
	[dreg:$0x1b] =	wrdreg s23  }
0x6b6: {  	s0 =	sshra.s32 s22, $0x1F;
	s24 =	spop (v2sf);
	s10 =	smulhi.u32 $0x55555556, s18  }
0x6b7: {  	s13 =	simm.s32 $0x40;
	s0 =	smul.u32 $0x55555556, s0;
	s4 =	spop (v2sf)  }
0x6b8: {  	s21 =	smulhi.u32 $0x55555556, s24;
	s14 =	sshra.s32 s24, $0x1F;
	s5 =	spop (v2sf)  }
0x6b9: {  	s26 =	sshra.s32 s4, $0x1F;
	s11 =	smul.u32 $0x55555556, s14;
	s24 =	spop (v2sf)  }
0x6ba: {  	s29 =	sshra.s32 s18, $0x1F;
	s31 =	smul.u32 $0x55555556, s26;
	s8 =	spop (v2sf)  }
0x6bb: {  	s23 =	smulhi.u32 $0x55555556, s24;
	s22 =	sshra.s32 s24, $0x1F;
	s24 =	sshrl.u32 s3, $0x1F  }
0x6bc: {  	s30 =	sadd.s32 s0, s12;
	s26 =	sshra.s32 s8, $0x1F;
	v3 =	vmov s24;
	s24 =	smulhi.u32 $0x55555556, s6  }
0x6bd: {  	s28 =	sshra.s32 s5, $0x1F;
	s0 =	spop (v2sf);
	s12 =	smul.u32 $0x55555556, s26  }
0x6be: {  	s19 =	sshrl.u32 s30, $0x1F;
	s26 =	smul.u32 $0x55555556, s22;
	s14 =	spop (v2sf)  }
0x6bf: {  	v4 =	vmov s3;
	v3 =	vnsel vm3, $0x0, v3;
	s3 =	sshra.s32 s0, $0x1F;
	s22 =	smulhi.u32 $0x55555556, s14;
	s18 =	sshra.s32 s14, $0x1F  }
.LBB2_27:
0x6c0: {  	s14 =	smulhi.u32 $0x55555556, s4  }
0x6c1: {  	s8 =	smulhi.u32 $0x55555556, s8  }
0x6c2: {  	s28 =	smul.u32 $0x55555556, s28  }
0x6c3: {  	s2 =	smul.u32 $0x55555556, s2  }
0x6c4: {  	s5 =	smulhi.u32 $0x55555556, s5  }
0x6c5: {  	s25 =	smul.u32 $0x55555556, s25  }
0x6c6: {  	s9 =	smul.u32 $0x55555556, s9  }
0x6c7: {  	s3 =	smul.u32 $0x55555556, s3  }
0x6c8: {  	s6 =	sshra.s32 s6, $0x1F;
	s11 =	sadd.s32 s11, s21;
	s0 =	smulhi.u32 $0x55555556, s0  }
0x6c9: {  	s6 =	smul.u32 $0x55555556, s6;
	s14 =	sadd.s32 s31, s14;
	s12 =	sadd.s32 s12, s8  }
0x6ca: {  	v4 =	vnsel vm3, $0x0, v4;
	s1 =	sadd.s32 s2, s1;
	s8 =	sshrl.u32 s11, $0x1F;
	s2 =	sshrl.u32 s12, $0x1F  }
0x6cb: {  	v5 =	vmov s1;
	v4 =	vsel vm0, s12, v4;
	s12 =	sadd.s32 s25, s17;
	s17 =	smul.u32 $0x55555556, s29;
	s1 =	sshrl.u32 s1, $0x1F  }
0x6cc: {  	s5 =	sadd.s32 s28, s5;
	s21 =	sadd.s32 s6, s24;
	s24 =	smul.u32 $0x55555556, s7;
	v5 =	vsel vm0, s30, v5;
	v3 =	vsel vm0, s2, v3;
	v7 =	vmov s1  }
0x6cd: {  	s25 =	smul.u32 $0x55555556, s20;
	v6 =	vmov s21;
	s2 =	sshrl.u32 s21, $0x1F;
	v5 =	vsel vm1, s11, v5;
	v7 =	vsel vm0, s19, v7;
	s19 =	sld [smem:$0x7E3]  }
0x6ce: {  	s11 =	sadd.s32 s26, s23;
	s26 =	sshrl.u32 s12, $0x1F;
	v6 =	vsel vm0, s12, v6;
	s10 =	sadd.s32 s17, s10;
	v8 =	vmov s2;
	v5 =	vsel vm2, s5, v5  }
0x6cf: {  	s21 =	rddreg [dreg:$0x1b];
	s6 =	sadd.s32 s24, s16;
	v6 =	vsel vm1, s10, v6;
	v7 =	vsel vm1, s8, v7;
	v8 =	vsel vm0, s26, v8;
	s1 =	sshrl.u32 s10, $0x1F  }
0x6d0: {  	s17 =	sshrl.u32 s5, $0x1F;
	s20 =	sshrl.u32 s6, $0x1F;
	v4 =	vsel vm1, s6, v4;
	v6 =	vsel vm2, s14, v6;
	v8 =	vsel vm1, s1, v8;
	s5 =	sadd.s32 s25, s19  }
0x6d1: {  	s23 =	sshrl.u32 s14, $0x1F;
	s6 =	sadd.s32 s9, s21;
	v7 =	vsel vm2, s17, v7;
	v3 =	vsel vm1, s20, v3;
	v4 =	vsel vm2, s5, v4;
	s24 =	sshrl.u32 s5, $0x1F  }
0x6d2: {  	s26 =	sshrl.u32 s6, $0x1F;
	v8 =	vsel vm2, s23, v8;
	s25 =	smul.u32 $0x55555556, s18;
	v4 =	vsel vm4, s6, v4;
	v3 =	vsel vm2, s24, v3  }
0x6d3: {  	s0 =	sadd.s32 s3, s0;
	s12 =	sshrl.u32 s11, $0x1F;
	v5 =	vcombine.low v5, v6;
	v4 =	vsel vm5, s11, v4;
	v3 =	vsel vm4, s26, v3  }
0x6d4: {  	v7 =	vcombine.low v7, v8;
	s5 =	sadd.s32 s25, s22;
	v4 =	vsel vm6, s0, v4;
	v3 =	vsel vm5, s12, v3;
	s0 =	sshrl.u32 s0, $0x1F  }
0x6d5: {  	v5 =	vperm.xlane v5, v0;
	s6 =	sshrl.u32 s5, $0x1F;
	v3 =	vsel vm6, s0, v3  }
0x6d6: {  	v6 =	vperm.xlane v7, v0;
	v4 =	vsel vm7, s5, v4;
	v3 =	vsel vm7, s6, v3  }
0x6d7: {  	v4 =	vperm.xlane v4, v1;
	v3 =	vperm.xlane v3, v1;
	_ =	sdelay $0x1  }
0x6d8: {  	v4 =	vsel vm8, v4, v5;
	v3 =	vsel vm8, v3, v6  }
0x6d9: {  	v3 =	vadd.s32 v3, v4  }
0x6da: {  	v3 =	vmul.u32 $0x3, v3  }
0x6db: {  	s4 =	smov.u32 s13  }
0x6dc: {  	s7 =	sshra.s32 s4, $0x2;
	v2 =	vsub.s32 v2, v3  }
0x6dd: {  	s22 =	smov.u32 s7;
	[tilespmem:s15+$0x498] =	vst v2  }
0x6de: {  	v2 =	vld [tilespmem:s22+$0x498];
	_ =	sdelay $0x4  }
0x6df: {  	(v2sf) =	vpush v2, $0x8  }
0x6e0: {  	(v2sf) =	vpush v2, $0xC  }
0x6e1: {  	(v2sf) =	vpush v2, $0x0  }
0x6e2: {  	(v2sf) =	vpush v2, $0x2  }
0x6e3: {  	(v2sf) =	vpush v2, $0x3  }
0x6e4: {  	(v2sf) =	vpush v2, $0xD  }
0x6e5: {  	(v2sf) =	vpush v2, $0x4  }
0x6e6: {  	(v2sf) =	vpush v2, $0x9;
	_ =	sdelay $0x1  }
0x6e7: {  	(v2sf) =	vpush v2, $0xE;
	_ =	sdelay $0x1  }
0x6e8: {  	(v2sf) =	vpush v2, $0xA  }
0x6e9: {  	(v2sf) =	vpush v2, $0xF  }
0x6ea: {  	(v2sf) =	vpush v2, $0xB  }
0x6eb: {  	(v2sf) =	vpush v2, $0x5  }
0x6ec: {  	(v2sf) =	vpush v2, $0x1;
	s8 =	spop (v2sf)  }
0x6ed: {  	(v2sf) =	vpush v2, $0x6;
	s6 =	spop (v2sf);
	s1 =	smulhi.u32 $0x55555556, s8  }
0x6ee: {  	p1 =	sne.s32 s13, $0x1C0;
	(v2sf) =	vpush v2, $0x7;
	s24 =	smulhi.u32 $0x55555556, s6;
	s9 =	spop (v2sf)  }
0x6ef: {  	s13 =	sadd.s32 $0x40, s13;
	s3 =	smulhi.u32 $0x55555556, s9;
	s11 =	spop (v2sf)  }
0x6f0: {  	s10 =	sshra.s32 s9, $0x1F;
	s12 =	spop (v2sf);
	s16 =	smulhi.u32 $0x55555556, s11  }
0x6f1: {  	s2 =	sshra.s32 s8, $0x1F;
	s8 =	smul.u32 $0x55555556, s10;
	s14 =	spop (v2sf)  }
0x6f2: {  	s7 =	sshra.s32 s11, $0x1F;
	s0 =	smulhi.u32 $0x55555556, s12;
	s15 =	spop (v2sf)  }
0x6f3: {  	s25 =	sshra.s32 s14, $0x1F;
	s17 =	smulhi.u32 $0x55555556, s14;
	s18 =	spop (v2sf)  }
0x6f4: {  	s3 =	sadd.s32 s8, s3;
	[smem:$0x7E3] =	sst s0;
	s4 =	smulhi.u32 $0x55555556, s15  }
0x6f5: {  	s9 =	sshra.s32 s15, $0x1F;
	s23 =	spop (v2sf);
	s14 =	smulhi.u32 $0x55555556, s18  }
0x6f6: {  	s19 =	sshra.s32 s18, $0x1F;
	[dreg:$0x1b] =	wrdreg s4;
	s10 =	smulhi.u32 $0x55555556, s23  }
0x6f7: {  	s11 =	sshrl.u32 s3, $0x1F;
	s26 =	spop (v2sf);
	s19 =	smul.u32 $0x55555556, s19  }
0x6f8: {  	s18 =	sshra.s32 s26, $0x1F;
	s4 =	spop (v2sf);
	s21 =	smulhi.u32 $0x55555556, s26  }
0x6f9: {  	v3 =	vmov s11;
	s15 =	sshra.s32 s4, $0x1F;
	s5 =	spop (v2sf);
	s11 =	smul.u32 $0x55555556, s18  }
0x6fa: {  	s29 =	sshra.s32 s23, $0x1F;
	s23 =	spop (v2sf);
	s31 =	smul.u32 $0x55555556, s15  }
0x6fb: {  	s26 =	sshra.s32 s23, $0x1F;
	s8 =	spop (v2sf);
	s23 =	smulhi.u32 $0x55555556, s23  }
.Ltmp12:
0x6fc: {  	s20 =	sshra.s32 s12, $0x1F;
	s0 =	spop (v2sf);
	(pc) =	sbr.rel @p1 .LBB2_27-.Ltmp12, $4  }
0x6fd: {  	s30 =	sadd.s32 s19, s14;
	s26 =	smul.u32 $0x55555556, s26;
	s18 =	spop (v2sf)  }
0x6fe: {  	s28 =	sshra.s32 s5, $0x1F;
	s15 =	sshra.s32 s8, $0x1F;
	s19 =	smulhi.u32 $0x55555556, s18  }
0x6ff: {  	v4 =	vmov s3;
	s12 =	smul.u32 $0x55555556, s15;
	s15 =	smov.u32 s22;
	s3 =	sshra.s32 s0, $0x1F  }
0x700: {  	v3 =	vnsel vm3, $0x0, v3;
	s18 =	sshra.s32 s18, $0x1F;
	s22 =	smov.u32 s19;
	s19 =	sshrl.u32 s30, $0x1F  }
0x701: {  	s4 =	smulhi.u32 $0x55555556, s4  }
0x702: {  	s8 =	smulhi.u32 $0x55555556, s8  }
0x703: {  	s2 =	smul.u32 $0x55555556, s2  }
0x704: {  	s13 =	smul.u32 $0x55555556, s28  }
0x705: {  	s11 =	sadd.s32 s11, s21;
	s21 =	smul.u32 $0x55555556, s25  }
0x706: {  	s5 =	smulhi.u32 $0x55555556, s5  }
0x707: {  	s14 =	smul.u32 $0x55555556, s29  }
0x708: {  	s7 =	smul.u32 $0x55555556, s7  }
0x709: {  	s3 =	smul.u32 $0x55555556, s3  }
0x70a: {  	s6 =	sshra.s32 s6, $0x1F;
	s0 =	smulhi.u32 $0x55555556, s0  }
0x70b: {  	s6 =	smul.u32 $0x55555556, s6  }
0x70c: {  	v4 =	vnsel vm3, $0x0, v4;
	s4 =	sadd.s32 s31, s4;
	s1 =	sadd.s32 s2, s1;
	s8 =	sadd.s32 s12, s8  }
0x70d: {  	s2 =	sadd.s32 s21, s17;
	v5 =	vmov s1;
	s25 =	sshrl.u32 s8, $0x1F;
	v4 =	vsel vm0, s8, v4;
	s6 =	sadd.s32 s6, s24  }
0x70e: {  	s12 =	sshrl.u32 s11, $0x1F;
	s21 =	sadd.s32 s7, s16;
	s1 =	sshrl.u32 s1, $0x1F;
	v5 =	vsel vm0, s30, v5;
	v3 =	vsel vm0, s25, v3;
	v6 =	vmov s6  }
0x70f: {  	s24 =	smul.u32 $0x55555556, s9;
	s9 =	sld [smem:$0x7E3];
	v7 =	vmov s1;
	s17 =	sshrl.u32 s6, $0x1F;
	v4 =	vsel vm1, s21, v4;
	v5 =	vsel vm1, s11, v5  }
0x710: {  	s5 =	sadd.s32 s13, s5;
	s11 =	smul.u32 $0x55555556, s20;
	v6 =	vsel vm0, s2, v6;
	s20 =	sadd.s32 s14, s10;
	v7 =	vsel vm0, s19, v7;
	v8 =	vmov s17  }
0x711: {  	s13 =	sshrl.u32 s2, $0x1F;
	s25 =	sshrl.u32 s5, $0x1F;
	s10 =	sshrl.u32 s21, $0x1F;
	v5 =	vsel vm2, s5, v5;
	v6 =	vsel vm1, s20, v6;
	v7 =	vsel vm1, s12, v7  }
0x712: {  	v8 =	vsel vm0, s13, v8;
	s2 =	sshrl.u32 s20, $0x1F;
	v3 =	vsel vm1, s10, v3;
	s5 =	sadd.s32 s11, s9;
	v6 =	vsel vm2, s4, v6;
	s11 =	rddreg [dreg:$0x1b]  }
0x713: {  	s12 =	sshrl.u32 s4, $0x1F;
	v8 =	vsel vm1, s2, v8;
	v7 =	vsel vm2, s25, v7;
	s6 =	sadd.s32 s24, s11;
	v4 =	vsel vm2, s5, v4;
	s13 =	sshrl.u32 s5, $0x1F  }
0x714: {  	s16 =	smul.u32 $0x55555556, s18;
	s14 =	sadd.s32 s26, s23;
	v8 =	vsel vm2, s12, v8;
	v4 =	vsel vm4, s6, v4;
	v3 =	vsel vm2, s13, v3;
	s17 =	sshrl.u32 s6, $0x1F  }
0x715: {  	s0 =	sadd.s32 s3, s0;
	s18 =	sshrl.u32 s14, $0x1F;
	v5 =	vcombine.low v5, v6;
	v4 =	vsel vm5, s14, v4;
	v3 =	vsel vm4, s17, v3  }
0x716: {  	s19 =	sadd.s32 s16, s22;
	v7 =	vcombine.low v7, v8;
	v4 =	vsel vm6, s0, v4;
	v3 =	vsel vm5, s18, v3;
	s0 =	sshrl.u32 s0, $0x1F  }
0x717: {  	s20 =	sshrl.u32 s19, $0x1F;
	v5 =	vperm.xlane v5, v0;
	v3 =	vsel vm6, s0, v3  }
0x718: {  	v6 =	vperm.xlane v7, v0;
	v4 =	vsel vm7, s19, v4;
	v3 =	vsel vm7, s20, v3  }
0x719: {  	v4 =	vperm.xlane v4, v1;
	v3 =	vperm.xlane v3, v1;
	_ =	sdelay $0x1  }
0x71a: {  	v4 =	vsel vm8, v4, v5;
	v3 =	vsel vm8, v3, v6  }
0x71b: {  	v3 =	vadd.s32 v3, v4  }
0x71c: {  	v3 =	vmul.u32 $0x3, v3;
	_ =	sdelay $0x1  }
0x71d: {  	v2 =	vsub.s32 v2, v3  }
0x71e: {  	s21 =	simm.s32 $0x3;
	[tilespmem:s15+$0x498] =	vst v2  }
0x71f: {  	_ =	swait.ge [sflag:s21], $0x4000  }
0x720: {  	s22 =	sld [smem:$0x7F2]  }
0x721: {  	[sflag:s21] =	ssyncset.done $0x0;
	s23 =	sld [smem:$0x7E5]  }
0x722: {  	s24 =	simm.s32 $0x4;
	[sflag:s21] =	ssyncadd.s32 $0xFFFFC000  }
0x723: {  	_ =	swait.ge [sflag:s24], $0x4000  }
0x724: {  	s0 =	sadd.s32 s22, s23;
	[sflag:s24] =	ssyncset.done $0x0  }
0x725: {  	s26 =	simm.s32 $0x818;
	s0 =	sshll.u32 s0, $0xB;
	[sflag:s24] =	ssyncadd.s32 $0xFFFFC000  }
0x726: {  	s25 =	simm.s32 $0x0;
	s0 =	sand.u32 $0x1FFFC000, s0;
	s1 =	rddreg [dreg:$0x2]  }
0x727: {  	s4 =	simm.s32 $0x80;
	s5 =	simm.s32 $0x398;
	s0 =	sadd.s32 s1, s0  }
0x728: {  	[hbm4b:s0+s25] =	stream.linear.scatter [tilespmem:s26], [sflag:$0x7], $0x8000, $0x38;
	[tilespmem:$0x10818] =	vst v63  }
0x729: {  	s6 =	simm.s32 $0xC818;
	s15 =	simm.s32 $0x0;
	s3 =	rddreg [dreg:$0x3]  }
0x72a: {  	[tilespmem:s6], [sflag:$0x6] =	stream.indirect.gather [spmem:s3], $0x80, s5, s4, $0xb8;
	[tilespmem:$0x10818] =	vst v63  }
0x72b: {  	v2 =	vld [tilespmem:s15+$0x598];
	_ =	sdelay $0x4  }
0x72c: {  	(v2sf) =	vpush v2, $0x8  }
0x72d: {  	(v2sf) =	vpush v2, $0xC  }
0x72e: {  	(v2sf) =	vpush v2, $0x0  }
0x72f: {  	(v2sf) =	vpush v2, $0x2;
	_ =	sdelay $0x1  }
0x730: {  	(v2sf) =	vpush v2, $0x3  }
0x731: {  	(v2sf) =	vpush v2, $0xD  }
0x732: {  	(v2sf) =	vpush v2, $0x4  }
0x733: {  	(v2sf) =	vpush v2, $0x9  }
0x734: {  	(v2sf) =	vpush v2, $0xE;
	_ =	sdelay $0x1  }
0x735: {  	(v2sf) =	vpush v2, $0xA  }
0x736: {  	(v2sf) =	vpush v2, $0xF  }
0x737: {  	(v2sf) =	vpush v2, $0xB  }
0x738: {  	(v2sf) =	vpush v2, $0x5  }
0x739: {  	(v2sf) =	vpush v2, $0x1;
	s7 =	spop (v2sf)  }
0x73a: {  	s6 =	spop (v2sf)  }
0x73b: {  	s1 =	smulhi.u32 $0x55555556, s7;
	s8 =	spop (v2sf)  }
0x73c: {  	(v2sf) =	vpush v2, $0x6;
	s9 =	smulhi.u32 $0x55555556, s8;
	s11 =	spop (v2sf)  }
0x73d: {  	(v2sf) =	vpush v2, $0x7;
	s2 =	sshra.s32 s8, $0x1F;
	s16 =	smulhi.u32 $0x55555556, s11  }
0x73e: {  	s12 =	spop (v2sf);
	s19 =	smul.u32 $0x55555556, s2;
	s2 =	sshra.s32 s7, $0x1F  }
0x73f: {  	s7 =	sshra.s32 s11, $0x1F;
	s14 =	spop (v2sf);
	s21 =	smulhi.u32 $0x55555556, s12  }
0x740: {  	s20 =	sshra.s32 s12, $0x1F;
	s17 =	smulhi.u32 $0x55555556, s14;
	s13 =	spop (v2sf)  }
0x741: {  	s25 =	sshra.s32 s14, $0x1F;
	s22 =	spop (v2sf);
	s23 =	smulhi.u32 $0x55555556, s13  }
0x742: {  	s3 =	sadd.s32 s19, s9;
	[smem:$0x7E2] =	sst s21;
	s18 =	spop (v2sf)  }
0x743: {  	s9 =	sshra.s32 s13, $0x1F;
	s12 =	smulhi.u32 $0x55555556, s22;
	[dreg:$0x1c] =	wrdreg s23  }
0x744: {  	s0 =	sshra.s32 s22, $0x1F;
	s24 =	spop (v2sf);
	s10 =	smulhi.u32 $0x55555556, s18  }
0x745: {  	s13 =	simm.s32 $0x40;
	s0 =	smul.u32 $0x55555556, s0;
	s4 =	spop (v2sf)  }
0x746: {  	s21 =	smulhi.u32 $0x55555556, s24;
	s14 =	sshra.s32 s24, $0x1F;
	s5 =	spop (v2sf)  }
0x747: {  	s26 =	sshra.s32 s4, $0x1F;
	s11 =	smul.u32 $0x55555556, s14;
	s24 =	spop (v2sf)  }
0x748: {  	s29 =	sshra.s32 s18, $0x1F;
	s31 =	smul.u32 $0x55555556, s26;
	s8 =	spop (v2sf)  }
0x749: {  	s23 =	smulhi.u32 $0x55555556, s24;
	s22 =	sshra.s32 s24, $0x1F;
	s24 =	sshrl.u32 s3, $0x1F  }
0x74a: {  	s30 =	sadd.s32 s0, s12;
	s26 =	sshra.s32 s8, $0x1F;
	v3 =	vmov s24;
	s24 =	smulhi.u32 $0x55555556, s6  }
0x74b: {  	s28 =	sshra.s32 s5, $0x1F;
	s0 =	spop (v2sf);
	s12 =	smul.u32 $0x55555556, s26  }
0x74c: {  	s19 =	sshrl.u32 s30, $0x1F;
	s26 =	smul.u32 $0x55555556, s22;
	s14 =	spop (v2sf)  }
0x74d: {  	v4 =	vmov s3;
	v3 =	vnsel vm3, $0x0, v3;
	s3 =	sshra.s32 s0, $0x1F;
	s22 =	smulhi.u32 $0x55555556, s14;
	s18 =	sshra.s32 s14, $0x1F  }
.LBB2_29:
0x74e: {  	s14 =	smulhi.u32 $0x55555556, s4  }
0x74f: {  	s8 =	smulhi.u32 $0x55555556, s8  }
0x750: {  	s28 =	smul.u32 $0x55555556, s28  }
0x751: {  	s2 =	smul.u32 $0x55555556, s2  }
0x752: {  	s5 =	smulhi.u32 $0x55555556, s5  }
0x753: {  	s25 =	smul.u32 $0x55555556, s25  }
0x754: {  	s9 =	smul.u32 $0x55555556, s9  }
0x755: {  	s3 =	smul.u32 $0x55555556, s3  }
0x756: {  	s6 =	sshra.s32 s6, $0x1F;
	s11 =	sadd.s32 s11, s21;
	s0 =	smulhi.u32 $0x55555556, s0  }
0x757: {  	s6 =	smul.u32 $0x55555556, s6;
	s14 =	sadd.s32 s31, s14;
	s12 =	sadd.s32 s12, s8  }
0x758: {  	v4 =	vnsel vm3, $0x0, v4;
	s1 =	sadd.s32 s2, s1;
	s8 =	sshrl.u32 s11, $0x1F;
	s2 =	sshrl.u32 s12, $0x1F  }
0x759: {  	v5 =	vmov s1;
	v4 =	vsel vm0, s12, v4;
	s12 =	sadd.s32 s25, s17;
	s17 =	smul.u32 $0x55555556, s29;
	s1 =	sshrl.u32 s1, $0x1F  }
0x75a: {  	s5 =	sadd.s32 s28, s5;
	s21 =	sadd.s32 s6, s24;
	s24 =	smul.u32 $0x55555556, s7;
	v5 =	vsel vm0, s30, v5;
	v3 =	vsel vm0, s2, v3;
	v7 =	vmov s1  }
0x75b: {  	s25 =	smul.u32 $0x55555556, s20;
	v6 =	vmov s21;
	s2 =	sshrl.u32 s21, $0x1F;
	v5 =	vsel vm1, s11, v5;
	v7 =	vsel vm0, s19, v7;
	s19 =	sld [smem:$0x7E2]  }
0x75c: {  	s11 =	sadd.s32 s26, s23;
	s26 =	sshrl.u32 s12, $0x1F;
	v6 =	vsel vm0, s12, v6;
	s10 =	sadd.s32 s17, s10;
	v8 =	vmov s2;
	v5 =	vsel vm2, s5, v5  }
0x75d: {  	s21 =	rddreg [dreg:$0x1c];
	s6 =	sadd.s32 s24, s16;
	v6 =	vsel vm1, s10, v6;
	v7 =	vsel vm1, s8, v7;
	v8 =	vsel vm0, s26, v8;
	s1 =	sshrl.u32 s10, $0x1F  }
0x75e: {  	s17 =	sshrl.u32 s5, $0x1F;
	s20 =	sshrl.u32 s6, $0x1F;
	v4 =	vsel vm1, s6, v4;
	v6 =	vsel vm2, s14, v6;
	v8 =	vsel vm1, s1, v8;
	s5 =	sadd.s32 s25, s19  }
0x75f: {  	s23 =	sshrl.u32 s14, $0x1F;
	s6 =	sadd.s32 s9, s21;
	v7 =	vsel vm2, s17, v7;
	v3 =	vsel vm1, s20, v3;
	v4 =	vsel vm2, s5, v4;
	s24 =	sshrl.u32 s5, $0x1F  }
0x760: {  	s26 =	sshrl.u32 s6, $0x1F;
	v8 =	vsel vm2, s23, v8;
	s25 =	smul.u32 $0x55555556, s18;
	v4 =	vsel vm4, s6, v4;
	v3 =	vsel vm2, s24, v3  }
0x761: {  	s0 =	sadd.s32 s3, s0;
	s12 =	sshrl.u32 s11, $0x1F;
	v5 =	vcombine.low v5, v6;
	v4 =	vsel vm5, s11, v4;
	v3 =	vsel vm4, s26, v3  }
0x762: {  	v7 =	vcombine.low v7, v8;
	s5 =	sadd.s32 s25, s22;
	v4 =	vsel vm6, s0, v4;
	v3 =	vsel vm5, s12, v3;
	s0 =	sshrl.u32 s0, $0x1F  }
0x763: {  	v5 =	vperm.xlane v5, v0;
	s6 =	sshrl.u32 s5, $0x1F;
	v3 =	vsel vm6, s0, v3  }
0x764: {  	v6 =	vperm.xlane v7, v0;
	v4 =	vsel vm7, s5, v4;
	v3 =	vsel vm7, s6, v3  }
0x765: {  	v4 =	vperm.xlane v4, v1;
	v3 =	vperm.xlane v3, v1;
	_ =	sdelay $0x1  }
0x766: {  	v4 =	vsel vm8, v4, v5;
	v3 =	vsel vm8, v3, v6  }
0x767: {  	v3 =	vadd.s32 v3, v4  }
0x768: {  	v3 =	vmul.u32 $0x3, v3  }
0x769: {  	s4 =	smov.u32 s13  }
0x76a: {  	s7 =	sshra.s32 s4, $0x2;
	v2 =	vsub.s32 v2, v3  }
0x76b: {  	s22 =	smov.u32 s7;
	[tilespmem:s15+$0x598] =	vst v2  }
0x76c: {  	v2 =	vld [tilespmem:s22+$0x598];
	_ =	sdelay $0x4  }
0x76d: {  	(v2sf) =	vpush v2, $0x8  }
0x76e: {  	(v2sf) =	vpush v2, $0xC  }
0x76f: {  	(v2sf) =	vpush v2, $0x0  }
0x770: {  	(v2sf) =	vpush v2, $0x2  }
0x771: {  	(v2sf) =	vpush v2, $0x3  }
0x772: {  	(v2sf) =	vpush v2, $0xD  }
0x773: {  	(v2sf) =	vpush v2, $0x4  }
0x774: {  	(v2sf) =	vpush v2, $0x9;
	_ =	sdelay $0x1  }
0x775: {  	(v2sf) =	vpush v2, $0xE;
	_ =	sdelay $0x1  }
0x776: {  	(v2sf) =	vpush v2, $0xA  }
0x777: {  	(v2sf) =	vpush v2, $0xF  }
0x778: {  	(v2sf) =	vpush v2, $0xB  }
0x779: {  	(v2sf) =	vpush v2, $0x5  }
0x77a: {  	(v2sf) =	vpush v2, $0x1;
	s8 =	spop (v2sf)  }
0x77b: {  	(v2sf) =	vpush v2, $0x6;
	s6 =	spop (v2sf);
	s1 =	smulhi.u32 $0x55555556, s8  }
0x77c: {  	p1 =	sne.s32 s13, $0x1C0;
	(v2sf) =	vpush v2, $0x7;
	s24 =	smulhi.u32 $0x55555556, s6;
	s9 =	spop (v2sf)  }
0x77d: {  	s13 =	sadd.s32 $0x40, s13;
	s3 =	smulhi.u32 $0x55555556, s9;
	s11 =	spop (v2sf)  }
0x77e: {  	s10 =	sshra.s32 s9, $0x1F;
	s12 =	spop (v2sf);
	s16 =	smulhi.u32 $0x55555556, s11  }
0x77f: {  	s2 =	sshra.s32 s8, $0x1F;
	s8 =	smul.u32 $0x55555556, s10;
	s14 =	spop (v2sf)  }
0x780: {  	s7 =	sshra.s32 s11, $0x1F;
	s0 =	smulhi.u32 $0x55555556, s12;
	s15 =	spop (v2sf)  }
0x781: {  	s25 =	sshra.s32 s14, $0x1F;
	s17 =	smulhi.u32 $0x55555556, s14;
	s18 =	spop (v2sf)  }
0x782: {  	s3 =	sadd.s32 s8, s3;
	[smem:$0x7E2] =	sst s0;
	s4 =	smulhi.u32 $0x55555556, s15  }
0x783: {  	s9 =	sshra.s32 s15, $0x1F;
	s23 =	spop (v2sf);
	s14 =	smulhi.u32 $0x55555556, s18  }
0x784: {  	s19 =	sshra.s32 s18, $0x1F;
	[dreg:$0x1c] =	wrdreg s4;
	s10 =	smulhi.u32 $0x55555556, s23  }
0x785: {  	s11 =	sshrl.u32 s3, $0x1F;
	s26 =	spop (v2sf);
	s19 =	smul.u32 $0x55555556, s19  }
0x786: {  	s18 =	sshra.s32 s26, $0x1F;
	s4 =	spop (v2sf);
	s21 =	smulhi.u32 $0x55555556, s26  }
0x787: {  	v3 =	vmov s11;
	s15 =	sshra.s32 s4, $0x1F;
	s5 =	spop (v2sf);
	s11 =	smul.u32 $0x55555556, s18  }
0x788: {  	s29 =	sshra.s32 s23, $0x1F;
	s23 =	spop (v2sf);
	s31 =	smul.u32 $0x55555556, s15  }
0x789: {  	s26 =	sshra.s32 s23, $0x1F;
	s8 =	spop (v2sf);
	s23 =	smulhi.u32 $0x55555556, s23  }
.Ltmp13:
0x78a: {  	s20 =	sshra.s32 s12, $0x1F;
	s0 =	spop (v2sf);
	(pc) =	sbr.rel @p1 .LBB2_29-.Ltmp13, $4  }
0x78b: {  	s30 =	sadd.s32 s19, s14;
	s26 =	smul.u32 $0x55555556, s26;
	s18 =	spop (v2sf)  }
0x78c: {  	s28 =	sshra.s32 s5, $0x1F;
	s15 =	sshra.s32 s8, $0x1F;
	s19 =	smulhi.u32 $0x55555556, s18  }
0x78d: {  	v4 =	vmov s3;
	s12 =	smul.u32 $0x55555556, s15;
	s15 =	smov.u32 s22;
	s3 =	sshra.s32 s0, $0x1F  }
0x78e: {  	v3 =	vnsel vm3, $0x0, v3;
	s18 =	sshra.s32 s18, $0x1F;
	s22 =	smov.u32 s19;
	s19 =	sshrl.u32 s30, $0x1F  }
0x78f: {  	s4 =	smulhi.u32 $0x55555556, s4  }
0x790: {  	s8 =	smulhi.u32 $0x55555556, s8  }
0x791: {  	s2 =	smul.u32 $0x55555556, s2  }
0x792: {  	s13 =	smul.u32 $0x55555556, s28  }
0x793: {  	s14 =	smul.u32 $0x55555556, s25  }
0x794: {  	s5 =	smulhi.u32 $0x55555556, s5  }
0x795: {  	s7 =	smul.u32 $0x55555556, s7  }
0x796: {  	s11 =	sadd.s32 s11, s21;
	s21 =	smul.u32 $0x55555556, s20  }
0x797: {  	s3 =	smul.u32 $0x55555556, s3  }
0x798: {  	s6 =	sshra.s32 s6, $0x1F;
	s0 =	smulhi.u32 $0x55555556, s0  }
0x799: {  	s6 =	smul.u32 $0x55555556, s6  }
0x79a: {  	v4 =	vnsel vm3, $0x0, v4;
	s1 =	sadd.s32 s2, s1;
	s8 =	sadd.s32 s12, s8;
	s2 =	sadd.s32 s14, s17  }
0x79b: {  	s14 =	smul.u32 $0x55555556, s29;
	v5 =	vmov s1;
	s17 =	sshrl.u32 s8, $0x1F;
	v4 =	vsel vm0, s8, v4;
	s6 =	sadd.s32 s6, s24  }
0x79c: {  	s4 =	sadd.s32 s31, s4;
	s7 =	sadd.s32 s7, s16;
	s1 =	sshrl.u32 s1, $0x1F;
	v5 =	vsel vm0, s30, v5;
	v3 =	vsel vm0, s17, v3;
	v6 =	vmov s6  }
0x79d: {  	v7 =	vmov s1;
	s25 =	sshrl.u32 s6, $0x1F;
	s6 =	sadd.s32 s14, s10;
	s14 =	sld [smem:$0x7E2];
	v4 =	vsel vm1, s7, v4;
	v5 =	vsel vm1, s11, v5  }
0x79e: {  	s12 =	sshrl.u32 s11, $0x1F;
	s5 =	sadd.s32 s13, s5;
	s16 =	sshrl.u32 s7, $0x1F;
	v6 =	vsel vm0, s2, v6;
	v7 =	vsel vm0, s19, v7;
	v8 =	vmov s25  }
0x79f: {  	s24 =	sshrl.u32 s2, $0x1F;
	s13 =	sshrl.u32 s5, $0x1F;
	s10 =	smul.u32 $0x55555556, s9;
	v3 =	vsel vm1, s16, v3;
	v5 =	vsel vm2, s5, v5;
	v6 =	vsel vm1, s6, v6  }
0x7a0: {  	s17 =	rddreg [dreg:$0x1c];
	s2 =	sshrl.u32 s6, $0x1F;
	v7 =	vsel vm1, s12, v7;
	v8 =	vsel vm0, s24, v8;
	s5 =	sadd.s32 s21, s14;
	v6 =	vsel vm2, s4, v6  }
0x7a1: {  	s19 =	sshrl.u32 s4, $0x1F;
	s6 =	sadd.s32 s10, s17;
	v8 =	vsel vm1, s2, v8;
	v7 =	vsel vm2, s13, v7;
	v4 =	vsel vm2, s5, v4;
	s20 =	sshrl.u32 s5, $0x1F  }
0x7a2: {  	s21 =	sadd.s32 s26, s23;
	s23 =	smul.u32 $0x55555556, s18;
	s24 =	sshrl.u32 s6, $0x1F;
	v8 =	vsel vm2, s19, v8;
	v4 =	vsel vm4, s6, v4;
	v3 =	vsel vm2, s20, v3  }
0x7a3: {  	s0 =	sadd.s32 s3, s0;
	s25 =	sshrl.u32 s21, $0x1F;
	v5 =	vcombine.low v5, v6;
	v4 =	vsel vm5, s21, v4;
	v3 =	vsel vm4, s24, v3  }
0x7a4: {  	v7 =	vcombine.low v7, v8;
	s26 =	sadd.s32 s23, s22;
	v4 =	vsel vm6, s0, v4;
	v3 =	vsel vm5, s25, v3;
	s0 =	sshrl.u32 s0, $0x1F  }
0x7a5: {  	s2 =	sshrl.u32 s26, $0x1F;
	v5 =	vperm.xlane v5, v0;
	v3 =	vsel vm6, s0, v3  }
0x7a6: {  	v6 =	vperm.xlane v7, v0;
	v4 =	vsel vm7, s26, v4;
	v3 =	vsel vm7, s2, v3  }
0x7a7: {  	v4 =	vperm.xlane v4, v1;
	v3 =	vperm.xlane v3, v1;
	_ =	sdelay $0x1  }
0x7a8: {  	v4 =	vsel vm8, v4, v5;
	v3 =	vsel vm8, v3, v6  }
0x7a9: {  	v3 =	vadd.s32 v3, v4  }
0x7aa: {  	v3 =	vmul.u32 $0x3, v3;
	_ =	sdelay $0x1  }
0x7ab: {  	v2 =	vsub.s32 v2, v3  }
0x7ac: {  	s3 =	simm.s32 $0x7;
	[tilespmem:s15+$0x598] =	vst v2  }
0x7ad: {  	_ =	swait.ge [sflag:s3], $0x8000  }
0x7ae: {  	[sflag:s3] =	ssyncset.done $0x0  }
0x7af: {  	s4 =	simm.s32 $0x80;
	s5 =	simm.s32 $0x818;
	[sflag:s3] =	ssyncadd.s32 $0xFFFF8000  }
0x7b0: {  	s6 =	simm.s32 $0x498;
	s15 =	simm.s32 $0x0;
	s0 =	rddreg [dreg:$0x3]  }
0x7b1: {  	[tilespmem:s5], [sflag:$0x3] =	stream.indirect.gather [spmem:s0], $0x80, s6, s4, $0xb8;
	[tilespmem:$0x10818] =	vst v63  }
0x7b2: {  	v2 =	vld [tilespmem:s15+$0x698];
	_ =	sdelay $0x4  }
0x7b3: {  	(v2sf) =	vpush v2, $0x8  }
0x7b4: {  	(v2sf) =	vpush v2, $0xC  }
0x7b5: {  	(v2sf) =	vpush v2, $0x0  }
0x7b6: {  	(v2sf) =	vpush v2, $0x2;
	_ =	sdelay $0x1  }
0x7b7: {  	(v2sf) =	vpush v2, $0x3  }
0x7b8: {  	(v2sf) =	vpush v2, $0xD  }
0x7b9: {  	(v2sf) =	vpush v2, $0x4  }
0x7ba: {  	(v2sf) =	vpush v2, $0x9  }
0x7bb: {  	(v2sf) =	vpush v2, $0xE;
	_ =	sdelay $0x1  }
0x7bc: {  	(v2sf) =	vpush v2, $0xA  }
0x7bd: {  	(v2sf) =	vpush v2, $0xF  }
0x7be: {  	(v2sf) =	vpush v2, $0xB  }
0x7bf: {  	(v2sf) =	vpush v2, $0x5  }
0x7c0: {  	(v2sf) =	vpush v2, $0x1;
	s7 =	spop (v2sf)  }
0x7c1: {  	s6 =	spop (v2sf)  }
0x7c2: {  	s1 =	smulhi.u32 $0x55555556, s7;
	s8 =	spop (v2sf)  }
0x7c3: {  	(v2sf) =	vpush v2, $0x6;
	s9 =	smulhi.u32 $0x55555556, s8;
	s11 =	spop (v2sf)  }
0x7c4: {  	(v2sf) =	vpush v2, $0x7;
	s2 =	sshra.s32 s8, $0x1F;
	s16 =	smulhi.u32 $0x55555556, s11  }
0x7c5: {  	s12 =	spop (v2sf);
	s19 =	smul.u32 $0x55555556, s2;
	s2 =	sshra.s32 s7, $0x1F  }
0x7c6: {  	s7 =	sshra.s32 s11, $0x1F;
	s14 =	spop (v2sf);
	s21 =	smulhi.u32 $0x55555556, s12  }
0x7c7: {  	s20 =	sshra.s32 s12, $0x1F;
	s17 =	smulhi.u32 $0x55555556, s14;
	s13 =	spop (v2sf)  }
0x7c8: {  	s25 =	sshra.s32 s14, $0x1F;
	s22 =	spop (v2sf);
	s23 =	smulhi.u32 $0x55555556, s13  }
0x7c9: {  	s3 =	sadd.s32 s19, s9;
	[smem:$0x7E1] =	sst s21;
	s18 =	spop (v2sf)  }
0x7ca: {  	s9 =	sshra.s32 s13, $0x1F;
	s12 =	smulhi.u32 $0x55555556, s22;
	[dreg:$0x1d] =	wrdreg s23  }
0x7cb: {  	s0 =	sshra.s32 s22, $0x1F;
	s24 =	spop (v2sf);
	s10 =	smulhi.u32 $0x55555556, s18  }
0x7cc: {  	s13 =	simm.s32 $0x40;
	s0 =	smul.u32 $0x55555556, s0;
	s4 =	spop (v2sf)  }
0x7cd: {  	s21 =	smulhi.u32 $0x55555556, s24;
	s14 =	sshra.s32 s24, $0x1F;
	s5 =	spop (v2sf)  }
0x7ce: {  	s26 =	sshra.s32 s4, $0x1F;
	s11 =	smul.u32 $0x55555556, s14;
	s24 =	spop (v2sf)  }
0x7cf: {  	s29 =	sshra.s32 s18, $0x1F;
	s31 =	smul.u32 $0x55555556, s26;
	s8 =	spop (v2sf)  }
0x7d0: {  	s23 =	smulhi.u32 $0x55555556, s24;
	s22 =	sshra.s32 s24, $0x1F;
	s24 =	sshrl.u32 s3, $0x1F  }
0x7d1: {  	s30 =	sadd.s32 s0, s12;
	s26 =	sshra.s32 s8, $0x1F;
	v3 =	vmov s24;
	s24 =	smulhi.u32 $0x55555556, s6  }
0x7d2: {  	s28 =	sshra.s32 s5, $0x1F;
	s0 =	spop (v2sf);
	s12 =	smul.u32 $0x55555556, s26  }
0x7d3: {  	s19 =	sshrl.u32 s30, $0x1F;
	s26 =	smul.u32 $0x55555556, s22;
	s14 =	spop (v2sf)  }
0x7d4: {  	v4 =	vmov s3;
	v3 =	vnsel vm3, $0x0, v3;
	s3 =	sshra.s32 s0, $0x1F;
	s22 =	smulhi.u32 $0x55555556, s14;
	s18 =	sshra.s32 s14, $0x1F  }
.LBB2_31:
0x7d5: {  	s14 =	smulhi.u32 $0x55555556, s4  }
0x7d6: {  	s8 =	smulhi.u32 $0x55555556, s8  }
0x7d7: {  	s28 =	smul.u32 $0x55555556, s28  }
0x7d8: {  	s2 =	smul.u32 $0x55555556, s2  }
0x7d9: {  	s5 =	smulhi.u32 $0x55555556, s5  }
0x7da: {  	s25 =	smul.u32 $0x55555556, s25  }
0x7db: {  	s9 =	smul.u32 $0x55555556, s9  }
0x7dc: {  	s3 =	smul.u32 $0x55555556, s3  }
0x7dd: {  	s6 =	sshra.s32 s6, $0x1F;
	s11 =	sadd.s32 s11, s21;
	s0 =	smulhi.u32 $0x55555556, s0  }
0x7de: {  	s6 =	smul.u32 $0x55555556, s6;
	s14 =	sadd.s32 s31, s14;
	s12 =	sadd.s32 s12, s8  }
0x7df: {  	v4 =	vnsel vm3, $0x0, v4;
	s1 =	sadd.s32 s2, s1;
	s8 =	sshrl.u32 s11, $0x1F;
	s2 =	sshrl.u32 s12, $0x1F  }
0x7e0: {  	v5 =	vmov s1;
	v4 =	vsel vm0, s12, v4;
	s12 =	sadd.s32 s25, s17;
	s17 =	smul.u32 $0x55555556, s29;
	s1 =	sshrl.u32 s1, $0x1F  }
0x7e1: {  	s5 =	sadd.s32 s28, s5;
	s21 =	sadd.s32 s6, s24;
	s24 =	smul.u32 $0x55555556, s7;
	v5 =	vsel vm0, s30, v5;
	v3 =	vsel vm0, s2, v3;
	v7 =	vmov s1  }
0x7e2: {  	s25 =	smul.u32 $0x55555556, s20;
	v6 =	vmov s21;
	s2 =	sshrl.u32 s21, $0x1F;
	v5 =	vsel vm1, s11, v5;
	v7 =	vsel vm0, s19, v7;
	s19 =	sld [smem:$0x7E1]  }
0x7e3: {  	s11 =	sadd.s32 s26, s23;
	s26 =	sshrl.u32 s12, $0x1F;
	v6 =	vsel vm0, s12, v6;
	s10 =	sadd.s32 s17, s10;
	v8 =	vmov s2;
	v5 =	vsel vm2, s5, v5  }
0x7e4: {  	s21 =	rddreg [dreg:$0x1d];
	s6 =	sadd.s32 s24, s16;
	v6 =	vsel vm1, s10, v6;
	v7 =	vsel vm1, s8, v7;
	v8 =	vsel vm0, s26, v8;
	s1 =	sshrl.u32 s10, $0x1F  }
0x7e5: {  	s17 =	sshrl.u32 s5, $0x1F;
	s20 =	sshrl.u32 s6, $0x1F;
	v4 =	vsel vm1, s6, v4;
	v6 =	vsel vm2, s14, v6;
	v8 =	vsel vm1, s1, v8;
	s5 =	sadd.s32 s25, s19  }
0x7e6: {  	s23 =	sshrl.u32 s14, $0x1F;
	s6 =	sadd.s32 s9, s21;
	v7 =	vsel vm2, s17, v7;
	v3 =	vsel vm1, s20, v3;
	v4 =	vsel vm2, s5, v4;
	s24 =	sshrl.u32 s5, $0x1F  }
0x7e7: {  	s26 =	sshrl.u32 s6, $0x1F;
	v8 =	vsel vm2, s23, v8;
	s25 =	smul.u32 $0x55555556, s18;
	v4 =	vsel vm4, s6, v4;
	v3 =	vsel vm2, s24, v3  }
0x7e8: {  	s0 =	sadd.s32 s3, s0;
	s12 =	sshrl.u32 s11, $0x1F;
	v5 =	vcombine.low v5, v6;
	v4 =	vsel vm5, s11, v4;
	v3 =	vsel vm4, s26, v3  }
0x7e9: {  	v7 =	vcombine.low v7, v8;
	s5 =	sadd.s32 s25, s22;
	v4 =	vsel vm6, s0, v4;
	v3 =	vsel vm5, s12, v3;
	s0 =	sshrl.u32 s0, $0x1F  }
0x7ea: {  	v5 =	vperm.xlane v5, v0;
	s6 =	sshrl.u32 s5, $0x1F;
	v3 =	vsel vm6, s0, v3  }
0x7eb: {  	v6 =	vperm.xlane v7, v0;
	v4 =	vsel vm7, s5, v4;
	v3 =	vsel vm7, s6, v3  }
0x7ec: {  	v4 =	vperm.xlane v4, v1;
	v3 =	vperm.xlane v3, v1;
	_ =	sdelay $0x1  }
0x7ed: {  	v4 =	vsel vm8, v4, v5;
	v3 =	vsel vm8, v3, v6  }
0x7ee: {  	v3 =	vadd.s32 v3, v4  }
0x7ef: {  	v3 =	vmul.u32 $0x3, v3  }
0x7f0: {  	s4 =	smov.u32 s13  }
0x7f1: {  	s7 =	sshra.s32 s4, $0x2;
	v2 =	vsub.s32 v2, v3  }
0x7f2: {  	s22 =	smov.u32 s7;
	[tilespmem:s15+$0x698] =	vst v2  }
0x7f3: {  	v2 =	vld [tilespmem:s22+$0x698];
	_ =	sdelay $0x4  }
0x7f4: {  	(v2sf) =	vpush v2, $0x8  }
0x7f5: {  	(v2sf) =	vpush v2, $0xC  }
0x7f6: {  	(v2sf) =	vpush v2, $0x0  }
0x7f7: {  	(v2sf) =	vpush v2, $0x2  }
0x7f8: {  	(v2sf) =	vpush v2, $0x3  }
0x7f9: {  	(v2sf) =	vpush v2, $0xD  }
0x7fa: {  	(v2sf) =	vpush v2, $0x4  }
0x7fb: {  	(v2sf) =	vpush v2, $0x9;
	_ =	sdelay $0x1  }
0x7fc: {  	(v2sf) =	vpush v2, $0xE;
	_ =	sdelay $0x1  }
0x7fd: {  	(v2sf) =	vpush v2, $0xA  }
0x7fe: {  	(v2sf) =	vpush v2, $0xF  }
0x7ff: {  	(v2sf) =	vpush v2, $0xB  }
0x800: {  	(v2sf) =	vpush v2, $0x5  }
0x801: {  	(v2sf) =	vpush v2, $0x1;
	s8 =	spop (v2sf)  }
0x802: {  	(v2sf) =	vpush v2, $0x6;
	s6 =	spop (v2sf);
	s1 =	smulhi.u32 $0x55555556, s8  }
0x803: {  	p1 =	sne.s32 s13, $0x1C0;
	(v2sf) =	vpush v2, $0x7;
	s24 =	smulhi.u32 $0x55555556, s6;
	s9 =	spop (v2sf)  }
0x804: {  	s13 =	sadd.s32 $0x40, s13;
	s3 =	smulhi.u32 $0x55555556, s9;
	s11 =	spop (v2sf)  }
0x805: {  	s10 =	sshra.s32 s9, $0x1F;
	s12 =	spop (v2sf);
	s16 =	smulhi.u32 $0x55555556, s11  }
0x806: {  	s2 =	sshra.s32 s8, $0x1F;
	s8 =	smul.u32 $0x55555556, s10;
	s14 =	spop (v2sf)  }
0x807: {  	s7 =	sshra.s32 s11, $0x1F;
	s0 =	smulhi.u32 $0x55555556, s12;
	s15 =	spop (v2sf)  }
0x808: {  	s25 =	sshra.s32 s14, $0x1F;
	s17 =	smulhi.u32 $0x55555556, s14;
	s18 =	spop (v2sf)  }
0x809: {  	s3 =	sadd.s32 s8, s3;
	[smem:$0x7E1] =	sst s0;
	s4 =	smulhi.u32 $0x55555556, s15  }
0x80a: {  	s9 =	sshra.s32 s15, $0x1F;
	s23 =	spop (v2sf);
	s14 =	smulhi.u32 $0x55555556, s18  }
0x80b: {  	s19 =	sshra.s32 s18, $0x1F;
	[dreg:$0x1d] =	wrdreg s4;
	s10 =	smulhi.u32 $0x55555556, s23  }
0x80c: {  	s11 =	sshrl.u32 s3, $0x1F;
	s26 =	spop (v2sf);
	s19 =	smul.u32 $0x55555556, s19  }
0x80d: {  	s18 =	sshra.s32 s26, $0x1F;
	s4 =	spop (v2sf);
	s21 =	smulhi.u32 $0x55555556, s26  }
0x80e: {  	v3 =	vmov s11;
	s15 =	sshra.s32 s4, $0x1F;
	s5 =	spop (v2sf);
	s11 =	smul.u32 $0x55555556, s18  }
0x80f: {  	s29 =	sshra.s32 s23, $0x1F;
	s23 =	spop (v2sf);
	s31 =	smul.u32 $0x55555556, s15  }
0x810: {  	s26 =	sshra.s32 s23, $0x1F;
	s8 =	spop (v2sf);
	s23 =	smulhi.u32 $0x55555556, s23  }
.Ltmp14:
0x811: {  	s20 =	sshra.s32 s12, $0x1F;
	s0 =	spop (v2sf);
	(pc) =	sbr.rel @p1 .LBB2_31-.Ltmp14, $4  }
0x812: {  	s30 =	sadd.s32 s19, s14;
	s26 =	smul.u32 $0x55555556, s26;
	s18 =	spop (v2sf)  }
0x813: {  	s28 =	sshra.s32 s5, $0x1F;
	s15 =	sshra.s32 s8, $0x1F;
	s19 =	smulhi.u32 $0x55555556, s18  }
0x814: {  	v4 =	vmov s3;
	s12 =	smul.u32 $0x55555556, s15;
	s15 =	smov.u32 s22;
	s3 =	sshra.s32 s0, $0x1F  }
0x815: {  	v3 =	vnsel vm3, $0x0, v3;
	s18 =	sshra.s32 s18, $0x1F;
	s22 =	smov.u32 s19;
	s19 =	sshrl.u32 s30, $0x1F  }
0x816: {  	s4 =	smulhi.u32 $0x55555556, s4  }
0x817: {  	s8 =	smulhi.u32 $0x55555556, s8  }
0x818: {  	s2 =	smul.u32 $0x55555556, s2  }
0x819: {  	s13 =	smul.u32 $0x55555556, s28  }
0x81a: {  	s11 =	sadd.s32 s11, s21;
	s21 =	smul.u32 $0x55555556, s25  }
0x81b: {  	s5 =	smulhi.u32 $0x55555556, s5  }
0x81c: {  	s14 =	smul.u32 $0x55555556, s29  }
0x81d: {  	s7 =	smul.u32 $0x55555556, s7  }
0x81e: {  	s3 =	smul.u32 $0x55555556, s3  }
0x81f: {  	s6 =	sshra.s32 s6, $0x1F;
	s0 =	smulhi.u32 $0x55555556, s0  }
0x820: {  	s6 =	smul.u32 $0x55555556, s6  }
0x821: {  	v4 =	vnsel vm3, $0x0, v4;
	s4 =	sadd.s32 s31, s4;
	s1 =	sadd.s32 s2, s1;
	s8 =	sadd.s32 s12, s8  }
0x822: {  	s2 =	sadd.s32 s21, s17;
	v5 =	vmov s1;
	s25 =	sshrl.u32 s8, $0x1F;
	v4 =	vsel vm0, s8, v4;
	s6 =	sadd.s32 s6, s24  }
0x823: {  	s12 =	sshrl.u32 s11, $0x1F;
	s21 =	sadd.s32 s7, s16;
	s1 =	sshrl.u32 s1, $0x1F;
	v5 =	vsel vm0, s30, v5;
	v3 =	vsel vm0, s25, v3;
	v6 =	vmov s6  }
0x824: {  	s24 =	smul.u32 $0x55555556, s9;
	s9 =	sld [smem:$0x7E1];
	v7 =	vmov s1;
	s17 =	sshrl.u32 s6, $0x1F;
	v4 =	vsel vm1, s21, v4;
	v5 =	vsel vm1, s11, v5  }
0x825: {  	s5 =	sadd.s32 s13, s5;
	s11 =	smul.u32 $0x55555556, s20;
	v6 =	vsel vm0, s2, v6;
	s20 =	sadd.s32 s14, s10;
	v7 =	vsel vm0, s19, v7;
	v8 =	vmov s17  }
0x826: {  	s13 =	sshrl.u32 s2, $0x1F;
	s25 =	sshrl.u32 s5, $0x1F;
	s10 =	sshrl.u32 s21, $0x1F;
	v5 =	vsel vm2, s5, v5;
	v6 =	vsel vm1, s20, v6;
	v7 =	vsel vm1, s12, v7  }
0x827: {  	v8 =	vsel vm0, s13, v8;
	s2 =	sshrl.u32 s20, $0x1F;
	v3 =	vsel vm1, s10, v3;
	s5 =	sadd.s32 s11, s9;
	v6 =	vsel vm2, s4, v6;
	s11 =	rddreg [dreg:$0x1d]  }
0x828: {  	s12 =	sshrl.u32 s4, $0x1F;
	v8 =	vsel vm1, s2, v8;
	v7 =	vsel vm2, s25, v7;
	s6 =	sadd.s32 s24, s11;
	v4 =	vsel vm2, s5, v4;
	s13 =	sshrl.u32 s5, $0x1F  }
0x829: {  	s16 =	smul.u32 $0x55555556, s18;
	s14 =	sadd.s32 s26, s23;
	v8 =	vsel vm2, s12, v8;
	v4 =	vsel vm4, s6, v4;
	v3 =	vsel vm2, s13, v3;
	s17 =	sshrl.u32 s6, $0x1F  }
0x82a: {  	s0 =	sadd.s32 s3, s0;
	s18 =	sshrl.u32 s14, $0x1F;
	v5 =	vcombine.low v5, v6;
	v4 =	vsel vm5, s14, v4;
	v3 =	vsel vm4, s17, v3  }
0x82b: {  	s19 =	sadd.s32 s16, s22;
	v7 =	vcombine.low v7, v8;
	v4 =	vsel vm6, s0, v4;
	v3 =	vsel vm5, s18, v3;
	s0 =	sshrl.u32 s0, $0x1F  }
0x82c: {  	s20 =	sshrl.u32 s19, $0x1F;
	v5 =	vperm.xlane v5, v0;
	v3 =	vsel vm6, s0, v3  }
0x82d: {  	v6 =	vperm.xlane v7, v0;
	v4 =	vsel vm7, s19, v4;
	v3 =	vsel vm7, s20, v3  }
0x82e: {  	v4 =	vperm.xlane v4, v1;
	v3 =	vperm.xlane v3, v1;
	_ =	sdelay $0x1  }
0x82f: {  	v4 =	vsel vm8, v4, v5;
	v3 =	vsel vm8, v3, v6  }
0x830: {  	v3 =	vadd.s32 v3, v4  }
0x831: {  	v3 =	vmul.u32 $0x3, v3;
	_ =	sdelay $0x1  }
0x832: {  	v2 =	vsub.s32 v2, v3  }
0x833: {  	s21 =	simm.s32 $0x5;
	[tilespmem:s15+$0x698] =	vst v2  }
0x834: {  	_ =	swait.ge [sflag:s21], $0x4000  }
0x835: {  	s22 =	sld [smem:$0x7F0]  }
0x836: {  	[sflag:s21] =	ssyncset.done $0x0;
	s23 =	sld [smem:$0x7E5]  }
0x837: {  	s24 =	simm.s32 $0x6;
	[sflag:s21] =	ssyncadd.s32 $0xFFFFC000  }
0x838: {  	_ =	swait.ge [sflag:s24], $0x4000  }
0x839: {  	s0 =	sadd.s32 s23, s22;
	[sflag:s24] =	ssyncset.done $0x0  }
0x83a: {  	s3 =	simm.s32 $0x4818;
	s0 =	sshll.u32 s0, $0xB;
	[sflag:s24] =	ssyncadd.s32 $0xFFFFC000  }
0x83b: {  	s26 =	simm.s32 $0x8818;
	s0 =	sand.u32 $0x1FFFD000, s0;
	s1 =	rddreg [dreg:$0x2]  }
0x83c: {  	s25 =	simm.s32 $0x0;
	s2 =	simm.s32 $0x80;
	s0 =	sadd.s32 s1, s0  }
0x83d: {  	[hbm4b:s0+s25] =	stream.linear.scatter [tilespmem:s26], [sflag:$0x8], $0x8000, $0x38;
	[tilespmem:$0x10818] =	vst v63  }
0x83e: {  	s4 =	simm.s32 $0x598;
	s5 =	simm.s32 $0x0;
	s1 =	rddreg [dreg:$0x3]  }
0x83f: {  	[tilespmem:s3], [sflag:$0x4] =	stream.indirect.gather [spmem:s1], $0x80, s4, s2, $0xb8;
	[tilespmem:$0x10818] =	vst v63  }
0x840: {  	v2 =	vld [tilespmem:s5+$0x798];
	_ =	sdelay $0x4  }
0x841: {  	(v2sf) =	vpush v2, $0x8  }
0x842: {  	(v2sf) =	vpush v2, $0xC  }
0x843: {  	(v2sf) =	vpush v2, $0x0  }
0x844: {  	(v2sf) =	vpush v2, $0x2  }
0x845: {  	(v2sf) =	vpush v2, $0x3  }
0x846: {  	(v2sf) =	vpush v2, $0xD;
	_ =	sdelay $0x1  }
0x847: {  	(v2sf) =	vpush v2, $0x4  }
0x848: {  	(v2sf) =	vpush v2, $0x9  }
0x849: {  	(v2sf) =	vpush v2, $0xE;
	_ =	sdelay $0x1  }
0x84a: {  	(v2sf) =	vpush v2, $0xA  }
0x84b: {  	(v2sf) =	vpush v2, $0xF  }
0x84c: {  	(v2sf) =	vpush v2, $0xB  }
0x84d: {  	(v2sf) =	vpush v2, $0x5  }
0x84e: {  	s6 =	simm.s32 $0x0;
	(v2sf) =	vpush v2, $0x1;
	s7 =	spop (v2sf)  }
0x84f: {  	[dreg:$0xb] =	wrdreg s6;
	(v2sf) =	vpush v2, $0x6;
	s6 =	spop (v2sf)  }
0x850: {  	(v2sf) =	vpush v2, $0x7;
	s10 =	smulhi.u32 $0x55555556, s7;
	s8 =	spop (v2sf)  }
0x851: {  	s2 =	sshra.s32 s7, $0x1F;
	s3 =	smulhi.u32 $0x55555556, s8;
	s9 =	spop (v2sf)  }
0x852: {  	s1 =	sshra.s32 s8, $0x1F;
	s11 =	spop (v2sf);
	s12 =	smulhi.u32 $0x55555556, s9  }
0x853: {  	s14 =	smul.u32 $0x55555556, s1;
	s20 =	sshra.s32 s9, $0x1F;
	s13 =	spop (v2sf)  }
0x854: {  	s16 =	smulhi.u32 $0x55555556, s11;
	s7 =	sshra.s32 s11, $0x1F;
	[dreg:$0x1e] =	wrdreg s12  }
0x855: {  	s23 =	smulhi.u32 $0x55555556, s13;
	s12 =	spop (v2sf);
	s25 =	sshra.s32 s13, $0x1F  }
0x856: {  	s3 =	sadd.s32 s14, s3;
	s17 =	spop (v2sf);
	s15 =	smulhi.u32 $0x55555556, s12  }
0x857: {  	s13 =	simm.s32 $0x40;
	s18 =	spop (v2sf);
	s21 =	smulhi.u32 $0x55555556, s17  }
0x858: {  	s9 =	sshra.s32 s12, $0x1F;
	s4 =	sshra.s32 s17, $0x1F;
	s1 =	smulhi.u32 $0x55555556, s18  }
0x859: {  	s22 =	spop (v2sf);
	s4 =	smul.u32 $0x55555556, s4;
	s29 =	sshra.s32 s18, $0x1F  }
0x85a: {  	s28 =	spop (v2sf);
	s19 =	smulhi.u32 $0x55555556, s22;
	s8 =	sshra.s32 s22, $0x1F  }
0x85b: {  	s24 =	sshra.s32 s28, $0x1F;
	s5 =	spop (v2sf);
	s8 =	smul.u32 $0x55555556, s8  }
0x85c: {  	s4 =	sadd.s32 s4, s21;
	s26 =	spop (v2sf);
	s30 =	smul.u32 $0x55555556, s24  }
0x85d: {  	s11 =	spop (v2sf);
	s24 =	smulhi.u32 $0x55555556, s26;
	s17 =	sshra.s32 s26, $0x1F  }
0x85e: {  	s14 =	sshra.s32 s11, $0x1F;
	s26 =	smul.u32 $0x55555556, s17;
	s22 =	spop (v2sf)  }
0x85f: {  	s21 =	sshrl.u32 s3, $0x1F;
	s31 =	smul.u32 $0x55555556, s14;
	s17 =	spop (v2sf)  }
0x860: {  	v3 =	vmov s21;
	s12 =	sshra.s32 s5, $0x1F;
	s21 =	sshrl.u32 s4, $0x1F;
	s18 =	smulhi.u32 $0x55555556, s17  }
0x861: {  	v4 =	vmov s3;
	v3 =	vnsel vm3, $0x0, v3;
	s3 =	sshra.s32 s22, $0x1F;
	s0 =	sshra.s32 s17, $0x1F;
	s17 =	smulhi.u32 $0x55555556, s6  }
.LBB2_33:
0x862: {  	s14 =	smulhi.u32 $0x55555556, s28  }
0x863: {  	s11 =	smulhi.u32 $0x55555556, s11  }
0x864: {  	s12 =	smul.u32 $0x55555556, s12  }
0x865: {  	s2 =	smul.u32 $0x55555556, s2  }
0x866: {  	s5 =	smulhi.u32 $0x55555556, s5  }
0x867: {  	s8 =	sadd.s32 s8, s19;
	s19 =	smul.u32 $0x55555556, s25  }
0x868: {  	s20 =	smul.u32 $0x55555556, s20  }
0x869: {  	s7 =	smul.u32 $0x55555556, s7  }
0x86a: {  	s6 =	sshra.s32 s6, $0x1F;
	s9 =	smul.u32 $0x55555556, s9  }
0x86b: {  	s6 =	smul.u32 $0x55555556, s6  }
0x86c: {  	v4 =	vnsel vm3, $0x0, v4;
	s3 =	smul.u32 $0x55555556, s3;
	s2 =	sadd.s32 s2, s10;
	s25 =	sadd.s32 s31, s11  }
0x86d: {  	v5 =	vmov s2;
	v4 =	vsel vm0, s25, v4;
	s10 =	sshrl.u32 s25, $0x1F;
	s25 =	smul.u32 $0x55555556, s29;
	s17 =	sadd.s32 s6, s17  }
0x86e: {  	s14 =	sadd.s32 s30, s14;
	s19 =	sadd.s32 s19, s23;
	s2 =	sshrl.u32 s2, $0x1F;
	v5 =	vsel vm0, s4, v5;
	v3 =	vsel vm0, s10, v3;
	v6 =	vmov s17  }
0x86f: {  	s11 =	sshrl.u32 s8, $0x1F;
	s4 =	sadd.s32 s12, s5;
	v7 =	vmov s2;
	v5 =	vsel vm1, s8, v5;
	v6 =	vsel vm0, s19, v6;
	s1 =	sadd.s32 s25, s1  }
0x870: {  	s8 =	sadd.s32 s26, s24;
	s25 =	sshrl.u32 s17, $0x1F;
	v7 =	vsel vm0, s21, v7;
	s26 =	rddreg [dreg:$0x1e];
	v5 =	vsel vm2, s4, v5;
	v6 =	vsel vm1, s1, v6  }
0x871: {  	s24 =	sshrl.u32 s19, $0x1F;
	s12 =	sshrl.u32 s4, $0x1F;
	s6 =	sadd.s32 s20, s26;
	v8 =	vmov s25;
	v7 =	vsel vm1, s11, v7;
	v6 =	vsel vm2, s14, v6  }
0x872: {  	s17 =	sadd.s32 s7, s16;
	s1 =	sshrl.u32 s1, $0x1F;
	v8 =	vsel vm0, s24, v8;
	s19 =	sshrl.u32 s6, $0x1F;
	v4 =	vsel vm1, s6, v4;
	v7 =	vsel vm2, s12, v7  }
0x873: {  	s23 =	smulhi.u32 $0x55555556, s22;
	s20 =	sadd.s32 s9, s15;
	s24 =	sshrl.u32 s17, $0x1F;
	v8 =	vsel vm1, s1, v8;
	v4 =	vsel vm2, s17, v4;
	v3 =	vsel vm1, s19, v3  }
0x874: {  	s0 =	smul.u32 $0x55555556, s0;
	s21 =	sshrl.u32 s14, $0x1F;
	s25 =	sshrl.u32 s20, $0x1F;
	v5 =	vcombine.low v5, v6;
	v4 =	vsel vm4, s20, v4;
	v3 =	vsel vm2, s24, v3  }
0x875: {  	s2 =	sadd.s32 s3, s23;
	s5 =	sshrl.u32 s8, $0x1F;
	v8 =	vsel vm2, s21, v8;
	v4 =	vsel vm5, s8, v4;
	v3 =	vsel vm4, s25, v3  }
0x876: {  	s0 =	sadd.s32 s0, s18;
	s26 =	sshrl.u32 s2, $0x1F;
	v7 =	vcombine.low v7, v8;
	v4 =	vsel vm6, s2, v4;
	v3 =	vsel vm5, s5, v3  }
0x877: {  	v4 =	vsel vm7, s0, v4;
	v3 =	vsel vm6, s26, v3;
	s0 =	sshrl.u32 s0, $0x1F  }
0x878: {  	v5 =	vperm.xlane v5, v0;
	v6 =	vperm.xlane v7, v0;
	v3 =	vsel vm7, s0, v3  }
0x879: {  	v4 =	vperm.xlane v4, v1;
	v3 =	vperm.xlane v3, v1;
	_ =	sdelay $0x1  }
0x87a: {  	v4 =	vsel vm8, v4, v5;
	v3 =	vsel vm8, v3, v6  }
0x87b: {  	v3 =	vadd.s32 v3, v4  }
0x87c: {  	v3 =	vmul.u32 $0x3, v3  }
0x87d: {  	s28 =	smov.u32 s13  }
0x87e: {  	s3 =	rddreg [dreg:$0xb];
	s2 =	sshra.s32 s28, $0x2;
	v2 =	vsub.s32 v2, v3  }
0x87f: {  	s4 =	smov.u32 s2;
	[tilespmem:s3+$0x798] =	vst v2  }
0x880: {  	v2 =	vld [tilespmem:s4+$0x798];
	_ =	sdelay $0x4  }
0x881: {  	(v2sf) =	vpush v2, $0x8  }
0x882: {  	(v2sf) =	vpush v2, $0xC  }
0x883: {  	(v2sf) =	vpush v2, $0x0  }
0x884: {  	(v2sf) =	vpush v2, $0x2  }
0x885: {  	(v2sf) =	vpush v2, $0x3  }
0x886: {  	(v2sf) =	vpush v2, $0xD;
	_ =	sdelay $0x1  }
0x887: {  	(v2sf) =	vpush v2, $0x4  }
0x888: {  	(v2sf) =	vpush v2, $0x9  }
0x889: {  	(v2sf) =	vpush v2, $0xE  }
0x88a: {  	(v2sf) =	vpush v2, $0xA;
	_ =	sdelay $0x1  }
0x88b: {  	(v2sf) =	vpush v2, $0xF  }
0x88c: {  	(v2sf) =	vpush v2, $0xB;
	_ =	sdelay $0x1  }
0x88d: {  	[dreg:$0xb] =	wrdreg s4;
	(v2sf) =	vpush v2, $0x5;
	s5 =	spop (v2sf)  }
0x88e: {  	(v2sf) =	vpush v2, $0x1;
	s6 =	spop (v2sf);
	s10 =	smulhi.u32 $0x55555556, s5  }
0x88f: {  	p1 =	sne.s32 s13, $0x1C0;
	(v2sf) =	vpush v2, $0x6;
	s17 =	smulhi.u32 $0x55555556, s6;
	s7 =	spop (v2sf)  }
0x890: {  	s13 =	sadd.s32 $0x40, s13;
	(v2sf) =	vpush v2, $0x7;
	s8 =	smulhi.u32 $0x55555556, s7;
	s21 =	spop (v2sf)  }
0x891: {  	s1 =	sshra.s32 s7, $0x1F;
	s22 =	spop (v2sf);
	s4 =	smulhi.u32 $0x55555556, s21  }
0x892: {  	s2 =	sshra.s32 s5, $0x1F;
	s26 =	smul.u32 $0x55555556, s1;
	s24 =	spop (v2sf)  }
0x893: {  	s20 =	sshra.s32 s21, $0x1F;
	s16 =	smulhi.u32 $0x55555556, s22;
	[dreg:$0x1e] =	wrdreg s4  }
0x894: {  	s7 =	sshra.s32 s22, $0x1F;
	s12 =	spop (v2sf);
	s23 =	smulhi.u32 $0x55555556, s24  }
0x895: {  	s25 =	sshra.s32 s24, $0x1F;
	s14 =	spop (v2sf);
	s15 =	smulhi.u32 $0x55555556, s12  }
0x896: {  	s3 =	sadd.s32 s26, s8;
	s19 =	spop (v2sf);
	s4 =	smulhi.u32 $0x55555556, s14  }
0x897: {  	s8 =	sshrl.u32 s3, $0x1F;
	s21 =	spop (v2sf);
	s1 =	smulhi.u32 $0x55555556, s19  }
0x898: {  	s18 =	sshra.s32 s14, $0x1F;
	s29 =	sshra.s32 s19, $0x1F;
	s19 =	smulhi.u32 $0x55555556, s21  }
0x899: {  	s14 =	sshra.s32 s21, $0x1F;
	s28 =	spop (v2sf);
	s21 =	smul.u32 $0x55555556, s18  }
0x89a: {  	v3 =	vmov s8;
	s22 =	sshra.s32 s28, $0x1F;
	s5 =	spop (v2sf);
	s8 =	smul.u32 $0x55555556, s14  }
0x89b: {  	s9 =	sshra.s32 s12, $0x1F;
	s12 =	sshra.s32 s5, $0x1F;
	s30 =	smul.u32 $0x55555556, s22  }
.Ltmp15:
0x89c: {  	s24 =	spop (v2sf);
	s4 =	sadd.s32 s21, s4;
	(pc) =	sbr.rel @p1 .LBB2_33-.Ltmp15, $4  }
0x89d: {  	s26 =	sshra.s32 s24, $0x1F;
	s11 =	spop (v2sf);
	s24 =	smulhi.u32 $0x55555556, s24  }
0x89e: {  	s31 =	sshra.s32 s11, $0x1F;
	s26 =	smul.u32 $0x55555556, s26;
	s22 =	spop (v2sf)  }
0x89f: {  	s21 =	sshrl.u32 s4, $0x1F;
	s31 =	smul.u32 $0x55555556, s31;
	s14 =	spop (v2sf)  }
0x8a0: {  	v4 =	vmov s3;
	v3 =	vnsel vm3, $0x0, v3;
	s3 =	sshra.s32 s22, $0x1F;
	s18 =	smulhi.u32 $0x55555556, s14;
	s0 =	sshra.s32 s14, $0x1F  }
0x8a1: {  	s13 =	smulhi.u32 $0x55555556, s28  }
0x8a2: {  	s11 =	smulhi.u32 $0x55555556, s11  }
0x8a3: {  	s12 =	smul.u32 $0x55555556, s12  }
0x8a4: {  	s2 =	smul.u32 $0x55555556, s2  }
0x8a5: {  	s5 =	smulhi.u32 $0x55555556, s5  }
0x8a6: {  	s14 =	smul.u32 $0x55555556, s25  }
0x8a7: {  	s8 =	sadd.s32 s8, s19;
	s19 =	smul.u32 $0x55555556, s29  }
0x8a8: {  	s28 =	smul.u32 $0x55555556, s7  }
0x8a9: {  	s6 =	sshra.s32 s6, $0x1F;
	s3 =	smul.u32 $0x55555556, s3  }
0x8aa: {  	s6 =	smul.u32 $0x55555556, s6  }
0x8ab: {  	v4 =	vnsel vm3, $0x0, v4;
	s29 =	sshrl.u32 s8, $0x1F;
	s2 =	sadd.s32 s2, s10;
	s31 =	sadd.s32 s31, s11  }
0x8ac: {  	s13 =	sadd.s32 s30, s13;
	v5 =	vmov s2;
	v4 =	vsel vm0, s31, v4;
	s10 =	sshrl.u32 s31, $0x1F;
	s2 =	sshrl.u32 s2, $0x1F  }
0x8ad: {  	s11 =	sadd.s32 s14, s23;
	s23 =	smul.u32 $0x55555556, s20;
	s25 =	sadd.s32 s6, s17;
	v5 =	vsel vm0, s4, v5;
	v3 =	vsel vm0, s10, v3;
	v6 =	vmov s2  }
0x8ae: {  	s5 =	sadd.s32 s12, s5;
	s31 =	rddreg [dreg:$0x1e];
	v7 =	vmov s25;
	s4 =	sshrl.u32 s25, $0x1F;
	v6 =	vsel vm0, s21, v6;
	v5 =	vsel vm1, s8, v5  }
0x8af: {  	s1 =	sadd.s32 s19, s1;
	s6 =	sshrl.u32 s11, $0x1F;
	s8 =	sadd.s32 s23, s31;
	v8 =	vmov s4;
	v7 =	vsel vm0, s11, v7;
	v6 =	vsel vm1, s29, v6  }
0x8b0: {  	s30 =	smul.u32 $0x55555556, s9;
	v8 =	vsel vm0, s6, v8;
	v7 =	vsel vm1, s1, v7;
	s1 =	sshrl.u32 s1, $0x1F;
	v4 =	vsel vm1, s8, v4;
	s8 =	sshrl.u32 s8, $0x1F  }
0x8b1: {  	s12 =	smulhi.u32 $0x55555556, s22;
	s9 =	sshrl.u32 s5, $0x1F;
	s2 =	sadd.s32 s28, s16;
	v5 =	vsel vm2, s5, v5;
	v8 =	vsel vm1, s1, v8;
	v3 =	vsel vm1, s8, v3  }
0x8b2: {  	s7 =	sadd.s32 s30, s15;
	s16 =	sshrl.u32 s13, $0x1F;
	s10 =	sshrl.u32 s2, $0x1F;
	v6 =	vsel vm2, s9, v6;
	v4 =	vsel vm2, s2, v4;
	v7 =	vsel vm2, s13, v7  }
0x8b3: {  	s0 =	smul.u32 $0x55555556, s0;
	s11 =	sadd.s32 s26, s24;
	s14 =	sshrl.u32 s7, $0x1F;
	v3 =	vsel vm2, s10, v3;
	v4 =	vsel vm4, s7, v4;
	v8 =	vsel vm2, s16, v8  }
0x8b4: {  	s15 =	sshrl.u32 s11, $0x1F;
	s1 =	sadd.s32 s3, s12;
	v5 =	vcombine.low v5, v7;
	v3 =	vsel vm4, s14, v3;
	v4 =	vsel vm5, s11, v4  }
0x8b5: {  	s0 =	sadd.s32 s0, s18;
	v6 =	vcombine.low v6, v8;
	v3 =	vsel vm5, s15, v3;
	v4 =	vsel vm6, s1, v4;
	s1 =	sshrl.u32 s1, $0x1F  }
0x8b6: {  	v3 =	vsel vm6, s1, v3;
	v4 =	vsel vm7, s0, v4;
	s0 =	sshrl.u32 s0, $0x1F  }
0x8b7: {  	v5 =	vperm.xlane v5, v0;
	v6 =	vperm.xlane v6, v0;
	v3 =	vsel vm7, s0, v3  }
0x8b8: {  	v4 =	vperm.xlane v4, v1;
	v3 =	vperm.xlane v3, v1;
	_ =	sdelay $0x1  }
0x8b9: {  	v4 =	vsel vm8, v4, v5;
	v3 =	vsel vm8, v3, v6  }
0x8ba: {  	v3 =	vadd.s32 v3, v4  }
0x8bb: {  	v3 =	vmul.u32 $0x3, v3;
	_ =	sdelay $0x1  }
0x8bc: {  	s17 =	rddreg [dreg:$0xb];
	v2 =	vsub.s32 v2, v3  }
0x8bd: {  	s18 =	simm.s32 $0x8;
	[tilespmem:s17+$0x798] =	vst v2  }
0x8be: {  	_ =	swait.ge [sflag:s18], $0x8000  }
0x8bf: {  	[sflag:s18] =	ssyncset.done $0x0  }
0x8c0: {  	s20 =	simm.s32 $0x80;
	s22 =	simm.s32 $0x8818;
	[sflag:s18] =	ssyncadd.s32 $0xFFFF8000  }
0x8c1: {  	s21 =	simm.s32 $0x698;
	s23 =	simm.s32 $0x3;
	s19 =	rddreg [dreg:$0x3]  }
0x8c2: {  	[tilespmem:s22], [sflag:$0x5] =	stream.indirect.gather [spmem:s19], $0x80, s21, s20, $0xb8;
	[tilespmem:$0x10818] =	vst v63  }
0x8c3: {  	_ =	swait.ge [sflag:s23], $0x4000  }
0x8c4: {  	s24 =	sld [smem:$0x7F1]  }
0x8c5: {  	[sflag:s23] =	ssyncset.done $0x0;
	s25 =	sld [smem:$0x7E5]  }
0x8c6: {  	s26 =	simm.s32 $0x4;
	[sflag:s23] =	ssyncadd.s32 $0xFFFFC000  }
0x8c7: {  	_ =	swait.ge [sflag:s26], $0x4000  }
0x8c8: {  	s0 =	sadd.s32 s25, s24;
	[sflag:s26] =	ssyncset.done $0x0  }
0x8c9: {  	s31 =	sld [smem:$0x7EE];
	s0 =	sshll.u32 s0, $0xB;
	[sflag:s26] =	ssyncadd.s32 $0xFFFFC000  }
0x8ca: {  	s0 =	sand.u32 $0x1FFFE000, s0;
	s1 =	rddreg [dreg:$0x2]  }
0x8cb: {  	s28 =	simm.s32 $0x818;
	s9 =	simm.s32 $0x0;
	s0 =	sadd.s32 s1, s0  }
0x8cc: {  	[hbm4b:s0+s9] =	stream.linear.scatter [tilespmem:s28], [sflag:$0x7], $0x8000, $0x38;
	[tilespmem:$0x10818] =	vst v63  }
0x8cd: {  	s0 =	sadd.s32 $0x1, s31  }
0x8ce: {  	p1 =	sne.s32 s0, $0x32  }
.Ltmp16:
0x8cf: {  	_ = 	snop;
	(pc) =	sbr.rel @p1 .LBB2_2-.Ltmp16, $3  }
0x8d0: {  	_ =	sdelay $0x1  }
0x8d1: {  	s30 =	simm.s32 $0xC818;
	s29 =	simm.s32 $0x798;
	[smem:$0x7EE] =	sst s0  }
0x8d2: {  	[tilespmem:s30], [sflag:$0x6] =	stream.indirect.gather [spmem:s19], $0x80, s29, s20, $0xb8;
	[tilespmem:$0x10818] =	vst v63  }
0x8d3: {  	s0 =	simm.s32 $0x5  }
0x8d4: {  	_ =	swait.ge [sflag:s0], $0x4000  }
0x8d5: {  	[sflag:s0] =	ssyncset.done $0x0  }
0x8d6: {  	s26 =	simm.s32 $0x6;
	[sflag:s0] =	ssyncadd.s32 $0xFFFFC000  }
0x8d7: {  	_ =	swait.ge [sflag:s26], $0x4000  }
0x8d8: {  	s28 =	sld [smem:$0x7F5]  }
0x8d9: {  	[sflag:s26] =	ssyncset.done $0x0  }
0x8da: {  	s1 =	simm.s32 $0x8818;
	s29 =	simm.s32 $0x7;
	[sflag:s26] =	ssyncadd.s32 $0xFFFFC000  }
0x8db: {  	[hbm4b:s28+s9] =	stream.linear.scatter [tilespmem:s1], [sflag:$0x8], $0x8000, $0x38;
	[tilespmem:$0x10818] =	vst v63  }
0x8dc: {  	_ =	swait.ge [sflag:s29], $0x8000  }
0x8dd: {  	[sflag:s29] =	ssyncset.done $0x0  }
0x8de: {  	s30 =	simm.s32 $0x8;
	[sflag:s29] =	ssyncadd.s32 $0xFFFF8000  }
0x8df: {  	_ =	swait.ge [sflag:s30], $0x8000  }
0x8e0: {  	s2 =	sld [smem:$0x7ED]  }
0x8e1: {  	s31 =	sld [smem:$0x7F6];
	_ =	sdelay $0x1  }
0x8e2: {  	s2 =	sadd.s32 $0x1, s2  }
0x8e3: {  	p1 =	sne.s32 s2, s31  }
.Ltmp17:
0x8e4: {  	_ = 	snop;
	(pc) =	sbr.rel @p1 .LBB2_1-.Ltmp17, $3  }
0x8e5: {  	_ =	sdelay $0x1  }
0x8e6: {  	[sflag:s30] =	ssyncset.done $0x0  }
0x8e7: {  	[sflag:s30] =	ssyncadd.s32 $0xFFFF8000  }
0x8e8: {  	_ =	sfence.sel $0x180000  }
0x8e9: {  	[bflag:$0x0] =	sbarrier.arrive $0xFFFF  }
0x8ea: {  	_ =	strace $0x90000047  }
0x8eb: {  	[bflag:$0x2] =	sbarrier.arrive $0xFFFF  }
0x8ec: {  	s0 =	rddreg [dreg:$0x4]  }
0x8ed: {  	s0 =	sadd.s32 @!p0 $0x100000, s0  }
0x8ee: {  	[sflag:s0] =	ssyncadd.tile.s32 @!p0 $0x1;
	_ =	shalt  }
.Lfunc_end2:
_tile_overlayer_lowered:
.L_overlay_start_2:
0x8ef: {  	(tag) =	ssettag $0x2  }
0x8f0: {  	s0 =	rddreg [dreg:$0x0];
	s2 =	stileid.u32  }
0x8f1: {  	s1 =	rddreg [dreg:$0x1];
	p0 =	sne.s32 s2, $0x0  }
0x8f2: {  	s3 =	rddreg [dreg:$0x2];
	[bflag:$0x3] =	sbarrier.arrive $0xFFFF;
	s2 =	simm.s32 @!p0 $0x1C09  }
0x8f3: {  	[timem:s3], [sflag:s2] =	dma.local @!p0 [hbm:s0], s1  }
0x8f4: {  	s0 =	simm.s32 @!p0 $0x9  }
0x8f5: {  	_ =	swait.ge @!p0 [sflag:s0], s1  }
0x8f6: {  	s1 =	ssub.s32 @!p0 $0x0, s1;
	[sflag:s0] =	ssyncset.done @!p0 $0x0  }
0x8f7: {  	[sflag:s0] =	ssyncadd.s32 @!p0 s1  }
0x8f8: {  	[bflag:$0x3] =	sbarrier.arrive $0xFFFF  }
0x8f9: {  	_ =	shalt  }

</sc_bundles>
